<compile_context>
chip_gen: v7x
topology: tpu7x:2x2x1
jax: 0.10.2.dev20260603
libtpu: 0.0.44.dev20260713+nightly
codegen_flags: <defaults>
</compile_context>

<pallas_src>
import functools

import jax
import jax.numpy as jnp
from jax import lax
from jax.experimental import pallas as pl
from jax.experimental.pallas import tpu as pltpu
from jax.experimental.pallas import tpu_sc as plsc

N = 10000
D = 128
E = 320000
NC, NS, L = 2, 16, 16
NW = NC * NS
CH = 128
CHUNKS = E // CH
NFULL = CHUNKS // NW
NEXTRA = CHUNKS - NFULL * NW
NMAX = NFULL + 1
RPT = (N // NS) // 8 * 8
RREM = N - NS * RPT

_sc_mesh = plsc.VectorSubcoreMesh(core_axis_name="c", subcore_axis_name="s")
_sc_params = pltpu.CompilerParams(needs_layout_passes=False)
_sc_params_lin = pltpu.CompilerParams(needs_layout_passes=False,
                                      use_tc_tiling_on_sc=False)
DQ = 16


@functools.partial(
    pl.kernel,
    mesh=_sc_mesh,
    out_type=jax.ShapeDtypeStruct((NC, N, D), jnp.float32),
    scratch_types=[
        pltpu.VMEM((CH,), jnp.int32),
        pltpu.VMEM((CH,), jnp.int32),
        pltpu.VMEM((CH,), jnp.float32),
        pltpu.VMEM((CH,), jnp.int32),
        pltpu.VMEM((CH,), jnp.int32),
        pltpu.VMEM((CH,), jnp.float32),
        pltpu.VMEM((CH,), jnp.int32),
        pltpu.VMEM((CH,), jnp.int32),
        pltpu.VMEM((CH, D), jnp.float32),
        pltpu.VMEM((CH, D), jnp.float32),
        pltpu.VMEM_SHARED((N, D), jnp.float32),
        pltpu.SemaphoreType.DMA,
        pltpu.SemaphoreType.DMA,
        pltpu.SemaphoreType.DMA,
        pltpu.SemaphoreType.DMA,
        pltpu.SemaphoreType.DMA,
        pltpu.SemaphoreType.DMA,
    ],
    compiler_params=_sc_params,
)
def _mp_kernel(hw, ei, w, out, srcb0, dstb0, wb0, srcb1, dstb1, wb1,
               dsb0, dsb1, rows0, rows1, acc, g0, g1, i0, i1, s0, s1):
    c = lax.axis_index("c")
    s = lax.axis_index("s")
    wid = s * NC + c
    bufs = ((srcb0, dstb0, wb0, dsb0, rows0, g0, i0, s0),
            (srcb1, dstb1, wb1, dsb1, rows1, g1, i1, s1))

    def _zero(i, carry):
        rows0[i // (D // L), pl.ds((i % (D // L)) * L, L)] = jnp.zeros(
            (L,), jnp.float32)
        return carry
    lax.fori_loop(0, CH * (D // L), _zero, None)
    rbase = s * RPT
    nfull_z, rem_z = RPT // CH, RPT % CH
    for k in range(nfull_z):
        pltpu.sync_copy(rows0, acc.at[pl.ds(rbase + k * CH, CH)])
    pltpu.sync_copy(rows0.at[pl.ds(0, rem_z)],
                    acc.at[pl.ds(rbase + nfull_z * CH, rem_z)])

    @pl.when(s == NS - 1)
    def _zero_rem():
        pltpu.sync_copy(rows0.at[pl.ds(0, RREM)],
                        acc.at[pl.ds(NS * RPT, RREM)])
    plsc.subcore_barrier()

    has_extra = wid < NEXTRA
    ebase = wid * (NFULL * CH) + jnp.minimum(wid, NEXTRA) * CH
    nch = NFULL + has_extra.astype(jnp.int32)

    def _issue_idx(g, srcb, dstb, wb, sem):
        off = ebase + g * CH
        pltpu.async_copy(ei.at[0, pl.ds(off, CH)], srcb, sem)
        pltpu.async_copy(ei.at[1, pl.ds(off, CH)], dstb, sem)
        pltpu.async_copy(w.at[pl.ds(off, CH)], wb, sem)

    def _wait_idx(g, srcb, dstb, wb, sem):
        off = ebase + g * CH
        pltpu.make_async_copy(ei.at[0, pl.ds(off, CH)], srcb, sem).wait()
        pltpu.make_async_copy(ei.at[1, pl.ds(off, CH)], dstb, sem).wait()
        pltpu.make_async_copy(w.at[pl.ds(off, CH)], wb, sem).wait()

    def _scale(rows, wb):
        def body(e2, carry):
            for u in range(4):
                e = e2 * 4 + u
                wv = plsc.load_gather(wb, [jnp.full((L,), e, jnp.int32)])
                for j in range(D // L):
                    rows[e, pl.ds(j * L, L)] = rows[e, pl.ds(j * L, L)] * wv
            return carry
        lax.fori_loop(0, CH // 4, body, None)

    def _wait_scatter(dsb, rows, ssem):
        pltpu.make_async_copy(rows, acc.at[dsb], ssem).wait()

    _issue_idx(0, srcb0, dstb0, wb0, i0)
    _issue_idx(1, srcb1, dstb1, wb1, i1)
    _wait_idx(0, srcb0, dstb0, wb0, i0)
    pltpu.async_copy(hw.at[srcb0], rows0, g0)

    def _epoch(i2, carry):
        for b in range(2):
            srcb, dstb, wb, dsb, rows, gsem, isem, ssem = bufs[b]
            (srcb_o, dstb_o, wb_o, dsb_o, rows_o,
             gsem_o, isem_o, ssem_o) = bufs[1 - b]
            g = i2 * 2 + b

            @pl.when(g + 1 < nch)
            def _start_next_gather():
                @pl.when(g >= 1)
                def _drain_prev():
                    _wait_scatter(dsb_o, rows_o, ssem_o)
                _wait_idx(g + 1, srcb_o, dstb_o, wb_o, isem_o)
                pltpu.async_copy(hw.at[srcb_o], rows_o, gsem_o)

            @pl.when(g < nch)
            def _process():
                pltpu.make_async_copy(hw.at[srcb], rows, gsem).wait()
                _scale(rows, wb)
                for j in range(CH // L):
                    dsb[pl.ds(j * L, L)] = dstb[pl.ds(j * L, L)]
                pltpu.async_copy(rows, acc.at[dsb], ssem, add=True)

                @pl.when(g + 2 < nch)
                def _prefetch_idx():
                    _issue_idx(g + 2, srcb, dstb, wb, isem)
        return carry
    lax.fori_loop(0, (NMAX + 1) // 2, _epoch, None)

    _wait_scatter(dsb0, rows0, s0)
    _wait_scatter(dsb1, rows1, s1)

    plsc.subcore_barrier()
    pltpu.sync_copy(acc.at[pl.ds(s * RPT, RPT)],
                    out.at[c, pl.ds(s * RPT, RPT)])

    @pl.when(s == NS - 1)
    def _write_rem():
        pltpu.sync_copy(acc.at[pl.ds(NS * RPT, RREM)],
                        out.at[c, pl.ds(NS * RPT, RREM)])


@functools.partial(
    pl.kernel,
    mesh=_sc_mesh,
    out_type=jax.ShapeDtypeStruct((NC * N * 4,), jnp.float32),
    scratch_types=[
        pltpu.VMEM((N * 4,), jnp.float32),
        pltpu.VMEM((NMAX * CH,), jnp.int32),
        pltpu.VMEM((NMAX * CH,), jnp.int32),
        pltpu.VMEM((NMAX * CH,), jnp.float32),
        pltpu.VMEM((CH, DQ), jnp.float32),
        pltpu.VMEM((CH, DQ), jnp.float32),
        pltpu.VMEM((CH,), jnp.int32),
        pltpu.VMEM((CH,), jnp.int32),
        pltpu.VMEM((128, DQ), jnp.float32),
        pltpu.VMEM((RPT + RREM, DQ), jnp.float32),
        pltpu.VMEM(((RPT + RREM) * 4,), jnp.float32),
        pltpu.VMEM_SHARED((N, DQ), jnp.float32),
        pltpu.SemaphoreType.DMA,
        pltpu.SemaphoreType.DMA,
    ],
    compiler_params=_sc_params_lin,
)
def _qscatter_kernel(qf, src, dst, w, out, qb, src_all, dst_all, w_all,
                     rows4_0, rows4_1, dsb0, dsb1, zb, tmp, stage, acc4,
                     s0, s1):
    c = lax.axis_index("c")
    s = lax.axis_index("s")
    wid = s * NC + c
    bufs = ((rows4_0, dsb0, s0), (rows4_1, dsb1, s1))
    zeros16 = jnp.zeros((L,), jnp.float32)
    iota = lax.broadcasted_iota(jnp.int32, (L,), 0)

    def _z(i, carry):
        zb[i, pl.ds(0, DQ)] = zeros16
        rows4_0[i, pl.ds(0, DQ)] = zeros16
        rows4_1[i, pl.ds(0, DQ)] = zeros16
        return carry
    lax.fori_loop(0, 128, _z, None)
    rbase = s * RPT
    for k in range(4):
        pltpu.sync_copy(zb, acc4.at[pl.ds(rbase + k * 128, 128)])
    pltpu.sync_copy(zb.at[pl.ds(0, RPT - 512)],
                    acc4.at[pl.ds(rbase + 512, RPT - 512)])

    @pl.when(s == NS - 1)
    def _zero_rem():
        pltpu.sync_copy(zb.at[pl.ds(0, RREM)],
                        acc4.at[pl.ds(NS * RPT, RREM)])
    plsc.subcore_barrier()

    pltpu.sync_copy(qf, qb)
    has_extra = wid < NEXTRA
    ebase = wid * (NFULL * CH) + jnp.minimum(wid, NEXTRA) * CH
    nch = NFULL + has_extra.astype(jnp.int32)
    pltpu.sync_copy(src.at[pl.ds(ebase, NFULL * CH)],
                    src_all.at[pl.ds(0, NFULL * CH)])
    pltpu.sync_copy(dst.at[pl.ds(ebase, NFULL * CH)],
                    dst_all.at[pl.ds(0, NFULL * CH)])
    pltpu.sync_copy(w.at[pl.ds(ebase, NFULL * CH)],
                    w_all.at[pl.ds(0, NFULL * CH)])

    @pl.when(has_extra)
    def _stage_extra():
        off = ebase + NFULL * CH
        pltpu.sync_copy(src.at[pl.ds(off, CH)],
                        src_all.at[pl.ds(NFULL * CH, CH)])
        pltpu.sync_copy(dst.at[pl.ds(off, CH)],
                        dst_all.at[pl.ds(NFULL * CH, CH)])
        pltpu.sync_copy(w.at[pl.ds(off, CH)],
                        w_all.at[pl.ds(NFULL * CH, CH)])

    def _epoch(i2, carry):
        for b in range(2):
            rows4, dsb, ssem = bufs[b]
            g = i2 * 2 + b

            @pl.when(g < nch)
            def _process():
                @pl.when(g >= 2)
                def _drain():
                    pltpu.make_async_copy(rows4, acc4.at[dsb], ssem).wait()
                for gg in range(CH // L):
                    le = g * CH + gg * L
                    srcv = src_all[pl.ds(le, L)] * 4
                    wv = w_all[pl.ds(le, L)]
                    ev = iota + gg * L
                    for k in range(4):
                        qk = plsc.load_gather(qb, [srcv + k])
                        plsc.store_scatter(
                            rows4, [ev, jnp.full((L,), k, jnp.int32)],
                            qk * wv)
                for j in range(CH // L):
                    dsb[pl.ds(j * L, L)] = dst_all[pl.ds(g * CH + j * L, L)]
                pltpu.async_copy(rows4, acc4.at[dsb], ssem, add=True)
        return carry
    lax.fori_loop(0, (NMAX + 1) // 2, _epoch, None)
    pltpu.make_async_copy(rows4_0, acc4.at[dsb0], s0).wait()
    pltpu.make_async_copy(rows4_1, acc4.at[dsb1], s1).wait()
    plsc.subcore_barrier()

    pltpu.sync_copy(acc4.at[pl.ds(rbase, RPT)], tmp.at[pl.ds(0, RPT)])

    @pl.when(s == NS - 1)
    def _stage_rem():
        pltpu.sync_copy(acc4.at[pl.ds(NS * RPT, RREM)],
                        tmp.at[pl.ds(RPT, RREM)])
    rowpat = iota // 4
    colpat = iota - rowpat * 4

    def _repack(m, carry):
        v = plsc.load_gather(tmp, [rowpat + m * 4, colpat])
        stage[pl.ds(m * L, L)] = v
        return carry
    lax.fori_loop(0, RPT // 4, _repack, None)
    pltpu.sync_copy(stage.at[pl.ds(0, RPT * 4)],
                    out.at[pl.ds(c * (N * 4) + s * (RPT * 4), RPT * 4)])

    @pl.when(s == NS - 1)
    def _write_rem():
        lax.fori_loop(RPT // 4, (RPT + RREM) // 4, _repack, None)
        pltpu.sync_copy(stage.at[pl.ds(RPT * 4, RREM * 4)],
                        out.at[pl.ds(c * (N * 4) + NS * RPT * 4, RREM * 4)])


@functools.partial(
    pl.kernel,
    mesh=_sc_mesh,
    out_type=jax.ShapeDtypeStruct((E * 2,), jnp.float32),
    scratch_types=[
        pltpu.VMEM((N * 4,), jnp.float32),
        pltpu.VMEM((8192,), jnp.float32),
        pltpu.VMEM((NMAX * CH,), jnp.int32),
        pltpu.VMEM((NMAX * CH,), jnp.int32),
        pltpu.VMEM((NMAX * CH * 2,), jnp.float32),
    ],
    compiler_params=_sc_params,
)
def _decode_kernel(uv, pei, out, uvb, tbuf, pi_all, pj_all, outb):
    c = lax.axis_index("c")
    s = lax.axis_index("s")
    wid = s * NC + c
    has_extra = wid < NEXTRA
    ebase = wid * (NFULL * CH) + jnp.minimum(wid, NEXTRA) * CH
    nedge = NFULL * CH
    pltpu.sync_copy(uv.at[pl.ds(0, N * 4)], uvb)
    for blk in range(5):
        pltpu.sync_copy(uv.at[pl.ds(N * 4 + blk * 8000, 8000)],
                        tbuf.at[pl.ds(0, 8000)])

        def _acc(i, carry, _blk=blk):
            off = _blk * 8000 + i * L
            uvb[pl.ds(off, L)] = uvb[pl.ds(off, L)] + tbuf[pl.ds(i * L, L)]
            return carry
        lax.fori_loop(0, 8000 // L, _acc, None)
    pltpu.sync_copy(pei.at[0, pl.ds(ebase, nedge)],
                    pi_all.at[pl.ds(0, nedge)])
    pltpu.sync_copy(pei.at[1, pl.ds(ebase, nedge)],
                    pj_all.at[pl.ds(0, nedge)])

    @pl.when(has_extra)
    def _stage_extra():
        pltpu.sync_copy(pei.at[0, pl.ds(ebase + nedge, CH)],
                        pi_all.at[pl.ds(nedge, CH)])
        pltpu.sync_copy(pei.at[1, pl.ds(ebase + nedge, CH)],
                        pj_all.at[pl.ds(nedge, CH)])

    iota = lax.broadcasted_iota(jnp.int32, (L,), 0)
    ngroups = (NFULL + has_extra.astype(jnp.int32)) * (CH // L)

    def _group(gg, carry):
        piv = pi_all[pl.ds(gg * L, L)] * 4
        pjv = pj_all[pl.ds(gg * L, L)] * 4
        a0 = plsc.load_gather(uvb, [piv])
        a1 = plsc.load_gather(uvb, [piv + 1])
        b0 = plsc.load_gather(uvb, [pjv + 2])
        b1 = plsc.load_gather(uvb, [pjv + 3])
        q = gg // (CH // L)
        r = gg - q * (CH // L)
        base0 = q * (2 * CH) + r * L
        plsc.store_scatter(outb, [iota + base0], a0 + b0)
        plsc.store_scatter(outb, [iota + base0 + CH], a1 + b1)
        return carry
    lax.fori_loop(0, ngroups, _group, None)

    pltpu.sync_copy(outb.at[pl.ds(0, nedge * 2)],
                    out.at[pl.ds(ebase * 2, nedge * 2)])

    @pl.when(has_extra)
    def _write_extra():
        pltpu.sync_copy(outb.at[pl.ds(nedge * 2, CH * 2)],
                        out.at[pl.ds((ebase + nedge) * 2, CH * 2)])


BM = 400
GRID = N // BM


def _dot(a, b):
    return jnp.dot(a, b, preferred_element_type=jnp.float32)


def _mm_body(xr, wr, outr):
    outr[...] = _dot(xr[...], wr[...])


def _mm_relu_fold_body(ar, br, w2r, w4r, outr):
    w24 = _dot(w2r[...], w4r[...])
    outr[...] = _dot(jnp.maximum(ar[...][0] + br[...][0], 0.0), w24)


def _row_spec(width):
    return pl.BlockSpec((BM, width), lambda i: (i, 0))


def _full_spec(h, w):
    return pl.BlockSpec((h, w), lambda i: (0, 0))


def _part_spec(which):
    return pl.BlockSpec((1, BM, D), lambda i, _w=which: (_w, i, 0))


def _mm(x, w):
    return pl.pallas_call(
        _mm_body, grid=(GRID,),
        in_specs=[_row_spec(D), _full_spec(D, D)],
        out_specs=_row_spec(D),
        out_shape=jax.ShapeDtypeStruct((N, D), jnp.float32),
    )(x, w)


def _mm_relu_fold(p, w2, w4):
    return pl.pallas_call(
        _mm_relu_fold_body, grid=(GRID,),
        in_specs=[_part_spec(0), _part_spec(1), _full_spec(D, D),
                  _full_spec(D, 4)],
        out_specs=_row_spec(4),
        out_shape=jax.ShapeDtypeStruct((N, 4), jnp.float32),
    )(p, p, w2, w4)


def kernel(x, edge_index, edge_weight, pos_edge_index, W1, W2, Wlin):
    x = x.astype(jnp.float32)
    w4 = jnp.concatenate([Wlin[:D], Wlin[D:]], axis=1)

    hw1 = _mm(x, W1)
    p1 = _mp_kernel(hw1, edge_index, edge_weight)
    q = _mm_relu_fold(p1, W2, w4)
    uvp = _qscatter_kernel(q.reshape(-1), edge_index[0], edge_index[1],
                           edge_weight)
    outf = _decode_kernel(uvp, pos_edge_index)
    return outf.reshape(E // CH, 2, CH).transpose(0, 2, 1).reshape(E, 2)

# --- scband reference (transcript-rebuilt; emitter-appended) ---
"""Pipeline reference for scband-net-link-evaulate-2190433321526 (READ-ONLY COPY).

The authoritative reference and input builder live on the scoring server;
editing this copy changes nothing except your own understanding.
"""

import jax, jax.numpy as jnp
import numpy as np

N = 10000
E = 320000
NFEAT = 128
NHID = 128


def setup_inputs(seed: int = 0) -> dict:
    key = jax.random.key(seed)
    ks = jax.random.split(key, 7)
    x = jax.random.normal(ks[0], (N, NFEAT), dtype=jnp.float32)
    edge_index = jax.random.randint(ks[1], (2, E), 0, N, dtype=jnp.int32)
    edge_weight = jax.random.uniform(ks[2], (E,), dtype=jnp.float32)
    pos_edge_index = jax.random.randint(ks[3], (2, E), 0, N, dtype=jnp.int32)
    # GCNConv weights (no bias, no normalization, no self loops): plain Linear then scatter-add aggregation
    W1 = jax.random.normal(ks[4], (NFEAT, NHID), dtype=jnp.float32) * (1.0 / np.sqrt(NFEAT))
    W2 = jax.random.normal(ks[5], (NHID, NHID), dtype=jnp.float32) * (1.0 / np.sqrt(NHID))
    # nn.Linear(nhid*2, 2, bias=False)
    Wlin = jax.random.normal(ks[6], (2 * NHID, 2), dtype=jnp.float32) * (1.0 / np.sqrt(2 * NHID))
    return {"x": x, "edge_index": edge_index, "edge_weight": edge_weight,
            "pos_edge_index": pos_edge_index, "W1": W1, "W2": W2, "Wlin": Wlin}


def _gcn_conv(h, W, edge_index, edge_weight):
    # GCNConv(add_self_loops=False, normalize=False, bias=False):
    # h' = h @ W, then out[dst] = sum over edges (edge_weight * h'[src])
    hw = h @ W
    src = edge_index[0]
    dst = edge_index[1]
    msg = jnp.take(hw, src, axis=0) * edge_weight[:, None]
    out = jnp.zeros_like(hw).at[dst].add(msg)
    return out


def reference(x, edge_index, edge_weight, pos_edge_index, W1, W2, Wlin):
    # encode
    h = _gcn_conv(x.astype(jnp.float32), W1, edge_index, edge_weight)
    h = jax.nn.relu(h)
    z = _gcn_conv(h, W2, edge_index, edge_weight)
    # decode
    zi = jnp.take(z, pos_edge_index[0], axis=0)
    zj = jnp.take(z, pos_edge_index[1], axis=0)
    hcat = jnp.concatenate([zi, zj], axis=1)
    out = hcat @ Wlin
    return out

if __name__ == "__main__":
    import jax
    _d = setup_inputs()
    print(jax.jit(kernel)(*tuple(_d.values())))

</pallas_src>

<mosaic_0001>
#map = affine_map<(d0, d1) -> (0, 0)>
#map1 = affine_map<(d0, d1) -> (0)>
#map2 = affine_map<(d0, d1) -> (0, 0, 0)>
module attributes {stable_mosaic.version = 14 : i64} {
  func.func @_mp_kernel(%arg0: i32, %arg1: i32, %arg2: memref<10000x128xf32, #tpu.memory_space<hbm>>, %arg3: memref<2x320000xi32, #tpu.memory_space<hbm>>, %arg4: memref<320000xf32, #tpu.memory_space<hbm>>, %arg5: memref<2x10000x128xf32, #tpu.memory_space<hbm>>, %arg6: memref<128xi32, #tpu.memory_space<vmem>>, %arg7: memref<128xi32, #tpu.memory_space<vmem>>, %arg8: memref<128xf32, #tpu.memory_space<vmem>>, %arg9: memref<128xi32, #tpu.memory_space<vmem>>, %arg10: memref<128xi32, #tpu.memory_space<vmem>>, %arg11: memref<128xf32, #tpu.memory_space<vmem>>, %arg12: memref<128xi32, #tpu.memory_space<vmem>>, %arg13: memref<128xi32, #tpu.memory_space<vmem>>, %arg14: memref<128x128xf32, #tpu.memory_space<vmem>>, %arg15: memref<128x128xf32, #tpu.memory_space<vmem>>, %arg16: memref<10000x128xf32, #tpu.memory_space<vmem_shared>>, %arg17: memref<!tpu.dma_semaphore, #tpu.memory_space<semaphore_mem>>, %arg18: memref<!tpu.dma_semaphore, #tpu.memory_space<semaphore_mem>>, %arg19: memref<!tpu.dma_semaphore, #tpu.memory_space<semaphore_mem>>, %arg20: memref<!tpu.dma_semaphore, #tpu.memory_space<semaphore_mem>>, %arg21: memref<!tpu.dma_semaphore, #tpu.memory_space<semaphore_mem>>, %arg22: memref<!tpu.dma_semaphore, #tpu.memory_space<semaphore_mem>>) attributes {dimension_semantics = [#tpu.dimension_semantics<core_parallel>, #tpu.dimension_semantics<subcore_parallel>], iteration_bounds = array<i64: 2, 16>, scalar_prefetch = 0 : i64, scratch_operands = 17 : i64, tpu.core_type = #tpu.core_type<sc_vector_subcore>, window_params = [{transform_indices = #map}, {transform_indices = #map}, {transform_indices = #map1}, {transform_indices = #map2}]} {
    %mul3A = arith.constant 2 : i32
    %mul3A_0 = arith.muli %arg1, %mul3A : i32
    %add3A = arith.addi %mul3A_0, %arg0 : i32
    %scan3A = arith.constant 0 : i32
    %scan3A_1 = arith.constant 1024 : i32
    %scan3A_2 = arith.addi %scan3A, %scan3A_1 : i32
    %scan3A_3 = arith.constant 1 : i32
    scf.for %scan3A_93 = %scan3A to %scan3A_2 step %scan3A_3  : i32 {
      %broadcast_in_dim3A = arith.constant 0.000000e+00 : f32
      %broadcast_in_dim3A_94 = vector.broadcast %broadcast_in_dim3A : f32 to vector<16xf32>
      %jit3A = arith.constant 8 : i32
      %div3A = arith.divsi %scan3A_93, %jit3A : i32
      %sign3A = arith.constant 0 : i32
      %sign3A_95 = arith.cmpi sgt, %scan3A_93, %sign3A : i32
      %sign3A_96 = arith.extui %sign3A_95 : i1 to i32
      %sign3A_97 = arith.constant 0 : i32
      %sign3A_98 = arith.cmpi slt, %scan3A_93, %sign3A_97 : i32
      %sign3A_99 = arith.extui %sign3A_98 : i1 to i32
      %sign3A_100 = arith.subi %sign3A_96, %sign3A_99 : i32
      %sign3A_101 = arith.constant 0 : i32
      %sign3A_102 = arith.cmpi sgt, %jit3A, %sign3A_101 : i32
      %sign3A_103 = arith.extui %sign3A_102 : i1 to i32
      %sign3A_104 = arith.constant 0 : i32
      %sign3A_105 = arith.cmpi slt, %jit3A, %sign3A_104 : i32
      %sign3A_106 = arith.extui %sign3A_105 : i1 to i32
      %sign3A_107 = arith.subi %sign3A_103, %sign3A_106 : i32
      %ne3A = arith.cmpi ne, %sign3A_100, %sign3A_107 : i32
      %rem3A = arith.remsi %scan3A_93, %jit3A : i32
      %ne3A_108 = arith.constant 0 : i32
      %ne3A_109 = arith.cmpi ne, %rem3A, %ne3A_108 : i32
      %and3A = arith.andi %ne3A, %ne3A_109 : i1
      %sub3A = arith.constant 1 : i32
      %sub3A_110 = arith.subi %div3A, %sub3A : i32
      %select_n3A = arith.select %and3A, %sub3A_110, %div3A : i32
      %jit3A_111 = arith.constant 8 : i32
      %eq3A_112 = arith.constant 0 : i32
      %eq3A_113 = arith.cmpi eq, %jit3A_111, %eq3A_112 : i32
      %jit3A_114 = arith.constant 1 : i32
      %select_n3A_115 = arith.select %eq3A_113, %jit3A_114, %jit3A_111 : i32
      %rem3A_116 = arith.remsi %scan3A_93, %select_n3A_115 : i32
      %ne3A_117 = arith.constant 0 : i32
      %ne3A_118 = arith.cmpi ne, %rem3A_116, %ne3A_117 : i32
      %lt3A_119 = arith.constant 0 : i32
      %lt3A_120 = arith.cmpi slt, %rem3A_116, %lt3A_119 : i32
      %lt3A_121 = arith.constant 0 : i32
      %lt3A_122 = arith.cmpi slt, %select_n3A_115, %lt3A_121 : i32
      %ne3A_123 = arith.xori %lt3A_120, %lt3A_122 : i1
      %and3A_124 = arith.andi %ne3A_123, %ne3A_118 : i1
      %add3A_125 = arith.addi %rem3A_116, %select_n3A_115 : i32
      %select_n3A_126 = arith.select %and3A_124, %add3A_125, %rem3A_116 : i32
      %mul3A_127 = arith.constant 16 : i32
      %mul3A_128 = arith.muli %select_n3A_126, %mul3A_127 : i32
      %swap3A = arith.index_cast %select_n3A : i32 to index
      %swap3A_129 = arith.index_cast %mul3A_128 : i32 to index
      %swap3A_130 = tpu.vector_load %arg14[%swap3A, %swap3A_129] {strides = array<i32>} : memref<128x128xf32, #tpu.memory_space<vmem>>, vector<16xf32>,
      tpu.vector_store %arg14[%swap3A, %swap3A_129], %broadcast_in_dim3A_94 {strides = array<i32>} : memref<128x128xf32, #tpu.memory_space<vmem>>, vector<16xf32>,
    }
    %scan3A_4 = arith.constant 1024 : i32
    %mul3A_5 = arith.constant 624 : i32
    %mul3A_6 = arith.muli %arg1, %mul3A_5 : i32
    %add3A_7 = arith.constant 0 : i32
    %add3A_8 = arith.addi %mul3A_6, %add3A_7 : i32
    "tpu.region"() ({
      %run_scoped3A = tpu.sem_alloc : memref<!tpu.dma_semaphore, #tpu.memory_space<semaphore_mem>>
      %dma_start3A_93 = arith.constant 0 : i32
      %dma_start3A_94 = tpu.memref_slice %arg16[%add3A_8, %dma_start3A_93] : memref<10000x128xf32, #tpu.memory_space<vmem_shared>> -> memref<128x128xf32, #tpu.memory_space<vmem_shared>>
      %dma_start3A_95 = arith.constant 0 : i32
      %dma_start3A_96 = tpu.memref_slice %arg16[%add3A_8, %dma_start3A_95] : memref<10000x128xf32, #tpu.memory_space<vmem_shared>> -> memref<128x128xf32, #tpu.memory_space<vmem_shared>>
      tpu.enqueue_dma source(%arg14 : memref<128x128xf32, #tpu.memory_space<vmem>>) target(%dma_start3A_96 : memref<128x128xf32, #tpu.memory_space<vmem_shared>>) target_semaphore(%run_scoped3A : memref<!tpu.dma_semaphore, #tpu.memory_space<semaphore_mem>>)
      %dma_wait3A_97 = arith.constant 0 : i32
      %dma_wait3A_98 = tpu.memref_slice %arg16[%add3A_8, %dma_wait3A_97] : memref<10000x128xf32, #tpu.memory_space<vmem_shared>> -> memref<128x128xf32, #tpu.memory_space<vmem_shared>>
      %dma_wait3A_99 = arith.constant 0 : i32
      %dma_wait3A_100 = tpu.memref_slice %arg16[%add3A_8, %dma_wait3A_99] : memref<10000x128xf32, #tpu.memory_space<vmem_shared>> -> memref<128x128xf32, #tpu.memory_space<vmem_shared>>
      tpu.wait_dma2 semaphore(%run_scoped3A : memref<!tpu.dma_semaphore, #tpu.memory_space<semaphore_mem>>) src(%arg14 : memref<128x128xf32, #tpu.memory_space<vmem>>) dst(%dma_wait3A_100 : memref<128x128xf32, #tpu.memory_space<vmem_shared>>)
      tpu.yield
    }) : () -> ()
    %add3A_9 = arith.constant 128 : i32
    %add3A_10 = arith.addi %mul3A_6, %add3A_9 : i32
    "tpu.region"() ({
      %run_scoped3A = tpu.sem_alloc : memref<!tpu.dma_semaphore, #tpu.memory_space<semaphore_mem>>
      %dma_start3A_93 = arith.constant 0 : i32
      %dma_start3A_94 = tpu.memref_slice %arg16[%add3A_10, %dma_start3A_93] : memref<10000x128xf32, #tpu.memory_space<vmem_shared>> -> memref<128x128xf32, #tpu.memory_space<vmem_shared>>
      %dma_start3A_95 = arith.constant 0 : i32
      %dma_start3A_96 = tpu.memref_slice %arg16[%add3A_10, %dma_start3A_95] : memref<10000x128xf32, #tpu.memory_space<vmem_shared>> -> memref<128x128xf32, #tpu.memory_space<vmem_shared>>
      tpu.enqueue_dma source(%arg14 : memref<128x128xf32, #tpu.memory_space<vmem>>) target(%dma_start3A_96 : memref<128x128xf32, #tpu.memory_space<vmem_shared>>) target_semaphore(%run_scoped3A : memref<!tpu.dma_semaphore, #tpu.memory_space<semaphore_mem>>)
      %dma_wait3A_97 = arith.constant 0 : i32
      %dma_wait3A_98 = tpu.memref_slice %arg16[%add3A_10, %dma_wait3A_97] : memref<10000x128xf32, #tpu.memory_space<vmem_shared>> -> memref<128x128xf32, #tpu.memory_space<vmem_shared>>
      %dma_wait3A_99 = arith.constant 0 : i32
      %dma_wait3A_100 = tpu.memref_slice %arg16[%add3A_10, %dma_wait3A_99] : memref<10000x128xf32, #tpu.memory_space<vmem_shared>> -> memref<128x128xf32, #tpu.memory_space<vmem_shared>>
      tpu.wait_dma2 semaphore(%run_scoped3A : memref<!tpu.dma_semaphore, #tpu.memory_space<semaphore_mem>>) src(%arg14 : memref<128x128xf32, #tpu.memory_space<vmem>>) dst(%dma_wait3A_100 : memref<128x128xf32, #tpu.memory_space<vmem_shared>>)
      tpu.yield
    }) : () -> ()
    %add3A_11 = arith.constant 256 : i32
    %add3A_12 = arith.addi %mul3A_6, %add3A_11 : i32
    "tpu.region"() ({
      %run_scoped3A = tpu.sem_alloc : memref<!tpu.dma_semaphore, #tpu.memory_space<semaphore_mem>>
      %dma_start3A_93 = arith.constant 0 : i32
      %dma_start3A_94 = tpu.memref_slice %arg16[%add3A_12, %dma_start3A_93] : memref<10000x128xf32, #tpu.memory_space<vmem_shared>> -> memref<128x128xf32, #tpu.memory_space<vmem_shared>>
      %dma_start3A_95 = arith.constant 0 : i32
      %dma_start3A_96 = tpu.memref_slice %arg16[%add3A_12, %dma_start3A_95] : memref<10000x128xf32, #tpu.memory_space<vmem_shared>> -> memref<128x128xf32, #tpu.memory_space<vmem_shared>>
      tpu.enqueue_dma source(%arg14 : memref<128x128xf32, #tpu.memory_space<vmem>>) target(%dma_start3A_96 : memref<128x128xf32, #tpu.memory_space<vmem_shared>>) target_semaphore(%run_scoped3A : memref<!tpu.dma_semaphore, #tpu.memory_space<semaphore_mem>>)
      %dma_wait3A_97 = arith.constant 0 : i32
      %dma_wait3A_98 = tpu.memref_slice %arg16[%add3A_12, %dma_wait3A_97] : memref<10000x128xf32, #tpu.memory_space<vmem_shared>> -> memref<128x128xf32, #tpu.memory_space<vmem_shared>>
      %dma_wait3A_99 = arith.constant 0 : i32
      %dma_wait3A_100 = tpu.memref_slice %arg16[%add3A_12, %dma_wait3A_99] : memref<10000x128xf32, #tpu.memory_space<vmem_shared>> -> memref<128x128xf32, #tpu.memory_space<vmem_shared>>
      tpu.wait_dma2 semaphore(%run_scoped3A : memref<!tpu.dma_semaphore, #tpu.memory_space<semaphore_mem>>) src(%arg14 : memref<128x128xf32, #tpu.memory_space<vmem>>) dst(%dma_wait3A_100 : memref<128x128xf32, #tpu.memory_space<vmem_shared>>)
      tpu.yield
    }) : () -> ()
    %add3A_13 = arith.constant 384 : i32
    %add3A_14 = arith.addi %mul3A_6, %add3A_13 : i32
    "tpu.region"() ({
      %run_scoped3A = tpu.sem_alloc : memref<!tpu.dma_semaphore, #tpu.memory_space<semaphore_mem>>
      %dma_start3A_93 = arith.constant 0 : i32
      %dma_start3A_94 = tpu.memref_slice %arg16[%add3A_14, %dma_start3A_93] : memref<10000x128xf32, #tpu.memory_space<vmem_shared>> -> memref<128x128xf32, #tpu.memory_space<vmem_shared>>
      %dma_start3A_95 = arith.constant 0 : i32
      %dma_start3A_96 = tpu.memref_slice %arg16[%add3A_14, %dma_start3A_95] : memref<10000x128xf32, #tpu.memory_space<vmem_shared>> -> memref<128x128xf32, #tpu.memory_space<vmem_shared>>
      tpu.enqueue_dma source(%arg14 : memref<128x128xf32, #tpu.memory_space<vmem>>) target(%dma_start3A_96 : memref<128x128xf32, #tpu.memory_space<vmem_shared>>) target_semaphore(%run_scoped3A : memref<!tpu.dma_semaphore, #tpu.memory_space<semaphore_mem>>)
      %dma_wait3A_97 = arith.constant 0 : i32
      %dma_wait3A_98 = tpu.memref_slice %arg16[%add3A_14, %dma_wait3A_97] : memref<10000x128xf32, #tpu.memory_space<vmem_shared>> -> memref<128x128xf32, #tpu.memory_space<vmem_shared>>
      %dma_wait3A_99 = arith.constant 0 : i32
      %dma_wait3A_100 = tpu.memref_slice %arg16[%add3A_14, %dma_wait3A_99] : memref<10000x128xf32, #tpu.memory_space<vmem_shared>> -> memref<128x128xf32, #tpu.memory_space<vmem_shared>>
      tpu.wait_dma2 semaphore(%run_scoped3A : memref<!tpu.dma_semaphore, #tpu.memory_space<semaphore_mem>>) src(%arg14 : memref<128x128xf32, #tpu.memory_space<vmem>>) dst(%dma_wait3A_100 : memref<128x128xf32, #tpu.memory_space<vmem_shared>>)
      tpu.yield
    }) : () -> ()
    %add3A_15 = arith.constant 512 : i32
    %add3A_16 = arith.addi %mul3A_6, %add3A_15 : i32
    "tpu.region"() ({
      %run_scoped3A = tpu.sem_alloc : memref<!tpu.dma_semaphore, #tpu.memory_space<semaphore_mem>>
      %dma_start3A_93 = arith.constant 0 : i32
      %dma_start3A_94 = arith.constant 0 : i32
      %dma_start3A_95 = tpu.memref_slice %arg14[%dma_start3A_93, %dma_start3A_94] : memref<128x128xf32, #tpu.memory_space<vmem>> -> memref<112x128xf32, #tpu.memory_space<vmem>>
      %dma_start3A_96 = arith.constant 0 : i32
      %dma_start3A_97 = tpu.memref_slice %arg16[%add3A_16, %dma_start3A_96] : memref<10000x128xf32, #tpu.memory_space<vmem_shared>> -> memref<112x128xf32, #tpu.memory_space<vmem_shared>>
      %dma_start3A_98 = arith.constant 0 : i32
      %dma_start3A_99 = tpu.memref_slice %arg16[%add3A_16, %dma_start3A_98] : memref<10000x128xf32, #tpu.memory_space<vmem_shared>> -> memref<112x128xf32, #tpu.memory_space<vmem_shared>>
      %dma_start3A_100 = arith.constant 0 : i32
      %dma_start3A_101 = arith.constant 0 : i32
      %dma_start3A_102 = tpu.memref_slice %arg14[%dma_start3A_100, %dma_start3A_101] : memref<128x128xf32, #tpu.memory_space<vmem>> -> memref<112x128xf32, #tpu.memory_space<vmem>>
      tpu.enqueue_dma source(%dma_start3A_102 : memref<112x128xf32, #tpu.memory_space<vmem>>) target(%dma_start3A_99 : memref<112x128xf32, #tpu.memory_space<vmem_shared>>) target_semaphore(%run_scoped3A : memref<!tpu.dma_semaphore, #tpu.memory_space<semaphore_mem>>)
      %dma_wait3A_103 = arith.constant 0 : i32
      %dma_wait3A_104 = arith.constant 0 : i32
      %dma_wait3A_105 = tpu.memref_slice %arg14[%dma_wait3A_103, %dma_wait3A_104] : memref<128x128xf32, #tpu.memory_space<vmem>> -> memref<112x128xf32, #tpu.memory_space<vmem>>
      %dma_wait3A_106 = arith.constant 0 : i32
      %dma_wait3A_107 = tpu.memref_slice %arg16[%add3A_16, %dma_wait3A_106] : memref<10000x128xf32, #tpu.memory_space<vmem_shared>> -> memref<112x128xf32, #tpu.memory_space<vmem_shared>>
      %dma_wait3A_108 = arith.constant 0 : i32
      %dma_wait3A_109 = tpu.memref_slice %arg16[%add3A_16, %dma_wait3A_108] : memref<10000x128xf32, #tpu.memory_space<vmem_shared>> -> memref<112x128xf32, #tpu.memory_space<vmem_shared>>
      %dma_wait3A_110 = arith.constant 0 : i32
      %dma_wait3A_111 = arith.constant 0 : i32
      %dma_wait3A_112 = tpu.memref_slice %arg14[%dma_wait3A_110, %dma_wait3A_111] : memref<128x128xf32, #tpu.memory_space<vmem>> -> memref<112x128xf32, #tpu.memory_space<vmem>>
      tpu.wait_dma2 semaphore(%run_scoped3A : memref<!tpu.dma_semaphore, #tpu.memory_space<semaphore_mem>>) src(%dma_wait3A_112 : memref<112x128xf32, #tpu.memory_space<vmem>>) dst(%dma_wait3A_109 : memref<112x128xf32, #tpu.memory_space<vmem_shared>>)
      tpu.yield
    }) : () -> ()
    %eq3A = arith.constant 15 : i32
    %eq3A_17 = arith.cmpi eq, %arg1, %eq3A : i32
    %convert_element_type3A = arith.extui %eq3A_17 : i1 to i32
    %cond3A = arith.constant 0 : i32
    %cond3A_18 = arith.cmpi ne, %convert_element_type3A, %cond3A : i32
    scf.if %cond3A_18 {
      "tpu.region"() ({
        %run_scoped3A = tpu.sem_alloc : memref<!tpu.dma_semaphore, #tpu.memory_space<semaphore_mem>>
        %dma_start3A_93 = arith.constant 0 : i32
        %dma_start3A_94 = arith.constant 0 : i32
        %dma_start3A_95 = tpu.memref_slice %arg14[%dma_start3A_93, %dma_start3A_94] : memref<128x128xf32, #tpu.memory_space<vmem>> -> memref<16x128xf32, #tpu.memory_space<vmem>>
        %dma_start3A_96 = arith.constant 9984 : i32
        %dma_start3A_97 = arith.constant 0 : i32
        %dma_start3A_98 = tpu.memref_slice %arg16[%dma_start3A_96, %dma_start3A_97] : memref<10000x128xf32, #tpu.memory_space<vmem_shared>> -> memref<16x128xf32, #tpu.memory_space<vmem_shared>>
        %dma_start3A_99 = arith.constant 9984 : i32
        %dma_start3A_100 = arith.constant 0 : i32
        %dma_start3A_101 = tpu.memref_slice %arg16[%dma_start3A_99, %dma_start3A_100] : memref<10000x128xf32, #tpu.memory_space<vmem_shared>> -> memref<16x128xf32, #tpu.memory_space<vmem_shared>>
        %dma_start3A_102 = arith.constant 0 : i32
        %dma_start3A_103 = arith.constant 0 : i32
        %dma_start3A_104 = tpu.memref_slice %arg14[%dma_start3A_102, %dma_start3A_103] : memref<128x128xf32, #tpu.memory_space<vmem>> -> memref<16x128xf32, #tpu.memory_space<vmem>>
        tpu.enqueue_dma source(%dma_start3A_104 : memref<16x128xf32, #tpu.memory_space<vmem>>) target(%dma_start3A_101 : memref<16x128xf32, #tpu.memory_space<vmem_shared>>) target_semaphore(%run_scoped3A : memref<!tpu.dma_semaphore, #tpu.memory_space<semaphore_mem>>)
        %dma_wait3A_105 = arith.constant 0 : i32
        %dma_wait3A_106 = arith.constant 0 : i32
        %dma_wait3A_107 = tpu.memref_slice %arg14[%dma_wait3A_105, %dma_wait3A_106] : memref<128x128xf32, #tpu.memory_space<vmem>> -> memref<16x128xf32, #tpu.memory_space<vmem>>
        %dma_wait3A_108 = arith.constant 9984 : i32
        %dma_wait3A_109 = arith.constant 0 : i32
        %dma_wait3A_110 = tpu.memref_slice %arg16[%dma_wait3A_108, %dma_wait3A_109] : memref<10000x128xf32, #tpu.memory_space<vmem_shared>> -> memref<16x128xf32, #tpu.memory_space<vmem_shared>>
        %dma_wait3A_111 = arith.constant 9984 : i32
        %dma_wait3A_112 = arith.constant 0 : i32
        %dma_wait3A_113 = tpu.memref_slice %arg16[%dma_wait3A_111, %dma_wait3A_112] : memref<10000x128xf32, #tpu.memory_space<vmem_shared>> -> memref<16x128xf32, #tpu.memory_space<vmem_shared>>
        %dma_wait3A_114 = arith.constant 0 : i32
        %dma_wait3A_115 = arith.constant 0 : i32
        %dma_wait3A_116 = tpu.memref_slice %arg14[%dma_wait3A_114, %dma_wait3A_115] : memref<128x128xf32, #tpu.memory_space<vmem>> -> memref<16x128xf32, #tpu.memory_space<vmem>>
        tpu.wait_dma2 semaphore(%run_scoped3A : memref<!tpu.dma_semaphore, #tpu.memory_space<semaphore_mem>>) src(%dma_wait3A_116 : memref<16x128xf32, #tpu.memory_space<vmem>>) dst(%dma_wait3A_113 : memref<16x128xf32, #tpu.memory_space<vmem_shared>>)
        tpu.yield
      }) : () -> ()
    } else {
    }
    %barrier3A = arith.constant 0 : index
    tpu.barrier barrier_id(%barrier3A)
    %lt3A = arith.constant 4 : i32
    %lt3A_19 = arith.cmpi slt, %add3A, %lt3A : i32
    %mul3A_20 = arith.constant 9984 : i32
    %mul3A_21 = arith.muli %add3A, %mul3A_20 : i32
    %min3A = arith.constant 4 : i32
    %min3A_22 = arith.minsi %add3A, %min3A : i32
    %mul3A_23 = arith.constant 128 : i32
    %mul3A_24 = arith.muli %min3A_22, %mul3A_23 : i32
    %add3A_25 = arith.addi %mul3A_21, %mul3A_24 : i32
    %convert_element_type3A_26 = arith.extui %lt3A_19 : i1 to i32
    %add3A_27 = arith.constant 78 : i32
    %add3A_28 = arith.addi %add3A_27, %convert_element_type3A_26 : i32
    %add3A_29 = arith.constant 0 : i32
    %add3A_30 = arith.addi %add3A_25, %add3A_29 : i32
    %dma_start3A = arith.constant 0 : i32
    %dma_start3A_31 = tpu.memref_slice %arg3[%dma_start3A, %add3A_30] : memref<2x320000xi32, #tpu.memory_space<hbm>> -> memref<1x128xi32, #tpu.memory_space<hbm>>
    %dma_start3A_32 = tpu.memref_squeeze %dma_start3A_31 : memref<1x128xi32, #tpu.memory_space<hbm>> -> memref<128xi32, #tpu.memory_space<hbm>>
    %dma_start3A_33 = tpu.memref_slice %arg3[%dma_start3A, %add3A_30] : memref<2x320000xi32, #tpu.memory_space<hbm>> -> memref<1x128xi32, #tpu.memory_space<hbm>>
    %dma_start3A_34 = tpu.memref_squeeze %dma_start3A_33 : memref<1x128xi32, #tpu.memory_space<hbm>> -> memref<128xi32, #tpu.memory_space<hbm>>
    tpu.enqueue_dma source(%dma_start3A_34 : memref<128xi32, #tpu.memory_space<hbm>>) target(%arg6 : memref<128xi32, #tpu.memory_space<vmem>>) target_semaphore(%arg19 : memref<!tpu.dma_semaphore, #tpu.memory_space<semaphore_mem>>)
    %dma_start3A_35 = arith.constant 1 : i32
    %dma_start3A_36 = tpu.memref_slice %arg3[%dma_start3A_35, %add3A_30] : memref<2x320000xi32, #tpu.memory_space<hbm>> -> memref<1x128xi32, #tpu.memory_space<hbm>>
    %dma_start3A_37 = tpu.memref_squeeze %dma_start3A_36 : memref<1x128xi32, #tpu.memory_space<hbm>> -> memref<128xi32, #tpu.memory_space<hbm>>
    %dma_start3A_38 = tpu.memref_slice %arg3[%dma_start3A_35, %add3A_30] : memref<2x320000xi32, #tpu.memory_space<hbm>> -> memref<1x128xi32, #tpu.memory_space<hbm>>
    %dma_start3A_39 = tpu.memref_squeeze %dma_start3A_38 : memref<1x128xi32, #tpu.memory_space<hbm>> -> memref<128xi32, #tpu.memory_space<hbm>>
    tpu.enqueue_dma source(%dma_start3A_39 : memref<128xi32, #tpu.memory_space<hbm>>) target(%arg7 : memref<128xi32, #tpu.memory_space<vmem>>) target_semaphore(%arg19 : memref<!tpu.dma_semaphore, #tpu.memory_space<semaphore_mem>>)
    %dma_start3A_40 = tpu.memref_slice %arg4[%add3A_30] : memref<320000xf32, #tpu.memory_space<hbm>> -> memref<128xf32, #tpu.memory_space<hbm>>
    %dma_start3A_41 = tpu.memref_slice %arg4[%add3A_30] : memref<320000xf32, #tpu.memory_space<hbm>> -> memref<128xf32, #tpu.memory_space<hbm>>
    tpu.enqueue_dma source(%dma_start3A_41 : memref<128xf32, #tpu.memory_space<hbm>>) target(%arg8 : memref<128xf32, #tpu.memory_space<vmem>>) target_semaphore(%arg19 : memref<!tpu.dma_semaphore, #tpu.memory_space<semaphore_mem>>)
    %add3A_42 = arith.constant 128 : i32
    %add3A_43 = arith.addi %add3A_25, %add3A_42 : i32
    %dma_start3A_44 = arith.constant 0 : i32
    %dma_start3A_45 = tpu.memref_slice %arg3[%dma_start3A_44, %add3A_43] : memref<2x320000xi32, #tpu.memory_space<hbm>> -> memref<1x128xi32, #tpu.memory_space<hbm>>
    %dma_start3A_46 = tpu.memref_squeeze %dma_start3A_45 : memref<1x128xi32, #tpu.memory_space<hbm>> -> memref<128xi32, #tpu.memory_space<hbm>>
    %dma_start3A_47 = tpu.memref_slice %arg3[%dma_start3A_44, %add3A_43] : memref<2x320000xi32, #tpu.memory_space<hbm>> -> memref<1x128xi32, #tpu.memory_space<hbm>>
    %dma_start3A_48 = tpu.memref_squeeze %dma_start3A_47 : memref<1x128xi32, #tpu.memory_space<hbm>> -> memref<128xi32, #tpu.memory_space<hbm>>
    tpu.enqueue_dma source(%dma_start3A_48 : memref<128xi32, #tpu.memory_space<hbm>>) target(%arg9 : memref<128xi32, #tpu.memory_space<vmem>>) target_semaphore(%arg20 : memref<!tpu.dma_semaphore, #tpu.memory_space<semaphore_mem>>)
    %dma_start3A_49 = arith.constant 1 : i32
    %dma_start3A_50 = tpu.memref_slice %arg3[%dma_start3A_49, %add3A_43] : memref<2x320000xi32, #tpu.memory_space<hbm>> -> memref<1x128xi32, #tpu.memory_space<hbm>>
    %dma_start3A_51 = tpu.memref_squeeze %dma_start3A_50 : memref<1x128xi32, #tpu.memory_space<hbm>> -> memref<128xi32, #tpu.memory_space<hbm>>
    %dma_start3A_52 = tpu.memref_slice %arg3[%dma_start3A_49, %add3A_43] : memref<2x320000xi32, #tpu.memory_space<hbm>> -> memref<1x128xi32, #tpu.memory_space<hbm>>
    %dma_start3A_53 = tpu.memref_squeeze %dma_start3A_52 : memref<1x128xi32, #tpu.memory_space<hbm>> -> memref<128xi32, #tpu.memory_space<hbm>>
    tpu.enqueue_dma source(%dma_start3A_53 : memref<128xi32, #tpu.memory_space<hbm>>) target(%arg10 : memref<128xi32, #tpu.memory_space<vmem>>) target_semaphore(%arg20 : memref<!tpu.dma_semaphore, #tpu.memory_space<semaphore_mem>>)
    %dma_start3A_54 = tpu.memref_slice %arg4[%add3A_43] : memref<320000xf32, #tpu.memory_space<hbm>> -> memref<128xf32, #tpu.memory_space<hbm>>
    %dma_start3A_55 = tpu.memref_slice %arg4[%add3A_43] : memref<320000xf32, #tpu.memory_space<hbm>> -> memref<128xf32, #tpu.memory_space<hbm>>
    tpu.enqueue_dma source(%dma_start3A_55 : memref<128xf32, #tpu.memory_space<hbm>>) target(%arg11 : memref<128xf32, #tpu.memory_space<vmem>>) target_semaphore(%arg20 : memref<!tpu.dma_semaphore, #tpu.memory_space<semaphore_mem>>)
    %add3A_56 = arith.constant 0 : i32
    %add3A_57 = arith.addi %add3A_25, %add3A_56 : i32
    %dma_wait3A = arith.constant 0 : i32
    %dma_wait3A_58 = tpu.memref_slice %arg3[%dma_wait3A, %add3A_57] : memref<2x320000xi32, #tpu.memory_space<hbm>> -> memref<1x128xi32, #tpu.memory_space<hbm>>
    %dma_wait3A_59 = tpu.memref_squeeze %dma_wait3A_58 : memref<1x128xi32, #tpu.memory_space<hbm>> -> memref<128xi32, #tpu.memory_space<hbm>>
    %dma_wait3A_60 = tpu.memref_slice %arg3[%dma_wait3A, %add3A_57] : memref<2x320000xi32, #tpu.memory_space<hbm>> -> memref<1x128xi32, #tpu.memory_space<hbm>>
    %dma_wait3A_61 = tpu.memref_squeeze %dma_wait3A_60 : memref<1x128xi32, #tpu.memory_space<hbm>> -> memref<128xi32, #tpu.memory_space<hbm>>
    tpu.wait_dma2 semaphore(%arg19 : memref<!tpu.dma_semaphore, #tpu.memory_space<semaphore_mem>>) src(%dma_wait3A_61 : memref<128xi32, #tpu.memory_space<hbm>>) dst(%arg6 : memref<128xi32, #tpu.memory_space<vmem>>)
    %dma_wait3A_62 = arith.constant 1 : i32
    %dma_wait3A_63 = tpu.memref_slice %arg3[%dma_wait3A_62, %add3A_57] : memref<2x320000xi32, #tpu.memory_space<hbm>> -> memref<1x128xi32, #tpu.memory_space<hbm>>
    %dma_wait3A_64 = tpu.memref_squeeze %dma_wait3A_63 : memref<1x128xi32, #tpu.memory_space<hbm>> -> memref<128xi32, #tpu.memory_space<hbm>>
    %dma_wait3A_65 = tpu.memref_slice %arg3[%dma_wait3A_62, %add3A_57] : memref<2x320000xi32, #tpu.memory_space<hbm>> -> memref<1x128xi32, #tpu.memory_space<hbm>>
    %dma_wait3A_66 = tpu.memref_squeeze %dma_wait3A_65 : memref<1x128xi32, #tpu.memory_space<hbm>> -> memref<128xi32, #tpu.memory_space<hbm>>
    tpu.wait_dma2 semaphore(%arg19 : memref<!tpu.dma_semaphore, #tpu.memory_space<semaphore_mem>>) src(%dma_wait3A_66 : memref<128xi32, #tpu.memory_space<hbm>>) dst(%arg7 : memref<128xi32, #tpu.memory_space<vmem>>)
    %dma_wait3A_67 = tpu.memref_slice %arg4[%add3A_57] : memref<320000xf32, #tpu.memory_space<hbm>> -> memref<128xf32, #tpu.memory_space<hbm>>
    %dma_wait3A_68 = tpu.memref_slice %arg4[%add3A_57] : memref<320000xf32, #tpu.memory_space<hbm>> -> memref<128xf32, #tpu.memory_space<hbm>>
    tpu.wait_dma2 semaphore(%arg19 : memref<!tpu.dma_semaphore, #tpu.memory_space<semaphore_mem>>) src(%dma_wait3A_68 : memref<128xf32, #tpu.memory_space<hbm>>) dst(%arg8 : memref<128xf32, #tpu.memory_space<vmem>>)
    %dma_start3A_69 = arith.constant 0 : i32
    %dma_start3A_70 = arith.constant 0 : i32
    %dma_start3A_71 = tpu.memref_slice %arg2[%dma_start3A_69, %dma_start3A_70] : memref<10000x128xf32, #tpu.memory_space<hbm>> -> memref<10000x128xf32, #tpu.memory_space<hbm>>
    tpu.enqueue_indirect_dma source(%dma_start3A_71 : memref<10000x128xf32, #tpu.memory_space<hbm>>) target(%arg14 : memref<128x128xf32, #tpu.memory_space<vmem>>) offsets(%arg6 : memref<128xi32, #tpu.memory_space<vmem>>) semaphore(%arg17 : memref<!tpu.dma_semaphore, #tpu.memory_space<semaphore_mem>>)
    %scan3A_72 = arith.constant 0 : i32
    %scan3A_73 = arith.constant 40 : i32
    %scan3A_74 = arith.addi %scan3A_72, %scan3A_73 : i32
    %scan3A_75 = arith.constant 1 : i32
    scf.for %scan3A_93 = %scan3A_72 to %scan3A_74 step %scan3A_75  : i32 {
      %mul3A_94 = arith.constant 2 : i32
      %mul3A_95 = arith.muli %scan3A_93, %mul3A_94 : i32
      %add3A_96 = arith.constant 0 : i32
      %add3A_97 = arith.addi %mul3A_95, %add3A_96 : i32
      %add3A_98 = arith.constant 1 : i32
      %add3A_99 = arith.addi %add3A_97, %add3A_98 : i32
      %lt3A_100 = arith.cmpi slt, %add3A_99, %add3A_28 : i32
      %convert_element_type3A_101 = arith.extui %lt3A_100 : i1 to i32
      %cond3A_102 = arith.constant 0 : i32
      %cond3A_103 = arith.cmpi ne, %convert_element_type3A_101, %cond3A_102 : i32
      scf.if %cond3A_103 {
        %ge3A = arith.constant 1 : i32
        %ge3A_122 = arith.cmpi sge, %add3A_97, %ge3A : i32
        %convert_element_type3A_123 = arith.extui %ge3A_122 : i1 to i32
        %cond3A_124 = arith.constant 0 : i32
        %cond3A_125 = arith.cmpi ne, %convert_element_type3A_123, %cond3A_124 : i32
        scf.if %cond3A_125 {
          %dma_wait3A_146 = arith.constant 0 : i32
          %dma_wait3A_147 = arith.constant 0 : i32
          %dma_wait3A_148 = tpu.memref_slice %arg16[%dma_wait3A_146, %dma_wait3A_147] : memref<10000x128xf32, #tpu.memory_space<vmem_shared>> -> memref<10000x128xf32, #tpu.memory_space<vmem_shared>>
          tpu.wait_indirect_dma semaphore(%arg22 : memref<!tpu.dma_semaphore, #tpu.memory_space<semaphore_mem>>) src(%arg15 : memref<128x128xf32, #tpu.memory_space<vmem>>) dst(%dma_wait3A_148 : memref<10000x128xf32, #tpu.memory_space<vmem_shared>>)
        } else {
        }
        %add3A_126 = arith.constant 1 : i32
        %add3A_127 = arith.addi %add3A_97, %add3A_126 : i32
        %mul3A_128 = arith.constant 128 : i32
        %mul3A_129 = arith.muli %add3A_127, %mul3A_128 : i32
        %add3A_130 = arith.addi %add3A_25, %mul3A_129 : i32
        %dma_wait3A_131 = arith.constant 0 : i32
        %dma_wait3A_132 = tpu.memref_slice %arg3[%dma_wait3A_131, %add3A_130] : memref<2x320000xi32, #tpu.memory_space<hbm>> -> memref<1x128xi32, #tpu.memory_space<hbm>>
        %dma_wait3A_133 = tpu.memref_squeeze %dma_wait3A_132 : memref<1x128xi32, #tpu.memory_space<hbm>> -> memref<128xi32, #tpu.memory_space<hbm>>
        %dma_wait3A_134 = tpu.memref_slice %arg3[%dma_wait3A_131, %add3A_130] : memref<2x320000xi32, #tpu.memory_space<hbm>> -> memref<1x128xi32, #tpu.memory_space<hbm>>
        %dma_wait3A_135 = tpu.memref_squeeze %dma_wait3A_134 : memref<1x128xi32, #tpu.memory_space<hbm>> -> memref<128xi32, #tpu.memory_space<hbm>>
        tpu.wait_dma2 semaphore(%arg20 : memref<!tpu.dma_semaphore, #tpu.memory_space<semaphore_mem>>) src(%dma_wait3A_135 : memref<128xi32, #tpu.memory_space<hbm>>) dst(%arg9 : memref<128xi32, #tpu.memory_space<vmem>>)
        %dma_wait3A_136 = arith.constant 1 : i32
        %dma_wait3A_137 = tpu.memref_slice %arg3[%dma_wait3A_136, %add3A_130] : memref<2x320000xi32, #tpu.memory_space<hbm>> -> memref<1x128xi32, #tpu.memory_space<hbm>>
        %dma_wait3A_138 = tpu.memref_squeeze %dma_wait3A_137 : memref<1x128xi32, #tpu.memory_space<hbm>> -> memref<128xi32, #tpu.memory_space<hbm>>
        %dma_wait3A_139 = tpu.memref_slice %arg3[%dma_wait3A_136, %add3A_130] : memref<2x320000xi32, #tpu.memory_space<hbm>> -> memref<1x128xi32, #tpu.memory_space<hbm>>
        %dma_wait3A_140 = tpu.memref_squeeze %dma_wait3A_139 : memref<1x128xi32, #tpu.memory_space<hbm>> -> memref<128xi32, #tpu.memory_space<hbm>>
        tpu.wait_dma2 semaphore(%arg20 : memref<!tpu.dma_semaphore, #tpu.memory_space<semaphore_mem>>) src(%dma_wait3A_140 : memref<128xi32, #tpu.memory_space<hbm>>) dst(%arg10 : memref<128xi32, #tpu.memory_space<vmem>>)
        %dma_wait3A_141 = tpu.memref_slice %arg4[%add3A_130] : memref<320000xf32, #tpu.memory_space<hbm>> -> memref<128xf32, #tpu.memory_space<hbm>>
        %dma_wait3A_142 = tpu.memref_slice %arg4[%add3A_130] : memref<320000xf32, #tpu.memory_space<hbm>> -> memref<128xf32, #tpu.memory_space<hbm>>
        tpu.wait_dma2 semaphore(%arg20 : memref<!tpu.dma_semaphore, #tpu.memory_space<semaphore_mem>>) src(%dma_wait3A_142 : memref<128xf32, #tpu.memory_space<hbm>>) dst(%arg11 : memref<128xf32, #tpu.memory_space<vmem>>)
        %dma_start3A_143 = arith.constant 0 : i32
        %dma_start3A_144 = arith.constant 0 : i32
        %dma_start3A_145 = tpu.memref_slice %arg2[%dma_start3A_143, %dma_start3A_144] : memref<10000x128xf32, #tpu.memory_space<hbm>> -> memref<10000x128xf32, #tpu.memory_space<hbm>>
        tpu.enqueue_indirect_dma source(%dma_start3A_145 : memref<10000x128xf32, #tpu.memory_space<hbm>>) target(%arg15 : memref<128x128xf32, #tpu.memory_space<vmem>>) offsets(%arg9 : memref<128xi32, #tpu.memory_space<vmem>>) semaphore(%arg18 : memref<!tpu.dma_semaphore, #tpu.memory_space<semaphore_mem>>)
      } else {
      }
      %lt3A_104 = arith.cmpi slt, %add3A_97, %add3A_28 : i32
      %convert_element_type3A_105 = arith.extui %lt3A_104 : i1 to i32
      %cond3A_106 = arith.constant 0 : i32
      %cond3A_107 = arith.cmpi ne, %convert_element_type3A_105, %cond3A_106 : i32
      scf.if %cond3A_107 {
        %dma_wait3A_122 = arith.constant 0 : i32
        %dma_wait3A_123 = arith.constant 0 : i32
        %dma_wait3A_124 = tpu.memref_slice %arg2[%dma_wait3A_122, %dma_wait3A_123] : memref<10000x128xf32, #tpu.memory_space<hbm>> -> memref<10000x128xf32, #tpu.memory_space<hbm>>
        tpu.wait_indirect_dma semaphore(%arg17 : memref<!tpu.dma_semaphore, #tpu.memory_space<semaphore_mem>>) src(%dma_wait3A_124 : memref<10000x128xf32, #tpu.memory_space<hbm>>) dst(%arg14 : memref<128x128xf32, #tpu.memory_space<vmem>>)
        %scan3A_125 = arith.constant 0 : i32
        %scan3A_126 = arith.constant 32 : i32
        %scan3A_127 = arith.addi %scan3A_125, %scan3A_126 : i32
        %scan3A_128 = arith.constant 1 : i32
        scf.for %scan3A_169 = %scan3A_125 to %scan3A_127 step %scan3A_128  : i32 {
          %mul3A_170 = arith.constant 4 : i32
          %mul3A_171 = arith.muli %scan3A_169, %mul3A_170 : i32
          %add3A_172 = arith.constant 0 : i32
          %add3A_173 = arith.addi %mul3A_171, %add3A_172 : i32
          %broadcast_in_dim3A = vector.broadcast %add3A_173 : i32 to vector<16xi32>
          %gather3A = tpu.vector_load_idx %arg8[%broadcast_in_dim3A] : memref<128xf32, #tpu.memory_space<vmem>>[vector<16xi32>], vector<16xf32>,
          %get3A_174 = arith.index_cast %add3A_173 : i32 to index
          %get3A_175 = arith.constant 0 : index
          %get3A_176 = tpu.vector_load %arg14[%get3A_174, %get3A_175] {strides = array<i32>} : memref<128x128xf32, #tpu.memory_space<vmem>>, vector<16xf32>,
          %mul3A_177 = arith.mulf %get3A_176, %gather3A : vector<16xf32>
          %swap3A_178 = arith.index_cast %add3A_173 : i32 to index
          %swap3A_179 = arith.constant 0 : index
          %swap3A_180 = tpu.vector_load %arg14[%swap3A_178, %swap3A_179] {strides = array<i32>} : memref<128x128xf32, #tpu.memory_space<vmem>>, vector<16xf32>,
          tpu.vector_store %arg14[%swap3A_178, %swap3A_179], %mul3A_177 {strides = array<i32>} : memref<128x128xf32, #tpu.memory_space<vmem>>, vector<16xf32>,
          %get3A_181 = arith.index_cast %add3A_173 : i32 to index
          %get3A_182 = arith.constant 16 : index
          %get3A_183 = tpu.vector_load %arg14[%get3A_181, %get3A_182] {strides = array<i32>} : memref<128x128xf32, #tpu.memory_space<vmem>>, vector<16xf32>,
          %mul3A_184 = arith.mulf %get3A_183, %gather3A : vector<16xf32>
          %swap3A_185 = arith.index_cast %add3A_173 : i32 to index
          %swap3A_186 = arith.constant 16 : index
          %swap3A_187 = tpu.vector_load %arg14[%swap3A_185, %swap3A_186] {strides = array<i32>} : memref<128x128xf32, #tpu.memory_space<vmem>>, vector<16xf32>,
          tpu.vector_store %arg14[%swap3A_185, %swap3A_186], %mul3A_184 {strides = array<i32>} : memref<128x128xf32, #tpu.memory_space<vmem>>, vector<16xf32>,
          %get3A_188 = arith.index_cast %add3A_173 : i32 to index
          %get3A_189 = arith.constant 32 : index
          %get3A_190 = tpu.vector_load %arg14[%get3A_188, %get3A_189] {strides = array<i32>} : memref<128x128xf32, #tpu.memory_space<vmem>>, vector<16xf32>,
          %mul3A_191 = arith.mulf %get3A_190, %gather3A : vector<16xf32>
          %swap3A_192 = arith.index_cast %add3A_173 : i32 to index
          %swap3A_193 = arith.constant 32 : index
          %swap3A_194 = tpu.vector_load %arg14[%swap3A_192, %swap3A_193] {strides = array<i32>} : memref<128x128xf32, #tpu.memory_space<vmem>>, vector<16xf32>,
          tpu.vector_store %arg14[%swap3A_192, %swap3A_193], %mul3A_191 {strides = array<i32>} : memref<128x128xf32, #tpu.memory_space<vmem>>, vector<16xf32>,
          %get3A_195 = arith.index_cast %add3A_173 : i32 to index
          %get3A_196 = arith.constant 48 : index
          %get3A_197 = tpu.vector_load %arg14[%get3A_195, %get3A_196] {strides = array<i32>} : memref<128x128xf32, #tpu.memory_space<vmem>>, vector<16xf32>,
          %mul3A_198 = arith.mulf %get3A_197, %gather3A : vector<16xf32>
          %swap3A_199 = arith.index_cast %add3A_173 : i32 to index
          %swap3A_200 = arith.constant 48 : index
          %swap3A_201 = tpu.vector_load %arg14[%swap3A_199, %swap3A_200] {strides = array<i32>} : memref<128x128xf32, #tpu.memory_space<vmem>>, vector<16xf32>,
          tpu.vector_store %arg14[%swap3A_199, %swap3A_200], %mul3A_198 {strides = array<i32>} : memref<128x128xf32, #tpu.memory_space<vmem>>, vector<16xf32>,
          %get3A_202 = arith.index_cast %add3A_173 : i32 to index
          %get3A_203 = arith.constant 64 : index
          %get3A_204 = tpu.vector_load %arg14[%get3A_202, %get3A_203] {strides = array<i32>} : memref<128x128xf32, #tpu.memory_space<vmem>>, vector<16xf32>,
          %mul3A_205 = arith.mulf %get3A_204, %gather3A : vector<16xf32>
          %swap3A_206 = arith.index_cast %add3A_173 : i32 to index
          %swap3A_207 = arith.constant 64 : index
          %swap3A_208 = tpu.vector_load %arg14[%swap3A_206, %swap3A_207] {strides = array<i32>} : memref<128x128xf32, #tpu.memory_space<vmem>>, vector<16xf32>,
          tpu.vector_store %arg14[%swap3A_206, %swap3A_207], %mul3A_205 {strides = array<i32>} : memref<128x128xf32, #tpu.memory_space<vmem>>, vector<16xf32>,
          %get3A_209 = arith.index_cast %add3A_173 : i32 to index
          %get3A_210 = arith.constant 80 : index
          %get3A_211 = tpu.vector_load %arg14[%get3A_209, %get3A_210] {strides = array<i32>} : memref<128x128xf32, #tpu.memory_space<vmem>>, vector<16xf32>,
          %mul3A_212 = arith.mulf %get3A_211, %gather3A : vector<16xf32>
          %swap3A_213 = arith.index_cast %add3A_173 : i32 to index
          %swap3A_214 = arith.constant 80 : index
          %swap3A_215 = tpu.vector_load %arg14[%swap3A_213, %swap3A_214] {strides = array<i32>} : memref<128x128xf32, #tpu.memory_space<vmem>>, vector<16xf32>,
          tpu.vector_store %arg14[%swap3A_213, %swap3A_214], %mul3A_212 {strides = array<i32>} : memref<128x128xf32, #tpu.memory_space<vmem>>, vector<16xf32>,
          %get3A_216 = arith.index_cast %add3A_173 : i32 to index
          %get3A_217 = arith.constant 96 : index
          %get3A_218 = tpu.vector_load %arg14[%get3A_216, %get3A_217] {strides = array<i32>} : memref<128x128xf32, #tpu.memory_space<vmem>>, vector<16xf32>,
          %mul3A_219 = arith.mulf %get3A_218, %gather3A : vector<16xf32>
          %swap3A_220 = arith.index_cast %add3A_173 : i32 to index
          %swap3A_221 = arith.constant 96 : index
          %swap3A_222 = tpu.vector_load %arg14[%swap3A_220, %swap3A_221] {strides = array<i32>} : memref<128x128xf32, #tpu.memory_space<vmem>>, vector<16xf32>,
          tpu.vector_store %arg14[%swap3A_220, %swap3A_221], %mul3A_219 {strides = array<i32>} : memref<128x128xf32, #tpu.memory_space<vmem>>, vector<16xf32>,
          %get3A_223 = arith.index_cast %add3A_173 : i32 to index
          %get3A_224 = arith.constant 112 : index
          %get3A_225 = tpu.vector_load %arg14[%get3A_223, %get3A_224] {strides = array<i32>} : memref<128x128xf32, #tpu.memory_space<vmem>>, vector<16xf32>,
          %mul3A_226 = arith.mulf %get3A_225, %gather3A : vector<16xf32>
          %swap3A_227 = arith.index_cast %add3A_173 : i32 to index
          %swap3A_228 = arith.constant 112 : index
          %swap3A_229 = tpu.vector_load %arg14[%swap3A_227, %swap3A_228] {strides = array<i32>} : memref<128x128xf32, #tpu.memory_space<vmem>>, vector<16xf32>,
          tpu.vector_store %arg14[%swap3A_227, %swap3A_228], %mul3A_226 {strides = array<i32>} : memref<128x128xf32, #tpu.memory_space<vmem>>, vector<16xf32>,
          %mul3A_230 = arith.constant 4 : i32
          %mul3A_231 = arith.muli %scan3A_169, %mul3A_230 : i32
          %add3A_232 = arith.constant 1 : i32
          %add3A_233 = arith.addi %mul3A_231, %add3A_232 : i32
          %broadcast_in_dim3A_234 = vector.broadcast %add3A_233 : i32 to vector<16xi32>
          %gather3A_235 = tpu.vector_load_idx %arg8[%broadcast_in_dim3A_234] : memref<128xf32, #tpu.memory_space<vmem>>[vector<16xi32>], vector<16xf32>,
          %get3A_236 = arith.index_cast %add3A_233 : i32 to index
          %get3A_237 = arith.constant 0 : index
          %get3A_238 = tpu.vector_load %arg14[%get3A_236, %get3A_237] {strides = array<i32>} : memref<128x128xf32, #tpu.memory_space<vmem>>, vector<16xf32>,
          %mul3A_239 = arith.mulf %get3A_238, %gather3A_235 : vector<16xf32>
          %swap3A_240 = arith.index_cast %add3A_233 : i32 to index
          %swap3A_241 = arith.constant 0 : index
          %swap3A_242 = tpu.vector_load %arg14[%swap3A_240, %swap3A_241] {strides = array<i32>} : memref<128x128xf32, #tpu.memory_space<vmem>>, vector<16xf32>,
          tpu.vector_store %arg14[%swap3A_240, %swap3A_241], %mul3A_239 {strides = array<i32>} : memref<128x128xf32, #tpu.memory_space<vmem>>, vector<16xf32>,
          %get3A_243 = arith.index_cast %add3A_233 : i32 to index
          %get3A_244 = arith.constant 16 : index
          %get3A_245 = tpu.vector_load %arg14[%get3A_243, %get3A_244] {strides = array<i32>} : memref<128x128xf32, #tpu.memory_space<vmem>>, vector<16xf32>,
          %mul3A_246 = arith.mulf %get3A_245, %gather3A_235 : vector<16xf32>
          %swap3A_247 = arith.index_cast %add3A_233 : i32 to index
          %swap3A_248 = arith.constant 16 : index
          %swap3A_249 = tpu.vector_load %arg14[%swap3A_247, %swap3A_248] {strides = array<i32>} : memref<128x128xf32, #tpu.memory_space<vmem>>, vector<16xf32>,
          tpu.vector_store %arg14[%swap3A_247, %swap3A_248], %mul3A_246 {strides = array<i32>} : memref<128x128xf32, #tpu.memory_space<vmem>>, vector<16xf32>,
          %get3A_250 = arith.index_cast %add3A_233 : i32 to index
          %get3A_251 = arith.constant 32 : index
          %get3A_252 = tpu.vector_load %arg14[%get3A_250, %get3A_251] {strides = array<i32>} : memref<128x128xf32, #tpu.memory_space<vmem>>, vector<16xf32>,
          %mul3A_253 = arith.mulf %get3A_252, %gather3A_235 : vector<16xf32>
          %swap3A_254 = arith.index_cast %add3A_233 : i32 to index
          %swap3A_255 = arith.constant 32 : index
          %swap3A_256 = tpu.vector_load %arg14[%swap3A_254, %swap3A_255] {strides = array<i32>} : memref<128x128xf32, #tpu.memory_space<vmem>>, vector<16xf32>,
          tpu.vector_store %arg14[%swap3A_254, %swap3A_255], %mul3A_253 {strides = array<i32>} : memref<128x128xf32, #tpu.memory_space<vmem>>, vector<16xf32>,
          %get3A_257 = arith.index_cast %add3A_233 : i32 to index
          %get3A_258 = arith.constant 48 : index
          %get3A_259 = tpu.vector_load %arg14[%get3A_257, %get3A_258] {strides = array<i32>} : memref<128x128xf32, #tpu.memory_space<vmem>>, vector<16xf32>,
          %mul3A_260 = arith.mulf %get3A_259, %gather3A_235 : vector<16xf32>
          %swap3A_261 = arith.index_cast %add3A_233 : i32 to index
          %swap3A_262 = arith.constant 48 : index
          %swap3A_263 = tpu.vector_load %arg14[%swap3A_261, %swap3A_262] {strides = array<i32>} : memref<128x128xf32, #tpu.memory_space<vmem>>, vector<16xf32>,
          tpu.vector_store %arg14[%swap3A_261, %swap3A_262], %mul3A_260 {strides = array<i32>} : memref<128x128xf32, #tpu.memory_space<vmem>>, vector<16xf32>,
          %get3A_264 = arith.index_cast %add3A_233 : i32 to index
          %get3A_265 = arith.constant 64 : index
          %get3A_266 = tpu.vector_load %arg14[%get3A_264, %get3A_265] {strides = array<i32>} : memref<128x128xf32, #tpu.memory_space<vmem>>, vector<16xf32>,
          %mul3A_267 = arith.mulf %get3A_266, %gather3A_235 : vector<16xf32>
          %swap3A_268 = arith.index_cast %add3A_233 : i32 to index
          %swap3A_269 = arith.constant 64 : index
          %swap3A_270 = tpu.vector_load %arg14[%swap3A_268, %swap3A_269] {strides = array<i32>} : memref<128x128xf32, #tpu.memory_space<vmem>>, vector<16xf32>,
          tpu.vector_store %arg14[%swap3A_268, %swap3A_269], %mul3A_267 {strides = array<i32>} : memref<128x128xf32, #tpu.memory_space<vmem>>, vector<16xf32>,
          %get3A_271 = arith.index_cast %add3A_233 : i32 to index
          %get3A_272 = arith.constant 80 : index
          %get3A_273 = tpu.vector_load %arg14[%get3A_271, %get3A_272] {strides = array<i32>} : memref<128x128xf32, #tpu.memory_space<vmem>>, vector<16xf32>,
          %mul3A_274 = arith.mulf %get3A_273, %gather3A_235 : vector<16xf32>
          %swap3A_275 = arith.index_cast %add3A_233 : i32 to index
          %swap3A_276 = arith.constant 80 : index
          %swap3A_277 = tpu.vector_load %arg14[%swap3A_275, %swap3A_276] {strides = array<i32>} : memref<128x128xf32, #tpu.memory_space<vmem>>, vector<16xf32>,
          tpu.vector_store %arg14[%swap3A_275, %swap3A_276], %mul3A_274 {strides = array<i32>} : memref<128x128xf32, #tpu.memory_space<vmem>>, vector<16xf32>,
          %get3A_278 = arith.index_cast %add3A_233 : i32 to index
          %get3A_279 = arith.constant 96 : index
          %get3A_280 = tpu.vector_load %arg14[%get3A_278, %get3A_279] {strides = array<i32>} : memref<128x128xf32, #tpu.memory_space<vmem>>, vector<16xf32>,
          %mul3A_281 = arith.mulf %get3A_280, %gather3A_235 : vector<16xf32>
          %swap3A_282 = arith.index_cast %add3A_233 : i32 to index
          %swap3A_283 = arith.constant 96 : index
          %swap3A_284 = tpu.vector_load %arg14[%swap3A_282, %swap3A_283] {strides = array<i32>} : memref<128x128xf32, #tpu.memory_space<vmem>>, vector<16xf32>,
          tpu.vector_store %arg14[%swap3A_282, %swap3A_283], %mul3A_281 {strides = array<i32>} : memref<128x128xf32, #tpu.memory_space<vmem>>, vector<16xf32>,
          %get3A_285 = arith.index_cast %add3A_233 : i32 to index
          %get3A_286 = arith.constant 112 : index
          %get3A_287 = tpu.vector_load %arg14[%get3A_285, %get3A_286] {strides = array<i32>} : memref<128x128xf32, #tpu.memory_space<vmem>>, vector<16xf32>,
          %mul3A_288 = arith.mulf %get3A_287, %gather3A_235 : vector<16xf32>
          %swap3A_289 = arith.index_cast %add3A_233 : i32 to index
          %swap3A_290 = arith.constant 112 : index
          %swap3A_291 = tpu.vector_load %arg14[%swap3A_289, %swap3A_290] {strides = array<i32>} : memref<128x128xf32, #tpu.memory_space<vmem>>, vector<16xf32>,
          tpu.vector_store %arg14[%swap3A_289, %swap3A_290], %mul3A_288 {strides = array<i32>} : memref<128x128xf32, #tpu.memory_space<vmem>>, vector<16xf32>,
          %mul3A_292 = arith.constant 4 : i32
          %mul3A_293 = arith.muli %scan3A_169, %mul3A_292 : i32
          %add3A_294 = arith.constant 2 : i32
          %add3A_295 = arith.addi %mul3A_293, %add3A_294 : i32
          %broadcast_in_dim3A_296 = vector.broadcast %add3A_295 : i32 to vector<16xi32>
          %gather3A_297 = tpu.vector_load_idx %arg8[%broadcast_in_dim3A_296] : memref<128xf32, #tpu.memory_space<vmem>>[vector<16xi32>], vector<16xf32>,
          %get3A_298 = arith.index_cast %add3A_295 : i32 to index
          %get3A_299 = arith.constant 0 : index
          %get3A_300 = tpu.vector_load %arg14[%get3A_298, %get3A_299] {strides = array<i32>} : memref<128x128xf32, #tpu.memory_space<vmem>>, vector<16xf32>,
          %mul3A_301 = arith.mulf %get3A_300, %gather3A_297 : vector<16xf32>
          %swap3A_302 = arith.index_cast %add3A_295 : i32 to index
          %swap3A_303 = arith.constant 0 : index
          %swap3A_304 = tpu.vector_load %arg14[%swap3A_302, %swap3A_303] {strides = array<i32>} : memref<128x128xf32, #tpu.memory_space<vmem>>, vector<16xf32>,
          tpu.vector_store %arg14[%swap3A_302, %swap3A_303], %mul3A_301 {strides = array<i32>} : memref<128x128xf32, #tpu.memory_space<vmem>>, vector<16xf32>,
          %get3A_305 = arith.index_cast %add3A_295 : i32 to index
          %get3A_306 = arith.constant 16 : index
          %get3A_307 = tpu.vector_load %arg14[%get3A_305, %get3A_306] {strides = array<i32>} : memref<128x128xf32, #tpu.memory_space<vmem>>, vector<16xf32>,
          %mul3A_308 = arith.mulf %get3A_307, %gather3A_297 : vector<16xf32>
          %swap3A_309 = arith.index_cast %add3A_295 : i32 to index
          %swap3A_310 = arith.constant 16 : index
          %swap3A_311 = tpu.vector_load %arg14[%swap3A_309, %swap3A_310] {strides = array<i32>} : memref<128x128xf32, #tpu.memory_space<vmem>>, vector<16xf32>,
          tpu.vector_store %arg14[%swap3A_309, %swap3A_310], %mul3A_308 {strides = array<i32>} : memref<128x128xf32, #tpu.memory_space<vmem>>, vector<16xf32>,
          %get3A_312 = arith.index_cast %add3A_295 : i32 to index
          %get3A_313 = arith.constant 32 : index
          %get3A_314 = tpu.vector_load %arg14[%get3A_312, %get3A_313] {strides = array<i32>} : memref<128x128xf32, #tpu.memory_space<vmem>>, vector<16xf32>,
          %mul3A_315 = arith.mulf %get3A_314, %gather3A_297 : vector<16xf32>
          %swap3A_316 = arith.index_cast %add3A_295 : i32 to index
          %swap3A_317 = arith.constant 32 : index
          %swap3A_318 = tpu.vector_load %arg14[%swap3A_316, %swap3A_317] {strides = array<i32>} : memref<128x128xf32, #tpu.memory_space<vmem>>, vector<16xf32>,
          tpu.vector_store %arg14[%swap3A_316, %swap3A_317], %mul3A_315 {strides = array<i32>} : memref<128x128xf32, #tpu.memory_space<vmem>>, vector<16xf32>,
          %get3A_319 = arith.index_cast %add3A_295 : i32 to index
          %get3A_320 = arith.constant 48 : index
          %get3A_321 = tpu.vector_load %arg14[%get3A_319, %get3A_320] {strides = array<i32>} : memref<128x128xf32, #tpu.memory_space<vmem>>, vector<16xf32>,
          %mul3A_322 = arith.mulf %get3A_321, %gather3A_297 : vector<16xf32>
          %swap3A_323 = arith.index_cast %add3A_295 : i32 to index
          %swap3A_324 = arith.constant 48 : index
          %swap3A_325 = tpu.vector_load %arg14[%swap3A_323, %swap3A_324] {strides = array<i32>} : memref<128x128xf32, #tpu.memory_space<vmem>>, vector<16xf32>,
          tpu.vector_store %arg14[%swap3A_323, %swap3A_324], %mul3A_322 {strides = array<i32>} : memref<128x128xf32, #tpu.memory_space<vmem>>, vector<16xf32>,
          %get3A_326 = arith.index_cast %add3A_295 : i32 to index
          %get3A_327 = arith.constant 64 : index
          %get3A_328 = tpu.vector_load %arg14[%get3A_326, %get3A_327] {strides = array<i32>} : memref<128x128xf32, #tpu.memory_space<vmem>>, vector<16xf32>,
          %mul3A_329 = arith.mulf %get3A_328, %gather3A_297 : vector<16xf32>
          %swap3A_330 = arith.index_cast %add3A_295 : i32 to index
          %swap3A_331 = arith.constant 64 : index
          %swap3A_332 = tpu.vector_load %arg14[%swap3A_330, %swap3A_331] {strides = array<i32>} : memref<128x128xf32, #tpu.memory_space<vmem>>, vector<16xf32>,
          tpu.vector_store %arg14[%swap3A_330, %swap3A_331], %mul3A_329 {strides = array<i32>} : memref<128x128xf32, #tpu.memory_space<vmem>>, vector<16xf32>,
          %get3A_333 = arith.index_cast %add3A_295 : i32 to index
          %get3A_334 = arith.constant 80 : index
          %get3A_335 = tpu.vector_load %arg14[%get3A_333, %get3A_334] {strides = array<i32>} : memref<128x128xf32, #tpu.memory_space<vmem>>, vector<16xf32>,
          %mul3A_336 = arith.mulf %get3A_335, %gather3A_297 : vector<16xf32>
          %swap3A_337 = arith.index_cast %add3A_295 : i32 to index
          %swap3A_338 = arith.constant 80 : index
          %swap3A_339 = tpu.vector_load %arg14[%swap3A_337, %swap3A_338] {strides = array<i32>} : memref<128x128xf32, #tpu.memory_space<vmem>>, vector<16xf32>,
          tpu.vector_store %arg14[%swap3A_337, %swap3A_338], %mul3A_336 {strides = array<i32>} : memref<128x128xf32, #tpu.memory_space<vmem>>, vector<16xf32>,
          %get3A_340 = arith.index_cast %add3A_295 : i32 to index
          %get3A_341 = arith.constant 96 : index
          %get3A_342 = tpu.vector_load %arg14[%get3A_340, %get3A_341] {strides = array<i32>} : memref<128x128xf32, #tpu.memory_space<vmem>>, vector<16xf32>,
          %mul3A_343 = arith.mulf %get3A_342, %gather3A_297 : vector<16xf32>
          %swap3A_344 = arith.index_cast %add3A_295 : i32 to index
          %swap3A_345 = arith.constant 96 : index
          %swap3A_346 = tpu.vector_load %arg14[%swap3A_344, %swap3A_345] {strides = array<i32>} : memref<128x128xf32, #tpu.memory_space<vmem>>, vector<16xf32>,
          tpu.vector_store %arg14[%swap3A_344, %swap3A_345], %mul3A_343 {strides = array<i32>} : memref<128x128xf32, #tpu.memory_space<vmem>>, vector<16xf32>,
          %get3A_347 = arith.index_cast %add3A_295 : i32 to index
          %get3A_348 = arith.constant 112 : index
          %get3A_349 = tpu.vector_load %arg14[%get3A_347, %get3A_348] {strides = array<i32>} : memref<128x128xf32, #tpu.memory_space<vmem>>, vector<16xf32>,
          %mul3A_350 = arith.mulf %get3A_349, %gather3A_297 : vector<16xf32>
          %swap3A_351 = arith.index_cast %add3A_295 : i32 to index
          %swap3A_352 = arith.constant 112 : index
          %swap3A_353 = tpu.vector_load %arg14[%swap3A_351, %swap3A_352] {strides = array<i32>} : memref<128x128xf32, #tpu.memory_space<vmem>>, vector<16xf32>,
          tpu.vector_store %arg14[%swap3A_351, %swap3A_352], %mul3A_350 {strides = array<i32>} : memref<128x128xf32, #tpu.memory_space<vmem>>, vector<16xf32>,
          %mul3A_354 = arith.constant 4 : i32
          %mul3A_355 = arith.muli %scan3A_169, %mul3A_354 : i32
          %add3A_356 = arith.constant 3 : i32
          %add3A_357 = arith.addi %mul3A_355, %add3A_356 : i32
          %broadcast_in_dim3A_358 = vector.broadcast %add3A_357 : i32 to vector<16xi32>
          %gather3A_359 = tpu.vector_load_idx %arg8[%broadcast_in_dim3A_358] : memref<128xf32, #tpu.memory_space<vmem>>[vector<16xi32>], vector<16xf32>,
          %get3A_360 = arith.index_cast %add3A_357 : i32 to index
          %get3A_361 = arith.constant 0 : index
          %get3A_362 = tpu.vector_load %arg14[%get3A_360, %get3A_361] {strides = array<i32>} : memref<128x128xf32, #tpu.memory_space<vmem>>, vector<16xf32>,
          %mul3A_363 = arith.mulf %get3A_362, %gather3A_359 : vector<16xf32>
          %swap3A_364 = arith.index_cast %add3A_357 : i32 to index
          %swap3A_365 = arith.constant 0 : index
          %swap3A_366 = tpu.vector_load %arg14[%swap3A_364, %swap3A_365] {strides = array<i32>} : memref<128x128xf32, #tpu.memory_space<vmem>>, vector<16xf32>,
          tpu.vector_store %arg14[%swap3A_364, %swap3A_365], %mul3A_363 {strides = array<i32>} : memref<128x128xf32, #tpu.memory_space<vmem>>, vector<16xf32>,
          %get3A_367 = arith.index_cast %add3A_357 : i32 to index
          %get3A_368 = arith.constant 16 : index
          %get3A_369 = tpu.vector_load %arg14[%get3A_367, %get3A_368] {strides = array<i32>} : memref<128x128xf32, #tpu.memory_space<vmem>>, vector<16xf32>,
          %mul3A_370 = arith.mulf %get3A_369, %gather3A_359 : vector<16xf32>
          %swap3A_371 = arith.index_cast %add3A_357 : i32 to index
          %swap3A_372 = arith.constant 16 : index
          %swap3A_373 = tpu.vector_load %arg14[%swap3A_371, %swap3A_372] {strides = array<i32>} : memref<128x128xf32, #tpu.memory_space<vmem>>, vector<16xf32>,
          tpu.vector_store %arg14[%swap3A_371, %swap3A_372], %mul3A_370 {strides = array<i32>} : memref<128x128xf32, #tpu.memory_space<vmem>>, vector<16xf32>,
          %get3A_374 = arith.index_cast %add3A_357 : i32 to index
          %get3A_375 = arith.constant 32 : index
          %get3A_376 = tpu.vector_load %arg14[%get3A_374, %get3A_375] {strides = array<i32>} : memref<128x128xf32, #tpu.memory_space<vmem>>, vector<16xf32>,
          %mul3A_377 = arith.mulf %get3A_376, %gather3A_359 : vector<16xf32>
          %swap3A_378 = arith.index_cast %add3A_357 : i32 to index
          %swap3A_379 = arith.constant 32 : index
          %swap3A_380 = tpu.vector_load %arg14[%swap3A_378, %swap3A_379] {strides = array<i32>} : memref<128x128xf32, #tpu.memory_space<vmem>>, vector<16xf32>,
          tpu.vector_store %arg14[%swap3A_378, %swap3A_379], %mul3A_377 {strides = array<i32>} : memref<128x128xf32, #tpu.memory_space<vmem>>, vector<16xf32>,
          %get3A_381 = arith.index_cast %add3A_357 : i32 to index
          %get3A_382 = arith.constant 48 : index
          %get3A_383 = tpu.vector_load %arg14[%get3A_381, %get3A_382] {strides = array<i32>} : memref<128x128xf32, #tpu.memory_space<vmem>>, vector<16xf32>,
          %mul3A_384 = arith.mulf %get3A_383, %gather3A_359 : vector<16xf32>
          %swap3A_385 = arith.index_cast %add3A_357 : i32 to index
          %swap3A_386 = arith.constant 48 : index
          %swap3A_387 = tpu.vector_load %arg14[%swap3A_385, %swap3A_386] {strides = array<i32>} : memref<128x128xf32, #tpu.memory_space<vmem>>, vector<16xf32>,
          tpu.vector_store %arg14[%swap3A_385, %swap3A_386], %mul3A_384 {strides = array<i32>} : memref<128x128xf32, #tpu.memory_space<vmem>>, vector<16xf32>,
          %get3A_388 = arith.index_cast %add3A_357 : i32 to index
          %get3A_389 = arith.constant 64 : index
          %get3A_390 = tpu.vector_load %arg14[%get3A_388, %get3A_389] {strides = array<i32>} : memref<128x128xf32, #tpu.memory_space<vmem>>, vector<16xf32>,
          %mul3A_391 = arith.mulf %get3A_390, %gather3A_359 : vector<16xf32>
          %swap3A_392 = arith.index_cast %add3A_357 : i32 to index
          %swap3A_393 = arith.constant 64 : index
          %swap3A_394 = tpu.vector_load %arg14[%swap3A_392, %swap3A_393] {strides = array<i32>} : memref<128x128xf32, #tpu.memory_space<vmem>>, vector<16xf32>,
          tpu.vector_store %arg14[%swap3A_392, %swap3A_393], %mul3A_391 {strides = array<i32>} : memref<128x128xf32, #tpu.memory_space<vmem>>, vector<16xf32>,
          %get3A_395 = arith.index_cast %add3A_357 : i32 to index
          %get3A_396 = arith.constant 80 : index
          %get3A_397 = tpu.vector_load %arg14[%get3A_395, %get3A_396] {strides = array<i32>} : memref<128x128xf32, #tpu.memory_space<vmem>>, vector<16xf32>,
          %mul3A_398 = arith.mulf %get3A_397, %gather3A_359 : vector<16xf32>
          %swap3A_399 = arith.index_cast %add3A_357 : i32 to index
          %swap3A_400 = arith.constant 80 : index
          %swap3A_401 = tpu.vector_load %arg14[%swap3A_399, %swap3A_400] {strides = array<i32>} : memref<128x128xf32, #tpu.memory_space<vmem>>, vector<16xf32>,
          tpu.vector_store %arg14[%swap3A_399, %swap3A_400], %mul3A_398 {strides = array<i32>} : memref<128x128xf32, #tpu.memory_space<vmem>>, vector<16xf32>,
          %get3A_402 = arith.index_cast %add3A_357 : i32 to index
          %get3A_403 = arith.constant 96 : index
          %get3A_404 = tpu.vector_load %arg14[%get3A_402, %get3A_403] {strides = array<i32>} : memref<128x128xf32, #tpu.memory_space<vmem>>, vector<16xf32>,
          %mul3A_405 = arith.mulf %get3A_404, %gather3A_359 : vector<16xf32>
          %swap3A_406 = arith.index_cast %add3A_357 : i32 to index
          %swap3A_407 = arith.constant 96 : index
          %swap3A_408 = tpu.vector_load %arg14[%swap3A_406, %swap3A_407] {strides = array<i32>} : memref<128x128xf32, #tpu.memory_space<vmem>>, vector<16xf32>,
          tpu.vector_store %arg14[%swap3A_406, %swap3A_407], %mul3A_405 {strides = array<i32>} : memref<128x128xf32, #tpu.memory_space<vmem>>, vector<16xf32>,
          %get3A_409 = arith.index_cast %add3A_357 : i32 to index
          %get3A_410 = arith.constant 112 : index
          %get3A_411 = tpu.vector_load %arg14[%get3A_409, %get3A_410] {strides = array<i32>} : memref<128x128xf32, #tpu.memory_space<vmem>>, vector<16xf32>,
          %mul3A_412 = arith.mulf %get3A_411, %gather3A_359 : vector<16xf32>
          %swap3A_413 = arith.index_cast %add3A_357 : i32 to index
          %swap3A_414 = arith.constant 112 : index
          %swap3A_415 = tpu.vector_load %arg14[%swap3A_413, %swap3A_414] {strides = array<i32>} : memref<128x128xf32, #tpu.memory_space<vmem>>, vector<16xf32>,
          tpu.vector_store %arg14[%swap3A_413, %swap3A_414], %mul3A_412 {strides = array<i32>} : memref<128x128xf32, #tpu.memory_space<vmem>>, vector<16xf32>,
        }
        %scan3A_129 = arith.constant 32 : i32
        %get3A = arith.constant 0 : index
        %get3A_130 = tpu.vector_load %arg7[%get3A] {strides = array<i32>} : memref<128xi32, #tpu.memory_space<vmem>>, vector<16xi32>,
        %swap3A = arith.constant 0 : index
        %swap3A_131 = tpu.vector_load %arg12[%swap3A] {strides = array<i32>} : memref<128xi32, #tpu.memory_space<vmem>>, vector<16xi32>,
        tpu.vector_store %arg12[%swap3A], %get3A_130 {strides = array<i32>} : memref<128xi32, #tpu.memory_space<vmem>>, vector<16xi32>,
        %get3A_132 = arith.constant 16 : index
        %get3A_133 = tpu.vector_load %arg7[%get3A_132] {strides = array<i32>} : memref<128xi32, #tpu.memory_space<vmem>>, vector<16xi32>,
        %swap3A_134 = arith.constant 16 : index
        %swap3A_135 = tpu.vector_load %arg12[%swap3A_134] {strides = array<i32>} : memref<128xi32, #tpu.memory_space<vmem>>, vector<16xi32>,
        tpu.vector_store %arg12[%swap3A_134], %get3A_133 {strides = array<i32>} : memref<128xi32, #tpu.memory_space<vmem>>, vector<16xi32>,
        %get3A_136 = arith.constant 32 : index
        %get3A_137 = tpu.vector_load %arg7[%get3A_136] {strides = array<i32>} : memref<128xi32, #tpu.memory_space<vmem>>, vector<16xi32>,
        %swap3A_138 = arith.constant 32 : index
        %swap3A_139 = tpu.vector_load %arg12[%swap3A_138] {strides = array<i32>} : memref<128xi32, #tpu.memory_space<vmem>>, vector<16xi32>,
        tpu.vector_store %arg12[%swap3A_138], %get3A_137 {strides = array<i32>} : memref<128xi32, #tpu.memory_space<vmem>>, vector<16xi32>,
        %get3A_140 = arith.constant 48 : index
        %get3A_141 = tpu.vector_load %arg7[%get3A_140] {strides = array<i32>} : memref<128xi32, #tpu.memory_space<vmem>>, vector<16xi32>,
        %swap3A_142 = arith.constant 48 : index
        %swap3A_143 = tpu.vector_load %arg12[%swap3A_142] {strides = array<i32>} : memref<128xi32, #tpu.memory_space<vmem>>, vector<16xi32>,
        tpu.vector_store %arg12[%swap3A_142], %get3A_141 {strides = array<i32>} : memref<128xi32, #tpu.memory_space<vmem>>, vector<16xi32>,
        %get3A_144 = arith.constant 64 : index
        %get3A_145 = tpu.vector_load %arg7[%get3A_144] {strides = array<i32>} : memref<128xi32, #tpu.memory_space<vmem>>, vector<16xi32>,
        %swap3A_146 = arith.constant 64 : index
        %swap3A_147 = tpu.vector_load %arg12[%swap3A_146] {strides = array<i32>} : memref<128xi32, #tpu.memory_space<vmem>>, vector<16xi32>,
        tpu.vector_store %arg12[%swap3A_146], %get3A_145 {strides = array<i32>} : memref<128xi32, #tpu.memory_space<vmem>>, vector<16xi32>,
        %get3A_148 = arith.constant 80 : index
        %get3A_149 = tpu.vector_load %arg7[%get3A_148] {strides = array<i32>} : memref<128xi32, #tpu.memory_space<vmem>>, vector<16xi32>,
        %swap3A_150 = arith.constant 80 : index
        %swap3A_151 = tpu.vector_load %arg12[%swap3A_150] {strides = array<i32>} : memref<128xi32, #tpu.memory_space<vmem>>, vector<16xi32>,
        tpu.vector_store %arg12[%swap3A_150], %get3A_149 {strides = array<i32>} : memref<128xi32, #tpu.memory_space<vmem>>, vector<16xi32>,
        %get3A_152 = arith.constant 96 : index
        %get3A_153 = tpu.vector_load %arg7[%get3A_152] {strides = array<i32>} : memref<128xi32, #tpu.memory_space<vmem>>, vector<16xi32>,
        %swap3A_154 = arith.constant 96 : index
        %swap3A_155 = tpu.vector_load %arg12[%swap3A_154] {strides = array<i32>} : memref<128xi32, #tpu.memory_space<vmem>>, vector<16xi32>,
        tpu.vector_store %arg12[%swap3A_154], %get3A_153 {strides = array<i32>} : memref<128xi32, #tpu.memory_space<vmem>>, vector<16xi32>,
        %get3A_156 = arith.constant 112 : index
        %get3A_157 = tpu.vector_load %arg7[%get3A_156] {strides = array<i32>} : memref<128xi32, #tpu.memory_space<vmem>>, vector<16xi32>,
        %swap3A_158 = arith.constant 112 : index
        %swap3A_159 = tpu.vector_load %arg12[%swap3A_158] {strides = array<i32>} : memref<128xi32, #tpu.memory_space<vmem>>, vector<16xi32>,
        tpu.vector_store %arg12[%swap3A_158], %get3A_157 {strides = array<i32>} : memref<128xi32, #tpu.memory_space<vmem>>, vector<16xi32>,
        %dma_start3A_160 = arith.constant 0 : i32
        %dma_start3A_161 = arith.constant 0 : i32
        %dma_start3A_162 = tpu.memref_slice %arg16[%dma_start3A_160, %dma_start3A_161] : memref<10000x128xf32, #tpu.memory_space<vmem_shared>> -> memref<10000x128xf32, #tpu.memory_space<vmem_shared>>
        tpu.enqueue_indirect_dma source(%arg14 : memref<128x128xf32, #tpu.memory_space<vmem>>) target(%dma_start3A_162 : memref<10000x128xf32, #tpu.memory_space<vmem_shared>>) offsets(%arg12 : memref<128xi32, #tpu.memory_space<vmem>>) semaphore(%arg21 : memref<!tpu.dma_semaphore, #tpu.memory_space<semaphore_mem>>) {add = true}
        %add3A_163 = arith.constant 2 : i32
        %add3A_164 = arith.addi %add3A_97, %add3A_163 : i32
        %lt3A_165 = arith.cmpi slt, %add3A_164, %add3A_28 : i32
        %convert_element_type3A_166 = arith.extui %lt3A_165 : i1 to i32
        %cond3A_167 = arith.constant 0 : i32
        %cond3A_168 = arith.cmpi ne, %convert_element_type3A_166, %cond3A_167 : i32
        scf.if %cond3A_168 {
          %add3A_169 = arith.constant 2 : i32
          %add3A_170 = arith.addi %add3A_97, %add3A_169 : i32
          %mul3A_171 = arith.constant 128 : i32
          %mul3A_172 = arith.muli %add3A_170, %mul3A_171 : i32
          %add3A_173 = arith.addi %add3A_25, %mul3A_172 : i32
          %dma_start3A_174 = arith.constant 0 : i32
          %dma_start3A_175 = tpu.memref_slice %arg3[%dma_start3A_174, %add3A_173] : memref<2x320000xi32, #tpu.memory_space<hbm>> -> memref<1x128xi32, #tpu.memory_space<hbm>>
          %dma_start3A_176 = tpu.memref_squeeze %dma_start3A_175 : memref<1x128xi32, #tpu.memory_space<hbm>> -> memref<128xi32, #tpu.memory_space<hbm>>
          %dma_start3A_177 = tpu.memref_slice %arg3[%dma_start3A_174, %add3A_173] : memref<2x320000xi32, #tpu.memory_space<hbm>> -> memref<1x128xi32, #tpu.memory_space<hbm>>
          %dma_start3A_178 = tpu.memref_squeeze %dma_start3A_177 : memref<1x128xi32, #tpu.memory_space<hbm>> -> memref<128xi32, #tpu.memory_space<hbm>>
          tpu.enqueue_dma source(%dma_start3A_178 : memref<128xi32, #tpu.memory_space<hbm>>) target(%arg6 : memref<128xi32, #tpu.memory_space<vmem>>) target_semaphore(%arg19 : memref<!tpu.dma_semaphore, #tpu.memory_space<semaphore_mem>>)
          %dma_start3A_179 = arith.constant 1 : i32
          %dma_start3A_180 = tpu.memref_slice %arg3[%dma_start3A_179, %add3A_173] : memref<2x320000xi32, #tpu.memory_space<hbm>> -> memref<1x128xi32, #tpu.memory_space<hbm>>
          %dma_start3A_181 = tpu.memref_squeeze %dma_start3A_180 : memref<1x128xi32, #tpu.memory_space<hbm>> -> memref<128xi32, #tpu.memory_space<hbm>>
          %dma_start3A_182 = tpu.memref_slice %arg3[%dma_start3A_179, %add3A_173] : memref<2x320000xi32, #tpu.memory_space<hbm>> -> memref<1x128xi32, #tpu.memory_space<hbm>>
          %dma_start3A_183 = tpu.memref_squeeze %dma_start3A_182 : memref<1x128xi32, #tpu.memory_space<hbm>> -> memref<128xi32, #tpu.memory_space<hbm>>
          tpu.enqueue_dma source(%dma_start3A_183 : memref<128xi32, #tpu.memory_space<hbm>>) target(%arg7 : memref<128xi32, #tpu.memory_space<vmem>>) target_semaphore(%arg19 : memref<!tpu.dma_semaphore, #tpu.memory_space<semaphore_mem>>)
          %dma_start3A_184 = tpu.memref_slice %arg4[%add3A_173] : memref<320000xf32, #tpu.memory_space<hbm>> -> memref<128xf32, #tpu.memory_space<hbm>>
          %dma_start3A_185 = tpu.memref_slice %arg4[%add3A_173] : memref<320000xf32, #tpu.memory_space<hbm>> -> memref<128xf32, #tpu.memory_space<hbm>>
          tpu.enqueue_dma source(%dma_start3A_185 : memref<128xf32, #tpu.memory_space<hbm>>) target(%arg8 : memref<128xf32, #tpu.memory_space<vmem>>) target_semaphore(%arg19 : memref<!tpu.dma_semaphore, #tpu.memory_space<semaphore_mem>>)
        } else {
        }
      } else {
      }
      %mul3A_108 = arith.constant 2 : i32
      %mul3A_109 = arith.muli %scan3A_93, %mul3A_108 : i32
      %add3A_110 = arith.constant 1 : i32
      %add3A_111 = arith.addi %mul3A_109, %add3A_110 : i32
      %add3A_112 = arith.constant 1 : i32
      %add3A_113 = arith.addi %add3A_111, %add3A_112 : i32
      %lt3A_114 = arith.cmpi slt, %add3A_113, %add3A_28 : i32
      %convert_element_type3A_115 = arith.extui %lt3A_114 : i1 to i32
      %cond3A_116 = arith.constant 0 : i32
      %cond3A_117 = arith.cmpi ne, %convert_element_type3A_115, %cond3A_116 : i32
      scf.if %cond3A_117 {
        %ge3A = arith.constant 1 : i32
        %ge3A_122 = arith.cmpi sge, %add3A_111, %ge3A : i32
        %convert_element_type3A_123 = arith.extui %ge3A_122 : i1 to i32
        %cond3A_124 = arith.constant 0 : i32
        %cond3A_125 = arith.cmpi ne, %convert_element_type3A_123, %cond3A_124 : i32
        scf.if %cond3A_125 {
          %dma_wait3A_146 = arith.constant 0 : i32
          %dma_wait3A_147 = arith.constant 0 : i32
          %dma_wait3A_148 = tpu.memref_slice %arg16[%dma_wait3A_146, %dma_wait3A_147] : memref<10000x128xf32, #tpu.memory_space<vmem_shared>> -> memref<10000x128xf32, #tpu.memory_space<vmem_shared>>
          tpu.wait_indirect_dma semaphore(%arg21 : memref<!tpu.dma_semaphore, #tpu.memory_space<semaphore_mem>>) src(%arg14 : memref<128x128xf32, #tpu.memory_space<vmem>>) dst(%dma_wait3A_148 : memref<10000x128xf32, #tpu.memory_space<vmem_shared>>)
        } else {
        }
        %add3A_126 = arith.constant 1 : i32
        %add3A_127 = arith.addi %add3A_111, %add3A_126 : i32
        %mul3A_128 = arith.constant 128 : i32
        %mul3A_129 = arith.muli %add3A_127, %mul3A_128 : i32
        %add3A_130 = arith.addi %add3A_25, %mul3A_129 : i32
        %dma_wait3A_131 = arith.constant 0 : i32
        %dma_wait3A_132 = tpu.memref_slice %arg3[%dma_wait3A_131, %add3A_130] : memref<2x320000xi32, #tpu.memory_space<hbm>> -> memref<1x128xi32, #tpu.memory_space<hbm>>
        %dma_wait3A_133 = tpu.memref_squeeze %dma_wait3A_132 : memref<1x128xi32, #tpu.memory_space<hbm>> -> memref<128xi32, #tpu.memory_space<hbm>>
        %dma_wait3A_134 = tpu.memref_slice %arg3[%dma_wait3A_131, %add3A_130] : memref<2x320000xi32, #tpu.memory_space<hbm>> -> memref<1x128xi32, #tpu.memory_space<hbm>>
        %dma_wait3A_135 = tpu.memref_squeeze %dma_wait3A_134 : memref<1x128xi32, #tpu.memory_space<hbm>> -> memref<128xi32, #tpu.memory_space<hbm>>
        tpu.wait_dma2 semaphore(%arg19 : memref<!tpu.dma_semaphore, #tpu.memory_space<semaphore_mem>>) src(%dma_wait3A_135 : memref<128xi32, #tpu.memory_space<hbm>>) dst(%arg6 : memref<128xi32, #tpu.memory_space<vmem>>)
        %dma_wait3A_136 = arith.constant 1 : i32
        %dma_wait3A_137 = tpu.memref_slice %arg3[%dma_wait3A_136, %add3A_130] : memref<2x320000xi32, #tpu.memory_space<hbm>> -> memref<1x128xi32, #tpu.memory_space<hbm>>
        %dma_wait3A_138 = tpu.memref_squeeze %dma_wait3A_137 : memref<1x128xi32, #tpu.memory_space<hbm>> -> memref<128xi32, #tpu.memory_space<hbm>>
        %dma_wait3A_139 = tpu.memref_slice %arg3[%dma_wait3A_136, %add3A_130] : memref<2x320000xi32, #tpu.memory_space<hbm>> -> memref<1x128xi32, #tpu.memory_space<hbm>>
        %dma_wait3A_140 = tpu.memref_squeeze %dma_wait3A_139 : memref<1x128xi32, #tpu.memory_space<hbm>> -> memref<128xi32, #tpu.memory_space<hbm>>
        tpu.wait_dma2 semaphore(%arg19 : memref<!tpu.dma_semaphore, #tpu.memory_space<semaphore_mem>>) src(%dma_wait3A_140 : memref<128xi32, #tpu.memory_space<hbm>>) dst(%arg7 : memref<128xi32, #tpu.memory_space<vmem>>)
        %dma_wait3A_141 = tpu.memref_slice %arg4[%add3A_130] : memref<320000xf32, #tpu.memory_space<hbm>> -> memref<128xf32, #tpu.memory_space<hbm>>
        %dma_wait3A_142 = tpu.memref_slice %arg4[%add3A_130] : memref<320000xf32, #tpu.memory_space<hbm>> -> memref<128xf32, #tpu.memory_space<hbm>>
        tpu.wait_dma2 semaphore(%arg19 : memref<!tpu.dma_semaphore, #tpu.memory_space<semaphore_mem>>) src(%dma_wait3A_142 : memref<128xf32, #tpu.memory_space<hbm>>) dst(%arg8 : memref<128xf32, #tpu.memory_space<vmem>>)
        %dma_start3A_143 = arith.constant 0 : i32
        %dma_start3A_144 = arith.constant 0 : i32
        %dma_start3A_145 = tpu.memref_slice %arg2[%dma_start3A_143, %dma_start3A_144] : memref<10000x128xf32, #tpu.memory_space<hbm>> -> memref<10000x128xf32, #tpu.memory_space<hbm>>
        tpu.enqueue_indirect_dma source(%dma_start3A_145 : memref<10000x128xf32, #tpu.memory_space<hbm>>) target(%arg14 : memref<128x128xf32, #tpu.memory_space<vmem>>) offsets(%arg6 : memref<128xi32, #tpu.memory_space<vmem>>) semaphore(%arg17 : memref<!tpu.dma_semaphore, #tpu.memory_space<semaphore_mem>>)
      } else {
      }
      %lt3A_118 = arith.cmpi slt, %add3A_111, %add3A_28 : i32
      %convert_element_type3A_119 = arith.extui %lt3A_118 : i1 to i32
      %cond3A_120 = arith.constant 0 : i32
      %cond3A_121 = arith.cmpi ne, %convert_element_type3A_119, %cond3A_120 : i32
      scf.if %cond3A_121 {
        %dma_wait3A_122 = arith.constant 0 : i32
        %dma_wait3A_123 = arith.constant 0 : i32
        %dma_wait3A_124 = tpu.memref_slice %arg2[%dma_wait3A_122, %dma_wait3A_123] : memref<10000x128xf32, #tpu.memory_space<hbm>> -> memref<10000x128xf32, #tpu.memory_space<hbm>>
        tpu.wait_indirect_dma semaphore(%arg18 : memref<!tpu.dma_semaphore, #tpu.memory_space<semaphore_mem>>) src(%dma_wait3A_124 : memref<10000x128xf32, #tpu.memory_space<hbm>>) dst(%arg15 : memref<128x128xf32, #tpu.memory_space<vmem>>)
        %scan3A_125 = arith.constant 0 : i32
        %scan3A_126 = arith.constant 32 : i32
        %scan3A_127 = arith.addi %scan3A_125, %scan3A_126 : i32
        %scan3A_128 = arith.constant 1 : i32
        scf.for %scan3A_169 = %scan3A_125 to %scan3A_127 step %scan3A_128  : i32 {
          %mul3A_170 = arith.constant 4 : i32
          %mul3A_171 = arith.muli %scan3A_169, %mul3A_170 : i32
          %add3A_172 = arith.constant 0 : i32
          %add3A_173 = arith.addi %mul3A_171, %add3A_172 : i32
          %broadcast_in_dim3A = vector.broadcast %add3A_173 : i32 to vector<16xi32>
          %gather3A = tpu.vector_load_idx %arg11[%broadcast_in_dim3A] : memref<128xf32, #tpu.memory_space<vmem>>[vector<16xi32>], vector<16xf32>,
          %get3A_174 = arith.index_cast %add3A_173 : i32 to index
          %get3A_175 = arith.constant 0 : index
          %get3A_176 = tpu.vector_load %arg15[%get3A_174, %get3A_175] {strides = array<i32>} : memref<128x128xf32, #tpu.memory_space<vmem>>, vector<16xf32>,
          %mul3A_177 = arith.mulf %get3A_176, %gather3A : vector<16xf32>
          %swap3A_178 = arith.index_cast %add3A_173 : i32 to index
          %swap3A_179 = arith.constant 0 : index
          %swap3A_180 = tpu.vector_load %arg15[%swap3A_178, %swap3A_179] {strides = array<i32>} : memref<128x128xf32, #tpu.memory_space<vmem>>, vector<16xf32>,
          tpu.vector_store %arg15[%swap3A_178, %swap3A_179], %mul3A_177 {strides = array<i32>} : memref<128x128xf32, #tpu.memory_space<vmem>>, vector<16xf32>,
          %get3A_181 = arith.index_cast %add3A_173 : i32 to index
          %get3A_182 = arith.constant 16 : index
          %get3A_183 = tpu.vector_load %arg15[%get3A_181, %get3A_182] {strides = array<i32>} : memref<128x128xf32, #tpu.memory_space<vmem>>, vector<16xf32>,
          %mul3A_184 = arith.mulf %get3A_183, %gather3A : vector<16xf32>
          %swap3A_185 = arith.index_cast %add3A_173 : i32 to index
          %swap3A_186 = arith.constant 16 : index
          %swap3A_187 = tpu.vector_load %arg15[%swap3A_185, %swap3A_186] {strides = array<i32>} : memref<128x128xf32, #tpu.memory_space<vmem>>, vector<16xf32>,
          tpu.vector_store %arg15[%swap3A_185, %swap3A_186], %mul3A_184 {strides = array<i32>} : memref<128x128xf32, #tpu.memory_space<vmem>>, vector<16xf32>,
          %get3A_188 = arith.index_cast %add3A_173 : i32 to index
          %get3A_189 = arith.constant 32 : index
          %get3A_190 = tpu.vector_load %arg15[%get3A_188, %get3A_189] {strides = array<i32>} : memref<128x128xf32, #tpu.memory_space<vmem>>, vector<16xf32>,
          %mul3A_191 = arith.mulf %get3A_190, %gather3A : vector<16xf32>
          %swap3A_192 = arith.index_cast %add3A_173 : i32 to index
          %swap3A_193 = arith.constant 32 : index
          %swap3A_194 = tpu.vector_load %arg15[%swap3A_192, %swap3A_193] {strides = array<i32>} : memref<128x128xf32, #tpu.memory_space<vmem>>, vector<16xf32>,
          tpu.vector_store %arg15[%swap3A_192, %swap3A_193], %mul3A_191 {strides = array<i32>} : memref<128x128xf32, #tpu.memory_space<vmem>>, vector<16xf32>,
          %get3A_195 = arith.index_cast %add3A_173 : i32 to index
          %get3A_196 = arith.constant 48 : index
          %get3A_197 = tpu.vector_load %arg15[%get3A_195, %get3A_196] {strides = array<i32>} : memref<128x128xf32, #tpu.memory_space<vmem>>, vector<16xf32>,
          %mul3A_198 = arith.mulf %get3A_197, %gather3A : vector<16xf32>
          %swap3A_199 = arith.index_cast %add3A_173 : i32 to index
          %swap3A_200 = arith.constant 48 : index
          %swap3A_201 = tpu.vector_load %arg15[%swap3A_199, %swap3A_200] {strides = array<i32>} : memref<128x128xf32, #tpu.memory_space<vmem>>, vector<16xf32>,
          tpu.vector_store %arg15[%swap3A_199, %swap3A_200], %mul3A_198 {strides = array<i32>} : memref<128x128xf32, #tpu.memory_space<vmem>>, vector<16xf32>,
          %get3A_202 = arith.index_cast %add3A_173 : i32 to index
          %get3A_203 = arith.constant 64 : index
          %get3A_204 = tpu.vector_load %arg15[%get3A_202, %get3A_203] {strides = array<i32>} : memref<128x128xf32, #tpu.memory_space<vmem>>, vector<16xf32>,
          %mul3A_205 = arith.mulf %get3A_204, %gather3A : vector<16xf32>
          %swap3A_206 = arith.index_cast %add3A_173 : i32 to index
          %swap3A_207 = arith.constant 64 : index
          %swap3A_208 = tpu.vector_load %arg15[%swap3A_206, %swap3A_207] {strides = array<i32>} : memref<128x128xf32, #tpu.memory_space<vmem>>, vector<16xf32>,
          tpu.vector_store %arg15[%swap3A_206, %swap3A_207], %mul3A_205 {strides = array<i32>} : memref<128x128xf32, #tpu.memory_space<vmem>>, vector<16xf32>,
          %get3A_209 = arith.index_cast %add3A_173 : i32 to index
          %get3A_210 = arith.constant 80 : index
          %get3A_211 = tpu.vector_load %arg15[%get3A_209, %get3A_210] {strides = array<i32>} : memref<128x128xf32, #tpu.memory_space<vmem>>, vector<16xf32>,
          %mul3A_212 = arith.mulf %get3A_211, %gather3A : vector<16xf32>
          %swap3A_213 = arith.index_cast %add3A_173 : i32 to index
          %swap3A_214 = arith.constant 80 : index
          %swap3A_215 = tpu.vector_load %arg15[%swap3A_213, %swap3A_214] {strides = array<i32>} : memref<128x128xf32, #tpu.memory_space<vmem>>, vector<16xf32>,
          tpu.vector_store %arg15[%swap3A_213, %swap3A_214], %mul3A_212 {strides = array<i32>} : memref<128x128xf32, #tpu.memory_space<vmem>>, vector<16xf32>,
          %get3A_216 = arith.index_cast %add3A_173 : i32 to index
          %get3A_217 = arith.constant 96 : index
          %get3A_218 = tpu.vector_load %arg15[%get3A_216, %get3A_217] {strides = array<i32>} : memref<128x128xf32, #tpu.memory_space<vmem>>, vector<16xf32>,
          %mul3A_219 = arith.mulf %get3A_218, %gather3A : vector<16xf32>
          %swap3A_220 = arith.index_cast %add3A_173 : i32 to index
          %swap3A_221 = arith.constant 96 : index
          %swap3A_222 = tpu.vector_load %arg15[%swap3A_220, %swap3A_221] {strides = array<i32>} : memref<128x128xf32, #tpu.memory_space<vmem>>, vector<16xf32>,
          tpu.vector_store %arg15[%swap3A_220, %swap3A_221], %mul3A_219 {strides = array<i32>} : memref<128x128xf32, #tpu.memory_space<vmem>>, vector<16xf32>,
          %get3A_223 = arith.index_cast %add3A_173 : i32 to index
          %get3A_224 = arith.constant 112 : index
          %get3A_225 = tpu.vector_load %arg15[%get3A_223, %get3A_224] {strides = array<i32>} : memref<128x128xf32, #tpu.memory_space<vmem>>, vector<16xf32>,
          %mul3A_226 = arith.mulf %get3A_225, %gather3A : vector<16xf32>
          %swap3A_227 = arith.index_cast %add3A_173 : i32 to index
          %swap3A_228 = arith.constant 112 : index
          %swap3A_229 = tpu.vector_load %arg15[%swap3A_227, %swap3A_228] {strides = array<i32>} : memref<128x128xf32, #tpu.memory_space<vmem>>, vector<16xf32>,
          tpu.vector_store %arg15[%swap3A_227, %swap3A_228], %mul3A_226 {strides = array<i32>} : memref<128x128xf32, #tpu.memory_space<vmem>>, vector<16xf32>,
          %mul3A_230 = arith.constant 4 : i32
          %mul3A_231 = arith.muli %scan3A_169, %mul3A_230 : i32
          %add3A_232 = arith.constant 1 : i32
          %add3A_233 = arith.addi %mul3A_231, %add3A_232 : i32
          %broadcast_in_dim3A_234 = vector.broadcast %add3A_233 : i32 to vector<16xi32>
          %gather3A_235 = tpu.vector_load_idx %arg11[%broadcast_in_dim3A_234] : memref<128xf32, #tpu.memory_space<vmem>>[vector<16xi32>], vector<16xf32>,
          %get3A_236 = arith.index_cast %add3A_233 : i32 to index
          %get3A_237 = arith.constant 0 : index
          %get3A_238 = tpu.vector_load %arg15[%get3A_236, %get3A_237] {strides = array<i32>} : memref<128x128xf32, #tpu.memory_space<vmem>>, vector<16xf32>,
          %mul3A_239 = arith.mulf %get3A_238, %gather3A_235 : vector<16xf32>
          %swap3A_240 = arith.index_cast %add3A_233 : i32 to index
          %swap3A_241 = arith.constant 0 : index
          %swap3A_242 = tpu.vector_load %arg15[%swap3A_240, %swap3A_241] {strides = array<i32>} : memref<128x128xf32, #tpu.memory_space<vmem>>, vector<16xf32>,
          tpu.vector_store %arg15[%swap3A_240, %swap3A_241], %mul3A_239 {strides = array<i32>} : memref<128x128xf32, #tpu.memory_space<vmem>>, vector<16xf32>,
          %get3A_243 = arith.index_cast %add3A_233 : i32 to index
          %get3A_244 = arith.constant 16 : index
          %get3A_245 = tpu.vector_load %arg15[%get3A_243, %get3A_244] {strides = array<i32>} : memref<128x128xf32, #tpu.memory_space<vmem>>, vector<16xf32>,
          %mul3A_246 = arith.mulf %get3A_245, %gather3A_235 : vector<16xf32>
          %swap3A_247 = arith.index_cast %add3A_233 : i32 to index
          %swap3A_248 = arith.constant 16 : index
          %swap3A_249 = tpu.vector_load %arg15[%swap3A_247, %swap3A_248] {strides = array<i32>} : memref<128x128xf32, #tpu.memory_space<vmem>>, vector<16xf32>,
          tpu.vector_store %arg15[%swap3A_247, %swap3A_248], %mul3A_246 {strides = array<i32>} : memref<128x128xf32, #tpu.memory_space<vmem>>, vector<16xf32>,
          %get3A_250 = arith.index_cast %add3A_233 : i32 to index
          %get3A_251 = arith.constant 32 : index
          %get3A_252 = tpu.vector_load %arg15[%get3A_250, %get3A_251] {strides = array<i32>} : memref<128x128xf32, #tpu.memory_space<vmem>>, vector<16xf32>,
          %mul3A_253 = arith.mulf %get3A_252, %gather3A_235 : vector<16xf32>
          %swap3A_254 = arith.index_cast %add3A_233 : i32 to index
          %swap3A_255 = arith.constant 32 : index
          %swap3A_256 = tpu.vector_load %arg15[%swap3A_254, %swap3A_255] {strides = array<i32>} : memref<128x128xf32, #tpu.memory_space<vmem>>, vector<16xf32>,
          tpu.vector_store %arg15[%swap3A_254, %swap3A_255], %mul3A_253 {strides = array<i32>} : memref<128x128xf32, #tpu.memory_space<vmem>>, vector<16xf32>,
          %get3A_257 = arith.index_cast %add3A_233 : i32 to index
          %get3A_258 = arith.constant 48 : index
          %get3A_259 = tpu.vector_load %arg15[%get3A_257, %get3A_258] {strides = array<i32>} : memref<128x128xf32, #tpu.memory_space<vmem>>, vector<16xf32>,
          %mul3A_260 = arith.mulf %get3A_259, %gather3A_235 : vector<16xf32>
          %swap3A_261 = arith.index_cast %add3A_233 : i32 to index
          %swap3A_262 = arith.constant 48 : index
          %swap3A_263 = tpu.vector_load %arg15[%swap3A_261, %swap3A_262] {strides = array<i32>} : memref<128x128xf32, #tpu.memory_space<vmem>>, vector<16xf32>,
          tpu.vector_store %arg15[%swap3A_261, %swap3A_262], %mul3A_260 {strides = array<i32>} : memref<128x128xf32, #tpu.memory_space<vmem>>, vector<16xf32>,
          %get3A_264 = arith.index_cast %add3A_233 : i32 to index
          %get3A_265 = arith.constant 64 : index
          %get3A_266 = tpu.vector_load %arg15[%get3A_264, %get3A_265] {strides = array<i32>} : memref<128x128xf32, #tpu.memory_space<vmem>>, vector<16xf32>,
          %mul3A_267 = arith.mulf %get3A_266, %gather3A_235 : vector<16xf32>
          %swap3A_268 = arith.index_cast %add3A_233 : i32 to index
          %swap3A_269 = arith.constant 64 : index
          %swap3A_270 = tpu.vector_load %arg15[%swap3A_268, %swap3A_269] {strides = array<i32>} : memref<128x128xf32, #tpu.memory_space<vmem>>, vector<16xf32>,
          tpu.vector_store %arg15[%swap3A_268, %swap3A_269], %mul3A_267 {strides = array<i32>} : memref<128x128xf32, #tpu.memory_space<vmem>>, vector<16xf32>,
          %get3A_271 = arith.index_cast %add3A_233 : i32 to index
          %get3A_272 = arith.constant 80 : index
          %get3A_273 = tpu.vector_load %arg15[%get3A_271, %get3A_272] {strides = array<i32>} : memref<128x128xf32, #tpu.memory_space<vmem>>, vector<16xf32>,
          %mul3A_274 = arith.mulf %get3A_273, %gather3A_235 : vector<16xf32>
          %swap3A_275 = arith.index_cast %add3A_233 : i32 to index
          %swap3A_276 = arith.constant 80 : index
          %swap3A_277 = tpu.vector_load %arg15[%swap3A_275, %swap3A_276] {strides = array<i32>} : memref<128x128xf32, #tpu.memory_space<vmem>>, vector<16xf32>,
          tpu.vector_store %arg15[%swap3A_275, %swap3A_276], %mul3A_274 {strides = array<i32>} : memref<128x128xf32, #tpu.memory_space<vmem>>, vector<16xf32>,
          %get3A_278 = arith.index_cast %add3A_233 : i32 to index
          %get3A_279 = arith.constant 96 : index
          %get3A_280 = tpu.vector_load %arg15[%get3A_278, %get3A_279] {strides = array<i32>} : memref<128x128xf32, #tpu.memory_space<vmem>>, vector<16xf32>,
          %mul3A_281 = arith.mulf %get3A_280, %gather3A_235 : vector<16xf32>
          %swap3A_282 = arith.index_cast %add3A_233 : i32 to index
          %swap3A_283 = arith.constant 96 : index
          %swap3A_284 = tpu.vector_load %arg15[%swap3A_282, %swap3A_283] {strides = array<i32>} : memref<128x128xf32, #tpu.memory_space<vmem>>, vector<16xf32>,
          tpu.vector_store %arg15[%swap3A_282, %swap3A_283], %mul3A_281 {strides = array<i32>} : memref<128x128xf32, #tpu.memory_space<vmem>>, vector<16xf32>,
          %get3A_285 = arith.index_cast %add3A_233 : i32 to index
          %get3A_286 = arith.constant 112 : index
          %get3A_287 = tpu.vector_load %arg15[%get3A_285, %get3A_286] {strides = array<i32>} : memref<128x128xf32, #tpu.memory_space<vmem>>, vector<16xf32>,
          %mul3A_288 = arith.mulf %get3A_287, %gather3A_235 : vector<16xf32>
          %swap3A_289 = arith.index_cast %add3A_233 : i32 to index
          %swap3A_290 = arith.constant 112 : index
          %swap3A_291 = tpu.vector_load %arg15[%swap3A_289, %swap3A_290] {strides = array<i32>} : memref<128x128xf32, #tpu.memory_space<vmem>>, vector<16xf32>,
          tpu.vector_store %arg15[%swap3A_289, %swap3A_290], %mul3A_288 {strides = array<i32>} : memref<128x128xf32, #tpu.memory_space<vmem>>, vector<16xf32>,
          %mul3A_292 = arith.constant 4 : i32
          %mul3A_293 = arith.muli %scan3A_169, %mul3A_292 : i32
          %add3A_294 = arith.constant 2 : i32
          %add3A_295 = arith.addi %mul3A_293, %add3A_294 : i32
          %broadcast_in_dim3A_296 = vector.broadcast %add3A_295 : i32 to vector<16xi32>
          %gather3A_297 = tpu.vector_load_idx %arg11[%broadcast_in_dim3A_296] : memref<128xf32, #tpu.memory_space<vmem>>[vector<16xi32>], vector<16xf32>,
          %get3A_298 = arith.index_cast %add3A_295 : i32 to index
          %get3A_299 = arith.constant 0 : index
          %get3A_300 = tpu.vector_load %arg15[%get3A_298, %get3A_299] {strides = array<i32>} : memref<128x128xf32, #tpu.memory_space<vmem>>, vector<16xf32>,
          %mul3A_301 = arith.mulf %get3A_300, %gather3A_297 : vector<16xf32>
          %swap3A_302 = arith.index_cast %add3A_295 : i32 to index
          %swap3A_303 = arith.constant 0 : index
          %swap3A_304 = tpu.vector_load %arg15[%swap3A_302, %swap3A_303] {strides = array<i32>} : memref<128x128xf32, #tpu.memory_space<vmem>>, vector<16xf32>,
          tpu.vector_store %arg15[%swap3A_302, %swap3A_303], %mul3A_301 {strides = array<i32>} : memref<128x128xf32, #tpu.memory_space<vmem>>, vector<16xf32>,
          %get3A_305 = arith.index_cast %add3A_295 : i32 to index
          %get3A_306 = arith.constant 16 : index
          %get3A_307 = tpu.vector_load %arg15[%get3A_305, %get3A_306] {strides = array<i32>} : memref<128x128xf32, #tpu.memory_space<vmem>>, vector<16xf32>,
          %mul3A_308 = arith.mulf %get3A_307, %gather3A_297 : vector<16xf32>
          %swap3A_309 = arith.index_cast %add3A_295 : i32 to index
          %swap3A_310 = arith.constant 16 : index
          %swap3A_311 = tpu.vector_load %arg15[%swap3A_309, %swap3A_310] {strides = array<i32>} : memref<128x128xf32, #tpu.memory_space<vmem>>, vector<16xf32>,
          tpu.vector_store %arg15[%swap3A_309, %swap3A_310], %mul3A_308 {strides = array<i32>} : memref<128x128xf32, #tpu.memory_space<vmem>>, vector<16xf32>,
          %get3A_312 = arith.index_cast %add3A_295 : i32 to index
          %get3A_313 = arith.constant 32 : index
          %get3A_314 = tpu.vector_load %arg15[%get3A_312, %get3A_313] {strides = array<i32>} : memref<128x128xf32, #tpu.memory_space<vmem>>, vector<16xf32>,
          %mul3A_315 = arith.mulf %get3A_314, %gather3A_297 : vector<16xf32>
          %swap3A_316 = arith.index_cast %add3A_295 : i32 to index
          %swap3A_317 = arith.constant 32 : index
          %swap3A_318 = tpu.vector_load %arg15[%swap3A_316, %swap3A_317] {strides = array<i32>} : memref<128x128xf32, #tpu.memory_space<vmem>>, vector<16xf32>,
          tpu.vector_store %arg15[%swap3A_316, %swap3A_317], %mul3A_315 {strides = array<i32>} : memref<128x128xf32, #tpu.memory_space<vmem>>, vector<16xf32>,
          %get3A_319 = arith.index_cast %add3A_295 : i32 to index
          %get3A_320 = arith.constant 48 : index
          %get3A_321 = tpu.vector_load %arg15[%get3A_319, %get3A_320] {strides = array<i32>} : memref<128x128xf32, #tpu.memory_space<vmem>>, vector<16xf32>,
          %mul3A_322 = arith.mulf %get3A_321, %gather3A_297 : vector<16xf32>
          %swap3A_323 = arith.index_cast %add3A_295 : i32 to index
          %swap3A_324 = arith.constant 48 : index
          %swap3A_325 = tpu.vector_load %arg15[%swap3A_323, %swap3A_324] {strides = array<i32>} : memref<128x128xf32, #tpu.memory_space<vmem>>, vector<16xf32>,
          tpu.vector_store %arg15[%swap3A_323, %swap3A_324], %mul3A_322 {strides = array<i32>} : memref<128x128xf32, #tpu.memory_space<vmem>>, vector<16xf32>,
          %get3A_326 = arith.index_cast %add3A_295 : i32 to index
          %get3A_327 = arith.constant 64 : index
          %get3A_328 = tpu.vector_load %arg15[%get3A_326, %get3A_327] {strides = array<i32>} : memref<128x128xf32, #tpu.memory_space<vmem>>, vector<16xf32>,
          %mul3A_329 = arith.mulf %get3A_328, %gather3A_297 : vector<16xf32>
          %swap3A_330 = arith.index_cast %add3A_295 : i32 to index
          %swap3A_331 = arith.constant 64 : index
          %swap3A_332 = tpu.vector_load %arg15[%swap3A_330, %swap3A_331] {strides = array<i32>} : memref<128x128xf32, #tpu.memory_space<vmem>>, vector<16xf32>,
          tpu.vector_store %arg15[%swap3A_330, %swap3A_331], %mul3A_329 {strides = array<i32>} : memref<128x128xf32, #tpu.memory_space<vmem>>, vector<16xf32>,
          %get3A_333 = arith.index_cast %add3A_295 : i32 to index
          %get3A_334 = arith.constant 80 : index
          %get3A_335 = tpu.vector_load %arg15[%get3A_333, %get3A_334] {strides = array<i32>} : memref<128x128xf32, #tpu.memory_space<vmem>>, vector<16xf32>,
          %mul3A_336 = arith.mulf %get3A_335, %gather3A_297 : vector<16xf32>
          %swap3A_337 = arith.index_cast %add3A_295 : i32 to index
          %swap3A_338 = arith.constant 80 : index
          %swap3A_339 = tpu.vector_load %arg15[%swap3A_337, %swap3A_338] {strides = array<i32>} : memref<128x128xf32, #tpu.memory_space<vmem>>, vector<16xf32>,
          tpu.vector_store %arg15[%swap3A_337, %swap3A_338], %mul3A_336 {strides = array<i32>} : memref<128x128xf32, #tpu.memory_space<vmem>>, vector<16xf32>,
          %get3A_340 = arith.index_cast %add3A_295 : i32 to index
          %get3A_341 = arith.constant 96 : index
          %get3A_342 = tpu.vector_load %arg15[%get3A_340, %get3A_341] {strides = array<i32>} : memref<128x128xf32, #tpu.memory_space<vmem>>, vector<16xf32>,
          %mul3A_343 = arith.mulf %get3A_342, %gather3A_297 : vector<16xf32>
          %swap3A_344 = arith.index_cast %add3A_295 : i32 to index
          %swap3A_345 = arith.constant 96 : index
          %swap3A_346 = tpu.vector_load %arg15[%swap3A_344, %swap3A_345] {strides = array<i32>} : memref<128x128xf32, #tpu.memory_space<vmem>>, vector<16xf32>,
          tpu.vector_store %arg15[%swap3A_344, %swap3A_345], %mul3A_343 {strides = array<i32>} : memref<128x128xf32, #tpu.memory_space<vmem>>, vector<16xf32>,
          %get3A_347 = arith.index_cast %add3A_295 : i32 to index
          %get3A_348 = arith.constant 112 : index
          %get3A_349 = tpu.vector_load %arg15[%get3A_347, %get3A_348] {strides = array<i32>} : memref<128x128xf32, #tpu.memory_space<vmem>>, vector<16xf32>,
          %mul3A_350 = arith.mulf %get3A_349, %gather3A_297 : vector<16xf32>
          %swap3A_351 = arith.index_cast %add3A_295 : i32 to index
          %swap3A_352 = arith.constant 112 : index
          %swap3A_353 = tpu.vector_load %arg15[%swap3A_351, %swap3A_352] {strides = array<i32>} : memref<128x128xf32, #tpu.memory_space<vmem>>, vector<16xf32>,
          tpu.vector_store %arg15[%swap3A_351, %swap3A_352], %mul3A_350 {strides = array<i32>} : memref<128x128xf32, #tpu.memory_space<vmem>>, vector<16xf32>,
          %mul3A_354 = arith.constant 4 : i32
          %mul3A_355 = arith.muli %scan3A_169, %mul3A_354 : i32
          %add3A_356 = arith.constant 3 : i32
          %add3A_357 = arith.addi %mul3A_355, %add3A_356 : i32
          %broadcast_in_dim3A_358 = vector.broadcast %add3A_357 : i32 to vector<16xi32>
          %gather3A_359 = tpu.vector_load_idx %arg11[%broadcast_in_dim3A_358] : memref<128xf32, #tpu.memory_space<vmem>>[vector<16xi32>], vector<16xf32>,
          %get3A_360 = arith.index_cast %add3A_357 : i32 to index
          %get3A_361 = arith.constant 0 : index
          %get3A_362 = tpu.vector_load %arg15[%get3A_360, %get3A_361] {strides = array<i32>} : memref<128x128xf32, #tpu.memory_space<vmem>>, vector<16xf32>,
          %mul3A_363 = arith.mulf %get3A_362, %gather3A_359 : vector<16xf32>
          %swap3A_364 = arith.index_cast %add3A_357 : i32 to index
          %swap3A_365 = arith.constant 0 : index
          %swap3A_366 = tpu.vector_load %arg15[%swap3A_364, %swap3A_365] {strides = array<i32>} : memref<128x128xf32, #tpu.memory_space<vmem>>, vector<16xf32>,
          tpu.vector_store %arg15[%swap3A_364, %swap3A_365], %mul3A_363 {strides = array<i32>} : memref<128x128xf32, #tpu.memory_space<vmem>>, vector<16xf32>,
          %get3A_367 = arith.index_cast %add3A_357 : i32 to index
          %get3A_368 = arith.constant 16 : index
          %get3A_369 = tpu.vector_load %arg15[%get3A_367, %get3A_368] {strides = array<i32>} : memref<128x128xf32, #tpu.memory_space<vmem>>, vector<16xf32>,
          %mul3A_370 = arith.mulf %get3A_369, %gather3A_359 : vector<16xf32>
          %swap3A_371 = arith.index_cast %add3A_357 : i32 to index
          %swap3A_372 = arith.constant 16 : index
          %swap3A_373 = tpu.vector_load %arg15[%swap3A_371, %swap3A_372] {strides = array<i32>} : memref<128x128xf32, #tpu.memory_space<vmem>>, vector<16xf32>,
          tpu.vector_store %arg15[%swap3A_371, %swap3A_372], %mul3A_370 {strides = array<i32>} : memref<128x128xf32, #tpu.memory_space<vmem>>, vector<16xf32>,
          %get3A_374 = arith.index_cast %add3A_357 : i32 to index
          %get3A_375 = arith.constant 32 : index
          %get3A_376 = tpu.vector_load %arg15[%get3A_374, %get3A_375] {strides = array<i32>} : memref<128x128xf32, #tpu.memory_space<vmem>>, vector<16xf32>,
          %mul3A_377 = arith.mulf %get3A_376, %gather3A_359 : vector<16xf32>
          %swap3A_378 = arith.index_cast %add3A_357 : i32 to index
          %swap3A_379 = arith.constant 32 : index
          %swap3A_380 = tpu.vector_load %arg15[%swap3A_378, %swap3A_379] {strides = array<i32>} : memref<128x128xf32, #tpu.memory_space<vmem>>, vector<16xf32>,
          tpu.vector_store %arg15[%swap3A_378, %swap3A_379], %mul3A_377 {strides = array<i32>} : memref<128x128xf32, #tpu.memory_space<vmem>>, vector<16xf32>,
          %get3A_381 = arith.index_cast %add3A_357 : i32 to index
          %get3A_382 = arith.constant 48 : index
          %get3A_383 = tpu.vector_load %arg15[%get3A_381, %get3A_382] {strides = array<i32>} : memref<128x128xf32, #tpu.memory_space<vmem>>, vector<16xf32>,
          %mul3A_384 = arith.mulf %get3A_383, %gather3A_359 : vector<16xf32>
          %swap3A_385 = arith.index_cast %add3A_357 : i32 to index
          %swap3A_386 = arith.constant 48 : index
          %swap3A_387 = tpu.vector_load %arg15[%swap3A_385, %swap3A_386] {strides = array<i32>} : memref<128x128xf32, #tpu.memory_space<vmem>>, vector<16xf32>,
          tpu.vector_store %arg15[%swap3A_385, %swap3A_386], %mul3A_384 {strides = array<i32>} : memref<128x128xf32, #tpu.memory_space<vmem>>, vector<16xf32>,
          %get3A_388 = arith.index_cast %add3A_357 : i32 to index
          %get3A_389 = arith.constant 64 : index
          %get3A_390 = tpu.vector_load %arg15[%get3A_388, %get3A_389] {strides = array<i32>} : memref<128x128xf32, #tpu.memory_space<vmem>>, vector<16xf32>,
          %mul3A_391 = arith.mulf %get3A_390, %gather3A_359 : vector<16xf32>
          %swap3A_392 = arith.index_cast %add3A_357 : i32 to index
          %swap3A_393 = arith.constant 64 : index
          %swap3A_394 = tpu.vector_load %arg15[%swap3A_392, %swap3A_393] {strides = array<i32>} : memref<128x128xf32, #tpu.memory_space<vmem>>, vector<16xf32>,
          tpu.vector_store %arg15[%swap3A_392, %swap3A_393], %mul3A_391 {strides = array<i32>} : memref<128x128xf32, #tpu.memory_space<vmem>>, vector<16xf32>,
          %get3A_395 = arith.index_cast %add3A_357 : i32 to index
          %get3A_396 = arith.constant 80 : index
          %get3A_397 = tpu.vector_load %arg15[%get3A_395, %get3A_396] {strides = array<i32>} : memref<128x128xf32, #tpu.memory_space<vmem>>, vector<16xf32>,
          %mul3A_398 = arith.mulf %get3A_397, %gather3A_359 : vector<16xf32>
          %swap3A_399 = arith.index_cast %add3A_357 : i32 to index
          %swap3A_400 = arith.constant 80 : index
          %swap3A_401 = tpu.vector_load %arg15[%swap3A_399, %swap3A_400] {strides = array<i32>} : memref<128x128xf32, #tpu.memory_space<vmem>>, vector<16xf32>,
          tpu.vector_store %arg15[%swap3A_399, %swap3A_400], %mul3A_398 {strides = array<i32>} : memref<128x128xf32, #tpu.memory_space<vmem>>, vector<16xf32>,
          %get3A_402 = arith.index_cast %add3A_357 : i32 to index
          %get3A_403 = arith.constant 96 : index
          %get3A_404 = tpu.vector_load %arg15[%get3A_402, %get3A_403] {strides = array<i32>} : memref<128x128xf32, #tpu.memory_space<vmem>>, vector<16xf32>,
          %mul3A_405 = arith.mulf %get3A_404, %gather3A_359 : vector<16xf32>
          %swap3A_406 = arith.index_cast %add3A_357 : i32 to index
          %swap3A_407 = arith.constant 96 : index
          %swap3A_408 = tpu.vector_load %arg15[%swap3A_406, %swap3A_407] {strides = array<i32>} : memref<128x128xf32, #tpu.memory_space<vmem>>, vector<16xf32>,
          tpu.vector_store %arg15[%swap3A_406, %swap3A_407], %mul3A_405 {strides = array<i32>} : memref<128x128xf32, #tpu.memory_space<vmem>>, vector<16xf32>,
          %get3A_409 = arith.index_cast %add3A_357 : i32 to index
          %get3A_410 = arith.constant 112 : index
          %get3A_411 = tpu.vector_load %arg15[%get3A_409, %get3A_410] {strides = array<i32>} : memref<128x128xf32, #tpu.memory_space<vmem>>, vector<16xf32>,
          %mul3A_412 = arith.mulf %get3A_411, %gather3A_359 : vector<16xf32>
          %swap3A_413 = arith.index_cast %add3A_357 : i32 to index
          %swap3A_414 = arith.constant 112 : index
          %swap3A_415 = tpu.vector_load %arg15[%swap3A_413, %swap3A_414] {strides = array<i32>} : memref<128x128xf32, #tpu.memory_space<vmem>>, vector<16xf32>,
          tpu.vector_store %arg15[%swap3A_413, %swap3A_414], %mul3A_412 {strides = array<i32>} : memref<128x128xf32, #tpu.memory_space<vmem>>, vector<16xf32>,
        }
        %scan3A_129 = arith.constant 32 : i32
        %get3A = arith.constant 0 : index
        %get3A_130 = tpu.vector_load %arg10[%get3A] {strides = array<i32>} : memref<128xi32, #tpu.memory_space<vmem>>, vector<16xi32>,
        %swap3A = arith.constant 0 : index
        %swap3A_131 = tpu.vector_load %arg13[%swap3A] {strides = array<i32>} : memref<128xi32, #tpu.memory_space<vmem>>, vector<16xi32>,
        tpu.vector_store %arg13[%swap3A], %get3A_130 {strides = array<i32>} : memref<128xi32, #tpu.memory_space<vmem>>, vector<16xi32>,
        %get3A_132 = arith.constant 16 : index
        %get3A_133 = tpu.vector_load %arg10[%get3A_132] {strides = array<i32>} : memref<128xi32, #tpu.memory_space<vmem>>, vector<16xi32>,
        %swap3A_134 = arith.constant 16 : index
        %swap3A_135 = tpu.vector_load %arg13[%swap3A_134] {strides = array<i32>} : memref<128xi32, #tpu.memory_space<vmem>>, vector<16xi32>,
        tpu.vector_store %arg13[%swap3A_134], %get3A_133 {strides = array<i32>} : memref<128xi32, #tpu.memory_space<vmem>>, vector<16xi32>,
        %get3A_136 = arith.constant 32 : index
        %get3A_137 = tpu.vector_load %arg10[%get3A_136] {strides = array<i32>} : memref<128xi32, #tpu.memory_space<vmem>>, vector<16xi32>,
        %swap3A_138 = arith.constant 32 : index
        %swap3A_139 = tpu.vector_load %arg13[%swap3A_138] {strides = array<i32>} : memref<128xi32, #tpu.memory_space<vmem>>, vector<16xi32>,
        tpu.vector_store %arg13[%swap3A_138], %get3A_137 {strides = array<i32>} : memref<128xi32, #tpu.memory_space<vmem>>, vector<16xi32>,
        %get3A_140 = arith.constant 48 : index
        %get3A_141 = tpu.vector_load %arg10[%get3A_140] {strides = array<i32>} : memref<128xi32, #tpu.memory_space<vmem>>, vector<16xi32>,
        %swap3A_142 = arith.constant 48 : index
        %swap3A_143 = tpu.vector_load %arg13[%swap3A_142] {strides = array<i32>} : memref<128xi32, #tpu.memory_space<vmem>>, vector<16xi32>,
        tpu.vector_store %arg13[%swap3A_142], %get3A_141 {strides = array<i32>} : memref<128xi32, #tpu.memory_space<vmem>>, vector<16xi32>,
        %get3A_144 = arith.constant 64 : index
        %get3A_145 = tpu.vector_load %arg10[%get3A_144] {strides = array<i32>} : memref<128xi32, #tpu.memory_space<vmem>>, vector<16xi32>,
        %swap3A_146 = arith.constant 64 : index
        %swap3A_147 = tpu.vector_load %arg13[%swap3A_146] {strides = array<i32>} : memref<128xi32, #tpu.memory_space<vmem>>, vector<16xi32>,
        tpu.vector_store %arg13[%swap3A_146], %get3A_145 {strides = array<i32>} : memref<128xi32, #tpu.memory_space<vmem>>, vector<16xi32>,
        %get3A_148 = arith.constant 80 : index
        %get3A_149 = tpu.vector_load %arg10[%get3A_148] {strides = array<i32>} : memref<128xi32, #tpu.memory_space<vmem>>, vector<16xi32>,
        %swap3A_150 = arith.constant 80 : index
        %swap3A_151 = tpu.vector_load %arg13[%swap3A_150] {strides = array<i32>} : memref<128xi32, #tpu.memory_space<vmem>>, vector<16xi32>,
        tpu.vector_store %arg13[%swap3A_150], %get3A_149 {strides = array<i32>} : memref<128xi32, #tpu.memory_space<vmem>>, vector<16xi32>,
        %get3A_152 = arith.constant 96 : index
        %get3A_153 = tpu.vector_load %arg10[%get3A_152] {strides = array<i32>} : memref<128xi32, #tpu.memory_space<vmem>>, vector<16xi32>,
        %swap3A_154 = arith.constant 96 : index
        %swap3A_155 = tpu.vector_load %arg13[%swap3A_154] {strides = array<i32>} : memref<128xi32, #tpu.memory_space<vmem>>, vector<16xi32>,
        tpu.vector_store %arg13[%swap3A_154], %get3A_153 {strides = array<i32>} : memref<128xi32, #tpu.memory_space<vmem>>, vector<16xi32>,
        %get3A_156 = arith.constant 112 : index
        %get3A_157 = tpu.vector_load %arg10[%get3A_156] {strides = array<i32>} : memref<128xi32, #tpu.memory_space<vmem>>, vector<16xi32>,
        %swap3A_158 = arith.constant 112 : index
        %swap3A_159 = tpu.vector_load %arg13[%swap3A_158] {strides = array<i32>} : memref<128xi32, #tpu.memory_space<vmem>>, vector<16xi32>,
        tpu.vector_store %arg13[%swap3A_158], %get3A_157 {strides = array<i32>} : memref<128xi32, #tpu.memory_space<vmem>>, vector<16xi32>,
        %dma_start3A_160 = arith.constant 0 : i32
        %dma_start3A_161 = arith.constant 0 : i32
        %dma_start3A_162 = tpu.memref_slice %arg16[%dma_start3A_160, %dma_start3A_161] : memref<10000x128xf32, #tpu.memory_space<vmem_shared>> -> memref<10000x128xf32, #tpu.memory_space<vmem_shared>>
        tpu.enqueue_indirect_dma source(%arg15 : memref<128x128xf32, #tpu.memory_space<vmem>>) target(%dma_start3A_162 : memref<10000x128xf32, #tpu.memory_space<vmem_shared>>) offsets(%arg13 : memref<128xi32, #tpu.memory_space<vmem>>) semaphore(%arg22 : memref<!tpu.dma_semaphore, #tpu.memory_space<semaphore_mem>>) {add = true}
        %add3A_163 = arith.constant 2 : i32
        %add3A_164 = arith.addi %add3A_111, %add3A_163 : i32
        %lt3A_165 = arith.cmpi slt, %add3A_164, %add3A_28 : i32
        %convert_element_type3A_166 = arith.extui %lt3A_165 : i1 to i32
        %cond3A_167 = arith.constant 0 : i32
        %cond3A_168 = arith.cmpi ne, %convert_element_type3A_166, %cond3A_167 : i32
        scf.if %cond3A_168 {
          %add3A_169 = arith.constant 2 : i32
          %add3A_170 = arith.addi %add3A_111, %add3A_169 : i32
          %mul3A_171 = arith.constant 128 : i32
          %mul3A_172 = arith.muli %add3A_170, %mul3A_171 : i32
          %add3A_173 = arith.addi %add3A_25, %mul3A_172 : i32
          %dma_start3A_174 = arith.constant 0 : i32
          %dma_start3A_175 = tpu.memref_slice %arg3[%dma_start3A_174, %add3A_173] : memref<2x320000xi32, #tpu.memory_space<hbm>> -> memref<1x128xi32, #tpu.memory_space<hbm>>
          %dma_start3A_176 = tpu.memref_squeeze %dma_start3A_175 : memref<1x128xi32, #tpu.memory_space<hbm>> -> memref<128xi32, #tpu.memory_space<hbm>>
          %dma_start3A_177 = tpu.memref_slice %arg3[%dma_start3A_174, %add3A_173] : memref<2x320000xi32, #tpu.memory_space<hbm>> -> memref<1x128xi32, #tpu.memory_space<hbm>>
          %dma_start3A_178 = tpu.memref_squeeze %dma_start3A_177 : memref<1x128xi32, #tpu.memory_space<hbm>> -> memref<128xi32, #tpu.memory_space<hbm>>
          tpu.enqueue_dma source(%dma_start3A_178 : memref<128xi32, #tpu.memory_space<hbm>>) target(%arg9 : memref<128xi32, #tpu.memory_space<vmem>>) target_semaphore(%arg20 : memref<!tpu.dma_semaphore, #tpu.memory_space<semaphore_mem>>)
          %dma_start3A_179 = arith.constant 1 : i32
          %dma_start3A_180 = tpu.memref_slice %arg3[%dma_start3A_179, %add3A_173] : memref<2x320000xi32, #tpu.memory_space<hbm>> -> memref<1x128xi32, #tpu.memory_space<hbm>>
          %dma_start3A_181 = tpu.memref_squeeze %dma_start3A_180 : memref<1x128xi32, #tpu.memory_space<hbm>> -> memref<128xi32, #tpu.memory_space<hbm>>
          %dma_start3A_182 = tpu.memref_slice %arg3[%dma_start3A_179, %add3A_173] : memref<2x320000xi32, #tpu.memory_space<hbm>> -> memref<1x128xi32, #tpu.memory_space<hbm>>
          %dma_start3A_183 = tpu.memref_squeeze %dma_start3A_182 : memref<1x128xi32, #tpu.memory_space<hbm>> -> memref<128xi32, #tpu.memory_space<hbm>>
          tpu.enqueue_dma source(%dma_start3A_183 : memref<128xi32, #tpu.memory_space<hbm>>) target(%arg10 : memref<128xi32, #tpu.memory_space<vmem>>) target_semaphore(%arg20 : memref<!tpu.dma_semaphore, #tpu.memory_space<semaphore_mem>>)
          %dma_start3A_184 = tpu.memref_slice %arg4[%add3A_173] : memref<320000xf32, #tpu.memory_space<hbm>> -> memref<128xf32, #tpu.memory_space<hbm>>
          %dma_start3A_185 = tpu.memref_slice %arg4[%add3A_173] : memref<320000xf32, #tpu.memory_space<hbm>> -> memref<128xf32, #tpu.memory_space<hbm>>
          tpu.enqueue_dma source(%dma_start3A_185 : memref<128xf32, #tpu.memory_space<hbm>>) target(%arg11 : memref<128xf32, #tpu.memory_space<vmem>>) target_semaphore(%arg20 : memref<!tpu.dma_semaphore, #tpu.memory_space<semaphore_mem>>)
        } else {
        }
      } else {
      }
    }
    %scan3A_76 = arith.constant 40 : i32
    %dma_wait3A_77 = arith.constant 0 : i32
    %dma_wait3A_78 = arith.constant 0 : i32
    %dma_wait3A_79 = tpu.memref_slice %arg16[%dma_wait3A_77, %dma_wait3A_78] : memref<10000x128xf32, #tpu.memory_space<vmem_shared>> -> memref<10000x128xf32, #tpu.memory_space<vmem_shared>>
    tpu.wait_indirect_dma semaphore(%arg21 : memref<!tpu.dma_semaphore, #tpu.memory_space<semaphore_mem>>) src(%arg14 : memref<128x128xf32, #tpu.memory_space<vmem>>) dst(%dma_wait3A_79 : memref<10000x128xf32, #tpu.memory_space<vmem_shared>>)
    %dma_wait3A_80 = arith.constant 0 : i32
    %dma_wait3A_81 = arith.constant 0 : i32
    %dma_wait3A_82 = tpu.memref_slice %arg16[%dma_wait3A_80, %dma_wait3A_81] : memref<10000x128xf32, #tpu.memory_space<vmem_shared>> -> memref<10000x128xf32, #tpu.memory_space<vmem_shared>>
    tpu.wait_indirect_dma semaphore(%arg22 : memref<!tpu.dma_semaphore, #tpu.memory_space<semaphore_mem>>) src(%arg15 : memref<128x128xf32, #tpu.memory_space<vmem>>) dst(%dma_wait3A_82 : memref<10000x128xf32, #tpu.memory_space<vmem_shared>>)
    %barrier3A_83 = arith.constant 0 : index
    tpu.barrier barrier_id(%barrier3A_83)
    %mul3A_84 = arith.constant 624 : i32
    %mul3A_85 = arith.muli %arg1, %mul3A_84 : i32
    %mul3A_86 = arith.constant 624 : i32
    %mul3A_87 = arith.muli %arg1, %mul3A_86 : i32
    "tpu.region"() ({
      %run_scoped3A = tpu.sem_alloc : memref<!tpu.dma_semaphore, #tpu.memory_space<semaphore_mem>>
      %dma_start3A_93 = arith.constant 0 : i32
      %dma_start3A_94 = tpu.memref_slice %arg5[%arg0, %mul3A_87, %dma_start3A_93] : memref<2x10000x128xf32, #tpu.memory_space<hbm>> -> memref<1x624x128xf32, #tpu.memory_space<hbm>>
      %dma_start3A_95 = tpu.memref_squeeze %dma_start3A_94 : memref<1x624x128xf32, #tpu.memory_space<hbm>> -> memref<624x128xf32, #tpu.memory_space<hbm>>
      %dma_start3A_96 = arith.constant 0 : i32
      %dma_start3A_97 = tpu.memref_slice %arg16[%mul3A_85, %dma_start3A_96] : memref<10000x128xf32, #tpu.memory_space<vmem_shared>> -> memref<624x128xf32, #tpu.memory_space<vmem_shared>>
      tpu.enqueue_dma source(%dma_start3A_97 : memref<624x128xf32, #tpu.memory_space<vmem_shared>>) target(%dma_start3A_95 : memref<624x128xf32, #tpu.memory_space<hbm>>) target_semaphore(%run_scoped3A : memref<!tpu.dma_semaphore, #tpu.memory_space<semaphore_mem>>)
      %dma_wait3A_98 = arith.constant 0 : i32
      %dma_wait3A_99 = tpu.memref_slice %arg5[%arg0, %mul3A_87, %dma_wait3A_98] : memref<2x10000x128xf32, #tpu.memory_space<hbm>> -> memref<1x624x128xf32, #tpu.memory_space<hbm>>
      %dma_wait3A_100 = tpu.memref_squeeze %dma_wait3A_99 : memref<1x624x128xf32, #tpu.memory_space<hbm>> -> memref<624x128xf32, #tpu.memory_space<hbm>>
      %dma_wait3A_101 = arith.constant 0 : i32
      %dma_wait3A_102 = tpu.memref_slice %arg16[%mul3A_85, %dma_wait3A_101] : memref<10000x128xf32, #tpu.memory_space<vmem_shared>> -> memref<624x128xf32, #tpu.memory_space<vmem_shared>>
      tpu.wait_dma2 semaphore(%run_scoped3A : memref<!tpu.dma_semaphore, #tpu.memory_space<semaphore_mem>>) src(%dma_wait3A_102 : memref<624x128xf32, #tpu.memory_space<vmem_shared>>) dst(%dma_wait3A_100 : memref<624x128xf32, #tpu.memory_space<hbm>>)
      tpu.yield
    }) : () -> ()
    %eq3A_88 = arith.constant 15 : i32
    %eq3A_89 = arith.cmpi eq, %arg1, %eq3A_88 : i32
    %convert_element_type3A_90 = arith.extui %eq3A_89 : i1 to i32
    %cond3A_91 = arith.constant 0 : i32
    %cond3A_92 = arith.cmpi ne, %convert_element_type3A_90, %cond3A_91 : i32
    scf.if %cond3A_92 {
      "tpu.region"() ({
        %run_scoped3A = tpu.sem_alloc : memref<!tpu.dma_semaphore, #tpu.memory_space<semaphore_mem>>
        %dma_start3A_93 = arith.constant 9984 : i32
        %dma_start3A_94 = arith.constant 0 : i32
        %dma_start3A_95 = tpu.memref_slice %arg5[%arg0, %dma_start3A_93, %dma_start3A_94] : memref<2x10000x128xf32, #tpu.memory_space<hbm>> -> memref<1x16x128xf32, #tpu.memory_space<hbm>>
        %dma_start3A_96 = tpu.memref_squeeze %dma_start3A_95 : memref<1x16x128xf32, #tpu.memory_space<hbm>> -> memref<16x128xf32, #tpu.memory_space<hbm>>
        %dma_start3A_97 = arith.constant 9984 : i32
        %dma_start3A_98 = arith.constant 0 : i32
        %dma_start3A_99 = tpu.memref_slice %arg16[%dma_start3A_97, %dma_start3A_98] : memref<10000x128xf32, #tpu.memory_space<vmem_shared>> -> memref<16x128xf32, #tpu.memory_space<vmem_shared>>
        tpu.enqueue_dma source(%dma_start3A_99 : memref<16x128xf32, #tpu.memory_space<vmem_shared>>) target(%dma_start3A_96 : memref<16x128xf32, #tpu.memory_space<hbm>>) target_semaphore(%run_scoped3A : memref<!tpu.dma_semaphore, #tpu.memory_space<semaphore_mem>>)
        %dma_wait3A_100 = arith.constant 9984 : i32
        %dma_wait3A_101 = arith.constant 0 : i32
        %dma_wait3A_102 = tpu.memref_slice %arg5[%arg0, %dma_wait3A_100, %dma_wait3A_101] : memref<2x10000x128xf32, #tpu.memory_space<hbm>> -> memref<1x16x128xf32, #tpu.memory_space<hbm>>
        %dma_wait3A_103 = tpu.memref_squeeze %dma_wait3A_102 : memref<1x16x128xf32, #tpu.memory_space<hbm>> -> memref<16x128xf32, #tpu.memory_space<hbm>>
        %dma_wait3A_104 = arith.constant 9984 : i32
        %dma_wait3A_105 = arith.constant 0 : i32
        %dma_wait3A_106 = tpu.memref_slice %arg16[%dma_wait3A_104, %dma_wait3A_105] : memref<10000x128xf32, #tpu.memory_space<vmem_shared>> -> memref<16x128xf32, #tpu.memory_space<vmem_shared>>
        tpu.wait_dma2 semaphore(%run_scoped3A : memref<!tpu.dma_semaphore, #tpu.memory_space<semaphore_mem>>) src(%dma_wait3A_106 : memref<16x128xf32, #tpu.memory_space<vmem_shared>>) dst(%dma_wait3A_103 : memref<16x128xf32, #tpu.memory_space<hbm>>)
        tpu.yield
      }) : () -> ()
    } else {
    }
    return
  }
}

#map = affine_map<(d0, d1) -> (0)>
module attributes {stable_mosaic.version = 14 : i64} {
  func.func @_qscatter_kernel(%arg0: i32, %arg1: i32, %arg2: memref<40000xf32, #tpu.memory_space<hbm>>, %arg3: memref<320000xi32, #tpu.memory_space<hbm>>, %arg4: memref<320000xi32, #tpu.memory_space<hbm>>, %arg5: memref<320000xf32, #tpu.memory_space<hbm>>, %arg6: memref<80000xf32, #tpu.memory_space<hbm>>, %arg7: memref<40000xf32, #tpu.memory_space<vmem>>, %arg8: memref<10112xi32, #tpu.memory_space<vmem>>, %arg9: memref<10112xi32, #tpu.memory_space<vmem>>, %arg10: memref<10112xf32, #tpu.memory_space<vmem>>, %arg11: memref<128x16xf32, #tpu.memory_space<vmem>>, %arg12: memref<128x16xf32, #tpu.memory_space<vmem>>, %arg13: memref<128xi32, #tpu.memory_space<vmem>>, %arg14: memref<128xi32, #tpu.memory_space<vmem>>, %arg15: memref<128x16xf32, #tpu.memory_space<vmem>>, %arg16: memref<640x16xf32, #tpu.memory_space<vmem>>, %arg17: memref<2560xf32, #tpu.memory_space<vmem>>, %arg18: memref<10000x16xf32, #tpu.memory_space<vmem_shared>>, %arg19: memref<!tpu.dma_semaphore, #tpu.memory_space<semaphore_mem>>, %arg20: memref<!tpu.dma_semaphore, #tpu.memory_space<semaphore_mem>>) attributes {dimension_semantics = [#tpu.dimension_semantics<core_parallel>, #tpu.dimension_semantics<subcore_parallel>], iteration_bounds = array<i64: 2, 16>, scalar_prefetch = 0 : i64, scratch_operands = 14 : i64, tpu.core_type = #tpu.core_type<sc_vector_subcore>, window_params = [{transform_indices = #map}, {transform_indices = #map}, {transform_indices = #map}, {transform_indices = #map}, {transform_indices = #map}]} {
    %mul3A = arith.constant 2 : i32
    %mul3A_0 = arith.muli %arg1, %mul3A : i32
    %add3A = arith.addi %mul3A_0, %arg0 : i32
    %broadcast_in_dim3A = arith.constant 0.000000e+00 : f32
    %broadcast_in_dim3A_1 = vector.broadcast %broadcast_in_dim3A : f32 to vector<16xf32>
    %iota3A = tpu.iota {dimensions = array<i32: 0>} : vector<16xi32>
    %scan3A = arith.constant 0 : i32
    %scan3A_2 = arith.constant 128 : i32
    %scan3A_3 = arith.addi %scan3A, %scan3A_2 : i32
    %scan3A_4 = arith.constant 1 : i32
    scf.for %scan3A_91 = %scan3A to %scan3A_3 step %scan3A_4  : i32 {
      %swap3A = arith.index_cast %scan3A_91 : i32 to index
      %swap3A_92 = arith.constant 0 : index
      %swap3A_93 = tpu.vector_load %arg15[%swap3A, %swap3A_92] {strides = array<i32>} : memref<128x16xf32, #tpu.memory_space<vmem>>, vector<16xf32>,
      tpu.vector_store %arg15[%swap3A, %swap3A_92], %broadcast_in_dim3A_1 {strides = array<i32>} : memref<128x16xf32, #tpu.memory_space<vmem>>, vector<16xf32>,
      %swap3A_94 = arith.index_cast %scan3A_91 : i32 to index
      %swap3A_95 = arith.constant 0 : index
      %swap3A_96 = tpu.vector_load %arg11[%swap3A_94, %swap3A_95] {strides = array<i32>} : memref<128x16xf32, #tpu.memory_space<vmem>>, vector<16xf32>,
      tpu.vector_store %arg11[%swap3A_94, %swap3A_95], %broadcast_in_dim3A_1 {strides = array<i32>} : memref<128x16xf32, #tpu.memory_space<vmem>>, vector<16xf32>,
      %swap3A_97 = arith.index_cast %scan3A_91 : i32 to index
      %swap3A_98 = arith.constant 0 : index
      %swap3A_99 = tpu.vector_load %arg12[%swap3A_97, %swap3A_98] {strides = array<i32>} : memref<128x16xf32, #tpu.memory_space<vmem>>, vector<16xf32>,
      tpu.vector_store %arg12[%swap3A_97, %swap3A_98], %broadcast_in_dim3A_1 {strides = array<i32>} : memref<128x16xf32, #tpu.memory_space<vmem>>, vector<16xf32>,
    }
    %scan3A_5 = arith.constant 128 : i32
    %mul3A_6 = arith.constant 624 : i32
    %mul3A_7 = arith.muli %arg1, %mul3A_6 : i32
    %add3A_8 = arith.constant 0 : i32
    %add3A_9 = arith.addi %mul3A_7, %add3A_8 : i32
    "tpu.region"() ({
      %run_scoped3A = tpu.sem_alloc : memref<!tpu.dma_semaphore, #tpu.memory_space<semaphore_mem>>
      %dma_start3A = arith.constant 0 : i32
      %dma_start3A_91 = tpu.memref_slice %arg18[%add3A_9, %dma_start3A] : memref<10000x16xf32, #tpu.memory_space<vmem_shared>> -> memref<128x16xf32, #tpu.memory_space<vmem_shared>>
      %dma_start3A_92 = arith.constant 0 : i32
      %dma_start3A_93 = tpu.memref_slice %arg18[%add3A_9, %dma_start3A_92] : memref<10000x16xf32, #tpu.memory_space<vmem_shared>> -> memref<128x16xf32, #tpu.memory_space<vmem_shared>>
      tpu.enqueue_dma source(%arg15 : memref<128x16xf32, #tpu.memory_space<vmem>>) target(%dma_start3A_93 : memref<128x16xf32, #tpu.memory_space<vmem_shared>>) target_semaphore(%run_scoped3A : memref<!tpu.dma_semaphore, #tpu.memory_space<semaphore_mem>>)
      %dma_wait3A_94 = arith.constant 0 : i32
      %dma_wait3A_95 = tpu.memref_slice %arg18[%add3A_9, %dma_wait3A_94] : memref<10000x16xf32, #tpu.memory_space<vmem_shared>> -> memref<128x16xf32, #tpu.memory_space<vmem_shared>>
      %dma_wait3A_96 = arith.constant 0 : i32
      %dma_wait3A_97 = tpu.memref_slice %arg18[%add3A_9, %dma_wait3A_96] : memref<10000x16xf32, #tpu.memory_space<vmem_shared>> -> memref<128x16xf32, #tpu.memory_space<vmem_shared>>
      tpu.wait_dma2 semaphore(%run_scoped3A : memref<!tpu.dma_semaphore, #tpu.memory_space<semaphore_mem>>) src(%arg15 : memref<128x16xf32, #tpu.memory_space<vmem>>) dst(%dma_wait3A_97 : memref<128x16xf32, #tpu.memory_space<vmem_shared>>)
      tpu.yield
    }) : () -> ()
    %add3A_10 = arith.constant 128 : i32
    %add3A_11 = arith.addi %mul3A_7, %add3A_10 : i32
    "tpu.region"() ({
      %run_scoped3A = tpu.sem_alloc : memref<!tpu.dma_semaphore, #tpu.memory_space<semaphore_mem>>
      %dma_start3A = arith.constant 0 : i32
      %dma_start3A_91 = tpu.memref_slice %arg18[%add3A_11, %dma_start3A] : memref<10000x16xf32, #tpu.memory_space<vmem_shared>> -> memref<128x16xf32, #tpu.memory_space<vmem_shared>>
      %dma_start3A_92 = arith.constant 0 : i32
      %dma_start3A_93 = tpu.memref_slice %arg18[%add3A_11, %dma_start3A_92] : memref<10000x16xf32, #tpu.memory_space<vmem_shared>> -> memref<128x16xf32, #tpu.memory_space<vmem_shared>>
      tpu.enqueue_dma source(%arg15 : memref<128x16xf32, #tpu.memory_space<vmem>>) target(%dma_start3A_93 : memref<128x16xf32, #tpu.memory_space<vmem_shared>>) target_semaphore(%run_scoped3A : memref<!tpu.dma_semaphore, #tpu.memory_space<semaphore_mem>>)
      %dma_wait3A_94 = arith.constant 0 : i32
      %dma_wait3A_95 = tpu.memref_slice %arg18[%add3A_11, %dma_wait3A_94] : memref<10000x16xf32, #tpu.memory_space<vmem_shared>> -> memref<128x16xf32, #tpu.memory_space<vmem_shared>>
      %dma_wait3A_96 = arith.constant 0 : i32
      %dma_wait3A_97 = tpu.memref_slice %arg18[%add3A_11, %dma_wait3A_96] : memref<10000x16xf32, #tpu.memory_space<vmem_shared>> -> memref<128x16xf32, #tpu.memory_space<vmem_shared>>
      tpu.wait_dma2 semaphore(%run_scoped3A : memref<!tpu.dma_semaphore, #tpu.memory_space<semaphore_mem>>) src(%arg15 : memref<128x16xf32, #tpu.memory_space<vmem>>) dst(%dma_wait3A_97 : memref<128x16xf32, #tpu.memory_space<vmem_shared>>)
      tpu.yield
    }) : () -> ()
    %add3A_12 = arith.constant 256 : i32
    %add3A_13 = arith.addi %mul3A_7, %add3A_12 : i32
    "tpu.region"() ({
      %run_scoped3A = tpu.sem_alloc : memref<!tpu.dma_semaphore, #tpu.memory_space<semaphore_mem>>
      %dma_start3A = arith.constant 0 : i32
      %dma_start3A_91 = tpu.memref_slice %arg18[%add3A_13, %dma_start3A] : memref<10000x16xf32, #tpu.memory_space<vmem_shared>> -> memref<128x16xf32, #tpu.memory_space<vmem_shared>>
      %dma_start3A_92 = arith.constant 0 : i32
      %dma_start3A_93 = tpu.memref_slice %arg18[%add3A_13, %dma_start3A_92] : memref<10000x16xf32, #tpu.memory_space<vmem_shared>> -> memref<128x16xf32, #tpu.memory_space<vmem_shared>>
      tpu.enqueue_dma source(%arg15 : memref<128x16xf32, #tpu.memory_space<vmem>>) target(%dma_start3A_93 : memref<128x16xf32, #tpu.memory_space<vmem_shared>>) target_semaphore(%run_scoped3A : memref<!tpu.dma_semaphore, #tpu.memory_space<semaphore_mem>>)
      %dma_wait3A_94 = arith.constant 0 : i32
      %dma_wait3A_95 = tpu.memref_slice %arg18[%add3A_13, %dma_wait3A_94] : memref<10000x16xf32, #tpu.memory_space<vmem_shared>> -> memref<128x16xf32, #tpu.memory_space<vmem_shared>>
      %dma_wait3A_96 = arith.constant 0 : i32
      %dma_wait3A_97 = tpu.memref_slice %arg18[%add3A_13, %dma_wait3A_96] : memref<10000x16xf32, #tpu.memory_space<vmem_shared>> -> memref<128x16xf32, #tpu.memory_space<vmem_shared>>
      tpu.wait_dma2 semaphore(%run_scoped3A : memref<!tpu.dma_semaphore, #tpu.memory_space<semaphore_mem>>) src(%arg15 : memref<128x16xf32, #tpu.memory_space<vmem>>) dst(%dma_wait3A_97 : memref<128x16xf32, #tpu.memory_space<vmem_shared>>)
      tpu.yield
    }) : () -> ()
    %add3A_14 = arith.constant 384 : i32
    %add3A_15 = arith.addi %mul3A_7, %add3A_14 : i32
    "tpu.region"() ({
      %run_scoped3A = tpu.sem_alloc : memref<!tpu.dma_semaphore, #tpu.memory_space<semaphore_mem>>
      %dma_start3A = arith.constant 0 : i32
      %dma_start3A_91 = tpu.memref_slice %arg18[%add3A_15, %dma_start3A] : memref<10000x16xf32, #tpu.memory_space<vmem_shared>> -> memref<128x16xf32, #tpu.memory_space<vmem_shared>>
      %dma_start3A_92 = arith.constant 0 : i32
      %dma_start3A_93 = tpu.memref_slice %arg18[%add3A_15, %dma_start3A_92] : memref<10000x16xf32, #tpu.memory_space<vmem_shared>> -> memref<128x16xf32, #tpu.memory_space<vmem_shared>>
      tpu.enqueue_dma source(%arg15 : memref<128x16xf32, #tpu.memory_space<vmem>>) target(%dma_start3A_93 : memref<128x16xf32, #tpu.memory_space<vmem_shared>>) target_semaphore(%run_scoped3A : memref<!tpu.dma_semaphore, #tpu.memory_space<semaphore_mem>>)
      %dma_wait3A_94 = arith.constant 0 : i32
      %dma_wait3A_95 = tpu.memref_slice %arg18[%add3A_15, %dma_wait3A_94] : memref<10000x16xf32, #tpu.memory_space<vmem_shared>> -> memref<128x16xf32, #tpu.memory_space<vmem_shared>>
      %dma_wait3A_96 = arith.constant 0 : i32
      %dma_wait3A_97 = tpu.memref_slice %arg18[%add3A_15, %dma_wait3A_96] : memref<10000x16xf32, #tpu.memory_space<vmem_shared>> -> memref<128x16xf32, #tpu.memory_space<vmem_shared>>
      tpu.wait_dma2 semaphore(%run_scoped3A : memref<!tpu.dma_semaphore, #tpu.memory_space<semaphore_mem>>) src(%arg15 : memref<128x16xf32, #tpu.memory_space<vmem>>) dst(%dma_wait3A_97 : memref<128x16xf32, #tpu.memory_space<vmem_shared>>)
      tpu.yield
    }) : () -> ()
    %add3A_16 = arith.constant 512 : i32
    %add3A_17 = arith.addi %mul3A_7, %add3A_16 : i32
    "tpu.region"() ({
      %run_scoped3A = tpu.sem_alloc : memref<!tpu.dma_semaphore, #tpu.memory_space<semaphore_mem>>
      %dma_start3A = arith.constant 0 : i32
      %dma_start3A_91 = arith.constant 0 : i32
      %dma_start3A_92 = tpu.memref_slice %arg15[%dma_start3A, %dma_start3A_91] : memref<128x16xf32, #tpu.memory_space<vmem>> -> memref<112x16xf32, #tpu.memory_space<vmem>>
      %dma_start3A_93 = arith.constant 0 : i32
      %dma_start3A_94 = tpu.memref_slice %arg18[%add3A_17, %dma_start3A_93] : memref<10000x16xf32, #tpu.memory_space<vmem_shared>> -> memref<112x16xf32, #tpu.memory_space<vmem_shared>>
      %dma_start3A_95 = arith.constant 0 : i32
      %dma_start3A_96 = tpu.memref_slice %arg18[%add3A_17, %dma_start3A_95] : memref<10000x16xf32, #tpu.memory_space<vmem_shared>> -> memref<112x16xf32, #tpu.memory_space<vmem_shared>>
      %dma_start3A_97 = arith.constant 0 : i32
      %dma_start3A_98 = arith.constant 0 : i32
      %dma_start3A_99 = tpu.memref_slice %arg15[%dma_start3A_97, %dma_start3A_98] : memref<128x16xf32, #tpu.memory_space<vmem>> -> memref<112x16xf32, #tpu.memory_space<vmem>>
      tpu.enqueue_dma source(%dma_start3A_99 : memref<112x16xf32, #tpu.memory_space<vmem>>) target(%dma_start3A_96 : memref<112x16xf32, #tpu.memory_space<vmem_shared>>) target_semaphore(%run_scoped3A : memref<!tpu.dma_semaphore, #tpu.memory_space<semaphore_mem>>)
      %dma_wait3A_100 = arith.constant 0 : i32
      %dma_wait3A_101 = arith.constant 0 : i32
      %dma_wait3A_102 = tpu.memref_slice %arg15[%dma_wait3A_100, %dma_wait3A_101] : memref<128x16xf32, #tpu.memory_space<vmem>> -> memref<112x16xf32, #tpu.memory_space<vmem>>
      %dma_wait3A_103 = arith.constant 0 : i32
      %dma_wait3A_104 = tpu.memref_slice %arg18[%add3A_17, %dma_wait3A_103] : memref<10000x16xf32, #tpu.memory_space<vmem_shared>> -> memref<112x16xf32, #tpu.memory_space<vmem_shared>>
      %dma_wait3A_105 = arith.constant 0 : i32
      %dma_wait3A_106 = tpu.memref_slice %arg18[%add3A_17, %dma_wait3A_105] : memref<10000x16xf32, #tpu.memory_space<vmem_shared>> -> memref<112x16xf32, #tpu.memory_space<vmem_shared>>
      %dma_wait3A_107 = arith.constant 0 : i32
      %dma_wait3A_108 = arith.constant 0 : i32
      %dma_wait3A_109 = tpu.memref_slice %arg15[%dma_wait3A_107, %dma_wait3A_108] : memref<128x16xf32, #tpu.memory_space<vmem>> -> memref<112x16xf32, #tpu.memory_space<vmem>>
      tpu.wait_dma2 semaphore(%run_scoped3A : memref<!tpu.dma_semaphore, #tpu.memory_space<semaphore_mem>>) src(%dma_wait3A_109 : memref<112x16xf32, #tpu.memory_space<vmem>>) dst(%dma_wait3A_106 : memref<112x16xf32, #tpu.memory_space<vmem_shared>>)
      tpu.yield
    }) : () -> ()
    %eq3A = arith.constant 15 : i32
    %eq3A_18 = arith.cmpi eq, %arg1, %eq3A : i32
    %convert_element_type3A = arith.extui %eq3A_18 : i1 to i32
    %cond3A = arith.constant 0 : i32
    %cond3A_19 = arith.cmpi ne, %convert_element_type3A, %cond3A : i32
    scf.if %cond3A_19 {
      "tpu.region"() ({
        %run_scoped3A = tpu.sem_alloc : memref<!tpu.dma_semaphore, #tpu.memory_space<semaphore_mem>>
        %dma_start3A = arith.constant 0 : i32
        %dma_start3A_91 = arith.constant 0 : i32
        %dma_start3A_92 = tpu.memref_slice %arg15[%dma_start3A, %dma_start3A_91] : memref<128x16xf32, #tpu.memory_space<vmem>> -> memref<16x16xf32, #tpu.memory_space<vmem>>
        %dma_start3A_93 = arith.constant 9984 : i32
        %dma_start3A_94 = arith.constant 0 : i32
        %dma_start3A_95 = tpu.memref_slice %arg18[%dma_start3A_93, %dma_start3A_94] : memref<10000x16xf32, #tpu.memory_space<vmem_shared>> -> memref<16x16xf32, #tpu.memory_space<vmem_shared>>
        %dma_start3A_96 = arith.constant 9984 : i32
        %dma_start3A_97 = arith.constant 0 : i32
        %dma_start3A_98 = tpu.memref_slice %arg18[%dma_start3A_96, %dma_start3A_97] : memref<10000x16xf32, #tpu.memory_space<vmem_shared>> -> memref<16x16xf32, #tpu.memory_space<vmem_shared>>
        %dma_start3A_99 = arith.constant 0 : i32
        %dma_start3A_100 = arith.constant 0 : i32
        %dma_start3A_101 = tpu.memref_slice %arg15[%dma_start3A_99, %dma_start3A_100] : memref<128x16xf32, #tpu.memory_space<vmem>> -> memref<16x16xf32, #tpu.memory_space<vmem>>
        tpu.enqueue_dma source(%dma_start3A_101 : memref<16x16xf32, #tpu.memory_space<vmem>>) target(%dma_start3A_98 : memref<16x16xf32, #tpu.memory_space<vmem_shared>>) target_semaphore(%run_scoped3A : memref<!tpu.dma_semaphore, #tpu.memory_space<semaphore_mem>>)
        %dma_wait3A_102 = arith.constant 0 : i32
        %dma_wait3A_103 = arith.constant 0 : i32
        %dma_wait3A_104 = tpu.memref_slice %arg15[%dma_wait3A_102, %dma_wait3A_103] : memref<128x16xf32, #tpu.memory_space<vmem>> -> memref<16x16xf32, #tpu.memory_space<vmem>>
        %dma_wait3A_105 = arith.constant 9984 : i32
        %dma_wait3A_106 = arith.constant 0 : i32
        %dma_wait3A_107 = tpu.memref_slice %arg18[%dma_wait3A_105, %dma_wait3A_106] : memref<10000x16xf32, #tpu.memory_space<vmem_shared>> -> memref<16x16xf32, #tpu.memory_space<vmem_shared>>
        %dma_wait3A_108 = arith.constant 9984 : i32
        %dma_wait3A_109 = arith.constant 0 : i32
        %dma_wait3A_110 = tpu.memref_slice %arg18[%dma_wait3A_108, %dma_wait3A_109] : memref<10000x16xf32, #tpu.memory_space<vmem_shared>> -> memref<16x16xf32, #tpu.memory_space<vmem_shared>>
        %dma_wait3A_111 = arith.constant 0 : i32
        %dma_wait3A_112 = arith.constant 0 : i32
        %dma_wait3A_113 = tpu.memref_slice %arg15[%dma_wait3A_111, %dma_wait3A_112] : memref<128x16xf32, #tpu.memory_space<vmem>> -> memref<16x16xf32, #tpu.memory_space<vmem>>
        tpu.wait_dma2 semaphore(%run_scoped3A : memref<!tpu.dma_semaphore, #tpu.memory_space<semaphore_mem>>) src(%dma_wait3A_113 : memref<16x16xf32, #tpu.memory_space<vmem>>) dst(%dma_wait3A_110 : memref<16x16xf32, #tpu.memory_space<vmem_shared>>)
        tpu.yield
      }) : () -> ()
    } else {
    }
    %barrier3A = arith.constant 0 : index
    tpu.barrier barrier_id(%barrier3A)
    "tpu.region"() ({
      %run_scoped3A = tpu.sem_alloc : memref<!tpu.dma_semaphore, #tpu.memory_space<semaphore_mem>>
      tpu.enqueue_dma source(%arg2 : memref<40000xf32, #tpu.memory_space<hbm>>) target(%arg7 : memref<40000xf32, #tpu.memory_space<vmem>>) target_semaphore(%run_scoped3A : memref<!tpu.dma_semaphore, #tpu.memory_space<semaphore_mem>>)
      tpu.wait_dma2 semaphore(%run_scoped3A : memref<!tpu.dma_semaphore, #tpu.memory_space<semaphore_mem>>) src(%arg2 : memref<40000xf32, #tpu.memory_space<hbm>>) dst(%arg7 : memref<40000xf32, #tpu.memory_space<vmem>>)
      tpu.yield
    }) : () -> ()
    %lt3A = arith.constant 4 : i32
    %lt3A_20 = arith.cmpi slt, %add3A, %lt3A : i32
    %mul3A_21 = arith.constant 9984 : i32
    %mul3A_22 = arith.muli %add3A, %mul3A_21 : i32
    %min3A = arith.constant 4 : i32
    %min3A_23 = arith.minsi %add3A, %min3A : i32
    %mul3A_24 = arith.constant 128 : i32
    %mul3A_25 = arith.muli %min3A_23, %mul3A_24 : i32
    %add3A_26 = arith.addi %mul3A_22, %mul3A_25 : i32
    %convert_element_type3A_27 = arith.extui %lt3A_20 : i1 to i32
    %add3A_28 = arith.constant 78 : i32
    %add3A_29 = arith.addi %add3A_28, %convert_element_type3A_27 : i32
    "tpu.region"() ({
      %run_scoped3A = tpu.sem_alloc : memref<!tpu.dma_semaphore, #tpu.memory_space<semaphore_mem>>
      %dma_start3A = arith.constant 0 : i32
      %dma_start3A_91 = tpu.memref_slice %arg8[%dma_start3A] : memref<10112xi32, #tpu.memory_space<vmem>> -> memref<9984xi32, #tpu.memory_space<vmem>>
      %dma_start3A_92 = tpu.memref_slice %arg3[%add3A_26] : memref<320000xi32, #tpu.memory_space<hbm>> -> memref<9984xi32, #tpu.memory_space<hbm>>
      %dma_start3A_93 = arith.constant 0 : i32
      %dma_start3A_94 = tpu.memref_slice %arg8[%dma_start3A_93] : memref<10112xi32, #tpu.memory_space<vmem>> -> memref<9984xi32, #tpu.memory_space<vmem>>
      %dma_start3A_95 = tpu.memref_slice %arg3[%add3A_26] : memref<320000xi32, #tpu.memory_space<hbm>> -> memref<9984xi32, #tpu.memory_space<hbm>>
      tpu.enqueue_dma source(%dma_start3A_95 : memref<9984xi32, #tpu.memory_space<hbm>>) target(%dma_start3A_94 : memref<9984xi32, #tpu.memory_space<vmem>>) target_semaphore(%run_scoped3A : memref<!tpu.dma_semaphore, #tpu.memory_space<semaphore_mem>>)
      %dma_wait3A_96 = arith.constant 0 : i32
      %dma_wait3A_97 = tpu.memref_slice %arg8[%dma_wait3A_96] : memref<10112xi32, #tpu.memory_space<vmem>> -> memref<9984xi32, #tpu.memory_space<vmem>>
      %dma_wait3A_98 = tpu.memref_slice %arg3[%add3A_26] : memref<320000xi32, #tpu.memory_space<hbm>> -> memref<9984xi32, #tpu.memory_space<hbm>>
      %dma_wait3A_99 = arith.constant 0 : i32
      %dma_wait3A_100 = tpu.memref_slice %arg8[%dma_wait3A_99] : memref<10112xi32, #tpu.memory_space<vmem>> -> memref<9984xi32, #tpu.memory_space<vmem>>
      %dma_wait3A_101 = tpu.memref_slice %arg3[%add3A_26] : memref<320000xi32, #tpu.memory_space<hbm>> -> memref<9984xi32, #tpu.memory_space<hbm>>
      tpu.wait_dma2 semaphore(%run_scoped3A : memref<!tpu.dma_semaphore, #tpu.memory_space<semaphore_mem>>) src(%dma_wait3A_101 : memref<9984xi32, #tpu.memory_space<hbm>>) dst(%dma_wait3A_100 : memref<9984xi32, #tpu.memory_space<vmem>>)
      tpu.yield
    }) : () -> ()
    "tpu.region"() ({
      %run_scoped3A = tpu.sem_alloc : memref<!tpu.dma_semaphore, #tpu.memory_space<semaphore_mem>>
      %dma_start3A = arith.constant 0 : i32
      %dma_start3A_91 = tpu.memref_slice %arg9[%dma_start3A] : memref<10112xi32, #tpu.memory_space<vmem>> -> memref<9984xi32, #tpu.memory_space<vmem>>
      %dma_start3A_92 = tpu.memref_slice %arg4[%add3A_26] : memref<320000xi32, #tpu.memory_space<hbm>> -> memref<9984xi32, #tpu.memory_space<hbm>>
      %dma_start3A_93 = arith.constant 0 : i32
      %dma_start3A_94 = tpu.memref_slice %arg9[%dma_start3A_93] : memref<10112xi32, #tpu.memory_space<vmem>> -> memref<9984xi32, #tpu.memory_space<vmem>>
      %dma_start3A_95 = tpu.memref_slice %arg4[%add3A_26] : memref<320000xi32, #tpu.memory_space<hbm>> -> memref<9984xi32, #tpu.memory_space<hbm>>
      tpu.enqueue_dma source(%dma_start3A_95 : memref<9984xi32, #tpu.memory_space<hbm>>) target(%dma_start3A_94 : memref<9984xi32, #tpu.memory_space<vmem>>) target_semaphore(%run_scoped3A : memref<!tpu.dma_semaphore, #tpu.memory_space<semaphore_mem>>)
      %dma_wait3A_96 = arith.constant 0 : i32
      %dma_wait3A_97 = tpu.memref_slice %arg9[%dma_wait3A_96] : memref<10112xi32, #tpu.memory_space<vmem>> -> memref<9984xi32, #tpu.memory_space<vmem>>
      %dma_wait3A_98 = tpu.memref_slice %arg4[%add3A_26] : memref<320000xi32, #tpu.memory_space<hbm>> -> memref<9984xi32, #tpu.memory_space<hbm>>
      %dma_wait3A_99 = arith.constant 0 : i32
      %dma_wait3A_100 = tpu.memref_slice %arg9[%dma_wait3A_99] : memref<10112xi32, #tpu.memory_space<vmem>> -> memref<9984xi32, #tpu.memory_space<vmem>>
      %dma_wait3A_101 = tpu.memref_slice %arg4[%add3A_26] : memref<320000xi32, #tpu.memory_space<hbm>> -> memref<9984xi32, #tpu.memory_space<hbm>>
      tpu.wait_dma2 semaphore(%run_scoped3A : memref<!tpu.dma_semaphore, #tpu.memory_space<semaphore_mem>>) src(%dma_wait3A_101 : memref<9984xi32, #tpu.memory_space<hbm>>) dst(%dma_wait3A_100 : memref<9984xi32, #tpu.memory_space<vmem>>)
      tpu.yield
    }) : () -> ()
    "tpu.region"() ({
      %run_scoped3A = tpu.sem_alloc : memref<!tpu.dma_semaphore, #tpu.memory_space<semaphore_mem>>
      %dma_start3A = arith.constant 0 : i32
      %dma_start3A_91 = tpu.memref_slice %arg10[%dma_start3A] : memref<10112xf32, #tpu.memory_space<vmem>> -> memref<9984xf32, #tpu.memory_space<vmem>>
      %dma_start3A_92 = tpu.memref_slice %arg5[%add3A_26] : memref<320000xf32, #tpu.memory_space<hbm>> -> memref<9984xf32, #tpu.memory_space<hbm>>
      %dma_start3A_93 = arith.constant 0 : i32
      %dma_start3A_94 = tpu.memref_slice %arg10[%dma_start3A_93] : memref<10112xf32, #tpu.memory_space<vmem>> -> memref<9984xf32, #tpu.memory_space<vmem>>
      %dma_start3A_95 = tpu.memref_slice %arg5[%add3A_26] : memref<320000xf32, #tpu.memory_space<hbm>> -> memref<9984xf32, #tpu.memory_space<hbm>>
      tpu.enqueue_dma source(%dma_start3A_95 : memref<9984xf32, #tpu.memory_space<hbm>>) target(%dma_start3A_94 : memref<9984xf32, #tpu.memory_space<vmem>>) target_semaphore(%run_scoped3A : memref<!tpu.dma_semaphore, #tpu.memory_space<semaphore_mem>>)
      %dma_wait3A_96 = arith.constant 0 : i32
      %dma_wait3A_97 = tpu.memref_slice %arg10[%dma_wait3A_96] : memref<10112xf32, #tpu.memory_space<vmem>> -> memref<9984xf32, #tpu.memory_space<vmem>>
      %dma_wait3A_98 = tpu.memref_slice %arg5[%add3A_26] : memref<320000xf32, #tpu.memory_space<hbm>> -> memref<9984xf32, #tpu.memory_space<hbm>>
      %dma_wait3A_99 = arith.constant 0 : i32
      %dma_wait3A_100 = tpu.memref_slice %arg10[%dma_wait3A_99] : memref<10112xf32, #tpu.memory_space<vmem>> -> memref<9984xf32, #tpu.memory_space<vmem>>
      %dma_wait3A_101 = tpu.memref_slice %arg5[%add3A_26] : memref<320000xf32, #tpu.memory_space<hbm>> -> memref<9984xf32, #tpu.memory_space<hbm>>
      tpu.wait_dma2 semaphore(%run_scoped3A : memref<!tpu.dma_semaphore, #tpu.memory_space<semaphore_mem>>) src(%dma_wait3A_101 : memref<9984xf32, #tpu.memory_space<hbm>>) dst(%dma_wait3A_100 : memref<9984xf32, #tpu.memory_space<vmem>>)
      tpu.yield
    }) : () -> ()
    %convert_element_type3A_30 = arith.extui %lt3A_20 : i1 to i32
    %cond3A_31 = arith.constant 0 : i32
    %cond3A_32 = arith.cmpi ne, %convert_element_type3A_30, %cond3A_31 : i32
    scf.if %cond3A_32 {
      %add3A_91 = arith.constant 9984 : i32
      %add3A_92 = arith.addi %add3A_26, %add3A_91 : i32
      "tpu.region"() ({
        %run_scoped3A = tpu.sem_alloc : memref<!tpu.dma_semaphore, #tpu.memory_space<semaphore_mem>>
        %dma_start3A = arith.constant 9984 : i32
        %dma_start3A_93 = tpu.memref_slice %arg8[%dma_start3A] : memref<10112xi32, #tpu.memory_space<vmem>> -> memref<128xi32, #tpu.memory_space<vmem>>
        %dma_start3A_94 = tpu.memref_slice %arg3[%add3A_92] : memref<320000xi32, #tpu.memory_space<hbm>> -> memref<128xi32, #tpu.memory_space<hbm>>
        %dma_start3A_95 = arith.constant 9984 : i32
        %dma_start3A_96 = tpu.memref_slice %arg8[%dma_start3A_95] : memref<10112xi32, #tpu.memory_space<vmem>> -> memref<128xi32, #tpu.memory_space<vmem>>
        %dma_start3A_97 = tpu.memref_slice %arg3[%add3A_92] : memref<320000xi32, #tpu.memory_space<hbm>> -> memref<128xi32, #tpu.memory_space<hbm>>
        tpu.enqueue_dma source(%dma_start3A_97 : memref<128xi32, #tpu.memory_space<hbm>>) target(%dma_start3A_96 : memref<128xi32, #tpu.memory_space<vmem>>) target_semaphore(%run_scoped3A : memref<!tpu.dma_semaphore, #tpu.memory_space<semaphore_mem>>)
        %dma_wait3A_98 = arith.constant 9984 : i32
        %dma_wait3A_99 = tpu.memref_slice %arg8[%dma_wait3A_98] : memref<10112xi32, #tpu.memory_space<vmem>> -> memref<128xi32, #tpu.memory_space<vmem>>
        %dma_wait3A_100 = tpu.memref_slice %arg3[%add3A_92] : memref<320000xi32, #tpu.memory_space<hbm>> -> memref<128xi32, #tpu.memory_space<hbm>>
        %dma_wait3A_101 = arith.constant 9984 : i32
        %dma_wait3A_102 = tpu.memref_slice %arg8[%dma_wait3A_101] : memref<10112xi32, #tpu.memory_space<vmem>> -> memref<128xi32, #tpu.memory_space<vmem>>
        %dma_wait3A_103 = tpu.memref_slice %arg3[%add3A_92] : memref<320000xi32, #tpu.memory_space<hbm>> -> memref<128xi32, #tpu.memory_space<hbm>>
        tpu.wait_dma2 semaphore(%run_scoped3A : memref<!tpu.dma_semaphore, #tpu.memory_space<semaphore_mem>>) src(%dma_wait3A_103 : memref<128xi32, #tpu.memory_space<hbm>>) dst(%dma_wait3A_102 : memref<128xi32, #tpu.memory_space<vmem>>)
        tpu.yield
      }) : () -> ()
      "tpu.region"() ({
        %run_scoped3A = tpu.sem_alloc : memref<!tpu.dma_semaphore, #tpu.memory_space<semaphore_mem>>
        %dma_start3A = arith.constant 9984 : i32
        %dma_start3A_93 = tpu.memref_slice %arg9[%dma_start3A] : memref<10112xi32, #tpu.memory_space<vmem>> -> memref<128xi32, #tpu.memory_space<vmem>>
        %dma_start3A_94 = tpu.memref_slice %arg4[%add3A_92] : memref<320000xi32, #tpu.memory_space<hbm>> -> memref<128xi32, #tpu.memory_space<hbm>>
        %dma_start3A_95 = arith.constant 9984 : i32
        %dma_start3A_96 = tpu.memref_slice %arg9[%dma_start3A_95] : memref<10112xi32, #tpu.memory_space<vmem>> -> memref<128xi32, #tpu.memory_space<vmem>>
        %dma_start3A_97 = tpu.memref_slice %arg4[%add3A_92] : memref<320000xi32, #tpu.memory_space<hbm>> -> memref<128xi32, #tpu.memory_space<hbm>>
        tpu.enqueue_dma source(%dma_start3A_97 : memref<128xi32, #tpu.memory_space<hbm>>) target(%dma_start3A_96 : memref<128xi32, #tpu.memory_space<vmem>>) target_semaphore(%run_scoped3A : memref<!tpu.dma_semaphore, #tpu.memory_space<semaphore_mem>>)
        %dma_wait3A_98 = arith.constant 9984 : i32
        %dma_wait3A_99 = tpu.memref_slice %arg9[%dma_wait3A_98] : memref<10112xi32, #tpu.memory_space<vmem>> -> memref<128xi32, #tpu.memory_space<vmem>>
        %dma_wait3A_100 = tpu.memref_slice %arg4[%add3A_92] : memref<320000xi32, #tpu.memory_space<hbm>> -> memref<128xi32, #tpu.memory_space<hbm>>
        %dma_wait3A_101 = arith.constant 9984 : i32
        %dma_wait3A_102 = tpu.memref_slice %arg9[%dma_wait3A_101] : memref<10112xi32, #tpu.memory_space<vmem>> -> memref<128xi32, #tpu.memory_space<vmem>>
        %dma_wait3A_103 = tpu.memref_slice %arg4[%add3A_92] : memref<320000xi32, #tpu.memory_space<hbm>> -> memref<128xi32, #tpu.memory_space<hbm>>
        tpu.wait_dma2 semaphore(%run_scoped3A : memref<!tpu.dma_semaphore, #tpu.memory_space<semaphore_mem>>) src(%dma_wait3A_103 : memref<128xi32, #tpu.memory_space<hbm>>) dst(%dma_wait3A_102 : memref<128xi32, #tpu.memory_space<vmem>>)
        tpu.yield
      }) : () -> ()
      "tpu.region"() ({
        %run_scoped3A = tpu.sem_alloc : memref<!tpu.dma_semaphore, #tpu.memory_space<semaphore_mem>>
        %dma_start3A = arith.constant 9984 : i32
        %dma_start3A_93 = tpu.memref_slice %arg10[%dma_start3A] : memref<10112xf32, #tpu.memory_space<vmem>> -> memref<128xf32, #tpu.memory_space<vmem>>
        %dma_start3A_94 = tpu.memref_slice %arg5[%add3A_92] : memref<320000xf32, #tpu.memory_space<hbm>> -> memref<128xf32, #tpu.memory_space<hbm>>
        %dma_start3A_95 = arith.constant 9984 : i32
        %dma_start3A_96 = tpu.memref_slice %arg10[%dma_start3A_95] : memref<10112xf32, #tpu.memory_space<vmem>> -> memref<128xf32, #tpu.memory_space<vmem>>
        %dma_start3A_97 = tpu.memref_slice %arg5[%add3A_92] : memref<320000xf32, #tpu.memory_space<hbm>> -> memref<128xf32, #tpu.memory_space<hbm>>
        tpu.enqueue_dma source(%dma_start3A_97 : memref<128xf32, #tpu.memory_space<hbm>>) target(%dma_start3A_96 : memref<128xf32, #tpu.memory_space<vmem>>) target_semaphore(%run_scoped3A : memref<!tpu.dma_semaphore, #tpu.memory_space<semaphore_mem>>)
        %dma_wait3A_98 = arith.constant 9984 : i32
        %dma_wait3A_99 = tpu.memref_slice %arg10[%dma_wait3A_98] : memref<10112xf32, #tpu.memory_space<vmem>> -> memref<128xf32, #tpu.memory_space<vmem>>
        %dma_wait3A_100 = tpu.memref_slice %arg5[%add3A_92] : memref<320000xf32, #tpu.memory_space<hbm>> -> memref<128xf32, #tpu.memory_space<hbm>>
        %dma_wait3A_101 = arith.constant 9984 : i32
        %dma_wait3A_102 = tpu.memref_slice %arg10[%dma_wait3A_101] : memref<10112xf32, #tpu.memory_space<vmem>> -> memref<128xf32, #tpu.memory_space<vmem>>
        %dma_wait3A_103 = tpu.memref_slice %arg5[%add3A_92] : memref<320000xf32, #tpu.memory_space<hbm>> -> memref<128xf32, #tpu.memory_space<hbm>>
        tpu.wait_dma2 semaphore(%run_scoped3A : memref<!tpu.dma_semaphore, #tpu.memory_space<semaphore_mem>>) src(%dma_wait3A_103 : memref<128xf32, #tpu.memory_space<hbm>>) dst(%dma_wait3A_102 : memref<128xf32, #tpu.memory_space<vmem>>)
        tpu.yield
      }) : () -> ()
    } else {
    }
    %scan3A_33 = arith.constant 0 : i32
    %scan3A_34 = arith.constant 40 : i32
    %scan3A_35 = arith.addi %scan3A_33, %scan3A_34 : i32
    %scan3A_36 = arith.constant 1 : i32
    scf.for %scan3A_91 = %scan3A_33 to %scan3A_35 step %scan3A_36  : i32 {
      %mul3A_92 = arith.constant 2 : i32
      %mul3A_93 = arith.muli %scan3A_91, %mul3A_92 : i32
      %add3A_94 = arith.constant 0 : i32
      %add3A_95 = arith.addi %mul3A_93, %add3A_94 : i32
      %lt3A_96 = arith.cmpi slt, %add3A_95, %add3A_29 : i32
      %convert_element_type3A_97 = arith.extui %lt3A_96 : i1 to i32
      %cond3A_98 = arith.constant 0 : i32
      %cond3A_99 = arith.cmpi ne, %convert_element_type3A_97, %cond3A_98 : i32
      scf.if %cond3A_99 {
        %ge3A = arith.constant 2 : i32
        %ge3A_108 = arith.cmpi sge, %add3A_95, %ge3A : i32
        %convert_element_type3A_109 = arith.extui %ge3A_108 : i1 to i32
        %cond3A_110 = arith.constant 0 : i32
        %cond3A_111 = arith.cmpi ne, %convert_element_type3A_109, %cond3A_110 : i32
        scf.if %cond3A_111 {
          %dma_wait3A_511 = arith.constant 0 : i32
          %dma_wait3A_512 = arith.constant 0 : i32
          %dma_wait3A_513 = tpu.memref_slice %arg18[%dma_wait3A_511, %dma_wait3A_512] : memref<10000x16xf32, #tpu.memory_space<vmem_shared>> -> memref<10000x16xf32, #tpu.memory_space<vmem_shared>>
          tpu.wait_indirect_dma semaphore(%arg19 : memref<!tpu.dma_semaphore, #tpu.memory_space<semaphore_mem>>) src(%arg11 : memref<128x16xf32, #tpu.memory_space<vmem>>) dst(%dma_wait3A_513 : memref<10000x16xf32, #tpu.memory_space<vmem_shared>>)
        } else {
        }
        %mul3A_112 = arith.constant 128 : i32
        %mul3A_113 = arith.muli %add3A_95, %mul3A_112 : i32
        %add3A_114 = arith.constant 0 : i32
        %add3A_115 = arith.addi %mul3A_113, %add3A_114 : i32
        %get3A = arith.index_cast %add3A_115 : i32 to index
        %get3A_116 = tpu.vector_load %arg8[%get3A] {strides = array<i32>} : memref<10112xi32, #tpu.memory_space<vmem>>, vector<16xi32>,
        %mul3A_117 = arith.constant 4 : i32
        %mul3A_118 = vector.broadcast %mul3A_117 : i32 to vector<16xi32>
        %mul3A_119 = arith.muli %get3A_116, %mul3A_118 : vector<16xi32>
        %get3A_120 = arith.index_cast %add3A_115 : i32 to index
        %get3A_121 = tpu.vector_load %arg10[%get3A_120] {strides = array<i32>} : memref<10112xf32, #tpu.memory_space<vmem>>, vector<16xf32>,
        %add3A_122 = arith.constant 0 : i32
        %add3A_123 = vector.broadcast %add3A_122 : i32 to vector<16xi32>
        %add3A_124 = arith.addi %iota3A, %add3A_123 : vector<16xi32>
        %add3A_125 = arith.constant 0 : i32
        %add3A_126 = vector.broadcast %add3A_125 : i32 to vector<16xi32>
        %add3A_127 = arith.addi %mul3A_119, %add3A_126 : vector<16xi32>
        %gather3A = tpu.vector_load_idx %arg7[%add3A_127] : memref<40000xf32, #tpu.memory_space<vmem>>[vector<16xi32>], vector<16xf32>,
        %broadcast_in_dim3A_128 = arith.constant 0 : i32
        %broadcast_in_dim3A_129 = vector.broadcast %broadcast_in_dim3A_128 : i32 to vector<16xi32>
        %mul3A_130 = arith.mulf %gather3A, %get3A_121 : vector<16xf32>
        tpu.vector_store_idx %arg11[%add3A_124, %broadcast_in_dim3A_129], %mul3A_130 : memref<128x16xf32, #tpu.memory_space<vmem>>[vector<16xi32>, vector<16xi32>], vector<16xf32>,
        %add3A_131 = arith.constant 1 : i32
        %add3A_132 = vector.broadcast %add3A_131 : i32 to vector<16xi32>
        %add3A_133 = arith.addi %mul3A_119, %add3A_132 : vector<16xi32>
        %gather3A_134 = tpu.vector_load_idx %arg7[%add3A_133] : memref<40000xf32, #tpu.memory_space<vmem>>[vector<16xi32>], vector<16xf32>,
        %broadcast_in_dim3A_135 = arith.constant 1 : i32
        %broadcast_in_dim3A_136 = vector.broadcast %broadcast_in_dim3A_135 : i32 to vector<16xi32>
        %mul3A_137 = arith.mulf %gather3A_134, %get3A_121 : vector<16xf32>
        tpu.vector_store_idx %arg11[%add3A_124, %broadcast_in_dim3A_136], %mul3A_137 : memref<128x16xf32, #tpu.memory_space<vmem>>[vector<16xi32>, vector<16xi32>], vector<16xf32>,
        %add3A_138 = arith.constant 2 : i32
        %add3A_139 = vector.broadcast %add3A_138 : i32 to vector<16xi32>
        %add3A_140 = arith.addi %mul3A_119, %add3A_139 : vector<16xi32>
        %gather3A_141 = tpu.vector_load_idx %arg7[%add3A_140] : memref<40000xf32, #tpu.memory_space<vmem>>[vector<16xi32>], vector<16xf32>,
        %broadcast_in_dim3A_142 = arith.constant 2 : i32
        %broadcast_in_dim3A_143 = vector.broadcast %broadcast_in_dim3A_142 : i32 to vector<16xi32>
        %mul3A_144 = arith.mulf %gather3A_141, %get3A_121 : vector<16xf32>
        tpu.vector_store_idx %arg11[%add3A_124, %broadcast_in_dim3A_143], %mul3A_144 : memref<128x16xf32, #tpu.memory_space<vmem>>[vector<16xi32>, vector<16xi32>], vector<16xf32>,
        %add3A_145 = arith.constant 3 : i32
        %add3A_146 = vector.broadcast %add3A_145 : i32 to vector<16xi32>
        %add3A_147 = arith.addi %mul3A_119, %add3A_146 : vector<16xi32>
        %gather3A_148 = tpu.vector_load_idx %arg7[%add3A_147] : memref<40000xf32, #tpu.memory_space<vmem>>[vector<16xi32>], vector<16xf32>,
        %broadcast_in_dim3A_149 = arith.constant 3 : i32
        %broadcast_in_dim3A_150 = vector.broadcast %broadcast_in_dim3A_149 : i32 to vector<16xi32>
        %mul3A_151 = arith.mulf %gather3A_148, %get3A_121 : vector<16xf32>
        tpu.vector_store_idx %arg11[%add3A_124, %broadcast_in_dim3A_150], %mul3A_151 : memref<128x16xf32, #tpu.memory_space<vmem>>[vector<16xi32>, vector<16xi32>], vector<16xf32>,
        %mul3A_152 = arith.constant 128 : i32
        %mul3A_153 = arith.muli %add3A_95, %mul3A_152 : i32
        %add3A_154 = arith.constant 16 : i32
        %add3A_155 = arith.addi %mul3A_153, %add3A_154 : i32
        %get3A_156 = arith.index_cast %add3A_155 : i32 to index
        %get3A_157 = tpu.vector_load %arg8[%get3A_156] {strides = array<i32>} : memref<10112xi32, #tpu.memory_space<vmem>>, vector<16xi32>,
        %mul3A_158 = arith.constant 4 : i32
        %mul3A_159 = vector.broadcast %mul3A_158 : i32 to vector<16xi32>
        %mul3A_160 = arith.muli %get3A_157, %mul3A_159 : vector<16xi32>
        %get3A_161 = arith.index_cast %add3A_155 : i32 to index
        %get3A_162 = tpu.vector_load %arg10[%get3A_161] {strides = array<i32>} : memref<10112xf32, #tpu.memory_space<vmem>>, vector<16xf32>,
        %add3A_163 = arith.constant 16 : i32
        %add3A_164 = vector.broadcast %add3A_163 : i32 to vector<16xi32>
        %add3A_165 = arith.addi %iota3A, %add3A_164 : vector<16xi32>
        %add3A_166 = arith.constant 0 : i32
        %add3A_167 = vector.broadcast %add3A_166 : i32 to vector<16xi32>
        %add3A_168 = arith.addi %mul3A_160, %add3A_167 : vector<16xi32>
        %gather3A_169 = tpu.vector_load_idx %arg7[%add3A_168] : memref<40000xf32, #tpu.memory_space<vmem>>[vector<16xi32>], vector<16xf32>,
        %broadcast_in_dim3A_170 = arith.constant 0 : i32
        %broadcast_in_dim3A_171 = vector.broadcast %broadcast_in_dim3A_170 : i32 to vector<16xi32>
        %mul3A_172 = arith.mulf %gather3A_169, %get3A_162 : vector<16xf32>
        tpu.vector_store_idx %arg11[%add3A_165, %broadcast_in_dim3A_171], %mul3A_172 : memref<128x16xf32, #tpu.memory_space<vmem>>[vector<16xi32>, vector<16xi32>], vector<16xf32>,
        %add3A_173 = arith.constant 1 : i32
        %add3A_174 = vector.broadcast %add3A_173 : i32 to vector<16xi32>
        %add3A_175 = arith.addi %mul3A_160, %add3A_174 : vector<16xi32>
        %gather3A_176 = tpu.vector_load_idx %arg7[%add3A_175] : memref<40000xf32, #tpu.memory_space<vmem>>[vector<16xi32>], vector<16xf32>,
        %broadcast_in_dim3A_177 = arith.constant 1 : i32
        %broadcast_in_dim3A_178 = vector.broadcast %broadcast_in_dim3A_177 : i32 to vector<16xi32>
        %mul3A_179 = arith.mulf %gather3A_176, %get3A_162 : vector<16xf32>
        tpu.vector_store_idx %arg11[%add3A_165, %broadcast_in_dim3A_178], %mul3A_179 : memref<128x16xf32, #tpu.memory_space<vmem>>[vector<16xi32>, vector<16xi32>], vector<16xf32>,
        %add3A_180 = arith.constant 2 : i32
        %add3A_181 = vector.broadcast %add3A_180 : i32 to vector<16xi32>
        %add3A_182 = arith.addi %mul3A_160, %add3A_181 : vector<16xi32>
        %gather3A_183 = tpu.vector_load_idx %arg7[%add3A_182] : memref<40000xf32, #tpu.memory_space<vmem>>[vector<16xi32>], vector<16xf32>,
        %broadcast_in_dim3A_184 = arith.constant 2 : i32
        %broadcast_in_dim3A_185 = vector.broadcast %broadcast_in_dim3A_184 : i32 to vector<16xi32>
        %mul3A_186 = arith.mulf %gather3A_183, %get3A_162 : vector<16xf32>
        tpu.vector_store_idx %arg11[%add3A_165, %broadcast_in_dim3A_185], %mul3A_186 : memref<128x16xf32, #tpu.memory_space<vmem>>[vector<16xi32>, vector<16xi32>], vector<16xf32>,
        %add3A_187 = arith.constant 3 : i32
        %add3A_188 = vector.broadcast %add3A_187 : i32 to vector<16xi32>
        %add3A_189 = arith.addi %mul3A_160, %add3A_188 : vector<16xi32>
        %gather3A_190 = tpu.vector_load_idx %arg7[%add3A_189] : memref<40000xf32, #tpu.memory_space<vmem>>[vector<16xi32>], vector<16xf32>,
        %broadcast_in_dim3A_191 = arith.constant 3 : i32
        %broadcast_in_dim3A_192 = vector.broadcast %broadcast_in_dim3A_191 : i32 to vector<16xi32>
        %mul3A_193 = arith.mulf %gather3A_190, %get3A_162 : vector<16xf32>
        tpu.vector_store_idx %arg11[%add3A_165, %broadcast_in_dim3A_192], %mul3A_193 : memref<128x16xf32, #tpu.memory_space<vmem>>[vector<16xi32>, vector<16xi32>], vector<16xf32>,
        %mul3A_194 = arith.constant 128 : i32
        %mul3A_195 = arith.muli %add3A_95, %mul3A_194 : i32
        %add3A_196 = arith.constant 32 : i32
        %add3A_197 = arith.addi %mul3A_195, %add3A_196 : i32
        %get3A_198 = arith.index_cast %add3A_197 : i32 to index
        %get3A_199 = tpu.vector_load %arg8[%get3A_198] {strides = array<i32>} : memref<10112xi32, #tpu.memory_space<vmem>>, vector<16xi32>,
        %mul3A_200 = arith.constant 4 : i32
        %mul3A_201 = vector.broadcast %mul3A_200 : i32 to vector<16xi32>
        %mul3A_202 = arith.muli %get3A_199, %mul3A_201 : vector<16xi32>
        %get3A_203 = arith.index_cast %add3A_197 : i32 to index
        %get3A_204 = tpu.vector_load %arg10[%get3A_203] {strides = array<i32>} : memref<10112xf32, #tpu.memory_space<vmem>>, vector<16xf32>,
        %add3A_205 = arith.constant 32 : i32
        %add3A_206 = vector.broadcast %add3A_205 : i32 to vector<16xi32>
        %add3A_207 = arith.addi %iota3A, %add3A_206 : vector<16xi32>
        %add3A_208 = arith.constant 0 : i32
        %add3A_209 = vector.broadcast %add3A_208 : i32 to vector<16xi32>
        %add3A_210 = arith.addi %mul3A_202, %add3A_209 : vector<16xi32>
        %gather3A_211 = tpu.vector_load_idx %arg7[%add3A_210] : memref<40000xf32, #tpu.memory_space<vmem>>[vector<16xi32>], vector<16xf32>,
        %broadcast_in_dim3A_212 = arith.constant 0 : i32
        %broadcast_in_dim3A_213 = vector.broadcast %broadcast_in_dim3A_212 : i32 to vector<16xi32>
        %mul3A_214 = arith.mulf %gather3A_211, %get3A_204 : vector<16xf32>
        tpu.vector_store_idx %arg11[%add3A_207, %broadcast_in_dim3A_213], %mul3A_214 : memref<128x16xf32, #tpu.memory_space<vmem>>[vector<16xi32>, vector<16xi32>], vector<16xf32>,
        %add3A_215 = arith.constant 1 : i32
        %add3A_216 = vector.broadcast %add3A_215 : i32 to vector<16xi32>
        %add3A_217 = arith.addi %mul3A_202, %add3A_216 : vector<16xi32>
        %gather3A_218 = tpu.vector_load_idx %arg7[%add3A_217] : memref<40000xf32, #tpu.memory_space<vmem>>[vector<16xi32>], vector<16xf32>,
        %broadcast_in_dim3A_219 = arith.constant 1 : i32
        %broadcast_in_dim3A_220 = vector.broadcast %broadcast_in_dim3A_219 : i32 to vector<16xi32>
        %mul3A_221 = arith.mulf %gather3A_218, %get3A_204 : vector<16xf32>
        tpu.vector_store_idx %arg11[%add3A_207, %broadcast_in_dim3A_220], %mul3A_221 : memref<128x16xf32, #tpu.memory_space<vmem>>[vector<16xi32>, vector<16xi32>], vector<16xf32>,
        %add3A_222 = arith.constant 2 : i32
        %add3A_223 = vector.broadcast %add3A_222 : i32 to vector<16xi32>
        %add3A_224 = arith.addi %mul3A_202, %add3A_223 : vector<16xi32>
        %gather3A_225 = tpu.vector_load_idx %arg7[%add3A_224] : memref<40000xf32, #tpu.memory_space<vmem>>[vector<16xi32>], vector<16xf32>,
        %broadcast_in_dim3A_226 = arith.constant 2 : i32
        %broadcast_in_dim3A_227 = vector.broadcast %broadcast_in_dim3A_226 : i32 to vector<16xi32>
        %mul3A_228 = arith.mulf %gather3A_225, %get3A_204 : vector<16xf32>
        tpu.vector_store_idx %arg11[%add3A_207, %broadcast_in_dim3A_227], %mul3A_228 : memref<128x16xf32, #tpu.memory_space<vmem>>[vector<16xi32>, vector<16xi32>], vector<16xf32>,
        %add3A_229 = arith.constant 3 : i32
        %add3A_230 = vector.broadcast %add3A_229 : i32 to vector<16xi32>
        %add3A_231 = arith.addi %mul3A_202, %add3A_230 : vector<16xi32>
        %gather3A_232 = tpu.vector_load_idx %arg7[%add3A_231] : memref<40000xf32, #tpu.memory_space<vmem>>[vector<16xi32>], vector<16xf32>,
        %broadcast_in_dim3A_233 = arith.constant 3 : i32
        %broadcast_in_dim3A_234 = vector.broadcast %broadcast_in_dim3A_233 : i32 to vector<16xi32>
        %mul3A_235 = arith.mulf %gather3A_232, %get3A_204 : vector<16xf32>
        tpu.vector_store_idx %arg11[%add3A_207, %broadcast_in_dim3A_234], %mul3A_235 : memref<128x16xf32, #tpu.memory_space<vmem>>[vector<16xi32>, vector<16xi32>], vector<16xf32>,
        %mul3A_236 = arith.constant 128 : i32
        %mul3A_237 = arith.muli %add3A_95, %mul3A_236 : i32
        %add3A_238 = arith.constant 48 : i32
        %add3A_239 = arith.addi %mul3A_237, %add3A_238 : i32
        %get3A_240 = arith.index_cast %add3A_239 : i32 to index
        %get3A_241 = tpu.vector_load %arg8[%get3A_240] {strides = array<i32>} : memref<10112xi32, #tpu.memory_space<vmem>>, vector<16xi32>,
        %mul3A_242 = arith.constant 4 : i32
        %mul3A_243 = vector.broadcast %mul3A_242 : i32 to vector<16xi32>
        %mul3A_244 = arith.muli %get3A_241, %mul3A_243 : vector<16xi32>
        %get3A_245 = arith.index_cast %add3A_239 : i32 to index
        %get3A_246 = tpu.vector_load %arg10[%get3A_245] {strides = array<i32>} : memref<10112xf32, #tpu.memory_space<vmem>>, vector<16xf32>,
        %add3A_247 = arith.constant 48 : i32
        %add3A_248 = vector.broadcast %add3A_247 : i32 to vector<16xi32>
        %add3A_249 = arith.addi %iota3A, %add3A_248 : vector<16xi32>
        %add3A_250 = arith.constant 0 : i32
        %add3A_251 = vector.broadcast %add3A_250 : i32 to vector<16xi32>
        %add3A_252 = arith.addi %mul3A_244, %add3A_251 : vector<16xi32>
        %gather3A_253 = tpu.vector_load_idx %arg7[%add3A_252] : memref<40000xf32, #tpu.memory_space<vmem>>[vector<16xi32>], vector<16xf32>,
        %broadcast_in_dim3A_254 = arith.constant 0 : i32
        %broadcast_in_dim3A_255 = vector.broadcast %broadcast_in_dim3A_254 : i32 to vector<16xi32>
        %mul3A_256 = arith.mulf %gather3A_253, %get3A_246 : vector<16xf32>
        tpu.vector_store_idx %arg11[%add3A_249, %broadcast_in_dim3A_255], %mul3A_256 : memref<128x16xf32, #tpu.memory_space<vmem>>[vector<16xi32>, vector<16xi32>], vector<16xf32>,
        %add3A_257 = arith.constant 1 : i32
        %add3A_258 = vector.broadcast %add3A_257 : i32 to vector<16xi32>
        %add3A_259 = arith.addi %mul3A_244, %add3A_258 : vector<16xi32>
        %gather3A_260 = tpu.vector_load_idx %arg7[%add3A_259] : memref<40000xf32, #tpu.memory_space<vmem>>[vector<16xi32>], vector<16xf32>,
        %broadcast_in_dim3A_261 = arith.constant 1 : i32
        %broadcast_in_dim3A_262 = vector.broadcast %broadcast_in_dim3A_261 : i32 to vector<16xi32>
        %mul3A_263 = arith.mulf %gather3A_260, %get3A_246 : vector<16xf32>
        tpu.vector_store_idx %arg11[%add3A_249, %broadcast_in_dim3A_262], %mul3A_263 : memref<128x16xf32, #tpu.memory_space<vmem>>[vector<16xi32>, vector<16xi32>], vector<16xf32>,
        %add3A_264 = arith.constant 2 : i32
        %add3A_265 = vector.broadcast %add3A_264 : i32 to vector<16xi32>
        %add3A_266 = arith.addi %mul3A_244, %add3A_265 : vector<16xi32>
        %gather3A_267 = tpu.vector_load_idx %arg7[%add3A_266] : memref<40000xf32, #tpu.memory_space<vmem>>[vector<16xi32>], vector<16xf32>,
        %broadcast_in_dim3A_268 = arith.constant 2 : i32
        %broadcast_in_dim3A_269 = vector.broadcast %broadcast_in_dim3A_268 : i32 to vector<16xi32>
        %mul3A_270 = arith.mulf %gather3A_267, %get3A_246 : vector<16xf32>
        tpu.vector_store_idx %arg11[%add3A_249, %broadcast_in_dim3A_269], %mul3A_270 : memref<128x16xf32, #tpu.memory_space<vmem>>[vector<16xi32>, vector<16xi32>], vector<16xf32>,
        %add3A_271 = arith.constant 3 : i32
        %add3A_272 = vector.broadcast %add3A_271 : i32 to vector<16xi32>
        %add3A_273 = arith.addi %mul3A_244, %add3A_272 : vector<16xi32>
        %gather3A_274 = tpu.vector_load_idx %arg7[%add3A_273] : memref<40000xf32, #tpu.memory_space<vmem>>[vector<16xi32>], vector<16xf32>,
        %broadcast_in_dim3A_275 = arith.constant 3 : i32
        %broadcast_in_dim3A_276 = vector.broadcast %broadcast_in_dim3A_275 : i32 to vector<16xi32>
        %mul3A_277 = arith.mulf %gather3A_274, %get3A_246 : vector<16xf32>
        tpu.vector_store_idx %arg11[%add3A_249, %broadcast_in_dim3A_276], %mul3A_277 : memref<128x16xf32, #tpu.memory_space<vmem>>[vector<16xi32>, vector<16xi32>], vector<16xf32>,
        %mul3A_278 = arith.constant 128 : i32
        %mul3A_279 = arith.muli %add3A_95, %mul3A_278 : i32
        %add3A_280 = arith.constant 64 : i32
        %add3A_281 = arith.addi %mul3A_279, %add3A_280 : i32
        %get3A_282 = arith.index_cast %add3A_281 : i32 to index
        %get3A_283 = tpu.vector_load %arg8[%get3A_282] {strides = array<i32>} : memref<10112xi32, #tpu.memory_space<vmem>>, vector<16xi32>,
        %mul3A_284 = arith.constant 4 : i32
        %mul3A_285 = vector.broadcast %mul3A_284 : i32 to vector<16xi32>
        %mul3A_286 = arith.muli %get3A_283, %mul3A_285 : vector<16xi32>
        %get3A_287 = arith.index_cast %add3A_281 : i32 to index
        %get3A_288 = tpu.vector_load %arg10[%get3A_287] {strides = array<i32>} : memref<10112xf32, #tpu.memory_space<vmem>>, vector<16xf32>,
        %add3A_289 = arith.constant 64 : i32
        %add3A_290 = vector.broadcast %add3A_289 : i32 to vector<16xi32>
        %add3A_291 = arith.addi %iota3A, %add3A_290 : vector<16xi32>
        %add3A_292 = arith.constant 0 : i32
        %add3A_293 = vector.broadcast %add3A_292 : i32 to vector<16xi32>
        %add3A_294 = arith.addi %mul3A_286, %add3A_293 : vector<16xi32>
        %gather3A_295 = tpu.vector_load_idx %arg7[%add3A_294] : memref<40000xf32, #tpu.memory_space<vmem>>[vector<16xi32>], vector<16xf32>,
        %broadcast_in_dim3A_296 = arith.constant 0 : i32
        %broadcast_in_dim3A_297 = vector.broadcast %broadcast_in_dim3A_296 : i32 to vector<16xi32>
        %mul3A_298 = arith.mulf %gather3A_295, %get3A_288 : vector<16xf32>
        tpu.vector_store_idx %arg11[%add3A_291, %broadcast_in_dim3A_297], %mul3A_298 : memref<128x16xf32, #tpu.memory_space<vmem>>[vector<16xi32>, vector<16xi32>], vector<16xf32>,
        %add3A_299 = arith.constant 1 : i32
        %add3A_300 = vector.broadcast %add3A_299 : i32 to vector<16xi32>
        %add3A_301 = arith.addi %mul3A_286, %add3A_300 : vector<16xi32>
        %gather3A_302 = tpu.vector_load_idx %arg7[%add3A_301] : memref<40000xf32, #tpu.memory_space<vmem>>[vector<16xi32>], vector<16xf32>,
        %broadcast_in_dim3A_303 = arith.constant 1 : i32
        %broadcast_in_dim3A_304 = vector.broadcast %broadcast_in_dim3A_303 : i32 to vector<16xi32>
        %mul3A_305 = arith.mulf %gather3A_302, %get3A_288 : vector<16xf32>
        tpu.vector_store_idx %arg11[%add3A_291, %broadcast_in_dim3A_304], %mul3A_305 : memref<128x16xf32, #tpu.memory_space<vmem>>[vector<16xi32>, vector<16xi32>], vector<16xf32>,
        %add3A_306 = arith.constant 2 : i32
        %add3A_307 = vector.broadcast %add3A_306 : i32 to vector<16xi32>
        %add3A_308 = arith.addi %mul3A_286, %add3A_307 : vector<16xi32>
        %gather3A_309 = tpu.vector_load_idx %arg7[%add3A_308] : memref<40000xf32, #tpu.memory_space<vmem>>[vector<16xi32>], vector<16xf32>,
        %broadcast_in_dim3A_310 = arith.constant 2 : i32
        %broadcast_in_dim3A_311 = vector.broadcast %broadcast_in_dim3A_310 : i32 to vector<16xi32>
        %mul3A_312 = arith.mulf %gather3A_309, %get3A_288 : vector<16xf32>
        tpu.vector_store_idx %arg11[%add3A_291, %broadcast_in_dim3A_311], %mul3A_312 : memref<128x16xf32, #tpu.memory_space<vmem>>[vector<16xi32>, vector<16xi32>], vector<16xf32>,
        %add3A_313 = arith.constant 3 : i32
        %add3A_314 = vector.broadcast %add3A_313 : i32 to vector<16xi32>
        %add3A_315 = arith.addi %mul3A_286, %add3A_314 : vector<16xi32>
        %gather3A_316 = tpu.vector_load_idx %arg7[%add3A_315] : memref<40000xf32, #tpu.memory_space<vmem>>[vector<16xi32>], vector<16xf32>,
        %broadcast_in_dim3A_317 = arith.constant 3 : i32
        %broadcast_in_dim3A_318 = vector.broadcast %broadcast_in_dim3A_317 : i32 to vector<16xi32>
        %mul3A_319 = arith.mulf %gather3A_316, %get3A_288 : vector<16xf32>
        tpu.vector_store_idx %arg11[%add3A_291, %broadcast_in_dim3A_318], %mul3A_319 : memref<128x16xf32, #tpu.memory_space<vmem>>[vector<16xi32>, vector<16xi32>], vector<16xf32>,
        %mul3A_320 = arith.constant 128 : i32
        %mul3A_321 = arith.muli %add3A_95, %mul3A_320 : i32
        %add3A_322 = arith.constant 80 : i32
        %add3A_323 = arith.addi %mul3A_321, %add3A_322 : i32
        %get3A_324 = arith.index_cast %add3A_323 : i32 to index
        %get3A_325 = tpu.vector_load %arg8[%get3A_324] {strides = array<i32>} : memref<10112xi32, #tpu.memory_space<vmem>>, vector<16xi32>,
        %mul3A_326 = arith.constant 4 : i32
        %mul3A_327 = vector.broadcast %mul3A_326 : i32 to vector<16xi32>
        %mul3A_328 = arith.muli %get3A_325, %mul3A_327 : vector<16xi32>
        %get3A_329 = arith.index_cast %add3A_323 : i32 to index
        %get3A_330 = tpu.vector_load %arg10[%get3A_329] {strides = array<i32>} : memref<10112xf32, #tpu.memory_space<vmem>>, vector<16xf32>,
        %add3A_331 = arith.constant 80 : i32
        %add3A_332 = vector.broadcast %add3A_331 : i32 to vector<16xi32>
        %add3A_333 = arith.addi %iota3A, %add3A_332 : vector<16xi32>
        %add3A_334 = arith.constant 0 : i32
        %add3A_335 = vector.broadcast %add3A_334 : i32 to vector<16xi32>
        %add3A_336 = arith.addi %mul3A_328, %add3A_335 : vector<16xi32>
        %gather3A_337 = tpu.vector_load_idx %arg7[%add3A_336] : memref<40000xf32, #tpu.memory_space<vmem>>[vector<16xi32>], vector<16xf32>,
        %broadcast_in_dim3A_338 = arith.constant 0 : i32
        %broadcast_in_dim3A_339 = vector.broadcast %broadcast_in_dim3A_338 : i32 to vector<16xi32>
        %mul3A_340 = arith.mulf %gather3A_337, %get3A_330 : vector<16xf32>
        tpu.vector_store_idx %arg11[%add3A_333, %broadcast_in_dim3A_339], %mul3A_340 : memref<128x16xf32, #tpu.memory_space<vmem>>[vector<16xi32>, vector<16xi32>], vector<16xf32>,
        %add3A_341 = arith.constant 1 : i32
        %add3A_342 = vector.broadcast %add3A_341 : i32 to vector<16xi32>
        %add3A_343 = arith.addi %mul3A_328, %add3A_342 : vector<16xi32>
        %gather3A_344 = tpu.vector_load_idx %arg7[%add3A_343] : memref<40000xf32, #tpu.memory_space<vmem>>[vector<16xi32>], vector<16xf32>,
        %broadcast_in_dim3A_345 = arith.constant 1 : i32
        %broadcast_in_dim3A_346 = vector.broadcast %broadcast_in_dim3A_345 : i32 to vector<16xi32>
        %mul3A_347 = arith.mulf %gather3A_344, %get3A_330 : vector<16xf32>
        tpu.vector_store_idx %arg11[%add3A_333, %broadcast_in_dim3A_346], %mul3A_347 : memref<128x16xf32, #tpu.memory_space<vmem>>[vector<16xi32>, vector<16xi32>], vector<16xf32>,
        %add3A_348 = arith.constant 2 : i32
        %add3A_349 = vector.broadcast %add3A_348 : i32 to vector<16xi32>
        %add3A_350 = arith.addi %mul3A_328, %add3A_349 : vector<16xi32>
        %gather3A_351 = tpu.vector_load_idx %arg7[%add3A_350] : memref<40000xf32, #tpu.memory_space<vmem>>[vector<16xi32>], vector<16xf32>,
        %broadcast_in_dim3A_352 = arith.constant 2 : i32
        %broadcast_in_dim3A_353 = vector.broadcast %broadcast_in_dim3A_352 : i32 to vector<16xi32>
        %mul3A_354 = arith.mulf %gather3A_351, %get3A_330 : vector<16xf32>
        tpu.vector_store_idx %arg11[%add3A_333, %broadcast_in_dim3A_353], %mul3A_354 : memref<128x16xf32, #tpu.memory_space<vmem>>[vector<16xi32>, vector<16xi32>], vector<16xf32>,
        %add3A_355 = arith.constant 3 : i32
        %add3A_356 = vector.broadcast %add3A_355 : i32 to vector<16xi32>
        %add3A_357 = arith.addi %mul3A_328, %add3A_356 : vector<16xi32>
        %gather3A_358 = tpu.vector_load_idx %arg7[%add3A_357] : memref<40000xf32, #tpu.memory_space<vmem>>[vector<16xi32>], vector<16xf32>,
        %broadcast_in_dim3A_359 = arith.constant 3 : i32
        %broadcast_in_dim3A_360 = vector.broadcast %broadcast_in_dim3A_359 : i32 to vector<16xi32>
        %mul3A_361 = arith.mulf %gather3A_358, %get3A_330 : vector<16xf32>
        tpu.vector_store_idx %arg11[%add3A_333, %broadcast_in_dim3A_360], %mul3A_361 : memref<128x16xf32, #tpu.memory_space<vmem>>[vector<16xi32>, vector<16xi32>], vector<16xf32>,
        %mul3A_362 = arith.constant 128 : i32
        %mul3A_363 = arith.muli %add3A_95, %mul3A_362 : i32
        %add3A_364 = arith.constant 96 : i32
        %add3A_365 = arith.addi %mul3A_363, %add3A_364 : i32
        %get3A_366 = arith.index_cast %add3A_365 : i32 to index
        %get3A_367 = tpu.vector_load %arg8[%get3A_366] {strides = array<i32>} : memref<10112xi32, #tpu.memory_space<vmem>>, vector<16xi32>,
        %mul3A_368 = arith.constant 4 : i32
        %mul3A_369 = vector.broadcast %mul3A_368 : i32 to vector<16xi32>
        %mul3A_370 = arith.muli %get3A_367, %mul3A_369 : vector<16xi32>
        %get3A_371 = arith.index_cast %add3A_365 : i32 to index
        %get3A_372 = tpu.vector_load %arg10[%get3A_371] {strides = array<i32>} : memref<10112xf32, #tpu.memory_space<vmem>>, vector<16xf32>,
        %add3A_373 = arith.constant 96 : i32
        %add3A_374 = vector.broadcast %add3A_373 : i32 to vector<16xi32>
        %add3A_375 = arith.addi %iota3A, %add3A_374 : vector<16xi32>
        %add3A_376 = arith.constant 0 : i32
        %add3A_377 = vector.broadcast %add3A_376 : i32 to vector<16xi32>
        %add3A_378 = arith.addi %mul3A_370, %add3A_377 : vector<16xi32>
        %gather3A_379 = tpu.vector_load_idx %arg7[%add3A_378] : memref<40000xf32, #tpu.memory_space<vmem>>[vector<16xi32>], vector<16xf32>,
        %broadcast_in_dim3A_380 = arith.constant 0 : i32
        %broadcast_in_dim3A_381 = vector.broadcast %broadcast_in_dim3A_380 : i32 to vector<16xi32>
        %mul3A_382 = arith.mulf %gather3A_379, %get3A_372 : vector<16xf32>
        tpu.vector_store_idx %arg11[%add3A_375, %broadcast_in_dim3A_381], %mul3A_382 : memref<128x16xf32, #tpu.memory_space<vmem>>[vector<16xi32>, vector<16xi32>], vector<16xf32>,
        %add3A_383 = arith.constant 1 : i32
        %add3A_384 = vector.broadcast %add3A_383 : i32 to vector<16xi32>
        %add3A_385 = arith.addi %mul3A_370, %add3A_384 : vector<16xi32>
        %gather3A_386 = tpu.vector_load_idx %arg7[%add3A_385] : memref<40000xf32, #tpu.memory_space<vmem>>[vector<16xi32>], vector<16xf32>,
        %broadcast_in_dim3A_387 = arith.constant 1 : i32
        %broadcast_in_dim3A_388 = vector.broadcast %broadcast_in_dim3A_387 : i32 to vector<16xi32>
        %mul3A_389 = arith.mulf %gather3A_386, %get3A_372 : vector<16xf32>
        tpu.vector_store_idx %arg11[%add3A_375, %broadcast_in_dim3A_388], %mul3A_389 : memref<128x16xf32, #tpu.memory_space<vmem>>[vector<16xi32>, vector<16xi32>], vector<16xf32>,
        %add3A_390 = arith.constant 2 : i32
        %add3A_391 = vector.broadcast %add3A_390 : i32 to vector<16xi32>
        %add3A_392 = arith.addi %mul3A_370, %add3A_391 : vector<16xi32>
        %gather3A_393 = tpu.vector_load_idx %arg7[%add3A_392] : memref<40000xf32, #tpu.memory_space<vmem>>[vector<16xi32>], vector<16xf32>,
        %broadcast_in_dim3A_394 = arith.constant 2 : i32
        %broadcast_in_dim3A_395 = vector.broadcast %broadcast_in_dim3A_394 : i32 to vector<16xi32>
        %mul3A_396 = arith.mulf %gather3A_393, %get3A_372 : vector<16xf32>
        tpu.vector_store_idx %arg11[%add3A_375, %broadcast_in_dim3A_395], %mul3A_396 : memref<128x16xf32, #tpu.memory_space<vmem>>[vector<16xi32>, vector<16xi32>], vector<16xf32>,
        %add3A_397 = arith.constant 3 : i32
        %add3A_398 = vector.broadcast %add3A_397 : i32 to vector<16xi32>
        %add3A_399 = arith.addi %mul3A_370, %add3A_398 : vector<16xi32>
        %gather3A_400 = tpu.vector_load_idx %arg7[%add3A_399] : memref<40000xf32, #tpu.memory_space<vmem>>[vector<16xi32>], vector<16xf32>,
        %broadcast_in_dim3A_401 = arith.constant 3 : i32
        %broadcast_in_dim3A_402 = vector.broadcast %broadcast_in_dim3A_401 : i32 to vector<16xi32>
        %mul3A_403 = arith.mulf %gather3A_400, %get3A_372 : vector<16xf32>
        tpu.vector_store_idx %arg11[%add3A_375, %broadcast_in_dim3A_402], %mul3A_403 : memref<128x16xf32, #tpu.memory_space<vmem>>[vector<16xi32>, vector<16xi32>], vector<16xf32>,
        %mul3A_404 = arith.constant 128 : i32
        %mul3A_405 = arith.muli %add3A_95, %mul3A_404 : i32
        %add3A_406 = arith.constant 112 : i32
        %add3A_407 = arith.addi %mul3A_405, %add3A_406 : i32
        %get3A_408 = arith.index_cast %add3A_407 : i32 to index
        %get3A_409 = tpu.vector_load %arg8[%get3A_408] {strides = array<i32>} : memref<10112xi32, #tpu.memory_space<vmem>>, vector<16xi32>,
        %mul3A_410 = arith.constant 4 : i32
        %mul3A_411 = vector.broadcast %mul3A_410 : i32 to vector<16xi32>
        %mul3A_412 = arith.muli %get3A_409, %mul3A_411 : vector<16xi32>
        %get3A_413 = arith.index_cast %add3A_407 : i32 to index
        %get3A_414 = tpu.vector_load %arg10[%get3A_413] {strides = array<i32>} : memref<10112xf32, #tpu.memory_space<vmem>>, vector<16xf32>,
        %add3A_415 = arith.constant 112 : i32
        %add3A_416 = vector.broadcast %add3A_415 : i32 to vector<16xi32>
        %add3A_417 = arith.addi %iota3A, %add3A_416 : vector<16xi32>
        %add3A_418 = arith.constant 0 : i32
        %add3A_419 = vector.broadcast %add3A_418 : i32 to vector<16xi32>
        %add3A_420 = arith.addi %mul3A_412, %add3A_419 : vector<16xi32>
        %gather3A_421 = tpu.vector_load_idx %arg7[%add3A_420] : memref<40000xf32, #tpu.memory_space<vmem>>[vector<16xi32>], vector<16xf32>,
        %broadcast_in_dim3A_422 = arith.constant 0 : i32
        %broadcast_in_dim3A_423 = vector.broadcast %broadcast_in_dim3A_422 : i32 to vector<16xi32>
        %mul3A_424 = arith.mulf %gather3A_421, %get3A_414 : vector<16xf32>
        tpu.vector_store_idx %arg11[%add3A_417, %broadcast_in_dim3A_423], %mul3A_424 : memref<128x16xf32, #tpu.memory_space<vmem>>[vector<16xi32>, vector<16xi32>], vector<16xf32>,
        %add3A_425 = arith.constant 1 : i32
        %add3A_426 = vector.broadcast %add3A_425 : i32 to vector<16xi32>
        %add3A_427 = arith.addi %mul3A_412, %add3A_426 : vector<16xi32>
        %gather3A_428 = tpu.vector_load_idx %arg7[%add3A_427] : memref<40000xf32, #tpu.memory_space<vmem>>[vector<16xi32>], vector<16xf32>,
        %broadcast_in_dim3A_429 = arith.constant 1 : i32
        %broadcast_in_dim3A_430 = vector.broadcast %broadcast_in_dim3A_429 : i32 to vector<16xi32>
        %mul3A_431 = arith.mulf %gather3A_428, %get3A_414 : vector<16xf32>
        tpu.vector_store_idx %arg11[%add3A_417, %broadcast_in_dim3A_430], %mul3A_431 : memref<128x16xf32, #tpu.memory_space<vmem>>[vector<16xi32>, vector<16xi32>], vector<16xf32>,
        %add3A_432 = arith.constant 2 : i32
        %add3A_433 = vector.broadcast %add3A_432 : i32 to vector<16xi32>
        %add3A_434 = arith.addi %mul3A_412, %add3A_433 : vector<16xi32>
        %gather3A_435 = tpu.vector_load_idx %arg7[%add3A_434] : memref<40000xf32, #tpu.memory_space<vmem>>[vector<16xi32>], vector<16xf32>,
        %broadcast_in_dim3A_436 = arith.constant 2 : i32
        %broadcast_in_dim3A_437 = vector.broadcast %broadcast_in_dim3A_436 : i32 to vector<16xi32>
        %mul3A_438 = arith.mulf %gather3A_435, %get3A_414 : vector<16xf32>
        tpu.vector_store_idx %arg11[%add3A_417, %broadcast_in_dim3A_437], %mul3A_438 : memref<128x16xf32, #tpu.memory_space<vmem>>[vector<16xi32>, vector<16xi32>], vector<16xf32>,
        %add3A_439 = arith.constant 3 : i32
        %add3A_440 = vector.broadcast %add3A_439 : i32 to vector<16xi32>
        %add3A_441 = arith.addi %mul3A_412, %add3A_440 : vector<16xi32>
        %gather3A_442 = tpu.vector_load_idx %arg7[%add3A_441] : memref<40000xf32, #tpu.memory_space<vmem>>[vector<16xi32>], vector<16xf32>,
        %broadcast_in_dim3A_443 = arith.constant 3 : i32
        %broadcast_in_dim3A_444 = vector.broadcast %broadcast_in_dim3A_443 : i32 to vector<16xi32>
        %mul3A_445 = arith.mulf %gather3A_442, %get3A_414 : vector<16xf32>
        tpu.vector_store_idx %arg11[%add3A_417, %broadcast_in_dim3A_444], %mul3A_445 : memref<128x16xf32, #tpu.memory_space<vmem>>[vector<16xi32>, vector<16xi32>], vector<16xf32>,
        %mul3A_446 = arith.constant 128 : i32
        %mul3A_447 = arith.muli %add3A_95, %mul3A_446 : i32
        %add3A_448 = arith.constant 0 : i32
        %add3A_449 = arith.addi %mul3A_447, %add3A_448 : i32
        %get3A_450 = arith.index_cast %add3A_449 : i32 to index
        %get3A_451 = tpu.vector_load %arg9[%get3A_450] {strides = array<i32>} : memref<10112xi32, #tpu.memory_space<vmem>>, vector<16xi32>,
        %swap3A = arith.constant 0 : index
        %swap3A_452 = tpu.vector_load %arg13[%swap3A] {strides = array<i32>} : memref<128xi32, #tpu.memory_space<vmem>>, vector<16xi32>,
        tpu.vector_store %arg13[%swap3A], %get3A_451 {strides = array<i32>} : memref<128xi32, #tpu.memory_space<vmem>>, vector<16xi32>,
        %mul3A_453 = arith.constant 128 : i32
        %mul3A_454 = arith.muli %add3A_95, %mul3A_453 : i32
        %add3A_455 = arith.constant 16 : i32
        %add3A_456 = arith.addi %mul3A_454, %add3A_455 : i32
        %get3A_457 = arith.index_cast %add3A_456 : i32 to index
        %get3A_458 = tpu.vector_load %arg9[%get3A_457] {strides = array<i32>} : memref<10112xi32, #tpu.memory_space<vmem>>, vector<16xi32>,
        %swap3A_459 = arith.constant 16 : index
        %swap3A_460 = tpu.vector_load %arg13[%swap3A_459] {strides = array<i32>} : memref<128xi32, #tpu.memory_space<vmem>>, vector<16xi32>,
        tpu.vector_store %arg13[%swap3A_459], %get3A_458 {strides = array<i32>} : memref<128xi32, #tpu.memory_space<vmem>>, vector<16xi32>,
        %mul3A_461 = arith.constant 128 : i32
        %mul3A_462 = arith.muli %add3A_95, %mul3A_461 : i32
        %add3A_463 = arith.constant 32 : i32
        %add3A_464 = arith.addi %mul3A_462, %add3A_463 : i32
        %get3A_465 = arith.index_cast %add3A_464 : i32 to index
        %get3A_466 = tpu.vector_load %arg9[%get3A_465] {strides = array<i32>} : memref<10112xi32, #tpu.memory_space<vmem>>, vector<16xi32>,
        %swap3A_467 = arith.constant 32 : index
        %swap3A_468 = tpu.vector_load %arg13[%swap3A_467] {strides = array<i32>} : memref<128xi32, #tpu.memory_space<vmem>>, vector<16xi32>,
        tpu.vector_store %arg13[%swap3A_467], %get3A_466 {strides = array<i32>} : memref<128xi32, #tpu.memory_space<vmem>>, vector<16xi32>,
        %mul3A_469 = arith.constant 128 : i32
        %mul3A_470 = arith.muli %add3A_95, %mul3A_469 : i32
        %add3A_471 = arith.constant 48 : i32
        %add3A_472 = arith.addi %mul3A_470, %add3A_471 : i32
        %get3A_473 = arith.index_cast %add3A_472 : i32 to index
        %get3A_474 = tpu.vector_load %arg9[%get3A_473] {strides = array<i32>} : memref<10112xi32, #tpu.memory_space<vmem>>, vector<16xi32>,
        %swap3A_475 = arith.constant 48 : index
        %swap3A_476 = tpu.vector_load %arg13[%swap3A_475] {strides = array<i32>} : memref<128xi32, #tpu.memory_space<vmem>>, vector<16xi32>,
        tpu.vector_store %arg13[%swap3A_475], %get3A_474 {strides = array<i32>} : memref<128xi32, #tpu.memory_space<vmem>>, vector<16xi32>,
        %mul3A_477 = arith.constant 128 : i32
        %mul3A_478 = arith.muli %add3A_95, %mul3A_477 : i32
        %add3A_479 = arith.constant 64 : i32
        %add3A_480 = arith.addi %mul3A_478, %add3A_479 : i32
        %get3A_481 = arith.index_cast %add3A_480 : i32 to index
        %get3A_482 = tpu.vector_load %arg9[%get3A_481] {strides = array<i32>} : memref<10112xi32, #tpu.memory_space<vmem>>, vector<16xi32>,
        %swap3A_483 = arith.constant 64 : index
        %swap3A_484 = tpu.vector_load %arg13[%swap3A_483] {strides = array<i32>} : memref<128xi32, #tpu.memory_space<vmem>>, vector<16xi32>,
        tpu.vector_store %arg13[%swap3A_483], %get3A_482 {strides = array<i32>} : memref<128xi32, #tpu.memory_space<vmem>>, vector<16xi32>,
        %mul3A_485 = arith.constant 128 : i32
        %mul3A_486 = arith.muli %add3A_95, %mul3A_485 : i32
        %add3A_487 = arith.constant 80 : i32
        %add3A_488 = arith.addi %mul3A_486, %add3A_487 : i32
        %get3A_489 = arith.index_cast %add3A_488 : i32 to index
        %get3A_490 = tpu.vector_load %arg9[%get3A_489] {strides = array<i32>} : memref<10112xi32, #tpu.memory_space<vmem>>, vector<16xi32>,
        %swap3A_491 = arith.constant 80 : index
        %swap3A_492 = tpu.vector_load %arg13[%swap3A_491] {strides = array<i32>} : memref<128xi32, #tpu.memory_space<vmem>>, vector<16xi32>,
        tpu.vector_store %arg13[%swap3A_491], %get3A_490 {strides = array<i32>} : memref<128xi32, #tpu.memory_space<vmem>>, vector<16xi32>,
        %mul3A_493 = arith.constant 128 : i32
        %mul3A_494 = arith.muli %add3A_95, %mul3A_493 : i32
        %add3A_495 = arith.constant 96 : i32
        %add3A_496 = arith.addi %mul3A_494, %add3A_495 : i32
        %get3A_497 = arith.index_cast %add3A_496 : i32 to index
        %get3A_498 = tpu.vector_load %arg9[%get3A_497] {strides = array<i32>} : memref<10112xi32, #tpu.memory_space<vmem>>, vector<16xi32>,
        %swap3A_499 = arith.constant 96 : index
        %swap3A_500 = tpu.vector_load %arg13[%swap3A_499] {strides = array<i32>} : memref<128xi32, #tpu.memory_space<vmem>>, vector<16xi32>,
        tpu.vector_store %arg13[%swap3A_499], %get3A_498 {strides = array<i32>} : memref<128xi32, #tpu.memory_space<vmem>>, vector<16xi32>,
        %mul3A_501 = arith.constant 128 : i32
        %mul3A_502 = arith.muli %add3A_95, %mul3A_501 : i32
        %add3A_503 = arith.constant 112 : i32
        %add3A_504 = arith.addi %mul3A_502, %add3A_503 : i32
        %get3A_505 = arith.index_cast %add3A_504 : i32 to index
        %get3A_506 = tpu.vector_load %arg9[%get3A_505] {strides = array<i32>} : memref<10112xi32, #tpu.memory_space<vmem>>, vector<16xi32>,
        %swap3A_507 = arith.constant 112 : index
        %swap3A_508 = tpu.vector_load %arg13[%swap3A_507] {strides = array<i32>} : memref<128xi32, #tpu.memory_space<vmem>>, vector<16xi32>,
        tpu.vector_store %arg13[%swap3A_507], %get3A_506 {strides = array<i32>} : memref<128xi32, #tpu.memory_space<vmem>>, vector<16xi32>,
        %dma_start3A = arith.constant 0 : i32
        %dma_start3A_509 = arith.constant 0 : i32
        %dma_start3A_510 = tpu.memref_slice %arg18[%dma_start3A, %dma_start3A_509] : memref<10000x16xf32, #tpu.memory_space<vmem_shared>> -> memref<10000x16xf32, #tpu.memory_space<vmem_shared>>
        tpu.enqueue_indirect_dma source(%arg11 : memref<128x16xf32, #tpu.memory_space<vmem>>) target(%dma_start3A_510 : memref<10000x16xf32, #tpu.memory_space<vmem_shared>>) offsets(%arg13 : memref<128xi32, #tpu.memory_space<vmem>>) semaphore(%arg19 : memref<!tpu.dma_semaphore, #tpu.memory_space<semaphore_mem>>) {add = true}
      } else {
      }
      %mul3A_100 = arith.constant 2 : i32
      %mul3A_101 = arith.muli %scan3A_91, %mul3A_100 : i32
      %add3A_102 = arith.constant 1 : i32
      %add3A_103 = arith.addi %mul3A_101, %add3A_102 : i32
      %lt3A_104 = arith.cmpi slt, %add3A_103, %add3A_29 : i32
      %convert_element_type3A_105 = arith.extui %lt3A_104 : i1 to i32
      %cond3A_106 = arith.constant 0 : i32
      %cond3A_107 = arith.cmpi ne, %convert_element_type3A_105, %cond3A_106 : i32
      scf.if %cond3A_107 {
        %ge3A = arith.constant 2 : i32
        %ge3A_108 = arith.cmpi sge, %add3A_103, %ge3A : i32
        %convert_element_type3A_109 = arith.extui %ge3A_108 : i1 to i32
        %cond3A_110 = arith.constant 0 : i32
        %cond3A_111 = arith.cmpi ne, %convert_element_type3A_109, %cond3A_110 : i32
        scf.if %cond3A_111 {
          %dma_wait3A_511 = arith.constant 0 : i32
          %dma_wait3A_512 = arith.constant 0 : i32
          %dma_wait3A_513 = tpu.memref_slice %arg18[%dma_wait3A_511, %dma_wait3A_512] : memref<10000x16xf32, #tpu.memory_space<vmem_shared>> -> memref<10000x16xf32, #tpu.memory_space<vmem_shared>>
          tpu.wait_indirect_dma semaphore(%arg20 : memref<!tpu.dma_semaphore, #tpu.memory_space<semaphore_mem>>) src(%arg12 : memref<128x16xf32, #tpu.memory_space<vmem>>) dst(%dma_wait3A_513 : memref<10000x16xf32, #tpu.memory_space<vmem_shared>>)
        } else {
        }
        %mul3A_112 = arith.constant 128 : i32
        %mul3A_113 = arith.muli %add3A_103, %mul3A_112 : i32
        %add3A_114 = arith.constant 0 : i32
        %add3A_115 = arith.addi %mul3A_113, %add3A_114 : i32
        %get3A = arith.index_cast %add3A_115 : i32 to index
        %get3A_116 = tpu.vector_load %arg8[%get3A] {strides = array<i32>} : memref<10112xi32, #tpu.memory_space<vmem>>, vector<16xi32>,
        %mul3A_117 = arith.constant 4 : i32
        %mul3A_118 = vector.broadcast %mul3A_117 : i32 to vector<16xi32>
        %mul3A_119 = arith.muli %get3A_116, %mul3A_118 : vector<16xi32>
        %get3A_120 = arith.index_cast %add3A_115 : i32 to index
        %get3A_121 = tpu.vector_load %arg10[%get3A_120] {strides = array<i32>} : memref<10112xf32, #tpu.memory_space<vmem>>, vector<16xf32>,
        %add3A_122 = arith.constant 0 : i32
        %add3A_123 = vector.broadcast %add3A_122 : i32 to vector<16xi32>
        %add3A_124 = arith.addi %iota3A, %add3A_123 : vector<16xi32>
        %add3A_125 = arith.constant 0 : i32
        %add3A_126 = vector.broadcast %add3A_125 : i32 to vector<16xi32>
        %add3A_127 = arith.addi %mul3A_119, %add3A_126 : vector<16xi32>
        %gather3A = tpu.vector_load_idx %arg7[%add3A_127] : memref<40000xf32, #tpu.memory_space<vmem>>[vector<16xi32>], vector<16xf32>,
        %broadcast_in_dim3A_128 = arith.constant 0 : i32
        %broadcast_in_dim3A_129 = vector.broadcast %broadcast_in_dim3A_128 : i32 to vector<16xi32>
        %mul3A_130 = arith.mulf %gather3A, %get3A_121 : vector<16xf32>
        tpu.vector_store_idx %arg12[%add3A_124, %broadcast_in_dim3A_129], %mul3A_130 : memref<128x16xf32, #tpu.memory_space<vmem>>[vector<16xi32>, vector<16xi32>], vector<16xf32>,
        %add3A_131 = arith.constant 1 : i32
        %add3A_132 = vector.broadcast %add3A_131 : i32 to vector<16xi32>
        %add3A_133 = arith.addi %mul3A_119, %add3A_132 : vector<16xi32>
        %gather3A_134 = tpu.vector_load_idx %arg7[%add3A_133] : memref<40000xf32, #tpu.memory_space<vmem>>[vector<16xi32>], vector<16xf32>,
        %broadcast_in_dim3A_135 = arith.constant 1 : i32
        %broadcast_in_dim3A_136 = vector.broadcast %broadcast_in_dim3A_135 : i32 to vector<16xi32>
        %mul3A_137 = arith.mulf %gather3A_134, %get3A_121 : vector<16xf32>
        tpu.vector_store_idx %arg12[%add3A_124, %broadcast_in_dim3A_136], %mul3A_137 : memref<128x16xf32, #tpu.memory_space<vmem>>[vector<16xi32>, vector<16xi32>], vector<16xf32>,
        %add3A_138 = arith.constant 2 : i32
        %add3A_139 = vector.broadcast %add3A_138 : i32 to vector<16xi32>
        %add3A_140 = arith.addi %mul3A_119, %add3A_139 : vector<16xi32>
        %gather3A_141 = tpu.vector_load_idx %arg7[%add3A_140] : memref<40000xf32, #tpu.memory_space<vmem>>[vector<16xi32>], vector<16xf32>,
        %broadcast_in_dim3A_142 = arith.constant 2 : i32
        %broadcast_in_dim3A_143 = vector.broadcast %broadcast_in_dim3A_142 : i32 to vector<16xi32>
        %mul3A_144 = arith.mulf %gather3A_141, %get3A_121 : vector<16xf32>
        tpu.vector_store_idx %arg12[%add3A_124, %broadcast_in_dim3A_143], %mul3A_144 : memref<128x16xf32, #tpu.memory_space<vmem>>[vector<16xi32>, vector<16xi32>], vector<16xf32>,
        %add3A_145 = arith.constant 3 : i32
        %add3A_146 = vector.broadcast %add3A_145 : i32 to vector<16xi32>
        %add3A_147 = arith.addi %mul3A_119, %add3A_146 : vector<16xi32>
        %gather3A_148 = tpu.vector_load_idx %arg7[%add3A_147] : memref<40000xf32, #tpu.memory_space<vmem>>[vector<16xi32>], vector<16xf32>,
        %broadcast_in_dim3A_149 = arith.constant 3 : i32
        %broadcast_in_dim3A_150 = vector.broadcast %broadcast_in_dim3A_149 : i32 to vector<16xi32>
        %mul3A_151 = arith.mulf %gather3A_148, %get3A_121 : vector<16xf32>
        tpu.vector_store_idx %arg12[%add3A_124, %broadcast_in_dim3A_150], %mul3A_151 : memref<128x16xf32, #tpu.memory_space<vmem>>[vector<16xi32>, vector<16xi32>], vector<16xf32>,
        %mul3A_152 = arith.constant 128 : i32
        %mul3A_153 = arith.muli %add3A_103, %mul3A_152 : i32
        %add3A_154 = arith.constant 16 : i32
        %add3A_155 = arith.addi %mul3A_153, %add3A_154 : i32
        %get3A_156 = arith.index_cast %add3A_155 : i32 to index
        %get3A_157 = tpu.vector_load %arg8[%get3A_156] {strides = array<i32>} : memref<10112xi32, #tpu.memory_space<vmem>>, vector<16xi32>,
        %mul3A_158 = arith.constant 4 : i32
        %mul3A_159 = vector.broadcast %mul3A_158 : i32 to vector<16xi32>
        %mul3A_160 = arith.muli %get3A_157, %mul3A_159 : vector<16xi32>
        %get3A_161 = arith.index_cast %add3A_155 : i32 to index
        %get3A_162 = tpu.vector_load %arg10[%get3A_161] {strides = array<i32>} : memref<10112xf32, #tpu.memory_space<vmem>>, vector<16xf32>,
        %add3A_163 = arith.constant 16 : i32
        %add3A_164 = vector.broadcast %add3A_163 : i32 to vector<16xi32>
        %add3A_165 = arith.addi %iota3A, %add3A_164 : vector<16xi32>
        %add3A_166 = arith.constant 0 : i32
        %add3A_167 = vector.broadcast %add3A_166 : i32 to vector<16xi32>
        %add3A_168 = arith.addi %mul3A_160, %add3A_167 : vector<16xi32>
        %gather3A_169 = tpu.vector_load_idx %arg7[%add3A_168] : memref<40000xf32, #tpu.memory_space<vmem>>[vector<16xi32>], vector<16xf32>,
        %broadcast_in_dim3A_170 = arith.constant 0 : i32
        %broadcast_in_dim3A_171 = vector.broadcast %broadcast_in_dim3A_170 : i32 to vector<16xi32>
        %mul3A_172 = arith.mulf %gather3A_169, %get3A_162 : vector<16xf32>
        tpu.vector_store_idx %arg12[%add3A_165, %broadcast_in_dim3A_171], %mul3A_172 : memref<128x16xf32, #tpu.memory_space<vmem>>[vector<16xi32>, vector<16xi32>], vector<16xf32>,
        %add3A_173 = arith.constant 1 : i32
        %add3A_174 = vector.broadcast %add3A_173 : i32 to vector<16xi32>
        %add3A_175 = arith.addi %mul3A_160, %add3A_174 : vector<16xi32>
        %gather3A_176 = tpu.vector_load_idx %arg7[%add3A_175] : memref<40000xf32, #tpu.memory_space<vmem>>[vector<16xi32>], vector<16xf32>,
        %broadcast_in_dim3A_177 = arith.constant 1 : i32
        %broadcast_in_dim3A_178 = vector.broadcast %broadcast_in_dim3A_177 : i32 to vector<16xi32>
        %mul3A_179 = arith.mulf %gather3A_176, %get3A_162 : vector<16xf32>
        tpu.vector_store_idx %arg12[%add3A_165, %broadcast_in_dim3A_178], %mul3A_179 : memref<128x16xf32, #tpu.memory_space<vmem>>[vector<16xi32>, vector<16xi32>], vector<16xf32>,
        %add3A_180 = arith.constant 2 : i32
        %add3A_181 = vector.broadcast %add3A_180 : i32 to vector<16xi32>
        %add3A_182 = arith.addi %mul3A_160, %add3A_181 : vector<16xi32>
        %gather3A_183 = tpu.vector_load_idx %arg7[%add3A_182] : memref<40000xf32, #tpu.memory_space<vmem>>[vector<16xi32>], vector<16xf32>,
        %broadcast_in_dim3A_184 = arith.constant 2 : i32
        %broadcast_in_dim3A_185 = vector.broadcast %broadcast_in_dim3A_184 : i32 to vector<16xi32>
        %mul3A_186 = arith.mulf %gather3A_183, %get3A_162 : vector<16xf32>
        tpu.vector_store_idx %arg12[%add3A_165, %broadcast_in_dim3A_185], %mul3A_186 : memref<128x16xf32, #tpu.memory_space<vmem>>[vector<16xi32>, vector<16xi32>], vector<16xf32>,
        %add3A_187 = arith.constant 3 : i32
        %add3A_188 = vector.broadcast %add3A_187 : i32 to vector<16xi32>
        %add3A_189 = arith.addi %mul3A_160, %add3A_188 : vector<16xi32>
        %gather3A_190 = tpu.vector_load_idx %arg7[%add3A_189] : memref<40000xf32, #tpu.memory_space<vmem>>[vector<16xi32>], vector<16xf32>,
        %broadcast_in_dim3A_191 = arith.constant 3 : i32
        %broadcast_in_dim3A_192 = vector.broadcast %broadcast_in_dim3A_191 : i32 to vector<16xi32>
        %mul3A_193 = arith.mulf %gather3A_190, %get3A_162 : vector<16xf32>
        tpu.vector_store_idx %arg12[%add3A_165, %broadcast_in_dim3A_192], %mul3A_193 : memref<128x16xf32, #tpu.memory_space<vmem>>[vector<16xi32>, vector<16xi32>], vector<16xf32>,
        %mul3A_194 = arith.constant 128 : i32
        %mul3A_195 = arith.muli %add3A_103, %mul3A_194 : i32
        %add3A_196 = arith.constant 32 : i32
        %add3A_197 = arith.addi %mul3A_195, %add3A_196 : i32
        %get3A_198 = arith.index_cast %add3A_197 : i32 to index
        %get3A_199 = tpu.vector_load %arg8[%get3A_198] {strides = array<i32>} : memref<10112xi32, #tpu.memory_space<vmem>>, vector<16xi32>,
        %mul3A_200 = arith.constant 4 : i32
        %mul3A_201 = vector.broadcast %mul3A_200 : i32 to vector<16xi32>
        %mul3A_202 = arith.muli %get3A_199, %mul3A_201 : vector<16xi32>
        %get3A_203 = arith.index_cast %add3A_197 : i32 to index
        %get3A_204 = tpu.vector_load %arg10[%get3A_203] {strides = array<i32>} : memref<10112xf32, #tpu.memory_space<vmem>>, vector<16xf32>,
        %add3A_205 = arith.constant 32 : i32
        %add3A_206 = vector.broadcast %add3A_205 : i32 to vector<16xi32>
        %add3A_207 = arith.addi %iota3A, %add3A_206 : vector<16xi32>
        %add3A_208 = arith.constant 0 : i32
        %add3A_209 = vector.broadcast %add3A_208 : i32 to vector<16xi32>
        %add3A_210 = arith.addi %mul3A_202, %add3A_209 : vector<16xi32>
        %gather3A_211 = tpu.vector_load_idx %arg7[%add3A_210] : memref<40000xf32, #tpu.memory_space<vmem>>[vector<16xi32>], vector<16xf32>,
        %broadcast_in_dim3A_212 = arith.constant 0 : i32
        %broadcast_in_dim3A_213 = vector.broadcast %broadcast_in_dim3A_212 : i32 to vector<16xi32>
        %mul3A_214 = arith.mulf %gather3A_211, %get3A_204 : vector<16xf32>
        tpu.vector_store_idx %arg12[%add3A_207, %broadcast_in_dim3A_213], %mul3A_214 : memref<128x16xf32, #tpu.memory_space<vmem>>[vector<16xi32>, vector<16xi32>], vector<16xf32>,
        %add3A_215 = arith.constant 1 : i32
        %add3A_216 = vector.broadcast %add3A_215 : i32 to vector<16xi32>
        %add3A_217 = arith.addi %mul3A_202, %add3A_216 : vector<16xi32>
        %gather3A_218 = tpu.vector_load_idx %arg7[%add3A_217] : memref<40000xf32, #tpu.memory_space<vmem>>[vector<16xi32>], vector<16xf32>,
        %broadcast_in_dim3A_219 = arith.constant 1 : i32
        %broadcast_in_dim3A_220 = vector.broadcast %broadcast_in_dim3A_219 : i32 to vector<16xi32>
        %mul3A_221 = arith.mulf %gather3A_218, %get3A_204 : vector<16xf32>
        tpu.vector_store_idx %arg12[%add3A_207, %broadcast_in_dim3A_220], %mul3A_221 : memref<128x16xf32, #tpu.memory_space<vmem>>[vector<16xi32>, vector<16xi32>], vector<16xf32>,
        %add3A_222 = arith.constant 2 : i32
        %add3A_223 = vector.broadcast %add3A_222 : i32 to vector<16xi32>
        %add3A_224 = arith.addi %mul3A_202, %add3A_223 : vector<16xi32>
        %gather3A_225 = tpu.vector_load_idx %arg7[%add3A_224] : memref<40000xf32, #tpu.memory_space<vmem>>[vector<16xi32>], vector<16xf32>,
        %broadcast_in_dim3A_226 = arith.constant 2 : i32
        %broadcast_in_dim3A_227 = vector.broadcast %broadcast_in_dim3A_226 : i32 to vector<16xi32>
        %mul3A_228 = arith.mulf %gather3A_225, %get3A_204 : vector<16xf32>
        tpu.vector_store_idx %arg12[%add3A_207, %broadcast_in_dim3A_227], %mul3A_228 : memref<128x16xf32, #tpu.memory_space<vmem>>[vector<16xi32>, vector<16xi32>], vector<16xf32>,
        %add3A_229 = arith.constant 3 : i32
        %add3A_230 = vector.broadcast %add3A_229 : i32 to vector<16xi32>
        %add3A_231 = arith.addi %mul3A_202, %add3A_230 : vector<16xi32>
        %gather3A_232 = tpu.vector_load_idx %arg7[%add3A_231] : memref<40000xf32, #tpu.memory_space<vmem>>[vector<16xi32>], vector<16xf32>,
        %broadcast_in_dim3A_233 = arith.constant 3 : i32
        %broadcast_in_dim3A_234 = vector.broadcast %broadcast_in_dim3A_233 : i32 to vector<16xi32>
        %mul3A_235 = arith.mulf %gather3A_232, %get3A_204 : vector<16xf32>
        tpu.vector_store_idx %arg12[%add3A_207, %broadcast_in_dim3A_234], %mul3A_235 : memref<128x16xf32, #tpu.memory_space<vmem>>[vector<16xi32>, vector<16xi32>], vector<16xf32>,
        %mul3A_236 = arith.constant 128 : i32
        %mul3A_237 = arith.muli %add3A_103, %mul3A_236 : i32
        %add3A_238 = arith.constant 48 : i32
        %add3A_239 = arith.addi %mul3A_237, %add3A_238 : i32
        %get3A_240 = arith.index_cast %add3A_239 : i32 to index
        %get3A_241 = tpu.vector_load %arg8[%get3A_240] {strides = array<i32>} : memref<10112xi32, #tpu.memory_space<vmem>>, vector<16xi32>,
        %mul3A_242 = arith.constant 4 : i32
        %mul3A_243 = vector.broadcast %mul3A_242 : i32 to vector<16xi32>
        %mul3A_244 = arith.muli %get3A_241, %mul3A_243 : vector<16xi32>
        %get3A_245 = arith.index_cast %add3A_239 : i32 to index
        %get3A_246 = tpu.vector_load %arg10[%get3A_245] {strides = array<i32>} : memref<10112xf32, #tpu.memory_space<vmem>>, vector<16xf32>,
        %add3A_247 = arith.constant 48 : i32
        %add3A_248 = vector.broadcast %add3A_247 : i32 to vector<16xi32>
        %add3A_249 = arith.addi %iota3A, %add3A_248 : vector<16xi32>
        %add3A_250 = arith.constant 0 : i32
        %add3A_251 = vector.broadcast %add3A_250 : i32 to vector<16xi32>
        %add3A_252 = arith.addi %mul3A_244, %add3A_251 : vector<16xi32>
        %gather3A_253 = tpu.vector_load_idx %arg7[%add3A_252] : memref<40000xf32, #tpu.memory_space<vmem>>[vector<16xi32>], vector<16xf32>,
        %broadcast_in_dim3A_254 = arith.constant 0 : i32
        %broadcast_in_dim3A_255 = vector.broadcast %broadcast_in_dim3A_254 : i32 to vector<16xi32>
        %mul3A_256 = arith.mulf %gather3A_253, %get3A_246 : vector<16xf32>
        tpu.vector_store_idx %arg12[%add3A_249, %broadcast_in_dim3A_255], %mul3A_256 : memref<128x16xf32, #tpu.memory_space<vmem>>[vector<16xi32>, vector<16xi32>], vector<16xf32>,
        %add3A_257 = arith.constant 1 : i32
        %add3A_258 = vector.broadcast %add3A_257 : i32 to vector<16xi32>
        %add3A_259 = arith.addi %mul3A_244, %add3A_258 : vector<16xi32>
        %gather3A_260 = tpu.vector_load_idx %arg7[%add3A_259] : memref<40000xf32, #tpu.memory_space<vmem>>[vector<16xi32>], vector<16xf32>,
        %broadcast_in_dim3A_261 = arith.constant 1 : i32
        %broadcast_in_dim3A_262 = vector.broadcast %broadcast_in_dim3A_261 : i32 to vector<16xi32>
        %mul3A_263 = arith.mulf %gather3A_260, %get3A_246 : vector<16xf32>
        tpu.vector_store_idx %arg12[%add3A_249, %broadcast_in_dim3A_262], %mul3A_263 : memref<128x16xf32, #tpu.memory_space<vmem>>[vector<16xi32>, vector<16xi32>], vector<16xf32>,
        %add3A_264 = arith.constant 2 : i32
        %add3A_265 = vector.broadcast %add3A_264 : i32 to vector<16xi32>
        %add3A_266 = arith.addi %mul3A_244, %add3A_265 : vector<16xi32>
        %gather3A_267 = tpu.vector_load_idx %arg7[%add3A_266] : memref<40000xf32, #tpu.memory_space<vmem>>[vector<16xi32>], vector<16xf32>,
        %broadcast_in_dim3A_268 = arith.constant 2 : i32
        %broadcast_in_dim3A_269 = vector.broadcast %broadcast_in_dim3A_268 : i32 to vector<16xi32>
        %mul3A_270 = arith.mulf %gather3A_267, %get3A_246 : vector<16xf32>
        tpu.vector_store_idx %arg12[%add3A_249, %broadcast_in_dim3A_269], %mul3A_270 : memref<128x16xf32, #tpu.memory_space<vmem>>[vector<16xi32>, vector<16xi32>], vector<16xf32>,
        %add3A_271 = arith.constant 3 : i32
        %add3A_272 = vector.broadcast %add3A_271 : i32 to vector<16xi32>
        %add3A_273 = arith.addi %mul3A_244, %add3A_272 : vector<16xi32>
        %gather3A_274 = tpu.vector_load_idx %arg7[%add3A_273] : memref<40000xf32, #tpu.memory_space<vmem>>[vector<16xi32>], vector<16xf32>,
        %broadcast_in_dim3A_275 = arith.constant 3 : i32
        %broadcast_in_dim3A_276 = vector.broadcast %broadcast_in_dim3A_275 : i32 to vector<16xi32>
        %mul3A_277 = arith.mulf %gather3A_274, %get3A_246 : vector<16xf32>
        tpu.vector_store_idx %arg12[%add3A_249, %broadcast_in_dim3A_276], %mul3A_277 : memref<128x16xf32, #tpu.memory_space<vmem>>[vector<16xi32>, vector<16xi32>], vector<16xf32>,
        %mul3A_278 = arith.constant 128 : i32
        %mul3A_279 = arith.muli %add3A_103, %mul3A_278 : i32
        %add3A_280 = arith.constant 64 : i32
        %add3A_281 = arith.addi %mul3A_279, %add3A_280 : i32
        %get3A_282 = arith.index_cast %add3A_281 : i32 to index
        %get3A_283 = tpu.vector_load %arg8[%get3A_282] {strides = array<i32>} : memref<10112xi32, #tpu.memory_space<vmem>>, vector<16xi32>,
        %mul3A_284 = arith.constant 4 : i32
        %mul3A_285 = vector.broadcast %mul3A_284 : i32 to vector<16xi32>
        %mul3A_286 = arith.muli %get3A_283, %mul3A_285 : vector<16xi32>
        %get3A_287 = arith.index_cast %add3A_281 : i32 to index
        %get3A_288 = tpu.vector_load %arg10[%get3A_287] {strides = array<i32>} : memref<10112xf32, #tpu.memory_space<vmem>>, vector<16xf32>,
        %add3A_289 = arith.constant 64 : i32
        %add3A_290 = vector.broadcast %add3A_289 : i32 to vector<16xi32>
        %add3A_291 = arith.addi %iota3A, %add3A_290 : vector<16xi32>
        %add3A_292 = arith.constant 0 : i32
        %add3A_293 = vector.broadcast %add3A_292 : i32 to vector<16xi32>
        %add3A_294 = arith.addi %mul3A_286, %add3A_293 : vector<16xi32>
        %gather3A_295 = tpu.vector_load_idx %arg7[%add3A_294] : memref<40000xf32, #tpu.memory_space<vmem>>[vector<16xi32>], vector<16xf32>,
        %broadcast_in_dim3A_296 = arith.constant 0 : i32
        %broadcast_in_dim3A_297 = vector.broadcast %broadcast_in_dim3A_296 : i32 to vector<16xi32>
        %mul3A_298 = arith.mulf %gather3A_295, %get3A_288 : vector<16xf32>
        tpu.vector_store_idx %arg12[%add3A_291, %broadcast_in_dim3A_297], %mul3A_298 : memref<128x16xf32, #tpu.memory_space<vmem>>[vector<16xi32>, vector<16xi32>], vector<16xf32>,
        %add3A_299 = arith.constant 1 : i32
        %add3A_300 = vector.broadcast %add3A_299 : i32 to vector<16xi32>
        %add3A_301 = arith.addi %mul3A_286, %add3A_300 : vector<16xi32>
        %gather3A_302 = tpu.vector_load_idx %arg7[%add3A_301] : memref<40000xf32, #tpu.memory_space<vmem>>[vector<16xi32>], vector<16xf32>,
        %broadcast_in_dim3A_303 = arith.constant 1 : i32
        %broadcast_in_dim3A_304 = vector.broadcast %broadcast_in_dim3A_303 : i32 to vector<16xi32>
        %mul3A_305 = arith.mulf %gather3A_302, %get3A_288 : vector<16xf32>
        tpu.vector_store_idx %arg12[%add3A_291, %broadcast_in_dim3A_304], %mul3A_305 : memref<128x16xf32, #tpu.memory_space<vmem>>[vector<16xi32>, vector<16xi32>], vector<16xf32>,
        %add3A_306 = arith.constant 2 : i32
        %add3A_307 = vector.broadcast %add3A_306 : i32 to vector<16xi32>
        %add3A_308 = arith.addi %mul3A_286, %add3A_307 : vector<16xi32>
        %gather3A_309 = tpu.vector_load_idx %arg7[%add3A_308] : memref<40000xf32, #tpu.memory_space<vmem>>[vector<16xi32>], vector<16xf32>,
        %broadcast_in_dim3A_310 = arith.constant 2 : i32
        %broadcast_in_dim3A_311 = vector.broadcast %broadcast_in_dim3A_310 : i32 to vector<16xi32>
        %mul3A_312 = arith.mulf %gather3A_309, %get3A_288 : vector<16xf32>
        tpu.vector_store_idx %arg12[%add3A_291, %broadcast_in_dim3A_311], %mul3A_312 : memref<128x16xf32, #tpu.memory_space<vmem>>[vector<16xi32>, vector<16xi32>], vector<16xf32>,
        %add3A_313 = arith.constant 3 : i32
        %add3A_314 = vector.broadcast %add3A_313 : i32 to vector<16xi32>
        %add3A_315 = arith.addi %mul3A_286, %add3A_314 : vector<16xi32>
        %gather3A_316 = tpu.vector_load_idx %arg7[%add3A_315] : memref<40000xf32, #tpu.memory_space<vmem>>[vector<16xi32>], vector<16xf32>,
        %broadcast_in_dim3A_317 = arith.constant 3 : i32
        %broadcast_in_dim3A_318 = vector.broadcast %broadcast_in_dim3A_317 : i32 to vector<16xi32>
        %mul3A_319 = arith.mulf %gather3A_316, %get3A_288 : vector<16xf32>
        tpu.vector_store_idx %arg12[%add3A_291, %broadcast_in_dim3A_318], %mul3A_319 : memref<128x16xf32, #tpu.memory_space<vmem>>[vector<16xi32>, vector<16xi32>], vector<16xf32>,
        %mul3A_320 = arith.constant 128 : i32
        %mul3A_321 = arith.muli %add3A_103, %mul3A_320 : i32
        %add3A_322 = arith.constant 80 : i32
        %add3A_323 = arith.addi %mul3A_321, %add3A_322 : i32
        %get3A_324 = arith.index_cast %add3A_323 : i32 to index
        %get3A_325 = tpu.vector_load %arg8[%get3A_324] {strides = array<i32>} : memref<10112xi32, #tpu.memory_space<vmem>>, vector<16xi32>,
        %mul3A_326 = arith.constant 4 : i32
        %mul3A_327 = vector.broadcast %mul3A_326 : i32 to vector<16xi32>
        %mul3A_328 = arith.muli %get3A_325, %mul3A_327 : vector<16xi32>
        %get3A_329 = arith.index_cast %add3A_323 : i32 to index
        %get3A_330 = tpu.vector_load %arg10[%get3A_329] {strides = array<i32>} : memref<10112xf32, #tpu.memory_space<vmem>>, vector<16xf32>,
        %add3A_331 = arith.constant 80 : i32
        %add3A_332 = vector.broadcast %add3A_331 : i32 to vector<16xi32>
        %add3A_333 = arith.addi %iota3A, %add3A_332 : vector<16xi32>
        %add3A_334 = arith.constant 0 : i32
        %add3A_335 = vector.broadcast %add3A_334 : i32 to vector<16xi32>
        %add3A_336 = arith.addi %mul3A_328, %add3A_335 : vector<16xi32>
        %gather3A_337 = tpu.vector_load_idx %arg7[%add3A_336] : memref<40000xf32, #tpu.memory_space<vmem>>[vector<16xi32>], vector<16xf32>,
        %broadcast_in_dim3A_338 = arith.constant 0 : i32
        %broadcast_in_dim3A_339 = vector.broadcast %broadcast_in_dim3A_338 : i32 to vector<16xi32>
        %mul3A_340 = arith.mulf %gather3A_337, %get3A_330 : vector<16xf32>
        tpu.vector_store_idx %arg12[%add3A_333, %broadcast_in_dim3A_339], %mul3A_340 : memref<128x16xf32, #tpu.memory_space<vmem>>[vector<16xi32>, vector<16xi32>], vector<16xf32>,
        %add3A_341 = arith.constant 1 : i32
        %add3A_342 = vector.broadcast %add3A_341 : i32 to vector<16xi32>
        %add3A_343 = arith.addi %mul3A_328, %add3A_342 : vector<16xi32>
        %gather3A_344 = tpu.vector_load_idx %arg7[%add3A_343] : memref<40000xf32, #tpu.memory_space<vmem>>[vector<16xi32>], vector<16xf32>,
        %broadcast_in_dim3A_345 = arith.constant 1 : i32
        %broadcast_in_dim3A_346 = vector.broadcast %broadcast_in_dim3A_345 : i32 to vector<16xi32>
        %mul3A_347 = arith.mulf %gather3A_344, %get3A_330 : vector<16xf32>
        tpu.vector_store_idx %arg12[%add3A_333, %broadcast_in_dim3A_346], %mul3A_347 : memref<128x16xf32, #tpu.memory_space<vmem>>[vector<16xi32>, vector<16xi32>], vector<16xf32>,
        %add3A_348 = arith.constant 2 : i32
        %add3A_349 = vector.broadcast %add3A_348 : i32 to vector<16xi32>
        %add3A_350 = arith.addi %mul3A_328, %add3A_349 : vector<16xi32>
        %gather3A_351 = tpu.vector_load_idx %arg7[%add3A_350] : memref<40000xf32, #tpu.memory_space<vmem>>[vector<16xi32>], vector<16xf32>,
        %broadcast_in_dim3A_352 = arith.constant 2 : i32
        %broadcast_in_dim3A_353 = vector.broadcast %broadcast_in_dim3A_352 : i32 to vector<16xi32>
        %mul3A_354 = arith.mulf %gather3A_351, %get3A_330 : vector<16xf32>
        tpu.vector_store_idx %arg12[%add3A_333, %broadcast_in_dim3A_353], %mul3A_354 : memref<128x16xf32, #tpu.memory_space<vmem>>[vector<16xi32>, vector<16xi32>], vector<16xf32>,
        %add3A_355 = arith.constant 3 : i32
        %add3A_356 = vector.broadcast %add3A_355 : i32 to vector<16xi32>
        %add3A_357 = arith.addi %mul3A_328, %add3A_356 : vector<16xi32>
        %gather3A_358 = tpu.vector_load_idx %arg7[%add3A_357] : memref<40000xf32, #tpu.memory_space<vmem>>[vector<16xi32>], vector<16xf32>,
        %broadcast_in_dim3A_359 = arith.constant 3 : i32
        %broadcast_in_dim3A_360 = vector.broadcast %broadcast_in_dim3A_359 : i32 to vector<16xi32>
        %mul3A_361 = arith.mulf %gather3A_358, %get3A_330 : vector<16xf32>
        tpu.vector_store_idx %arg12[%add3A_333, %broadcast_in_dim3A_360], %mul3A_361 : memref<128x16xf32, #tpu.memory_space<vmem>>[vector<16xi32>, vector<16xi32>], vector<16xf32>,
        %mul3A_362 = arith.constant 128 : i32
        %mul3A_363 = arith.muli %add3A_103, %mul3A_362 : i32
        %add3A_364 = arith.constant 96 : i32
        %add3A_365 = arith.addi %mul3A_363, %add3A_364 : i32
        %get3A_366 = arith.index_cast %add3A_365 : i32 to index
        %get3A_367 = tpu.vector_load %arg8[%get3A_366] {strides = array<i32>} : memref<10112xi32, #tpu.memory_space<vmem>>, vector<16xi32>,
        %mul3A_368 = arith.constant 4 : i32
        %mul3A_369 = vector.broadcast %mul3A_368 : i32 to vector<16xi32>
        %mul3A_370 = arith.muli %get3A_367, %mul3A_369 : vector<16xi32>
        %get3A_371 = arith.index_cast %add3A_365 : i32 to index
        %get3A_372 = tpu.vector_load %arg10[%get3A_371] {strides = array<i32>} : memref<10112xf32, #tpu.memory_space<vmem>>, vector<16xf32>,
        %add3A_373 = arith.constant 96 : i32
        %add3A_374 = vector.broadcast %add3A_373 : i32 to vector<16xi32>
        %add3A_375 = arith.addi %iota3A, %add3A_374 : vector<16xi32>
        %add3A_376 = arith.constant 0 : i32
        %add3A_377 = vector.broadcast %add3A_376 : i32 to vector<16xi32>
        %add3A_378 = arith.addi %mul3A_370, %add3A_377 : vector<16xi32>
        %gather3A_379 = tpu.vector_load_idx %arg7[%add3A_378] : memref<40000xf32, #tpu.memory_space<vmem>>[vector<16xi32>], vector<16xf32>,
        %broadcast_in_dim3A_380 = arith.constant 0 : i32
        %broadcast_in_dim3A_381 = vector.broadcast %broadcast_in_dim3A_380 : i32 to vector<16xi32>
        %mul3A_382 = arith.mulf %gather3A_379, %get3A_372 : vector<16xf32>
        tpu.vector_store_idx %arg12[%add3A_375, %broadcast_in_dim3A_381], %mul3A_382 : memref<128x16xf32, #tpu.memory_space<vmem>>[vector<16xi32>, vector<16xi32>], vector<16xf32>,
        %add3A_383 = arith.constant 1 : i32
        %add3A_384 = vector.broadcast %add3A_383 : i32 to vector<16xi32>
        %add3A_385 = arith.addi %mul3A_370, %add3A_384 : vector<16xi32>
        %gather3A_386 = tpu.vector_load_idx %arg7[%add3A_385] : memref<40000xf32, #tpu.memory_space<vmem>>[vector<16xi32>], vector<16xf32>,
        %broadcast_in_dim3A_387 = arith.constant 1 : i32
        %broadcast_in_dim3A_388 = vector.broadcast %broadcast_in_dim3A_387 : i32 to vector<16xi32>
        %mul3A_389 = arith.mulf %gather3A_386, %get3A_372 : vector<16xf32>
        tpu.vector_store_idx %arg12[%add3A_375, %broadcast_in_dim3A_388], %mul3A_389 : memref<128x16xf32, #tpu.memory_space<vmem>>[vector<16xi32>, vector<16xi32>], vector<16xf32>,
        %add3A_390 = arith.constant 2 : i32
        %add3A_391 = vector.broadcast %add3A_390 : i32 to vector<16xi32>
        %add3A_392 = arith.addi %mul3A_370, %add3A_391 : vector<16xi32>
        %gather3A_393 = tpu.vector_load_idx %arg7[%add3A_392] : memref<40000xf32, #tpu.memory_space<vmem>>[vector<16xi32>], vector<16xf32>,
        %broadcast_in_dim3A_394 = arith.constant 2 : i32
        %broadcast_in_dim3A_395 = vector.broadcast %broadcast_in_dim3A_394 : i32 to vector<16xi32>
        %mul3A_396 = arith.mulf %gather3A_393, %get3A_372 : vector<16xf32>
        tpu.vector_store_idx %arg12[%add3A_375, %broadcast_in_dim3A_395], %mul3A_396 : memref<128x16xf32, #tpu.memory_space<vmem>>[vector<16xi32>, vector<16xi32>], vector<16xf32>,
        %add3A_397 = arith.constant 3 : i32
        %add3A_398 = vector.broadcast %add3A_397 : i32 to vector<16xi32>
        %add3A_399 = arith.addi %mul3A_370, %add3A_398 : vector<16xi32>
        %gather3A_400 = tpu.vector_load_idx %arg7[%add3A_399] : memref<40000xf32, #tpu.memory_space<vmem>>[vector<16xi32>], vector<16xf32>,
        %broadcast_in_dim3A_401 = arith.constant 3 : i32
        %broadcast_in_dim3A_402 = vector.broadcast %broadcast_in_dim3A_401 : i32 to vector<16xi32>
        %mul3A_403 = arith.mulf %gather3A_400, %get3A_372 : vector<16xf32>
        tpu.vector_store_idx %arg12[%add3A_375, %broadcast_in_dim3A_402], %mul3A_403 : memref<128x16xf32, #tpu.memory_space<vmem>>[vector<16xi32>, vector<16xi32>], vector<16xf32>,
        %mul3A_404 = arith.constant 128 : i32
        %mul3A_405 = arith.muli %add3A_103, %mul3A_404 : i32
        %add3A_406 = arith.constant 112 : i32
        %add3A_407 = arith.addi %mul3A_405, %add3A_406 : i32
        %get3A_408 = arith.index_cast %add3A_407 : i32 to index
        %get3A_409 = tpu.vector_load %arg8[%get3A_408] {strides = array<i32>} : memref<10112xi32, #tpu.memory_space<vmem>>, vector<16xi32>,
        %mul3A_410 = arith.constant 4 : i32
        %mul3A_411 = vector.broadcast %mul3A_410 : i32 to vector<16xi32>
        %mul3A_412 = arith.muli %get3A_409, %mul3A_411 : vector<16xi32>
        %get3A_413 = arith.index_cast %add3A_407 : i32 to index
        %get3A_414 = tpu.vector_load %arg10[%get3A_413] {strides = array<i32>} : memref<10112xf32, #tpu.memory_space<vmem>>, vector<16xf32>,
        %add3A_415 = arith.constant 112 : i32
        %add3A_416 = vector.broadcast %add3A_415 : i32 to vector<16xi32>
        %add3A_417 = arith.addi %iota3A, %add3A_416 : vector<16xi32>
        %add3A_418 = arith.constant 0 : i32
        %add3A_419 = vector.broadcast %add3A_418 : i32 to vector<16xi32>
        %add3A_420 = arith.addi %mul3A_412, %add3A_419 : vector<16xi32>
        %gather3A_421 = tpu.vector_load_idx %arg7[%add3A_420] : memref<40000xf32, #tpu.memory_space<vmem>>[vector<16xi32>], vector<16xf32>,
        %broadcast_in_dim3A_422 = arith.constant 0 : i32
        %broadcast_in_dim3A_423 = vector.broadcast %broadcast_in_dim3A_422 : i32 to vector<16xi32>
        %mul3A_424 = arith.mulf %gather3A_421, %get3A_414 : vector<16xf32>
        tpu.vector_store_idx %arg12[%add3A_417, %broadcast_in_dim3A_423], %mul3A_424 : memref<128x16xf32, #tpu.memory_space<vmem>>[vector<16xi32>, vector<16xi32>], vector<16xf32>,
        %add3A_425 = arith.constant 1 : i32
        %add3A_426 = vector.broadcast %add3A_425 : i32 to vector<16xi32>
        %add3A_427 = arith.addi %mul3A_412, %add3A_426 : vector<16xi32>
        %gather3A_428 = tpu.vector_load_idx %arg7[%add3A_427] : memref<40000xf32, #tpu.memory_space<vmem>>[vector<16xi32>], vector<16xf32>,
        %broadcast_in_dim3A_429 = arith.constant 1 : i32
        %broadcast_in_dim3A_430 = vector.broadcast %broadcast_in_dim3A_429 : i32 to vector<16xi32>
        %mul3A_431 = arith.mulf %gather3A_428, %get3A_414 : vector<16xf32>
        tpu.vector_store_idx %arg12[%add3A_417, %broadcast_in_dim3A_430], %mul3A_431 : memref<128x16xf32, #tpu.memory_space<vmem>>[vector<16xi32>, vector<16xi32>], vector<16xf32>,
        %add3A_432 = arith.constant 2 : i32
        %add3A_433 = vector.broadcast %add3A_432 : i32 to vector<16xi32>
        %add3A_434 = arith.addi %mul3A_412, %add3A_433 : vector<16xi32>
        %gather3A_435 = tpu.vector_load_idx %arg7[%add3A_434] : memref<40000xf32, #tpu.memory_space<vmem>>[vector<16xi32>], vector<16xf32>,
        %broadcast_in_dim3A_436 = arith.constant 2 : i32
        %broadcast_in_dim3A_437 = vector.broadcast %broadcast_in_dim3A_436 : i32 to vector<16xi32>
        %mul3A_438 = arith.mulf %gather3A_435, %get3A_414 : vector<16xf32>
        tpu.vector_store_idx %arg12[%add3A_417, %broadcast_in_dim3A_437], %mul3A_438 : memref<128x16xf32, #tpu.memory_space<vmem>>[vector<16xi32>, vector<16xi32>], vector<16xf32>,
        %add3A_439 = arith.constant 3 : i32
        %add3A_440 = vector.broadcast %add3A_439 : i32 to vector<16xi32>
        %add3A_441 = arith.addi %mul3A_412, %add3A_440 : vector<16xi32>
        %gather3A_442 = tpu.vector_load_idx %arg7[%add3A_441] : memref<40000xf32, #tpu.memory_space<vmem>>[vector<16xi32>], vector<16xf32>,
        %broadcast_in_dim3A_443 = arith.constant 3 : i32
        %broadcast_in_dim3A_444 = vector.broadcast %broadcast_in_dim3A_443 : i32 to vector<16xi32>
        %mul3A_445 = arith.mulf %gather3A_442, %get3A_414 : vector<16xf32>
        tpu.vector_store_idx %arg12[%add3A_417, %broadcast_in_dim3A_444], %mul3A_445 : memref<128x16xf32, #tpu.memory_space<vmem>>[vector<16xi32>, vector<16xi32>], vector<16xf32>,
        %mul3A_446 = arith.constant 128 : i32
        %mul3A_447 = arith.muli %add3A_103, %mul3A_446 : i32
        %add3A_448 = arith.constant 0 : i32
        %add3A_449 = arith.addi %mul3A_447, %add3A_448 : i32
        %get3A_450 = arith.index_cast %add3A_449 : i32 to index
        %get3A_451 = tpu.vector_load %arg9[%get3A_450] {strides = array<i32>} : memref<10112xi32, #tpu.memory_space<vmem>>, vector<16xi32>,
        %swap3A = arith.constant 0 : index
        %swap3A_452 = tpu.vector_load %arg14[%swap3A] {strides = array<i32>} : memref<128xi32, #tpu.memory_space<vmem>>, vector<16xi32>,
        tpu.vector_store %arg14[%swap3A], %get3A_451 {strides = array<i32>} : memref<128xi32, #tpu.memory_space<vmem>>, vector<16xi32>,
        %mul3A_453 = arith.constant 128 : i32
        %mul3A_454 = arith.muli %add3A_103, %mul3A_453 : i32
        %add3A_455 = arith.constant 16 : i32
        %add3A_456 = arith.addi %mul3A_454, %add3A_455 : i32
        %get3A_457 = arith.index_cast %add3A_456 : i32 to index
        %get3A_458 = tpu.vector_load %arg9[%get3A_457] {strides = array<i32>} : memref<10112xi32, #tpu.memory_space<vmem>>, vector<16xi32>,
        %swap3A_459 = arith.constant 16 : index
        %swap3A_460 = tpu.vector_load %arg14[%swap3A_459] {strides = array<i32>} : memref<128xi32, #tpu.memory_space<vmem>>, vector<16xi32>,
        tpu.vector_store %arg14[%swap3A_459], %get3A_458 {strides = array<i32>} : memref<128xi32, #tpu.memory_space<vmem>>, vector<16xi32>,
        %mul3A_461 = arith.constant 128 : i32
        %mul3A_462 = arith.muli %add3A_103, %mul3A_461 : i32
        %add3A_463 = arith.constant 32 : i32
        %add3A_464 = arith.addi %mul3A_462, %add3A_463 : i32
        %get3A_465 = arith.index_cast %add3A_464 : i32 to index
        %get3A_466 = tpu.vector_load %arg9[%get3A_465] {strides = array<i32>} : memref<10112xi32, #tpu.memory_space<vmem>>, vector<16xi32>,
        %swap3A_467 = arith.constant 32 : index
        %swap3A_468 = tpu.vector_load %arg14[%swap3A_467] {strides = array<i32>} : memref<128xi32, #tpu.memory_space<vmem>>, vector<16xi32>,
        tpu.vector_store %arg14[%swap3A_467], %get3A_466 {strides = array<i32>} : memref<128xi32, #tpu.memory_space<vmem>>, vector<16xi32>,
        %mul3A_469 = arith.constant 128 : i32
        %mul3A_470 = arith.muli %add3A_103, %mul3A_469 : i32
        %add3A_471 = arith.constant 48 : i32
        %add3A_472 = arith.addi %mul3A_470, %add3A_471 : i32
        %get3A_473 = arith.index_cast %add3A_472 : i32 to index
        %get3A_474 = tpu.vector_load %arg9[%get3A_473] {strides = array<i32>} : memref<10112xi32, #tpu.memory_space<vmem>>, vector<16xi32>,
        %swap3A_475 = arith.constant 48 : index
        %swap3A_476 = tpu.vector_load %arg14[%swap3A_475] {strides = array<i32>} : memref<128xi32, #tpu.memory_space<vmem>>, vector<16xi32>,
        tpu.vector_store %arg14[%swap3A_475], %get3A_474 {strides = array<i32>} : memref<128xi32, #tpu.memory_space<vmem>>, vector<16xi32>,
        %mul3A_477 = arith.constant 128 : i32
        %mul3A_478 = arith.muli %add3A_103, %mul3A_477 : i32
        %add3A_479 = arith.constant 64 : i32
        %add3A_480 = arith.addi %mul3A_478, %add3A_479 : i32
        %get3A_481 = arith.index_cast %add3A_480 : i32 to index
        %get3A_482 = tpu.vector_load %arg9[%get3A_481] {strides = array<i32>} : memref<10112xi32, #tpu.memory_space<vmem>>, vector<16xi32>,
        %swap3A_483 = arith.constant 64 : index
        %swap3A_484 = tpu.vector_load %arg14[%swap3A_483] {strides = array<i32>} : memref<128xi32, #tpu.memory_space<vmem>>, vector<16xi32>,
        tpu.vector_store %arg14[%swap3A_483], %get3A_482 {strides = array<i32>} : memref<128xi32, #tpu.memory_space<vmem>>, vector<16xi32>,
        %mul3A_485 = arith.constant 128 : i32
        %mul3A_486 = arith.muli %add3A_103, %mul3A_485 : i32
        %add3A_487 = arith.constant 80 : i32
        %add3A_488 = arith.addi %mul3A_486, %add3A_487 : i32
        %get3A_489 = arith.index_cast %add3A_488 : i32 to index
        %get3A_490 = tpu.vector_load %arg9[%get3A_489] {strides = array<i32>} : memref<10112xi32, #tpu.memory_space<vmem>>, vector<16xi32>,
        %swap3A_491 = arith.constant 80 : index
        %swap3A_492 = tpu.vector_load %arg14[%swap3A_491] {strides = array<i32>} : memref<128xi32, #tpu.memory_space<vmem>>, vector<16xi32>,
        tpu.vector_store %arg14[%swap3A_491], %get3A_490 {strides = array<i32>} : memref<128xi32, #tpu.memory_space<vmem>>, vector<16xi32>,
        %mul3A_493 = arith.constant 128 : i32
        %mul3A_494 = arith.muli %add3A_103, %mul3A_493 : i32
        %add3A_495 = arith.constant 96 : i32
        %add3A_496 = arith.addi %mul3A_494, %add3A_495 : i32
        %get3A_497 = arith.index_cast %add3A_496 : i32 to index
        %get3A_498 = tpu.vector_load %arg9[%get3A_497] {strides = array<i32>} : memref<10112xi32, #tpu.memory_space<vmem>>, vector<16xi32>,
        %swap3A_499 = arith.constant 96 : index
        %swap3A_500 = tpu.vector_load %arg14[%swap3A_499] {strides = array<i32>} : memref<128xi32, #tpu.memory_space<vmem>>, vector<16xi32>,
        tpu.vector_store %arg14[%swap3A_499], %get3A_498 {strides = array<i32>} : memref<128xi32, #tpu.memory_space<vmem>>, vector<16xi32>,
        %mul3A_501 = arith.constant 128 : i32
        %mul3A_502 = arith.muli %add3A_103, %mul3A_501 : i32
        %add3A_503 = arith.constant 112 : i32
        %add3A_504 = arith.addi %mul3A_502, %add3A_503 : i32
        %get3A_505 = arith.index_cast %add3A_504 : i32 to index
        %get3A_506 = tpu.vector_load %arg9[%get3A_505] {strides = array<i32>} : memref<10112xi32, #tpu.memory_space<vmem>>, vector<16xi32>,
        %swap3A_507 = arith.constant 112 : index
        %swap3A_508 = tpu.vector_load %arg14[%swap3A_507] {strides = array<i32>} : memref<128xi32, #tpu.memory_space<vmem>>, vector<16xi32>,
        tpu.vector_store %arg14[%swap3A_507], %get3A_506 {strides = array<i32>} : memref<128xi32, #tpu.memory_space<vmem>>, vector<16xi32>,
        %dma_start3A = arith.constant 0 : i32
        %dma_start3A_509 = arith.constant 0 : i32
        %dma_start3A_510 = tpu.memref_slice %arg18[%dma_start3A, %dma_start3A_509] : memref<10000x16xf32, #tpu.memory_space<vmem_shared>> -> memref<10000x16xf32, #tpu.memory_space<vmem_shared>>
        tpu.enqueue_indirect_dma source(%arg12 : memref<128x16xf32, #tpu.memory_space<vmem>>) target(%dma_start3A_510 : memref<10000x16xf32, #tpu.memory_space<vmem_shared>>) offsets(%arg14 : memref<128xi32, #tpu.memory_space<vmem>>) semaphore(%arg20 : memref<!tpu.dma_semaphore, #tpu.memory_space<semaphore_mem>>) {add = true}
      } else {
      }
    }
    %scan3A_37 = arith.constant 40 : i32
    %dma_wait3A = arith.constant 0 : i32
    %dma_wait3A_38 = arith.constant 0 : i32
    %dma_wait3A_39 = tpu.memref_slice %arg18[%dma_wait3A, %dma_wait3A_38] : memref<10000x16xf32, #tpu.memory_space<vmem_shared>> -> memref<10000x16xf32, #tpu.memory_space<vmem_shared>>
    tpu.wait_indirect_dma semaphore(%arg19 : memref<!tpu.dma_semaphore, #tpu.memory_space<semaphore_mem>>) src(%arg11 : memref<128x16xf32, #tpu.memory_space<vmem>>) dst(%dma_wait3A_39 : memref<10000x16xf32, #tpu.memory_space<vmem_shared>>)
    %dma_wait3A_40 = arith.constant 0 : i32
    %dma_wait3A_41 = arith.constant 0 : i32
    %dma_wait3A_42 = tpu.memref_slice %arg18[%dma_wait3A_40, %dma_wait3A_41] : memref<10000x16xf32, #tpu.memory_space<vmem_shared>> -> memref<10000x16xf32, #tpu.memory_space<vmem_shared>>
    tpu.wait_indirect_dma semaphore(%arg20 : memref<!tpu.dma_semaphore, #tpu.memory_space<semaphore_mem>>) src(%arg12 : memref<128x16xf32, #tpu.memory_space<vmem>>) dst(%dma_wait3A_42 : memref<10000x16xf32, #tpu.memory_space<vmem_shared>>)
    %barrier3A_43 = arith.constant 0 : index
    tpu.barrier barrier_id(%barrier3A_43)
    "tpu.region"() ({
      %run_scoped3A = tpu.sem_alloc : memref<!tpu.dma_semaphore, #tpu.memory_space<semaphore_mem>>
      %dma_start3A = arith.constant 0 : i32
      %dma_start3A_91 = arith.constant 0 : i32
      %dma_start3A_92 = tpu.memref_slice %arg16[%dma_start3A, %dma_start3A_91] : memref<640x16xf32, #tpu.memory_space<vmem>> -> memref<624x16xf32, #tpu.memory_space<vmem>>
      %dma_start3A_93 = arith.constant 0 : i32
      %dma_start3A_94 = tpu.memref_slice %arg18[%mul3A_7, %dma_start3A_93] : memref<10000x16xf32, #tpu.memory_space<vmem_shared>> -> memref<624x16xf32, #tpu.memory_space<vmem_shared>>
      %dma_start3A_95 = arith.constant 0 : i32
      %dma_start3A_96 = arith.constant 0 : i32
      %dma_start3A_97 = tpu.memref_slice %arg16[%dma_start3A_95, %dma_start3A_96] : memref<640x16xf32, #tpu.memory_space<vmem>> -> memref<624x16xf32, #tpu.memory_space<vmem>>
      %dma_start3A_98 = arith.constant 0 : i32
      %dma_start3A_99 = tpu.memref_slice %arg18[%mul3A_7, %dma_start3A_98] : memref<10000x16xf32, #tpu.memory_space<vmem_shared>> -> memref<624x16xf32, #tpu.memory_space<vmem_shared>>
      tpu.enqueue_dma source(%dma_start3A_99 : memref<624x16xf32, #tpu.memory_space<vmem_shared>>) target(%dma_start3A_97 : memref<624x16xf32, #tpu.memory_space<vmem>>) target_semaphore(%run_scoped3A : memref<!tpu.dma_semaphore, #tpu.memory_space<semaphore_mem>>)
      %dma_wait3A_100 = arith.constant 0 : i32
      %dma_wait3A_101 = arith.constant 0 : i32
      %dma_wait3A_102 = tpu.memref_slice %arg16[%dma_wait3A_100, %dma_wait3A_101] : memref<640x16xf32, #tpu.memory_space<vmem>> -> memref<624x16xf32, #tpu.memory_space<vmem>>
      %dma_wait3A_103 = arith.constant 0 : i32
      %dma_wait3A_104 = tpu.memref_slice %arg18[%mul3A_7, %dma_wait3A_103] : memref<10000x16xf32, #tpu.memory_space<vmem_shared>> -> memref<624x16xf32, #tpu.memory_space<vmem_shared>>
      %dma_wait3A_105 = arith.constant 0 : i32
      %dma_wait3A_106 = arith.constant 0 : i32
      %dma_wait3A_107 = tpu.memref_slice %arg16[%dma_wait3A_105, %dma_wait3A_106] : memref<640x16xf32, #tpu.memory_space<vmem>> -> memref<624x16xf32, #tpu.memory_space<vmem>>
      %dma_wait3A_108 = arith.constant 0 : i32
      %dma_wait3A_109 = tpu.memref_slice %arg18[%mul3A_7, %dma_wait3A_108] : memref<10000x16xf32, #tpu.memory_space<vmem_shared>> -> memref<624x16xf32, #tpu.memory_space<vmem_shared>>
      tpu.wait_dma2 semaphore(%run_scoped3A : memref<!tpu.dma_semaphore, #tpu.memory_space<semaphore_mem>>) src(%dma_wait3A_109 : memref<624x16xf32, #tpu.memory_space<vmem_shared>>) dst(%dma_wait3A_107 : memref<624x16xf32, #tpu.memory_space<vmem>>)
      tpu.yield
    }) : () -> ()
    %eq3A_44 = arith.constant 15 : i32
    %eq3A_45 = arith.cmpi eq, %arg1, %eq3A_44 : i32
    %convert_element_type3A_46 = arith.extui %eq3A_45 : i1 to i32
    %cond3A_47 = arith.constant 0 : i32
    %cond3A_48 = arith.cmpi ne, %convert_element_type3A_46, %cond3A_47 : i32
    scf.if %cond3A_48 {
      "tpu.region"() ({
        %run_scoped3A = tpu.sem_alloc : memref<!tpu.dma_semaphore, #tpu.memory_space<semaphore_mem>>
        %dma_start3A = arith.constant 624 : i32
        %dma_start3A_91 = arith.constant 0 : i32
        %dma_start3A_92 = tpu.memref_slice %arg16[%dma_start3A, %dma_start3A_91] : memref<640x16xf32, #tpu.memory_space<vmem>> -> memref<16x16xf32, #tpu.memory_space<vmem>>
        %dma_start3A_93 = arith.constant 9984 : i32
        %dma_start3A_94 = arith.constant 0 : i32
        %dma_start3A_95 = tpu.memref_slice %arg18[%dma_start3A_93, %dma_start3A_94] : memref<10000x16xf32, #tpu.memory_space<vmem_shared>> -> memref<16x16xf32, #tpu.memory_space<vmem_shared>>
        %dma_start3A_96 = arith.constant 624 : i32
        %dma_start3A_97 = arith.constant 0 : i32
        %dma_start3A_98 = tpu.memref_slice %arg16[%dma_start3A_96, %dma_start3A_97] : memref<640x16xf32, #tpu.memory_space<vmem>> -> memref<16x16xf32, #tpu.memory_space<vmem>>
        %dma_start3A_99 = arith.constant 9984 : i32
        %dma_start3A_100 = arith.constant 0 : i32
        %dma_start3A_101 = tpu.memref_slice %arg18[%dma_start3A_99, %dma_start3A_100] : memref<10000x16xf32, #tpu.memory_space<vmem_shared>> -> memref<16x16xf32, #tpu.memory_space<vmem_shared>>
        tpu.enqueue_dma source(%dma_start3A_101 : memref<16x16xf32, #tpu.memory_space<vmem_shared>>) target(%dma_start3A_98 : memref<16x16xf32, #tpu.memory_space<vmem>>) target_semaphore(%run_scoped3A : memref<!tpu.dma_semaphore, #tpu.memory_space<semaphore_mem>>)
        %dma_wait3A_102 = arith.constant 624 : i32
        %dma_wait3A_103 = arith.constant 0 : i32
        %dma_wait3A_104 = tpu.memref_slice %arg16[%dma_wait3A_102, %dma_wait3A_103] : memref<640x16xf32, #tpu.memory_space<vmem>> -> memref<16x16xf32, #tpu.memory_space<vmem>>
        %dma_wait3A_105 = arith.constant 9984 : i32
        %dma_wait3A_106 = arith.constant 0 : i32
        %dma_wait3A_107 = tpu.memref_slice %arg18[%dma_wait3A_105, %dma_wait3A_106] : memref<10000x16xf32, #tpu.memory_space<vmem_shared>> -> memref<16x16xf32, #tpu.memory_space<vmem_shared>>
        %dma_wait3A_108 = arith.constant 624 : i32
        %dma_wait3A_109 = arith.constant 0 : i32
        %dma_wait3A_110 = tpu.memref_slice %arg16[%dma_wait3A_108, %dma_wait3A_109] : memref<640x16xf32, #tpu.memory_space<vmem>> -> memref<16x16xf32, #tpu.memory_space<vmem>>
        %dma_wait3A_111 = arith.constant 9984 : i32
        %dma_wait3A_112 = arith.constant 0 : i32
        %dma_wait3A_113 = tpu.memref_slice %arg18[%dma_wait3A_111, %dma_wait3A_112] : memref<10000x16xf32, #tpu.memory_space<vmem_shared>> -> memref<16x16xf32, #tpu.memory_space<vmem_shared>>
        tpu.wait_dma2 semaphore(%run_scoped3A : memref<!tpu.dma_semaphore, #tpu.memory_space<semaphore_mem>>) src(%dma_wait3A_113 : memref<16x16xf32, #tpu.memory_space<vmem_shared>>) dst(%dma_wait3A_110 : memref<16x16xf32, #tpu.memory_space<vmem>>)
        tpu.yield
      }) : () -> ()
    } else {
    }
    %jit3A = arith.constant 4 : i32
    %div3A = vector.broadcast %jit3A : i32 to vector<16xi32>
    %div3A_49 = arith.divsi %iota3A, %div3A : vector<16xi32>
    %sign3A = arith.constant 0 : i32
    %sign3A_50 = vector.broadcast %sign3A : i32 to vector<16xi32>
    %sign3A_51 = arith.cmpi sgt, %iota3A, %sign3A_50 : vector<16xi32>
    %sign3A_52 = arith.extui %sign3A_51 : vector<16xi1> to vector<16xi32>
    %sign3A_53 = arith.constant 0 : i32
    %sign3A_54 = vector.broadcast %sign3A_53 : i32 to vector<16xi32>
    %sign3A_55 = arith.cmpi slt, %iota3A, %sign3A_54 : vector<16xi32>
    %sign3A_56 = arith.extui %sign3A_55 : vector<16xi1> to vector<16xi32>
    %sign3A_57 = arith.subi %sign3A_52, %sign3A_56 : vector<16xi32>
    %sign3A_58 = arith.constant 0 : i32
    %sign3A_59 = arith.cmpi sgt, %jit3A, %sign3A_58 : i32
    %sign3A_60 = arith.extui %sign3A_59 : i1 to i32
    %sign3A_61 = arith.constant 0 : i32
    %sign3A_62 = arith.cmpi slt, %jit3A, %sign3A_61 : i32
    %sign3A_63 = arith.extui %sign3A_62 : i1 to i32
    %sign3A_64 = arith.subi %sign3A_60, %sign3A_63 : i32
    %ne3A = vector.broadcast %sign3A_64 : i32 to vector<16xi32>
    %ne3A_65 = arith.cmpi ne, %sign3A_57, %ne3A : vector<16xi32>
    %rem3A = vector.broadcast %jit3A : i32 to vector<16xi32>
    %rem3A_66 = arith.remsi %iota3A, %rem3A : vector<16xi32>
    %ne3A_67 = arith.constant 0 : i32
    %ne3A_68 = vector.broadcast %ne3A_67 : i32 to vector<16xi32>
    %ne3A_69 = arith.cmpi ne, %rem3A_66, %ne3A_68 : vector<16xi32>
    %and3A = arith.andi %ne3A_65, %ne3A_69 : vector<16xi1>
    %sub3A = arith.constant 1 : i32
    %sub3A_70 = vector.broadcast %sub3A : i32 to vector<16xi32>
    %sub3A_71 = arith.subi %div3A_49, %sub3A_70 : vector<16xi32>
    %select_n3A = arith.select %and3A, %sub3A_71, %div3A_49 : vector<16xi1>, vector<16xi32>
    %mul3A_72 = arith.constant 4 : i32
    %mul3A_73 = vector.broadcast %mul3A_72 : i32 to vector<16xi32>
    %mul3A_74 = arith.muli %select_n3A, %mul3A_73 : vector<16xi32>
    %sub3A_75 = arith.subi %iota3A, %mul3A_74 : vector<16xi32>
    %scan3A_76 = arith.constant 0 : i32
    %scan3A_77 = arith.constant 156 : i32
    %scan3A_78 = arith.addi %scan3A_76, %scan3A_77 : i32
    %scan3A_79 = arith.constant 1 : i32
    scf.for %scan3A_91 = %scan3A_76 to %scan3A_78 step %scan3A_79  : i32 {
      %mul3A_92 = arith.constant 4 : i32
      %mul3A_93 = arith.muli %scan3A_91, %mul3A_92 : i32
      %add3A_94 = vector.broadcast %mul3A_93 : i32 to vector<16xi32>
      %add3A_95 = arith.addi %select_n3A, %add3A_94 : vector<16xi32>
      %gather3A = tpu.vector_load_idx %arg16[%add3A_95, %sub3A_75] : memref<640x16xf32, #tpu.memory_space<vmem>>[vector<16xi32>, vector<16xi32>], vector<16xf32>,
      %mul3A_96 = arith.constant 16 : i32
      %mul3A_97 = arith.muli %scan3A_91, %mul3A_96 : i32
      %swap3A = arith.index_cast %mul3A_97 : i32 to index
      %swap3A_98 = tpu.vector_load %arg17[%swap3A] {strides = array<i32>} : memref<2560xf32, #tpu.memory_space<vmem>>, vector<16xf32>,
      tpu.vector_store %arg17[%swap3A], %gather3A {strides = array<i32>} : memref<2560xf32, #tpu.memory_space<vmem>>, vector<16xf32>,
    }
    %scan3A_80 = arith.constant 156 : i32
    %mul3A_81 = arith.constant 40000 : i32
    %mul3A_82 = arith.muli %arg0, %mul3A_81 : i32
    %mul3A_83 = arith.constant 2496 : i32
    %mul3A_84 = arith.muli %arg1, %mul3A_83 : i32
    %add3A_85 = arith.addi %mul3A_82, %mul3A_84 : i32
    "tpu.region"() ({
      %run_scoped3A = tpu.sem_alloc : memref<!tpu.dma_semaphore, #tpu.memory_space<semaphore_mem>>
      %dma_start3A = arith.constant 0 : i32
      %dma_start3A_91 = tpu.memref_slice %arg17[%dma_start3A] : memref<2560xf32, #tpu.memory_space<vmem>> -> memref<2496xf32, #tpu.memory_space<vmem>>
      %dma_start3A_92 = tpu.memref_slice %arg6[%add3A_85] : memref<80000xf32, #tpu.memory_space<hbm>> -> memref<2496xf32, #tpu.memory_space<hbm>>
      %dma_start3A_93 = tpu.memref_slice %arg6[%add3A_85] : memref<80000xf32, #tpu.memory_space<hbm>> -> memref<2496xf32, #tpu.memory_space<hbm>>
      %dma_start3A_94 = arith.constant 0 : i32
      %dma_start3A_95 = tpu.memref_slice %arg17[%dma_start3A_94] : memref<2560xf32, #tpu.memory_space<vmem>> -> memref<2496xf32, #tpu.memory_space<vmem>>
      tpu.enqueue_dma source(%dma_start3A_95 : memref<2496xf32, #tpu.memory_space<vmem>>) target(%dma_start3A_93 : memref<2496xf32, #tpu.memory_space<hbm>>) target_semaphore(%run_scoped3A : memref<!tpu.dma_semaphore, #tpu.memory_space<semaphore_mem>>)
      %dma_wait3A_96 = arith.constant 0 : i32
      %dma_wait3A_97 = tpu.memref_slice %arg17[%dma_wait3A_96] : memref<2560xf32, #tpu.memory_space<vmem>> -> memref<2496xf32, #tpu.memory_space<vmem>>
      %dma_wait3A_98 = tpu.memref_slice %arg6[%add3A_85] : memref<80000xf32, #tpu.memory_space<hbm>> -> memref<2496xf32, #tpu.memory_space<hbm>>
      %dma_wait3A_99 = tpu.memref_slice %arg6[%add3A_85] : memref<80000xf32, #tpu.memory_space<hbm>> -> memref<2496xf32, #tpu.memory_space<hbm>>
      %dma_wait3A_100 = arith.constant 0 : i32
      %dma_wait3A_101 = tpu.memref_slice %arg17[%dma_wait3A_100] : memref<2560xf32, #tpu.memory_space<vmem>> -> memref<2496xf32, #tpu.memory_space<vmem>>
      tpu.wait_dma2 semaphore(%run_scoped3A : memref<!tpu.dma_semaphore, #tpu.memory_space<semaphore_mem>>) src(%dma_wait3A_101 : memref<2496xf32, #tpu.memory_space<vmem>>) dst(%dma_wait3A_99 : memref<2496xf32, #tpu.memory_space<hbm>>)
      tpu.yield
    }) : () -> ()
    %eq3A_86 = arith.constant 15 : i32
    %eq3A_87 = arith.cmpi eq, %arg1, %eq3A_86 : i32
    %convert_element_type3A_88 = arith.extui %eq3A_87 : i1 to i32
    %cond3A_89 = arith.constant 0 : i32
    %cond3A_90 = arith.cmpi ne, %convert_element_type3A_88, %cond3A_89 : i32
    scf.if %cond3A_90 {
      %scan3A_91 = arith.constant 156 : i32
      %scan3A_92 = arith.constant 4 : i32
      %scan3A_93 = arith.addi %scan3A_91, %scan3A_92 : i32
      %scan3A_94 = arith.constant 1 : i32
      scf.for %scan3A_100 = %scan3A_91 to %scan3A_93 step %scan3A_94  : i32 {
        %mul3A_101 = arith.constant 4 : i32
        %mul3A_102 = arith.muli %scan3A_100, %mul3A_101 : i32
        %add3A_103 = vector.broadcast %mul3A_102 : i32 to vector<16xi32>
        %add3A_104 = arith.addi %select_n3A, %add3A_103 : vector<16xi32>
        %gather3A = tpu.vector_load_idx %arg16[%add3A_104, %sub3A_75] : memref<640x16xf32, #tpu.memory_space<vmem>>[vector<16xi32>, vector<16xi32>], vector<16xf32>,
        %mul3A_105 = arith.constant 16 : i32
        %mul3A_106 = arith.muli %scan3A_100, %mul3A_105 : i32
        %swap3A = arith.index_cast %mul3A_106 : i32 to index
        %swap3A_107 = tpu.vector_load %arg17[%swap3A] {strides = array<i32>} : memref<2560xf32, #tpu.memory_space<vmem>>, vector<16xf32>,
        tpu.vector_store %arg17[%swap3A], %gather3A {strides = array<i32>} : memref<2560xf32, #tpu.memory_space<vmem>>, vector<16xf32>,
      }
      %scan3A_95 = arith.constant 4 : i32
      %mul3A_96 = arith.constant 40000 : i32
      %mul3A_97 = arith.muli %arg0, %mul3A_96 : i32
      %add3A_98 = arith.constant 39936 : i32
      %add3A_99 = arith.addi %mul3A_97, %add3A_98 : i32
      "tpu.region"() ({
        %run_scoped3A = tpu.sem_alloc : memref<!tpu.dma_semaphore, #tpu.memory_space<semaphore_mem>>
        %dma_start3A = arith.constant 2496 : i32
        %dma_start3A_100 = tpu.memref_slice %arg17[%dma_start3A] : memref<2560xf32, #tpu.memory_space<vmem>> -> memref<64xf32, #tpu.memory_space<vmem>>
        %dma_start3A_101 = tpu.memref_slice %arg6[%add3A_99] : memref<80000xf32, #tpu.memory_space<hbm>> -> memref<64xf32, #tpu.memory_space<hbm>>
        %dma_start3A_102 = tpu.memref_slice %arg6[%add3A_99] : memref<80000xf32, #tpu.memory_space<hbm>> -> memref<64xf32, #tpu.memory_space<hbm>>
        %dma_start3A_103 = arith.constant 2496 : i32
        %dma_start3A_104 = tpu.memref_slice %arg17[%dma_start3A_103] : memref<2560xf32, #tpu.memory_space<vmem>> -> memref<64xf32, #tpu.memory_space<vmem>>
        tpu.enqueue_dma source(%dma_start3A_104 : memref<64xf32, #tpu.memory_space<vmem>>) target(%dma_start3A_102 : memref<64xf32, #tpu.memory_space<hbm>>) target_semaphore(%run_scoped3A : memref<!tpu.dma_semaphore, #tpu.memory_space<semaphore_mem>>)
        %dma_wait3A_105 = arith.constant 2496 : i32
        %dma_wait3A_106 = tpu.memref_slice %arg17[%dma_wait3A_105] : memref<2560xf32, #tpu.memory_space<vmem>> -> memref<64xf32, #tpu.memory_space<vmem>>
        %dma_wait3A_107 = tpu.memref_slice %arg6[%add3A_99] : memref<80000xf32, #tpu.memory_space<hbm>> -> memref<64xf32, #tpu.memory_space<hbm>>
        %dma_wait3A_108 = tpu.memref_slice %arg6[%add3A_99] : memref<80000xf32, #tpu.memory_space<hbm>> -> memref<64xf32, #tpu.memory_space<hbm>>
        %dma_wait3A_109 = arith.constant 2496 : i32
        %dma_wait3A_110 = tpu.memref_slice %arg17[%dma_wait3A_109] : memref<2560xf32, #tpu.memory_space<vmem>> -> memref<64xf32, #tpu.memory_space<vmem>>
        tpu.wait_dma2 semaphore(%run_scoped3A : memref<!tpu.dma_semaphore, #tpu.memory_space<semaphore_mem>>) src(%dma_wait3A_110 : memref<64xf32, #tpu.memory_space<vmem>>) dst(%dma_wait3A_108 : memref<64xf32, #tpu.memory_space<hbm>>)
        tpu.yield
      }) : () -> ()
    } else {
    }
    return
  }
}

#map = affine_map<(d0, d1) -> (0)>
#map1 = affine_map<(d0, d1) -> (0, 0)>
module attributes {stable_mosaic.version = 14 : i64} {
  func.func @_decode_kernel(%arg0: i32, %arg1: i32, %arg2: memref<80000xf32, #tpu.memory_space<hbm>>, %arg3: memref<2x320000xi32, #tpu.memory_space<hbm>>, %arg4: memref<640000xf32, #tpu.memory_space<hbm>>, %arg5: memref<40000xf32, #tpu.memory_space<vmem>>, %arg6: memref<8192xf32, #tpu.memory_space<vmem>>, %arg7: memref<10112xi32, #tpu.memory_space<vmem>>, %arg8: memref<10112xi32, #tpu.memory_space<vmem>>, %arg9: memref<20224xf32, #tpu.memory_space<vmem>>) attributes {dimension_semantics = [#tpu.dimension_semantics<core_parallel>, #tpu.dimension_semantics<subcore_parallel>], iteration_bounds = array<i64: 2, 16>, scalar_prefetch = 0 : i64, scratch_operands = 5 : i64, tpu.core_type = #tpu.core_type<sc_vector_subcore>, window_params = [{transform_indices = #map}, {transform_indices = #map1}, {transform_indices = #map}]} {
    %mul3A = arith.constant 2 : i32
    %mul3A_0 = arith.muli %arg1, %mul3A : i32
    %add3A = arith.addi %mul3A_0, %arg0 : i32
    %lt3A = arith.constant 4 : i32
    %lt3A_1 = arith.cmpi slt, %add3A, %lt3A : i32
    %mul3A_2 = arith.constant 9984 : i32
    %mul3A_3 = arith.muli %add3A, %mul3A_2 : i32
    %min3A = arith.constant 4 : i32
    %min3A_4 = arith.minsi %add3A, %min3A : i32
    %mul3A_5 = arith.constant 128 : i32
    %mul3A_6 = arith.muli %min3A_4, %mul3A_5 : i32
    %add3A_7 = arith.addi %mul3A_3, %mul3A_6 : i32
    "tpu.region"() ({
      %run_scoped3A_52 = tpu.sem_alloc : memref<!tpu.dma_semaphore, #tpu.memory_space<semaphore_mem>>
      %dma_start3A = arith.constant 0 : i32
      %dma_start3A_53 = tpu.memref_slice %arg2[%dma_start3A] : memref<80000xf32, #tpu.memory_space<hbm>> -> memref<40000xf32, #tpu.memory_space<hbm>>
      %dma_start3A_54 = arith.constant 0 : i32
      %dma_start3A_55 = tpu.memref_slice %arg2[%dma_start3A_54] : memref<80000xf32, #tpu.memory_space<hbm>> -> memref<40000xf32, #tpu.memory_space<hbm>>
      tpu.enqueue_dma source(%dma_start3A_55 : memref<40000xf32, #tpu.memory_space<hbm>>) target(%arg5 : memref<40000xf32, #tpu.memory_space<vmem>>) target_semaphore(%run_scoped3A_52 : memref<!tpu.dma_semaphore, #tpu.memory_space<semaphore_mem>>)
      %dma_wait3A = arith.constant 0 : i32
      %dma_wait3A_56 = tpu.memref_slice %arg2[%dma_wait3A] : memref<80000xf32, #tpu.memory_space<hbm>> -> memref<40000xf32, #tpu.memory_space<hbm>>
      %dma_wait3A_57 = arith.constant 0 : i32
      %dma_wait3A_58 = tpu.memref_slice %arg2[%dma_wait3A_57] : memref<80000xf32, #tpu.memory_space<hbm>> -> memref<40000xf32, #tpu.memory_space<hbm>>
      tpu.wait_dma2 semaphore(%run_scoped3A_52 : memref<!tpu.dma_semaphore, #tpu.memory_space<semaphore_mem>>) src(%dma_wait3A_58 : memref<40000xf32, #tpu.memory_space<hbm>>) dst(%arg5 : memref<40000xf32, #tpu.memory_space<vmem>>)
      tpu.yield
    }) : () -> ()
    "tpu.region"() ({
      %run_scoped3A_52 = tpu.sem_alloc : memref<!tpu.dma_semaphore, #tpu.memory_space<semaphore_mem>>
      %dma_start3A = arith.constant 0 : i32
      %dma_start3A_53 = tpu.memref_slice %arg6[%dma_start3A] : memref<8192xf32, #tpu.memory_space<vmem>> -> memref<8000xf32, #tpu.memory_space<vmem>>
      %dma_start3A_54 = arith.constant 40000 : i32
      %dma_start3A_55 = tpu.memref_slice %arg2[%dma_start3A_54] : memref<80000xf32, #tpu.memory_space<hbm>> -> memref<8000xf32, #tpu.memory_space<hbm>>
      %dma_start3A_56 = arith.constant 0 : i32
      %dma_start3A_57 = tpu.memref_slice %arg6[%dma_start3A_56] : memref<8192xf32, #tpu.memory_space<vmem>> -> memref<8000xf32, #tpu.memory_space<vmem>>
      %dma_start3A_58 = arith.constant 40000 : i32
      %dma_start3A_59 = tpu.memref_slice %arg2[%dma_start3A_58] : memref<80000xf32, #tpu.memory_space<hbm>> -> memref<8000xf32, #tpu.memory_space<hbm>>
      tpu.enqueue_dma source(%dma_start3A_59 : memref<8000xf32, #tpu.memory_space<hbm>>) target(%dma_start3A_57 : memref<8000xf32, #tpu.memory_space<vmem>>) target_semaphore(%run_scoped3A_52 : memref<!tpu.dma_semaphore, #tpu.memory_space<semaphore_mem>>)
      %dma_wait3A = arith.constant 0 : i32
      %dma_wait3A_60 = tpu.memref_slice %arg6[%dma_wait3A] : memref<8192xf32, #tpu.memory_space<vmem>> -> memref<8000xf32, #tpu.memory_space<vmem>>
      %dma_wait3A_61 = arith.constant 40000 : i32
      %dma_wait3A_62 = tpu.memref_slice %arg2[%dma_wait3A_61] : memref<80000xf32, #tpu.memory_space<hbm>> -> memref<8000xf32, #tpu.memory_space<hbm>>
      %dma_wait3A_63 = arith.constant 0 : i32
      %dma_wait3A_64 = tpu.memref_slice %arg6[%dma_wait3A_63] : memref<8192xf32, #tpu.memory_space<vmem>> -> memref<8000xf32, #tpu.memory_space<vmem>>
      %dma_wait3A_65 = arith.constant 40000 : i32
      %dma_wait3A_66 = tpu.memref_slice %arg2[%dma_wait3A_65] : memref<80000xf32, #tpu.memory_space<hbm>> -> memref<8000xf32, #tpu.memory_space<hbm>>
      tpu.wait_dma2 semaphore(%run_scoped3A_52 : memref<!tpu.dma_semaphore, #tpu.memory_space<semaphore_mem>>) src(%dma_wait3A_66 : memref<8000xf32, #tpu.memory_space<hbm>>) dst(%dma_wait3A_64 : memref<8000xf32, #tpu.memory_space<vmem>>)
      tpu.yield
    }) : () -> ()
    %scan3A = arith.constant 0 : i32
    %scan3A_8 = arith.constant 500 : i32
    %scan3A_9 = arith.addi %scan3A, %scan3A_8 : i32
    %scan3A_10 = arith.constant 1 : i32
    scf.for %scan3A_52 = %scan3A to %scan3A_9 step %scan3A_10  : i32 {
      %mul3A_53 = arith.constant 16 : i32
      %mul3A_54 = arith.muli %scan3A_52, %mul3A_53 : i32
      %add3A_55 = arith.constant 0 : i32
      %add3A_56 = arith.addi %add3A_55, %mul3A_54 : i32
      %get3A = arith.index_cast %add3A_56 : i32 to index
      %get3A_57 = tpu.vector_load %arg5[%get3A] {strides = array<i32>} : memref<40000xf32, #tpu.memory_space<vmem>>, vector<16xf32>,
      %mul3A_58 = arith.constant 16 : i32
      %mul3A_59 = arith.muli %scan3A_52, %mul3A_58 : i32
      %get3A_60 = arith.index_cast %mul3A_59 : i32 to index
      %get3A_61 = tpu.vector_load %arg6[%get3A_60] {strides = array<i32>} : memref<8192xf32, #tpu.memory_space<vmem>>, vector<16xf32>,
      %add3A_62 = arith.addf %get3A_57, %get3A_61 : vector<16xf32>
      %swap3A = arith.index_cast %add3A_56 : i32 to index
      %swap3A_63 = tpu.vector_load %arg5[%swap3A] {strides = array<i32>} : memref<40000xf32, #tpu.memory_space<vmem>>, vector<16xf32>,
      tpu.vector_store %arg5[%swap3A], %add3A_62 {strides = array<i32>} : memref<40000xf32, #tpu.memory_space<vmem>>, vector<16xf32>,
    }
    %scan3A_11 = arith.constant 500 : i32
    "tpu.region"() ({
      %run_scoped3A_52 = tpu.sem_alloc : memref<!tpu.dma_semaphore, #tpu.memory_space<semaphore_mem>>
      %dma_start3A = arith.constant 0 : i32
      %dma_start3A_53 = tpu.memref_slice %arg6[%dma_start3A] : memref<8192xf32, #tpu.memory_space<vmem>> -> memref<8000xf32, #tpu.memory_space<vmem>>
      %dma_start3A_54 = arith.constant 48000 : i32
      %dma_start3A_55 = tpu.memref_slice %arg2[%dma_start3A_54] : memref<80000xf32, #tpu.memory_space<hbm>> -> memref<8000xf32, #tpu.memory_space<hbm>>
      %dma_start3A_56 = arith.constant 0 : i32
      %dma_start3A_57 = tpu.memref_slice %arg6[%dma_start3A_56] : memref<8192xf32, #tpu.memory_space<vmem>> -> memref<8000xf32, #tpu.memory_space<vmem>>
      %dma_start3A_58 = arith.constant 48000 : i32
      %dma_start3A_59 = tpu.memref_slice %arg2[%dma_start3A_58] : memref<80000xf32, #tpu.memory_space<hbm>> -> memref<8000xf32, #tpu.memory_space<hbm>>
      tpu.enqueue_dma source(%dma_start3A_59 : memref<8000xf32, #tpu.memory_space<hbm>>) target(%dma_start3A_57 : memref<8000xf32, #tpu.memory_space<vmem>>) target_semaphore(%run_scoped3A_52 : memref<!tpu.dma_semaphore, #tpu.memory_space<semaphore_mem>>)
      %dma_wait3A = arith.constant 0 : i32
      %dma_wait3A_60 = tpu.memref_slice %arg6[%dma_wait3A] : memref<8192xf32, #tpu.memory_space<vmem>> -> memref<8000xf32, #tpu.memory_space<vmem>>
      %dma_wait3A_61 = arith.constant 48000 : i32
      %dma_wait3A_62 = tpu.memref_slice %arg2[%dma_wait3A_61] : memref<80000xf32, #tpu.memory_space<hbm>> -> memref<8000xf32, #tpu.memory_space<hbm>>
      %dma_wait3A_63 = arith.constant 0 : i32
      %dma_wait3A_64 = tpu.memref_slice %arg6[%dma_wait3A_63] : memref<8192xf32, #tpu.memory_space<vmem>> -> memref<8000xf32, #tpu.memory_space<vmem>>
      %dma_wait3A_65 = arith.constant 48000 : i32
      %dma_wait3A_66 = tpu.memref_slice %arg2[%dma_wait3A_65] : memref<80000xf32, #tpu.memory_space<hbm>> -> memref<8000xf32, #tpu.memory_space<hbm>>
      tpu.wait_dma2 semaphore(%run_scoped3A_52 : memref<!tpu.dma_semaphore, #tpu.memory_space<semaphore_mem>>) src(%dma_wait3A_66 : memref<8000xf32, #tpu.memory_space<hbm>>) dst(%dma_wait3A_64 : memref<8000xf32, #tpu.memory_space<vmem>>)
      tpu.yield
    }) : () -> ()
    %scan3A_12 = arith.constant 0 : i32
    %scan3A_13 = arith.constant 500 : i32
    %scan3A_14 = arith.addi %scan3A_12, %scan3A_13 : i32
    %scan3A_15 = arith.constant 1 : i32
    scf.for %scan3A_52 = %scan3A_12 to %scan3A_14 step %scan3A_15  : i32 {
      %mul3A_53 = arith.constant 16 : i32
      %mul3A_54 = arith.muli %scan3A_52, %mul3A_53 : i32
      %add3A_55 = arith.constant 8000 : i32
      %add3A_56 = arith.addi %add3A_55, %mul3A_54 : i32
      %get3A = arith.index_cast %add3A_56 : i32 to index
      %get3A_57 = tpu.vector_load %arg5[%get3A] {strides = array<i32>} : memref<40000xf32, #tpu.memory_space<vmem>>, vector<16xf32>,
      %mul3A_58 = arith.constant 16 : i32
      %mul3A_59 = arith.muli %scan3A_52, %mul3A_58 : i32
      %get3A_60 = arith.index_cast %mul3A_59 : i32 to index
      %get3A_61 = tpu.vector_load %arg6[%get3A_60] {strides = array<i32>} : memref<8192xf32, #tpu.memory_space<vmem>>, vector<16xf32>,
      %add3A_62 = arith.addf %get3A_57, %get3A_61 : vector<16xf32>
      %swap3A = arith.index_cast %add3A_56 : i32 to index
      %swap3A_63 = tpu.vector_load %arg5[%swap3A] {strides = array<i32>} : memref<40000xf32, #tpu.memory_space<vmem>>, vector<16xf32>,
      tpu.vector_store %arg5[%swap3A], %add3A_62 {strides = array<i32>} : memref<40000xf32, #tpu.memory_space<vmem>>, vector<16xf32>,
    }
    %scan3A_16 = arith.constant 500 : i32
    "tpu.region"() ({
      %run_scoped3A_52 = tpu.sem_alloc : memref<!tpu.dma_semaphore, #tpu.memory_space<semaphore_mem>>
      %dma_start3A = arith.constant 0 : i32
      %dma_start3A_53 = tpu.memref_slice %arg6[%dma_start3A] : memref<8192xf32, #tpu.memory_space<vmem>> -> memref<8000xf32, #tpu.memory_space<vmem>>
      %dma_start3A_54 = arith.constant 56000 : i32
      %dma_start3A_55 = tpu.memref_slice %arg2[%dma_start3A_54] : memref<80000xf32, #tpu.memory_space<hbm>> -> memref<8000xf32, #tpu.memory_space<hbm>>
      %dma_start3A_56 = arith.constant 0 : i32
      %dma_start3A_57 = tpu.memref_slice %arg6[%dma_start3A_56] : memref<8192xf32, #tpu.memory_space<vmem>> -> memref<8000xf32, #tpu.memory_space<vmem>>
      %dma_start3A_58 = arith.constant 56000 : i32
      %dma_start3A_59 = tpu.memref_slice %arg2[%dma_start3A_58] : memref<80000xf32, #tpu.memory_space<hbm>> -> memref<8000xf32, #tpu.memory_space<hbm>>
      tpu.enqueue_dma source(%dma_start3A_59 : memref<8000xf32, #tpu.memory_space<hbm>>) target(%dma_start3A_57 : memref<8000xf32, #tpu.memory_space<vmem>>) target_semaphore(%run_scoped3A_52 : memref<!tpu.dma_semaphore, #tpu.memory_space<semaphore_mem>>)
      %dma_wait3A = arith.constant 0 : i32
      %dma_wait3A_60 = tpu.memref_slice %arg6[%dma_wait3A] : memref<8192xf32, #tpu.memory_space<vmem>> -> memref<8000xf32, #tpu.memory_space<vmem>>
      %dma_wait3A_61 = arith.constant 56000 : i32
      %dma_wait3A_62 = tpu.memref_slice %arg2[%dma_wait3A_61] : memref<80000xf32, #tpu.memory_space<hbm>> -> memref<8000xf32, #tpu.memory_space<hbm>>
      %dma_wait3A_63 = arith.constant 0 : i32
      %dma_wait3A_64 = tpu.memref_slice %arg6[%dma_wait3A_63] : memref<8192xf32, #tpu.memory_space<vmem>> -> memref<8000xf32, #tpu.memory_space<vmem>>
      %dma_wait3A_65 = arith.constant 56000 : i32
      %dma_wait3A_66 = tpu.memref_slice %arg2[%dma_wait3A_65] : memref<80000xf32, #tpu.memory_space<hbm>> -> memref<8000xf32, #tpu.memory_space<hbm>>
      tpu.wait_dma2 semaphore(%run_scoped3A_52 : memref<!tpu.dma_semaphore, #tpu.memory_space<semaphore_mem>>) src(%dma_wait3A_66 : memref<8000xf32, #tpu.memory_space<hbm>>) dst(%dma_wait3A_64 : memref<8000xf32, #tpu.memory_space<vmem>>)
      tpu.yield
    }) : () -> ()
    %scan3A_17 = arith.constant 0 : i32
    %scan3A_18 = arith.constant 500 : i32
    %scan3A_19 = arith.addi %scan3A_17, %scan3A_18 : i32
    %scan3A_20 = arith.constant 1 : i32
    scf.for %scan3A_52 = %scan3A_17 to %scan3A_19 step %scan3A_20  : i32 {
      %mul3A_53 = arith.constant 16 : i32
      %mul3A_54 = arith.muli %scan3A_52, %mul3A_53 : i32
      %add3A_55 = arith.constant 16000 : i32
      %add3A_56 = arith.addi %add3A_55, %mul3A_54 : i32
      %get3A = arith.index_cast %add3A_56 : i32 to index
      %get3A_57 = tpu.vector_load %arg5[%get3A] {strides = array<i32>} : memref<40000xf32, #tpu.memory_space<vmem>>, vector<16xf32>,
      %mul3A_58 = arith.constant 16 : i32
      %mul3A_59 = arith.muli %scan3A_52, %mul3A_58 : i32
      %get3A_60 = arith.index_cast %mul3A_59 : i32 to index
      %get3A_61 = tpu.vector_load %arg6[%get3A_60] {strides = array<i32>} : memref<8192xf32, #tpu.memory_space<vmem>>, vector<16xf32>,
      %add3A_62 = arith.addf %get3A_57, %get3A_61 : vector<16xf32>
      %swap3A = arith.index_cast %add3A_56 : i32 to index
      %swap3A_63 = tpu.vector_load %arg5[%swap3A] {strides = array<i32>} : memref<40000xf32, #tpu.memory_space<vmem>>, vector<16xf32>,
      tpu.vector_store %arg5[%swap3A], %add3A_62 {strides = array<i32>} : memref<40000xf32, #tpu.memory_space<vmem>>, vector<16xf32>,
    }
    %scan3A_21 = arith.constant 500 : i32
    "tpu.region"() ({
      %run_scoped3A_52 = tpu.sem_alloc : memref<!tpu.dma_semaphore, #tpu.memory_space<semaphore_mem>>
      %dma_start3A = arith.constant 0 : i32
      %dma_start3A_53 = tpu.memref_slice %arg6[%dma_start3A] : memref<8192xf32, #tpu.memory_space<vmem>> -> memref<8000xf32, #tpu.memory_space<vmem>>
      %dma_start3A_54 = arith.constant 64000 : i32
      %dma_start3A_55 = tpu.memref_slice %arg2[%dma_start3A_54] : memref<80000xf32, #tpu.memory_space<hbm>> -> memref<8000xf32, #tpu.memory_space<hbm>>
      %dma_start3A_56 = arith.constant 0 : i32
      %dma_start3A_57 = tpu.memref_slice %arg6[%dma_start3A_56] : memref<8192xf32, #tpu.memory_space<vmem>> -> memref<8000xf32, #tpu.memory_space<vmem>>
      %dma_start3A_58 = arith.constant 64000 : i32
      %dma_start3A_59 = tpu.memref_slice %arg2[%dma_start3A_58] : memref<80000xf32, #tpu.memory_space<hbm>> -> memref<8000xf32, #tpu.memory_space<hbm>>
      tpu.enqueue_dma source(%dma_start3A_59 : memref<8000xf32, #tpu.memory_space<hbm>>) target(%dma_start3A_57 : memref<8000xf32, #tpu.memory_space<vmem>>) target_semaphore(%run_scoped3A_52 : memref<!tpu.dma_semaphore, #tpu.memory_space<semaphore_mem>>)
      %dma_wait3A = arith.constant 0 : i32
      %dma_wait3A_60 = tpu.memref_slice %arg6[%dma_wait3A] : memref<8192xf32, #tpu.memory_space<vmem>> -> memref<8000xf32, #tpu.memory_space<vmem>>
      %dma_wait3A_61 = arith.constant 64000 : i32
      %dma_wait3A_62 = tpu.memref_slice %arg2[%dma_wait3A_61] : memref<80000xf32, #tpu.memory_space<hbm>> -> memref<8000xf32, #tpu.memory_space<hbm>>
      %dma_wait3A_63 = arith.constant 0 : i32
      %dma_wait3A_64 = tpu.memref_slice %arg6[%dma_wait3A_63] : memref<8192xf32, #tpu.memory_space<vmem>> -> memref<8000xf32, #tpu.memory_space<vmem>>
      %dma_wait3A_65 = arith.constant 64000 : i32
      %dma_wait3A_66 = tpu.memref_slice %arg2[%dma_wait3A_65] : memref<80000xf32, #tpu.memory_space<hbm>> -> memref<8000xf32, #tpu.memory_space<hbm>>
      tpu.wait_dma2 semaphore(%run_scoped3A_52 : memref<!tpu.dma_semaphore, #tpu.memory_space<semaphore_mem>>) src(%dma_wait3A_66 : memref<8000xf32, #tpu.memory_space<hbm>>) dst(%dma_wait3A_64 : memref<8000xf32, #tpu.memory_space<vmem>>)
      tpu.yield
    }) : () -> ()
    %scan3A_22 = arith.constant 0 : i32
    %scan3A_23 = arith.constant 500 : i32
    %scan3A_24 = arith.addi %scan3A_22, %scan3A_23 : i32
    %scan3A_25 = arith.constant 1 : i32
    scf.for %scan3A_52 = %scan3A_22 to %scan3A_24 step %scan3A_25  : i32 {
      %mul3A_53 = arith.constant 16 : i32
      %mul3A_54 = arith.muli %scan3A_52, %mul3A_53 : i32
      %add3A_55 = arith.constant 24000 : i32
      %add3A_56 = arith.addi %add3A_55, %mul3A_54 : i32
      %get3A = arith.index_cast %add3A_56 : i32 to index
      %get3A_57 = tpu.vector_load %arg5[%get3A] {strides = array<i32>} : memref<40000xf32, #tpu.memory_space<vmem>>, vector<16xf32>,
      %mul3A_58 = arith.constant 16 : i32
      %mul3A_59 = arith.muli %scan3A_52, %mul3A_58 : i32
      %get3A_60 = arith.index_cast %mul3A_59 : i32 to index
      %get3A_61 = tpu.vector_load %arg6[%get3A_60] {strides = array<i32>} : memref<8192xf32, #tpu.memory_space<vmem>>, vector<16xf32>,
      %add3A_62 = arith.addf %get3A_57, %get3A_61 : vector<16xf32>
      %swap3A = arith.index_cast %add3A_56 : i32 to index
      %swap3A_63 = tpu.vector_load %arg5[%swap3A] {strides = array<i32>} : memref<40000xf32, #tpu.memory_space<vmem>>, vector<16xf32>,
      tpu.vector_store %arg5[%swap3A], %add3A_62 {strides = array<i32>} : memref<40000xf32, #tpu.memory_space<vmem>>, vector<16xf32>,
    }
    %scan3A_26 = arith.constant 500 : i32
    "tpu.region"() ({
      %run_scoped3A_52 = tpu.sem_alloc : memref<!tpu.dma_semaphore, #tpu.memory_space<semaphore_mem>>
      %dma_start3A = arith.constant 0 : i32
      %dma_start3A_53 = tpu.memref_slice %arg6[%dma_start3A] : memref<8192xf32, #tpu.memory_space<vmem>> -> memref<8000xf32, #tpu.memory_space<vmem>>
      %dma_start3A_54 = arith.constant 72000 : i32
      %dma_start3A_55 = tpu.memref_slice %arg2[%dma_start3A_54] : memref<80000xf32, #tpu.memory_space<hbm>> -> memref<8000xf32, #tpu.memory_space<hbm>>
      %dma_start3A_56 = arith.constant 0 : i32
      %dma_start3A_57 = tpu.memref_slice %arg6[%dma_start3A_56] : memref<8192xf32, #tpu.memory_space<vmem>> -> memref<8000xf32, #tpu.memory_space<vmem>>
      %dma_start3A_58 = arith.constant 72000 : i32
      %dma_start3A_59 = tpu.memref_slice %arg2[%dma_start3A_58] : memref<80000xf32, #tpu.memory_space<hbm>> -> memref<8000xf32, #tpu.memory_space<hbm>>
      tpu.enqueue_dma source(%dma_start3A_59 : memref<8000xf32, #tpu.memory_space<hbm>>) target(%dma_start3A_57 : memref<8000xf32, #tpu.memory_space<vmem>>) target_semaphore(%run_scoped3A_52 : memref<!tpu.dma_semaphore, #tpu.memory_space<semaphore_mem>>)
      %dma_wait3A = arith.constant 0 : i32
      %dma_wait3A_60 = tpu.memref_slice %arg6[%dma_wait3A] : memref<8192xf32, #tpu.memory_space<vmem>> -> memref<8000xf32, #tpu.memory_space<vmem>>
      %dma_wait3A_61 = arith.constant 72000 : i32
      %dma_wait3A_62 = tpu.memref_slice %arg2[%dma_wait3A_61] : memref<80000xf32, #tpu.memory_space<hbm>> -> memref<8000xf32, #tpu.memory_space<hbm>>
      %dma_wait3A_63 = arith.constant 0 : i32
      %dma_wait3A_64 = tpu.memref_slice %arg6[%dma_wait3A_63] : memref<8192xf32, #tpu.memory_space<vmem>> -> memref<8000xf32, #tpu.memory_space<vmem>>
      %dma_wait3A_65 = arith.constant 72000 : i32
      %dma_wait3A_66 = tpu.memref_slice %arg2[%dma_wait3A_65] : memref<80000xf32, #tpu.memory_space<hbm>> -> memref<8000xf32, #tpu.memory_space<hbm>>
      tpu.wait_dma2 semaphore(%run_scoped3A_52 : memref<!tpu.dma_semaphore, #tpu.memory_space<semaphore_mem>>) src(%dma_wait3A_66 : memref<8000xf32, #tpu.memory_space<hbm>>) dst(%dma_wait3A_64 : memref<8000xf32, #tpu.memory_space<vmem>>)
      tpu.yield
    }) : () -> ()
    %scan3A_27 = arith.constant 0 : i32
    %scan3A_28 = arith.constant 500 : i32
    %scan3A_29 = arith.addi %scan3A_27, %scan3A_28 : i32
    %scan3A_30 = arith.constant 1 : i32
    scf.for %scan3A_52 = %scan3A_27 to %scan3A_29 step %scan3A_30  : i32 {
      %mul3A_53 = arith.constant 16 : i32
      %mul3A_54 = arith.muli %scan3A_52, %mul3A_53 : i32
      %add3A_55 = arith.constant 32000 : i32
      %add3A_56 = arith.addi %add3A_55, %mul3A_54 : i32
      %get3A = arith.index_cast %add3A_56 : i32 to index
      %get3A_57 = tpu.vector_load %arg5[%get3A] {strides = array<i32>} : memref<40000xf32, #tpu.memory_space<vmem>>, vector<16xf32>,
      %mul3A_58 = arith.constant 16 : i32
      %mul3A_59 = arith.muli %scan3A_52, %mul3A_58 : i32
      %get3A_60 = arith.index_cast %mul3A_59 : i32 to index
      %get3A_61 = tpu.vector_load %arg6[%get3A_60] {strides = array<i32>} : memref<8192xf32, #tpu.memory_space<vmem>>, vector<16xf32>,
      %add3A_62 = arith.addf %get3A_57, %get3A_61 : vector<16xf32>
      %swap3A = arith.index_cast %add3A_56 : i32 to index
      %swap3A_63 = tpu.vector_load %arg5[%swap3A] {strides = array<i32>} : memref<40000xf32, #tpu.memory_space<vmem>>, vector<16xf32>,
      tpu.vector_store %arg5[%swap3A], %add3A_62 {strides = array<i32>} : memref<40000xf32, #tpu.memory_space<vmem>>, vector<16xf32>,
    }
    %scan3A_31 = arith.constant 500 : i32
    %run_scoped3A = arith.constant 0 : i32
    "tpu.region"() ({
      %run_scoped3A_52 = tpu.sem_alloc : memref<!tpu.dma_semaphore, #tpu.memory_space<semaphore_mem>>
      %dma_start3A = arith.constant 0 : i32
      %dma_start3A_53 = tpu.memref_slice %arg7[%dma_start3A] : memref<10112xi32, #tpu.memory_space<vmem>> -> memref<9984xi32, #tpu.memory_space<vmem>>
      %dma_start3A_54 = tpu.memref_slice %arg3[%run_scoped3A, %add3A_7] : memref<2x320000xi32, #tpu.memory_space<hbm>> -> memref<1x9984xi32, #tpu.memory_space<hbm>>
      %dma_start3A_55 = tpu.memref_squeeze %dma_start3A_54 : memref<1x9984xi32, #tpu.memory_space<hbm>> -> memref<9984xi32, #tpu.memory_space<hbm>>
      %dma_start3A_56 = arith.constant 0 : i32
      %dma_start3A_57 = tpu.memref_slice %arg7[%dma_start3A_56] : memref<10112xi32, #tpu.memory_space<vmem>> -> memref<9984xi32, #tpu.memory_space<vmem>>
      %dma_start3A_58 = tpu.memref_slice %arg3[%run_scoped3A, %add3A_7] : memref<2x320000xi32, #tpu.memory_space<hbm>> -> memref<1x9984xi32, #tpu.memory_space<hbm>>
      %dma_start3A_59 = tpu.memref_squeeze %dma_start3A_58 : memref<1x9984xi32, #tpu.memory_space<hbm>> -> memref<9984xi32, #tpu.memory_space<hbm>>
      tpu.enqueue_dma source(%dma_start3A_59 : memref<9984xi32, #tpu.memory_space<hbm>>) target(%dma_start3A_57 : memref<9984xi32, #tpu.memory_space<vmem>>) target_semaphore(%run_scoped3A_52 : memref<!tpu.dma_semaphore, #tpu.memory_space<semaphore_mem>>)
      %dma_wait3A = arith.constant 0 : i32
      %dma_wait3A_60 = tpu.memref_slice %arg7[%dma_wait3A] : memref<10112xi32, #tpu.memory_space<vmem>> -> memref<9984xi32, #tpu.memory_space<vmem>>
      %dma_wait3A_61 = tpu.memref_slice %arg3[%run_scoped3A, %add3A_7] : memref<2x320000xi32, #tpu.memory_space<hbm>> -> memref<1x9984xi32, #tpu.memory_space<hbm>>
      %dma_wait3A_62 = tpu.memref_squeeze %dma_wait3A_61 : memref<1x9984xi32, #tpu.memory_space<hbm>> -> memref<9984xi32, #tpu.memory_space<hbm>>
      %dma_wait3A_63 = arith.constant 0 : i32
      %dma_wait3A_64 = tpu.memref_slice %arg7[%dma_wait3A_63] : memref<10112xi32, #tpu.memory_space<vmem>> -> memref<9984xi32, #tpu.memory_space<vmem>>
      %dma_wait3A_65 = tpu.memref_slice %arg3[%run_scoped3A, %add3A_7] : memref<2x320000xi32, #tpu.memory_space<hbm>> -> memref<1x9984xi32, #tpu.memory_space<hbm>>
      %dma_wait3A_66 = tpu.memref_squeeze %dma_wait3A_65 : memref<1x9984xi32, #tpu.memory_space<hbm>> -> memref<9984xi32, #tpu.memory_space<hbm>>
      tpu.wait_dma2 semaphore(%run_scoped3A_52 : memref<!tpu.dma_semaphore, #tpu.memory_space<semaphore_mem>>) src(%dma_wait3A_66 : memref<9984xi32, #tpu.memory_space<hbm>>) dst(%dma_wait3A_64 : memref<9984xi32, #tpu.memory_space<vmem>>)
      tpu.yield
    }) : () -> ()
    %run_scoped3A_32 = arith.constant 1 : i32
    "tpu.region"() ({
      %run_scoped3A_52 = tpu.sem_alloc : memref<!tpu.dma_semaphore, #tpu.memory_space<semaphore_mem>>
      %dma_start3A = arith.constant 0 : i32
      %dma_start3A_53 = tpu.memref_slice %arg8[%dma_start3A] : memref<10112xi32, #tpu.memory_space<vmem>> -> memref<9984xi32, #tpu.memory_space<vmem>>
      %dma_start3A_54 = tpu.memref_slice %arg3[%run_scoped3A_32, %add3A_7] : memref<2x320000xi32, #tpu.memory_space<hbm>> -> memref<1x9984xi32, #tpu.memory_space<hbm>>
      %dma_start3A_55 = tpu.memref_squeeze %dma_start3A_54 : memref<1x9984xi32, #tpu.memory_space<hbm>> -> memref<9984xi32, #tpu.memory_space<hbm>>
      %dma_start3A_56 = arith.constant 0 : i32
      %dma_start3A_57 = tpu.memref_slice %arg8[%dma_start3A_56] : memref<10112xi32, #tpu.memory_space<vmem>> -> memref<9984xi32, #tpu.memory_space<vmem>>
      %dma_start3A_58 = tpu.memref_slice %arg3[%run_scoped3A_32, %add3A_7] : memref<2x320000xi32, #tpu.memory_space<hbm>> -> memref<1x9984xi32, #tpu.memory_space<hbm>>
      %dma_start3A_59 = tpu.memref_squeeze %dma_start3A_58 : memref<1x9984xi32, #tpu.memory_space<hbm>> -> memref<9984xi32, #tpu.memory_space<hbm>>
      tpu.enqueue_dma source(%dma_start3A_59 : memref<9984xi32, #tpu.memory_space<hbm>>) target(%dma_start3A_57 : memref<9984xi32, #tpu.memory_space<vmem>>) target_semaphore(%run_scoped3A_52 : memref<!tpu.dma_semaphore, #tpu.memory_space<semaphore_mem>>)
      %dma_wait3A = arith.constant 0 : i32
      %dma_wait3A_60 = tpu.memref_slice %arg8[%dma_wait3A] : memref<10112xi32, #tpu.memory_space<vmem>> -> memref<9984xi32, #tpu.memory_space<vmem>>
      %dma_wait3A_61 = tpu.memref_slice %arg3[%run_scoped3A_32, %add3A_7] : memref<2x320000xi32, #tpu.memory_space<hbm>> -> memref<1x9984xi32, #tpu.memory_space<hbm>>
      %dma_wait3A_62 = tpu.memref_squeeze %dma_wait3A_61 : memref<1x9984xi32, #tpu.memory_space<hbm>> -> memref<9984xi32, #tpu.memory_space<hbm>>
      %dma_wait3A_63 = arith.constant 0 : i32
      %dma_wait3A_64 = tpu.memref_slice %arg8[%dma_wait3A_63] : memref<10112xi32, #tpu.memory_space<vmem>> -> memref<9984xi32, #tpu.memory_space<vmem>>
      %dma_wait3A_65 = tpu.memref_slice %arg3[%run_scoped3A_32, %add3A_7] : memref<2x320000xi32, #tpu.memory_space<hbm>> -> memref<1x9984xi32, #tpu.memory_space<hbm>>
      %dma_wait3A_66 = tpu.memref_squeeze %dma_wait3A_65 : memref<1x9984xi32, #tpu.memory_space<hbm>> -> memref<9984xi32, #tpu.memory_space<hbm>>
      tpu.wait_dma2 semaphore(%run_scoped3A_52 : memref<!tpu.dma_semaphore, #tpu.memory_space<semaphore_mem>>) src(%dma_wait3A_66 : memref<9984xi32, #tpu.memory_space<hbm>>) dst(%dma_wait3A_64 : memref<9984xi32, #tpu.memory_space<vmem>>)
      tpu.yield
    }) : () -> ()
    %convert_element_type3A = arith.extui %lt3A_1 : i1 to i32
    %cond3A = arith.constant 0 : i32
    %cond3A_33 = arith.cmpi ne, %convert_element_type3A, %cond3A : i32
    scf.if %cond3A_33 {
      %add3A_52 = arith.constant 9984 : i32
      %add3A_53 = arith.addi %add3A_7, %add3A_52 : i32
      %run_scoped3A_54 = arith.constant 0 : i32
      "tpu.region"() ({
        %run_scoped3A_58 = tpu.sem_alloc : memref<!tpu.dma_semaphore, #tpu.memory_space<semaphore_mem>>
        %dma_start3A = arith.constant 9984 : i32
        %dma_start3A_59 = tpu.memref_slice %arg7[%dma_start3A] : memref<10112xi32, #tpu.memory_space<vmem>> -> memref<128xi32, #tpu.memory_space<vmem>>
        %dma_start3A_60 = tpu.memref_slice %arg3[%run_scoped3A_54, %add3A_53] : memref<2x320000xi32, #tpu.memory_space<hbm>> -> memref<1x128xi32, #tpu.memory_space<hbm>>
        %dma_start3A_61 = tpu.memref_squeeze %dma_start3A_60 : memref<1x128xi32, #tpu.memory_space<hbm>> -> memref<128xi32, #tpu.memory_space<hbm>>
        %dma_start3A_62 = arith.constant 9984 : i32
        %dma_start3A_63 = tpu.memref_slice %arg7[%dma_start3A_62] : memref<10112xi32, #tpu.memory_space<vmem>> -> memref<128xi32, #tpu.memory_space<vmem>>
        %dma_start3A_64 = tpu.memref_slice %arg3[%run_scoped3A_54, %add3A_53] : memref<2x320000xi32, #tpu.memory_space<hbm>> -> memref<1x128xi32, #tpu.memory_space<hbm>>
        %dma_start3A_65 = tpu.memref_squeeze %dma_start3A_64 : memref<1x128xi32, #tpu.memory_space<hbm>> -> memref<128xi32, #tpu.memory_space<hbm>>
        tpu.enqueue_dma source(%dma_start3A_65 : memref<128xi32, #tpu.memory_space<hbm>>) target(%dma_start3A_63 : memref<128xi32, #tpu.memory_space<vmem>>) target_semaphore(%run_scoped3A_58 : memref<!tpu.dma_semaphore, #tpu.memory_space<semaphore_mem>>)
        %dma_wait3A = arith.constant 9984 : i32
        %dma_wait3A_66 = tpu.memref_slice %arg7[%dma_wait3A] : memref<10112xi32, #tpu.memory_space<vmem>> -> memref<128xi32, #tpu.memory_space<vmem>>
        %dma_wait3A_67 = tpu.memref_slice %arg3[%run_scoped3A_54, %add3A_53] : memref<2x320000xi32, #tpu.memory_space<hbm>> -> memref<1x128xi32, #tpu.memory_space<hbm>>
        %dma_wait3A_68 = tpu.memref_squeeze %dma_wait3A_67 : memref<1x128xi32, #tpu.memory_space<hbm>> -> memref<128xi32, #tpu.memory_space<hbm>>
        %dma_wait3A_69 = arith.constant 9984 : i32
        %dma_wait3A_70 = tpu.memref_slice %arg7[%dma_wait3A_69] : memref<10112xi32, #tpu.memory_space<vmem>> -> memref<128xi32, #tpu.memory_space<vmem>>
        %dma_wait3A_71 = tpu.memref_slice %arg3[%run_scoped3A_54, %add3A_53] : memref<2x320000xi32, #tpu.memory_space<hbm>> -> memref<1x128xi32, #tpu.memory_space<hbm>>
        %dma_wait3A_72 = tpu.memref_squeeze %dma_wait3A_71 : memref<1x128xi32, #tpu.memory_space<hbm>> -> memref<128xi32, #tpu.memory_space<hbm>>
        tpu.wait_dma2 semaphore(%run_scoped3A_58 : memref<!tpu.dma_semaphore, #tpu.memory_space<semaphore_mem>>) src(%dma_wait3A_72 : memref<128xi32, #tpu.memory_space<hbm>>) dst(%dma_wait3A_70 : memref<128xi32, #tpu.memory_space<vmem>>)
        tpu.yield
      }) : () -> ()
      %add3A_55 = arith.constant 9984 : i32
      %add3A_56 = arith.addi %add3A_7, %add3A_55 : i32
      %run_scoped3A_57 = arith.constant 1 : i32
      "tpu.region"() ({
        %run_scoped3A_58 = tpu.sem_alloc : memref<!tpu.dma_semaphore, #tpu.memory_space<semaphore_mem>>
        %dma_start3A = arith.constant 9984 : i32
        %dma_start3A_59 = tpu.memref_slice %arg8[%dma_start3A] : memref<10112xi32, #tpu.memory_space<vmem>> -> memref<128xi32, #tpu.memory_space<vmem>>
        %dma_start3A_60 = tpu.memref_slice %arg3[%run_scoped3A_57, %add3A_56] : memref<2x320000xi32, #tpu.memory_space<hbm>> -> memref<1x128xi32, #tpu.memory_space<hbm>>
        %dma_start3A_61 = tpu.memref_squeeze %dma_start3A_60 : memref<1x128xi32, #tpu.memory_space<hbm>> -> memref<128xi32, #tpu.memory_space<hbm>>
        %dma_start3A_62 = arith.constant 9984 : i32
        %dma_start3A_63 = tpu.memref_slice %arg8[%dma_start3A_62] : memref<10112xi32, #tpu.memory_space<vmem>> -> memref<128xi32, #tpu.memory_space<vmem>>
        %dma_start3A_64 = tpu.memref_slice %arg3[%run_scoped3A_57, %add3A_56] : memref<2x320000xi32, #tpu.memory_space<hbm>> -> memref<1x128xi32, #tpu.memory_space<hbm>>
        %dma_start3A_65 = tpu.memref_squeeze %dma_start3A_64 : memref<1x128xi32, #tpu.memory_space<hbm>> -> memref<128xi32, #tpu.memory_space<hbm>>
        tpu.enqueue_dma source(%dma_start3A_65 : memref<128xi32, #tpu.memory_space<hbm>>) target(%dma_start3A_63 : memref<128xi32, #tpu.memory_space<vmem>>) target_semaphore(%run_scoped3A_58 : memref<!tpu.dma_semaphore, #tpu.memory_space<semaphore_mem>>)
        %dma_wait3A = arith.constant 9984 : i32
        %dma_wait3A_66 = tpu.memref_slice %arg8[%dma_wait3A] : memref<10112xi32, #tpu.memory_space<vmem>> -> memref<128xi32, #tpu.memory_space<vmem>>
        %dma_wait3A_67 = tpu.memref_slice %arg3[%run_scoped3A_57, %add3A_56] : memref<2x320000xi32, #tpu.memory_space<hbm>> -> memref<1x128xi32, #tpu.memory_space<hbm>>
        %dma_wait3A_68 = tpu.memref_squeeze %dma_wait3A_67 : memref<1x128xi32, #tpu.memory_space<hbm>> -> memref<128xi32, #tpu.memory_space<hbm>>
        %dma_wait3A_69 = arith.constant 9984 : i32
        %dma_wait3A_70 = tpu.memref_slice %arg8[%dma_wait3A_69] : memref<10112xi32, #tpu.memory_space<vmem>> -> memref<128xi32, #tpu.memory_space<vmem>>
        %dma_wait3A_71 = tpu.memref_slice %arg3[%run_scoped3A_57, %add3A_56] : memref<2x320000xi32, #tpu.memory_space<hbm>> -> memref<1x128xi32, #tpu.memory_space<hbm>>
        %dma_wait3A_72 = tpu.memref_squeeze %dma_wait3A_71 : memref<1x128xi32, #tpu.memory_space<hbm>> -> memref<128xi32, #tpu.memory_space<hbm>>
        tpu.wait_dma2 semaphore(%run_scoped3A_58 : memref<!tpu.dma_semaphore, #tpu.memory_space<semaphore_mem>>) src(%dma_wait3A_72 : memref<128xi32, #tpu.memory_space<hbm>>) dst(%dma_wait3A_70 : memref<128xi32, #tpu.memory_space<vmem>>)
        tpu.yield
      }) : () -> ()
    } else {
    }
    %iota3A = tpu.iota {dimensions = array<i32: 0>} : vector<16xi32>
    %convert_element_type3A_34 = arith.extui %lt3A_1 : i1 to i32
    %add3A_35 = arith.constant 78 : i32
    %add3A_36 = arith.addi %add3A_35, %convert_element_type3A_34 : i32
    %mul3A_37 = arith.constant 8 : i32
    %mul3A_38 = arith.muli %add3A_36, %mul3A_37 : i32
    %while3A = arith.constant 0 : i32
    %while3A_39 = arith.subi %mul3A_38, %while3A : i32
    %while3A_40 = arith.addi %while3A, %while3A_39 : i32
    %while3A_41 = arith.constant 1 : i32
    %while3A_42 = arith.divsi %while3A_39, %while3A_41 : i32
    %while3A_43 = arith.muli %while3A_42, %while3A_41 : i32
    %while3A_44 = arith.addi %while3A, %while3A_43 : i32
    %while3A_45 = arith.constant 1 : i32
    scf.for %while3A_52 = %while3A to %while3A_44 step %while3A_45  : i32 {
      %mul3A_53 = arith.constant 16 : i32
      %mul3A_54 = arith.muli %while3A_52, %mul3A_53 : i32
      %get3A = arith.index_cast %mul3A_54 : i32 to index
      %get3A_55 = tpu.vector_load %arg7[%get3A] {strides = array<i32>} : memref<10112xi32, #tpu.memory_space<vmem>>, vector<16xi32>,
      %mul3A_56 = arith.constant 4 : i32
      %mul3A_57 = vector.broadcast %mul3A_56 : i32 to vector<16xi32>
      %mul3A_58 = arith.muli %get3A_55, %mul3A_57 : vector<16xi32>
      %mul3A_59 = arith.constant 16 : i32
      %mul3A_60 = arith.muli %while3A_52, %mul3A_59 : i32
      %get3A_61 = arith.index_cast %mul3A_60 : i32 to index
      %get3A_62 = tpu.vector_load %arg8[%get3A_61] {strides = array<i32>} : memref<10112xi32, #tpu.memory_space<vmem>>, vector<16xi32>,
      %mul3A_63 = arith.constant 4 : i32
      %mul3A_64 = vector.broadcast %mul3A_63 : i32 to vector<16xi32>
      %mul3A_65 = arith.muli %get3A_62, %mul3A_64 : vector<16xi32>
      %gather3A = tpu.vector_load_idx %arg5[%mul3A_58] : memref<40000xf32, #tpu.memory_space<vmem>>[vector<16xi32>], vector<16xf32>,
      %add3A_66 = arith.constant 1 : i32
      %add3A_67 = vector.broadcast %add3A_66 : i32 to vector<16xi32>
      %add3A_68 = arith.addi %mul3A_58, %add3A_67 : vector<16xi32>
      %gather3A_69 = tpu.vector_load_idx %arg5[%add3A_68] : memref<40000xf32, #tpu.memory_space<vmem>>[vector<16xi32>], vector<16xf32>,
      %add3A_70 = arith.constant 2 : i32
      %add3A_71 = vector.broadcast %add3A_70 : i32 to vector<16xi32>
      %add3A_72 = arith.addi %mul3A_65, %add3A_71 : vector<16xi32>
      %gather3A_73 = tpu.vector_load_idx %arg5[%add3A_72] : memref<40000xf32, #tpu.memory_space<vmem>>[vector<16xi32>], vector<16xf32>,
      %add3A_74 = arith.constant 3 : i32
      %add3A_75 = vector.broadcast %add3A_74 : i32 to vector<16xi32>
      %add3A_76 = arith.addi %mul3A_65, %add3A_75 : vector<16xi32>
      %gather3A_77 = tpu.vector_load_idx %arg5[%add3A_76] : memref<40000xf32, #tpu.memory_space<vmem>>[vector<16xi32>], vector<16xf32>,
      %jit3A = arith.constant 8 : i32
      %div3A = arith.divsi %while3A_52, %jit3A : i32
      %sign3A = arith.constant 0 : i32
      %sign3A_78 = arith.cmpi sgt, %while3A_52, %sign3A : i32
      %sign3A_79 = arith.extui %sign3A_78 : i1 to i32
      %sign3A_80 = arith.constant 0 : i32
      %sign3A_81 = arith.cmpi slt, %while3A_52, %sign3A_80 : i32
      %sign3A_82 = arith.extui %sign3A_81 : i1 to i32
      %sign3A_83 = arith.subi %sign3A_79, %sign3A_82 : i32
      %sign3A_84 = arith.constant 0 : i32
      %sign3A_85 = arith.cmpi sgt, %jit3A, %sign3A_84 : i32
      %sign3A_86 = arith.extui %sign3A_85 : i1 to i32
      %sign3A_87 = arith.constant 0 : i32
      %sign3A_88 = arith.cmpi slt, %jit3A, %sign3A_87 : i32
      %sign3A_89 = arith.extui %sign3A_88 : i1 to i32
      %sign3A_90 = arith.subi %sign3A_86, %sign3A_89 : i32
      %ne3A = arith.cmpi ne, %sign3A_83, %sign3A_90 : i32
      %rem3A = arith.remsi %while3A_52, %jit3A : i32
      %ne3A_91 = arith.constant 0 : i32
      %ne3A_92 = arith.cmpi ne, %rem3A, %ne3A_91 : i32
      %and3A = arith.andi %ne3A, %ne3A_92 : i1
      %sub3A = arith.constant 1 : i32
      %sub3A_93 = arith.subi %div3A, %sub3A : i32
      %select_n3A = arith.select %and3A, %sub3A_93, %div3A : i32
      %mul3A_94 = arith.constant 8 : i32
      %mul3A_95 = arith.muli %select_n3A, %mul3A_94 : i32
      %sub3A_96 = arith.subi %while3A_52, %mul3A_95 : i32
      %mul3A_97 = arith.constant 256 : i32
      %mul3A_98 = arith.muli %select_n3A, %mul3A_97 : i32
      %mul3A_99 = arith.constant 16 : i32
      %mul3A_100 = arith.muli %sub3A_96, %mul3A_99 : i32
      %add3A_101 = arith.addi %mul3A_98, %mul3A_100 : i32
      %add3A_102 = vector.broadcast %add3A_101 : i32 to vector<16xi32>
      %add3A_103 = arith.addi %iota3A, %add3A_102 : vector<16xi32>
      %add3A_104 = arith.addf %gather3A, %gather3A_73 : vector<16xf32>
      tpu.vector_store_idx %arg9[%add3A_103], %add3A_104 : memref<20224xf32, #tpu.memory_space<vmem>>[vector<16xi32>], vector<16xf32>,
      %add3A_105 = vector.broadcast %add3A_101 : i32 to vector<16xi32>
      %add3A_106 = arith.addi %iota3A, %add3A_105 : vector<16xi32>
      %add3A_107 = arith.constant 128 : i32
      %add3A_108 = vector.broadcast %add3A_107 : i32 to vector<16xi32>
      %add3A_109 = arith.addi %add3A_106, %add3A_108 : vector<16xi32>
      %add3A_110 = arith.addf %gather3A_69, %gather3A_77 : vector<16xf32>
      tpu.vector_store_idx %arg9[%add3A_109], %add3A_110 : memref<20224xf32, #tpu.memory_space<vmem>>[vector<16xi32>], vector<16xf32>,
    }
    %while3A_46 = arith.constant 1 : i32
    scf.for %while3A_52 = %while3A_44 to %while3A_40 step %while3A_46  : i32 {
      %mul3A_53 = arith.constant 16 : i32
      %mul3A_54 = arith.muli %while3A_52, %mul3A_53 : i32
      %get3A = arith.index_cast %mul3A_54 : i32 to index
      %get3A_55 = tpu.vector_load %arg7[%get3A] {strides = array<i32>} : memref<10112xi32, #tpu.memory_space<vmem>>, vector<16xi32>,
      %mul3A_56 = arith.constant 4 : i32
      %mul3A_57 = vector.broadcast %mul3A_56 : i32 to vector<16xi32>
      %mul3A_58 = arith.muli %get3A_55, %mul3A_57 : vector<16xi32>
      %mul3A_59 = arith.constant 16 : i32
      %mul3A_60 = arith.muli %while3A_52, %mul3A_59 : i32
      %get3A_61 = arith.index_cast %mul3A_60 : i32 to index
      %get3A_62 = tpu.vector_load %arg8[%get3A_61] {strides = array<i32>} : memref<10112xi32, #tpu.memory_space<vmem>>, vector<16xi32>,
      %mul3A_63 = arith.constant 4 : i32
      %mul3A_64 = vector.broadcast %mul3A_63 : i32 to vector<16xi32>
      %mul3A_65 = arith.muli %get3A_62, %mul3A_64 : vector<16xi32>
      %gather3A = tpu.vector_load_idx %arg5[%mul3A_58] : memref<40000xf32, #tpu.memory_space<vmem>>[vector<16xi32>], vector<16xf32>,
      %add3A_66 = arith.constant 1 : i32
      %add3A_67 = vector.broadcast %add3A_66 : i32 to vector<16xi32>
      %add3A_68 = arith.addi %mul3A_58, %add3A_67 : vector<16xi32>
      %gather3A_69 = tpu.vector_load_idx %arg5[%add3A_68] : memref<40000xf32, #tpu.memory_space<vmem>>[vector<16xi32>], vector<16xf32>,
      %add3A_70 = arith.constant 2 : i32
      %add3A_71 = vector.broadcast %add3A_70 : i32 to vector<16xi32>
      %add3A_72 = arith.addi %mul3A_65, %add3A_71 : vector<16xi32>
      %gather3A_73 = tpu.vector_load_idx %arg5[%add3A_72] : memref<40000xf32, #tpu.memory_space<vmem>>[vector<16xi32>], vector<16xf32>,
      %add3A_74 = arith.constant 3 : i32
      %add3A_75 = vector.broadcast %add3A_74 : i32 to vector<16xi32>
      %add3A_76 = arith.addi %mul3A_65, %add3A_75 : vector<16xi32>
      %gather3A_77 = tpu.vector_load_idx %arg5[%add3A_76] : memref<40000xf32, #tpu.memory_space<vmem>>[vector<16xi32>], vector<16xf32>,
      %jit3A = arith.constant 8 : i32
      %div3A = arith.divsi %while3A_52, %jit3A : i32
      %sign3A = arith.constant 0 : i32
      %sign3A_78 = arith.cmpi sgt, %while3A_52, %sign3A : i32
      %sign3A_79 = arith.extui %sign3A_78 : i1 to i32
      %sign3A_80 = arith.constant 0 : i32
      %sign3A_81 = arith.cmpi slt, %while3A_52, %sign3A_80 : i32
      %sign3A_82 = arith.extui %sign3A_81 : i1 to i32
      %sign3A_83 = arith.subi %sign3A_79, %sign3A_82 : i32
      %sign3A_84 = arith.constant 0 : i32
      %sign3A_85 = arith.cmpi sgt, %jit3A, %sign3A_84 : i32
      %sign3A_86 = arith.extui %sign3A_85 : i1 to i32
      %sign3A_87 = arith.constant 0 : i32
      %sign3A_88 = arith.cmpi slt, %jit3A, %sign3A_87 : i32
      %sign3A_89 = arith.extui %sign3A_88 : i1 to i32
      %sign3A_90 = arith.subi %sign3A_86, %sign3A_89 : i32
      %ne3A = arith.cmpi ne, %sign3A_83, %sign3A_90 : i32
      %rem3A = arith.remsi %while3A_52, %jit3A : i32
      %ne3A_91 = arith.constant 0 : i32
      %ne3A_92 = arith.cmpi ne, %rem3A, %ne3A_91 : i32
      %and3A = arith.andi %ne3A, %ne3A_92 : i1
      %sub3A = arith.constant 1 : i32
      %sub3A_93 = arith.subi %div3A, %sub3A : i32
      %select_n3A = arith.select %and3A, %sub3A_93, %div3A : i32
      %mul3A_94 = arith.constant 8 : i32
      %mul3A_95 = arith.muli %select_n3A, %mul3A_94 : i32
      %sub3A_96 = arith.subi %while3A_52, %mul3A_95 : i32
      %mul3A_97 = arith.constant 256 : i32
      %mul3A_98 = arith.muli %select_n3A, %mul3A_97 : i32
      %mul3A_99 = arith.constant 16 : i32
      %mul3A_100 = arith.muli %sub3A_96, %mul3A_99 : i32
      %add3A_101 = arith.addi %mul3A_98, %mul3A_100 : i32
      %add3A_102 = vector.broadcast %add3A_101 : i32 to vector<16xi32>
      %add3A_103 = arith.addi %iota3A, %add3A_102 : vector<16xi32>
      %add3A_104 = arith.addf %gather3A, %gather3A_73 : vector<16xf32>
      tpu.vector_store_idx %arg9[%add3A_103], %add3A_104 : memref<20224xf32, #tpu.memory_space<vmem>>[vector<16xi32>], vector<16xf32>,
      %add3A_105 = vector.broadcast %add3A_101 : i32 to vector<16xi32>
      %add3A_106 = arith.addi %iota3A, %add3A_105 : vector<16xi32>
      %add3A_107 = arith.constant 128 : i32
      %add3A_108 = vector.broadcast %add3A_107 : i32 to vector<16xi32>
      %add3A_109 = arith.addi %add3A_106, %add3A_108 : vector<16xi32>
      %add3A_110 = arith.addf %gather3A_69, %gather3A_77 : vector<16xf32>
      tpu.vector_store_idx %arg9[%add3A_109], %add3A_110 : memref<20224xf32, #tpu.memory_space<vmem>>[vector<16xi32>], vector<16xf32>,
    }
    %mul3A_47 = arith.constant 2 : i32
    %mul3A_48 = arith.muli %add3A_7, %mul3A_47 : i32
    "tpu.region"() ({
      %run_scoped3A_52 = tpu.sem_alloc : memref<!tpu.dma_semaphore, #tpu.memory_space<semaphore_mem>>
      %dma_start3A = arith.constant 0 : i32
      %dma_start3A_53 = tpu.memref_slice %arg9[%dma_start3A] : memref<20224xf32, #tpu.memory_space<vmem>> -> memref<19968xf32, #tpu.memory_space<vmem>>
      %dma_start3A_54 = tpu.memref_slice %arg4[%mul3A_48] : memref<640000xf32, #tpu.memory_space<hbm>> -> memref<19968xf32, #tpu.memory_space<hbm>>
      %dma_start3A_55 = tpu.memref_slice %arg4[%mul3A_48] : memref<640000xf32, #tpu.memory_space<hbm>> -> memref<19968xf32, #tpu.memory_space<hbm>>
      %dma_start3A_56 = arith.constant 0 : i32
      %dma_start3A_57 = tpu.memref_slice %arg9[%dma_start3A_56] : memref<20224xf32, #tpu.memory_space<vmem>> -> memref<19968xf32, #tpu.memory_space<vmem>>
      tpu.enqueue_dma source(%dma_start3A_57 : memref<19968xf32, #tpu.memory_space<vmem>>) target(%dma_start3A_55 : memref<19968xf32, #tpu.memory_space<hbm>>) target_semaphore(%run_scoped3A_52 : memref<!tpu.dma_semaphore, #tpu.memory_space<semaphore_mem>>)
      %dma_wait3A = arith.constant 0 : i32
      %dma_wait3A_58 = tpu.memref_slice %arg9[%dma_wait3A] : memref<20224xf32, #tpu.memory_space<vmem>> -> memref<19968xf32, #tpu.memory_space<vmem>>
      %dma_wait3A_59 = tpu.memref_slice %arg4[%mul3A_48] : memref<640000xf32, #tpu.memory_space<hbm>> -> memref<19968xf32, #tpu.memory_space<hbm>>
      %dma_wait3A_60 = tpu.memref_slice %arg4[%mul3A_48] : memref<640000xf32, #tpu.memory_space<hbm>> -> memref<19968xf32, #tpu.memory_space<hbm>>
      %dma_wait3A_61 = arith.constant 0 : i32
      %dma_wait3A_62 = tpu.memref_slice %arg9[%dma_wait3A_61] : memref<20224xf32, #tpu.memory_space<vmem>> -> memref<19968xf32, #tpu.memory_space<vmem>>
      tpu.wait_dma2 semaphore(%run_scoped3A_52 : memref<!tpu.dma_semaphore, #tpu.memory_space<semaphore_mem>>) src(%dma_wait3A_62 : memref<19968xf32, #tpu.memory_space<vmem>>) dst(%dma_wait3A_60 : memref<19968xf32, #tpu.memory_space<hbm>>)
      tpu.yield
    }) : () -> ()
    %convert_element_type3A_49 = arith.extui %lt3A_1 : i1 to i32
    %cond3A_50 = arith.constant 0 : i32
    %cond3A_51 = arith.cmpi ne, %convert_element_type3A_49, %cond3A_50 : i32
    scf.if %cond3A_51 {
      %add3A_52 = arith.constant 9984 : i32
      %add3A_53 = arith.addi %add3A_7, %add3A_52 : i32
      %mul3A_54 = arith.constant 2 : i32
      %mul3A_55 = arith.muli %add3A_53, %mul3A_54 : i32
      "tpu.region"() ({
        %run_scoped3A_56 = tpu.sem_alloc : memref<!tpu.dma_semaphore, #tpu.memory_space<semaphore_mem>>
        %dma_start3A = arith.constant 19968 : i32
        %dma_start3A_57 = tpu.memref_slice %arg9[%dma_start3A] : memref<20224xf32, #tpu.memory_space<vmem>> -> memref<256xf32, #tpu.memory_space<vmem>>
        %dma_start3A_58 = tpu.memref_slice %arg4[%mul3A_55] : memref<640000xf32, #tpu.memory_space<hbm>> -> memref<256xf32, #tpu.memory_space<hbm>>
        %dma_start3A_59 = tpu.memref_slice %arg4[%mul3A_55] : memref<640000xf32, #tpu.memory_space<hbm>> -> memref<256xf32, #tpu.memory_space<hbm>>
        %dma_start3A_60 = arith.constant 19968 : i32
        %dma_start3A_61 = tpu.memref_slice %arg9[%dma_start3A_60] : memref<20224xf32, #tpu.memory_space<vmem>> -> memref<256xf32, #tpu.memory_space<vmem>>
        tpu.enqueue_dma source(%dma_start3A_61 : memref<256xf32, #tpu.memory_space<vmem>>) target(%dma_start3A_59 : memref<256xf32, #tpu.memory_space<hbm>>) target_semaphore(%run_scoped3A_56 : memref<!tpu.dma_semaphore, #tpu.memory_space<semaphore_mem>>)
        %dma_wait3A = arith.constant 19968 : i32
        %dma_wait3A_62 = tpu.memref_slice %arg9[%dma_wait3A] : memref<20224xf32, #tpu.memory_space<vmem>> -> memref<256xf32, #tpu.memory_space<vmem>>
        %dma_wait3A_63 = tpu.memref_slice %arg4[%mul3A_55] : memref<640000xf32, #tpu.memory_space<hbm>> -> memref<256xf32, #tpu.memory_space<hbm>>
        %dma_wait3A_64 = tpu.memref_slice %arg4[%mul3A_55] : memref<640000xf32, #tpu.memory_space<hbm>> -> memref<256xf32, #tpu.memory_space<hbm>>
        %dma_wait3A_65 = arith.constant 19968 : i32
        %dma_wait3A_66 = tpu.memref_slice %arg9[%dma_wait3A_65] : memref<20224xf32, #tpu.memory_space<vmem>> -> memref<256xf32, #tpu.memory_space<vmem>>
        tpu.wait_dma2 semaphore(%run_scoped3A_56 : memref<!tpu.dma_semaphore, #tpu.memory_space<semaphore_mem>>) src(%dma_wait3A_66 : memref<256xf32, #tpu.memory_space<vmem>>) dst(%dma_wait3A_64 : memref<256xf32, #tpu.memory_space<hbm>>)
        tpu.yield
      }) : () -> ()
    } else {
    }
    return
  }
}

module attributes {stable_mosaic.version = 14 : i64} {
  func.func @_mm_relu_fold_body(%arg0: i32, %arg1: memref<1x400x128xf32, #tpu.memory_space<vmem>>, %arg2: memref<1x400x128xf32, #tpu.memory_space<vmem>>, %arg3: memref<128x128xf32, #tpu.memory_space<vmem>>, %arg4: memref<128x4xf32, #tpu.memory_space<vmem>>, %arg5: memref<400x4xf32, #tpu.memory_space<vmem>>) attributes {dimension_semantics = [#tpu.dimension_semantics<arbitrary>], iteration_bounds = array<i64: 25>, scalar_prefetch = 0 : i64, scratch_operands = 0 : i64, tpu.core_type = #tpu.core_type<tc>, window_params = [{transform_indices = @transform_0, window_bounds = array<i64: 1, 400, 128>}, {transform_indices = @transform_1, window_bounds = array<i64: 1, 400, 128>}, {pipeline_mode = #tpu.pipeline_mode<synchronous>, transform_indices = @transform_2, window_bounds = array<i64: 128, 128>}, {pipeline_mode = #tpu.pipeline_mode<synchronous>, transform_indices = @transform_3, window_bounds = array<i64: 128, 4>}, {transform_indices = @transform_4, window_bounds = array<i64: 400, 4>}]} {
    %get3A = arith.constant 0 : index
    %get3A_0 = arith.constant 0 : index
    %get3A_1 = vector.load %arg3[%get3A, %get3A_0] : memref<128x128xf32, #tpu.memory_space<vmem>>, vector<128x128xf32>
    %get3A_2 = arith.constant 0 : index
    %get3A_3 = arith.constant 0 : index
    %get3A_4 = vector.load %arg4[%get3A_2, %get3A_3] : memref<128x4xf32, #tpu.memory_space<vmem>>, vector<128x4xf32>
    %dot_general3A = arith.constant dense<0.000000e+00> : vector<128x4xf32>
    %dot_general3A_5 = tpu.matmul %get3A_1, %get3A_4, %dot_general3A {dimension_numbers = #tpu.dot_dimension_numbers<[1], [0], [0], [1], [0, 0, 1, 1], [], []>, transpose_lhs_hint = false} : vector<128x128xf32>, vector<128x4xf32>, vector<128x4xf32> -> vector<128x4xf32>
    %get3A_6 = arith.constant 0 : index
    %get3A_7 = arith.constant 0 : index
    %get3A_8 = arith.constant 0 : index
    %get3A_9 = vector.load %arg1[%get3A_6, %get3A_7, %get3A_8] : memref<1x400x128xf32, #tpu.memory_space<vmem>>, vector<1x400x128xf32>
    %squeeze3A = vector.shape_cast %get3A_9 : vector<1x400x128xf32> to vector<400x128xf32>
    %get3A_10 = arith.constant 0 : index
    %get3A_11 = arith.constant 0 : index
    %get3A_12 = arith.constant 0 : index
    %get3A_13 = vector.load %arg2[%get3A_10, %get3A_11, %get3A_12] : memref<1x400x128xf32, #tpu.memory_space<vmem>>, vector<1x400x128xf32>
    %squeeze3A_14 = vector.shape_cast %get3A_13 : vector<1x400x128xf32> to vector<400x128xf32>
    %add3A = arith.addf %squeeze3A, %squeeze3A_14 : vector<400x128xf32>
    %max3A = arith.constant 0.000000e+00 : f32
    %max3A_15 = vector.broadcast %max3A : f32 to vector<400x128xf32>
    %max3A_16 = arith.maximumf %add3A, %max3A_15 : vector<400x128xf32>
    %dot_general3A_17 = arith.constant dense<0.000000e+00> : vector<400x4xf32>
    %dot_general3A_18 = tpu.matmul %max3A_16, %dot_general3A_5, %dot_general3A_17 {dimension_numbers = #tpu.dot_dimension_numbers<[1], [0], [0], [1], [0, 0, 1, 1], [], []>, transpose_lhs_hint = false} : vector<400x128xf32>, vector<128x4xf32>, vector<400x4xf32> -> vector<400x4xf32>
    %swap3A = arith.constant 0 : index
    %swap3A_19 = arith.constant 0 : index
    %swap3A_20 = vector.load %arg5[%swap3A, %swap3A_19] : memref<400x4xf32, #tpu.memory_space<vmem>>, vector<400x4xf32>
    tpu.vector_store %arg5[%swap3A, %swap3A_19], %dot_general3A_18 {strides = array<i32>} : memref<400x4xf32, #tpu.memory_space<vmem>>, vector<400x4xf32>,
    return
  }
  func.func @transform_0(%arg0: i32) -> (i32, i32, i32) {
    %c0_i32 = arith.constant 0 : i32
    %c0_i32_0 = arith.constant 0 : i32
    %c0_i32_1 = arith.constant 0 : i32
    return %c0_i32, %arg0, %c0_i32_0 : i32, i32, i32
  }
  func.func @transform_1(%arg0: i32) -> (i32, i32, i32) {
    %c1_i32 = arith.constant 1 : i32
    %c0_i32 = arith.constant 0 : i32
    %c0_i32_0 = arith.constant 0 : i32
    return %c1_i32, %arg0, %c0_i32 : i32, i32, i32
  }
  func.func @transform_2(%arg0: i32) -> (i32, i32) {
    %c0_i32 = arith.constant 0 : i32
    %c0_i32_0 = arith.constant 0 : i32
    %c0_i32_1 = arith.constant 0 : i32
    return %c0_i32, %c0_i32_0 : i32, i32
  }
  func.func @transform_3(%arg0: i32) -> (i32, i32) {
    %c0_i32 = arith.constant 0 : i32
    %c0_i32_0 = arith.constant 0 : i32
    %c0_i32_1 = arith.constant 0 : i32
    return %c0_i32, %c0_i32_0 : i32, i32
  }
  func.func @transform_4(%arg0: i32) -> (i32, i32) {
    %c0_i32 = arith.constant 0 : i32
    %c0_i32_0 = arith.constant 0 : i32
    return %arg0, %c0_i32 : i32, i32
  }
}

module attributes {stable_mosaic.version = 14 : i64} {
  func.func @_mm_body(%arg0: i32, %arg1: memref<400x128xf32, #tpu.memory_space<vmem>>, %arg2: memref<128x128xf32, #tpu.memory_space<vmem>>, %arg3: memref<400x128xf32, #tpu.memory_space<vmem>>) attributes {dimension_semantics = [#tpu.dimension_semantics<arbitrary>], iteration_bounds = array<i64: 25>, scalar_prefetch = 0 : i64, scratch_operands = 0 : i64, tpu.core_type = #tpu.core_type<tc>, window_params = [{transform_indices = @transform_0, window_bounds = array<i64: 400, 128>}, {pipeline_mode = #tpu.pipeline_mode<synchronous>, transform_indices = @transform_1, window_bounds = array<i64: 128, 128>}, {transform_indices = @transform_2, window_bounds = array<i64: 400, 128>}]} {
    %get3A = arith.constant 0 : index
    %get3A_0 = arith.constant 0 : index
    %get3A_1 = vector.load %arg1[%get3A, %get3A_0] : memref<400x128xf32, #tpu.memory_space<vmem>>, vector<400x128xf32>
    %get3A_2 = arith.constant 0 : index
    %get3A_3 = arith.constant 0 : index
    %get3A_4 = vector.load %arg2[%get3A_2, %get3A_3] : memref<128x128xf32, #tpu.memory_space<vmem>>, vector<128x128xf32>
    %dot_general3A = arith.constant dense<0.000000e+00> : vector<400x128xf32>
    %dot_general3A_5 = tpu.matmul %get3A_1, %get3A_4, %dot_general3A {dimension_numbers = #tpu.dot_dimension_numbers<[1], [0], [0], [1], [0, 0, 1, 1], [], []>, transpose_lhs_hint = false} : vector<400x128xf32>, vector<128x128xf32>, vector<400x128xf32> -> vector<400x128xf32>
    %swap3A = arith.constant 0 : index
    %swap3A_6 = arith.constant 0 : index
    %swap3A_7 = vector.load %arg3[%swap3A, %swap3A_6] : memref<400x128xf32, #tpu.memory_space<vmem>>, vector<400x128xf32>
    tpu.vector_store %arg3[%swap3A, %swap3A_6], %dot_general3A_5 {strides = array<i32>} : memref<400x128xf32, #tpu.memory_space<vmem>>, vector<400x128xf32>,
    return
  }
  func.func @transform_0(%arg0: i32) -> (i32, i32) {
    %c0_i32 = arith.constant 0 : i32
    %c0_i32_0 = arith.constant 0 : i32
    return %arg0, %c0_i32 : i32, i32
  }
  func.func @transform_1(%arg0: i32) -> (i32, i32) {
    %c0_i32 = arith.constant 0 : i32
    %c0_i32_0 = arith.constant 0 : i32
    %c0_i32_1 = arith.constant 0 : i32
    return %c0_i32, %c0_i32_0 : i32, i32
  }
  func.func @transform_2(%arg0: i32) -> (i32, i32) {
    %c0_i32 = arith.constant 0 : i32
    %c0_i32_0 = arith.constant 0 : i32
    return %arg0, %c0_i32 : i32, i32
  }
}

</mosaic_0001>

<sc_bundles>
// kernel: kernel.10.cloned.1.call-start
scs
__scs_entry_jumppad:
0x0: {  	(pc) =	sbr.rel $0x88, $3  }
0x1: {  	(tag) =	ssettag $0x0;
	lr =	simm.s32 $0x1  }
0x2: {  	[smem:$0x3F9A] =	sst lr;
	_ =	strace $0xD0000000  }
0x3: {  	_ = 	snop  }
0x4: {  	_ = 	snop  }
0x5: {  	_ = 	snop  }
0x6: {  	_ = 	snop  }
0x7: {  	_ = 	snop  }
__scs_overlays_trampoline_lowered:
0x8: {  	[smem:$0x3FA9] =	sst s0  }
0x9: {  	[smem:$0x3FAA] =	sst s1  }
0xa: {  	[smem:$0x3FAB] =	sst s2  }
0xb: {  	[smem:$0x3FAC] =	sst s3  }
0xc: {  	[smem:$0x3FAD] =	sst s4  }
0xd: {  	[smem:$0x3FAE] =	sst s5  }
0xe: {  	[smem:$0x3FAF] =	sst s6  }
0xf: {  	[smem:$0x3FB0] =	sst s7  }
0x10: {  	[smem:$0x3FB1] =	sst s8  }
0x11: {  	[smem:$0x3FB2] =	sst s9;
	s0 =	simm.s32 @!p0 $0x0  }
0x12: {  	s1 =	sld [smem:$0x3F98];
	s0 =	simm.s32 @p0 $0x1  }
0x13: {  	[smem:$0x3FB3] =	sst s0;
	s0 =	simm.s32 @!p1 $0x0  }
0x14: {  	s2 =	sld [smem:$0x3F97];
	s0 =	simm.s32 @p1 $0x1  }
0x15: {  	[smem:$0x3FB4] =	sst s0;
	s0 =	simm.s32 @!p2 $0x0  }
0x16: {  	s3 =	sld [smem:$0x3FDB];
	s0 =	simm.s32 @p2 $0x1  }
0x17: {  	s4 =	simm.s32 $0x1BF5;
	[smem:$0x3FB6] =	sst s0  }
0x18: {  	s0 =	sld [smem:$0x3F99];
	_ =	swait.ge [sflag:s4], $0x0  }
0x19: {  	s7 =	sld [smem:$0x3F9A]  }
0x1a: {  	s8 =	sadd.s32 $0xFFFFE003, lr  }
0x1b: {  	s9 =	sadd.s32 $0xFFFFFEF7, lr;
	s5 =	simm.s32 $0xFFFFFFFF;
	p2 =	slt.u32 s8, $0xFFFFF086  }
0x1c: {  	p1 =	slt.u32 s9, $0xF7A;
	s5 =	simm.s32 @!p2 $0x0  }
0x1d: {  	s5 =	simm.s32 @p1 $0x1;
	p0 =	seq.s32 s7, s2  }
0x1e: {  	s7 =	smul.u32 @!p0 $0xF7A, s2;
	p2 =	seq.s32 @!p0 s5, $0x0  }
0x1f: {  	s9 =	smul.u32 $0xF7A, s1;
	s8 =	simm.s32 @!p0 $0x1BF5;
	p2 =	por !p2, p0  }
0x20: {  	[sflag:s8] =	ssyncset.s32 @!p0 $0xFFFFF086;
	s6 =	sadd.s32 @!p0 s3, s7;
	s7 =	simm.s32 @!p0 $0x108  }
0x21: {  	s3 =	sadd.s32 s3, s9;
	s6 =	sadd.s32 @!p0 $0x88, s6;
	s7 =	simm.s32 @p2 $0x1082  }
0x22: {  	[simem:s7], [sflag:s8] =	dma.local @!p0 [hbm:s6], $0xF7A  }
0x23: {  	s9 =	sor.u32 $0xD0000000, s2;
	s6 =	simm.s32 $0x108;
	_ =	swait.ge @!p0 [sflag:s8], $0x0  }
0x24: {  	s3 =	sadd.s32 $0x88, s3;
	s6 =	simm.s32 @!p1 $0x1082;
	[sflag:s4] =	ssyncset.s32 $0xFFFFF086  }
0x25: {  	[simem:s6], [sflag:s4] =	dma.local [hbm:s3], $0xF7A  }
0x26: {  	[smem:$0x3F9A] =	sst s1;
	(tag) =	ssettag s2;
	_ =	strace s9  }
0x27: {  	s1 =	sld [smem:$0x3FAA]  }
0x28: {  	s2 =	sld [smem:$0x3FAB]  }
0x29: {  	s4 =	sld [smem:$0x3FAD]  }
0x2a: {  	p0 =	seq.s32 s5, $0x0;
	s5 =	sld [smem:$0x3FAE]  }
0x2b: {  	s6 =	sld [smem:$0x3FAF]  }
0x2c: {  	s7 =	sld [smem:$0x3FB0]  }
0x2d: {  	s3 =	simm.s32 $0x108;
	s8 =	sld [smem:$0x3FB1]  }
0x2e: {  	s3 =	simm.s32 @!p0 $0x1082;
	s9 =	sld [smem:$0x3FB2]  }
0x2f: {  	lr =	sadd.s32 s0, s3;
	s0 =	sld [smem:$0x3FA9]  }
0x30: {  	s3 =	sld [smem:$0x3FAC]  }
0x31: {  	[smem:$0x3FB5] =	sst s10  }
0x32: {  	s10 =	sld [smem:$0x3FB3];
	_ =	sdelay $0x3  }
0x33: {  	p0 =	seq.s32 s10, $0x1;
	s10 =	sld [smem:$0x3FB5];
	_ =	sdelay $0x3  }
0x34: {  	[smem:$0x3FB5] =	sst s10  }
0x35: {  	s10 =	sld [smem:$0x3FB4];
	_ =	sdelay $0x3  }
0x36: {  	p1 =	seq.s32 s10, $0x1;
	s10 =	sld [smem:$0x3FB5];
	_ =	sdelay $0x3  }
0x37: {  	[smem:$0x3FB5] =	sst s10  }
0x38: {  	s10 =	sld [smem:$0x3FB6]  }
0x39: {  	_ = 	snop;
	(pc) =	sbr.ind lr, $3  }
0x3a: {  	_ = 	snop  }
0x3b: {  	_ = 	snop  }
0x3c: {  	p2 =	seq.s32 s10, $0x1;
	s10 =	sld [smem:$0x3FB5]  }
0x3d: {  	_ =	shalt  }
0x3e: {  	_ =	shalt  }
0x3f: {  	_ =	shalt  }
0x40: {  	_ =	shalt  }
0x41: {  	_ =	shalt  }
0x42: {  	_ =	shalt  }
0x43: {  	_ =	shalt  }
0x44: {  	_ =	shalt  }
0x45: {  	_ =	shalt  }
0x46: {  	_ =	shalt  }
0x47: {  	_ =	shalt  }
0x48: {  	_ =	shalt  }
0x49: {  	_ =	shalt  }
0x4a: {  	_ =	shalt  }
0x4b: {  	_ =	shalt  }
0x4c: {  	_ =	shalt  }
0x4d: {  	_ =	shalt  }
0x4e: {  	_ =	shalt  }
0x4f: {  	_ =	shalt  }
0x50: {  	_ =	shalt  }
0x51: {  	_ =	shalt  }
0x52: {  	_ =	shalt  }
0x53: {  	_ =	shalt  }
0x54: {  	_ =	shalt  }
0x55: {  	_ =	shalt  }
0x56: {  	_ =	shalt  }
0x57: {  	_ =	shalt  }
0x58: {  	_ =	shalt  }
0x59: {  	_ =	shalt  }
0x5a: {  	_ =	shalt  }
0x5b: {  	_ =	shalt  }
0x5c: {  	_ =	shalt  }
0x5d: {  	_ =	shalt  }
0x5e: {  	_ =	shalt  }
0x5f: {  	_ =	shalt  }
0x60: {  	_ =	shalt  }
0x61: {  	_ =	shalt  }
0x62: {  	_ =	shalt  }
0x63: {  	_ =	shalt  }
0x64: {  	_ =	shalt  }
0x65: {  	_ =	shalt  }
0x66: {  	_ =	shalt  }
0x67: {  	_ =	shalt  }
0x68: {  	_ =	shalt  }
0x69: {  	_ =	shalt  }
0x6a: {  	_ =	shalt  }
0x6b: {  	_ =	shalt  }
0x6c: {  	_ =	shalt  }
0x6d: {  	_ =	shalt  }
0x6e: {  	_ =	shalt  }
0x6f: {  	_ =	shalt  }
0x70: {  	_ =	shalt  }
0x71: {  	_ =	shalt  }
0x72: {  	_ =	shalt  }
0x73: {  	_ =	shalt  }
0x74: {  	_ =	shalt  }
0x75: {  	_ =	shalt  }
0x76: {  	_ =	shalt  }
0x77: {  	_ =	shalt  }
0x78: {  	_ =	shalt  }
0x79: {  	_ =	shalt  }
0x7a: {  	_ =	shalt  }
0x7b: {  	_ =	shalt  }
0x7c: {  	_ =	shalt  }
0x7d: {  	_ =	shalt  }
0x7e: {  	_ =	shalt  }
0x7f: {  	_ =	shalt  }
0x80: {  	_ =	shalt  }
0x81: {  	_ =	shalt  }
0x82: {  	_ =	shalt  }
0x83: {  	_ =	shalt  }
0x84: {  	_ =	shalt  }
0x85: {  	_ =	shalt  }
0x86: {  	_ =	shalt  }
0x87: {  	_ =	shalt  }
.Lfunc_end0:
.L_simem_size_0:
called_computation.1_lowered:
.L_overlay_start_0:
0x88: {  	s2 =	sld [smem:$0x3FD9]  }
0x89: {  	s3 =	sld [smem:$0x3FFE];
	_ =	sdelay $0x1  }
0x8a: {  	s1 =	srdreg.scid  }
0x8b: {  	s0 =	sand.u32 $0x1, s1  }
0x8c: {  	s17 =	sshll.u32 s0, $0xA;
	s2 =	sadd.s32 s3, s2  }
0x8d: {  	s2 =	sadd.s32 s2, s17  }
0x8e: {  	[smem:$0x3FC1] =	sst s2  }
0x8f: {  	_ = 	snop  }
0x90: {  	s2 =	sld [smem:$0x3FC7]  }
0x91: {  	s18 =	sld [smem:$0x3FD0];
	(tm) =	ssettm $0x1  }
0x92: {  	s4 =	sld [smem:$0x3FFB];
	_ =	sdelay $0x3  }
0x93: {  	_ =	strace s4  }
0x94: {  	s4 =	sld [smem:$0x3FFC];
	_ =	sdelay $0x3  }
0x95: {  	_ =	strace s4  }
0x96: {  	s4 =	sld [smem:$0x3FFD];
	_ =	sdelay $0x3  }
0x97: {  	_ =	strace s4  }
0x98: {  	_ =	strace $0x8FFFFFFF  }
0x99: {  	s19 =	sld [smem:$0x3FDB];
	_ =	sdelay $0x1  }
0x9a: {  	s5 =	simm.s32 $_scs_section_size  }
0x9b: {  	s6 =	simm.s32 $_size__tile_overlayer_lowered;
	s7 =	simm.s32 $_tile_overlayer_lowered  }
0x9c: {  	s22 =	simm.s32 $0x1BFF;
	s21 =	sshll.u32 s7, $0x1;
	s4 =	sadd.s32 s5, s19  }
0x9d: {  	s8 =	simm.s32 $0x0;
	s20 =	sshll.u32 s6, $0x1;
	s6 =	sadd.s32 s21, s4  }
0x9e: {  	[timem:s8], [sflag:s22] =	dma.local [hbm:s6], s20  }
0x9f: {  	_ =	swait.ge [sflag:s22], s20  }
0xa0: {  	s5 =	ssub.s32 $0x0, s20;
	[sflag:s22] =	ssyncset.done $0x0  }
0xa1: {  	[sflag:s22] =	ssyncadd.s32 s5;
	_ =	sdelay $0x1  }
0xa2: {  	s23 =	simm.s32 $0x1B8B  }
0xa3: {  	_ =	swait.ge [sflag:s23], $0x1  }
0xa4: {  	[sflag:s23] =	ssyncset.done $0x0  }
0xa5: {  	s25 =	simm.s32 $0x1B8E;
	s24 =	sld [smem:$0x3FFE];
	[sflag:s23] =	ssyncadd.s32 $0xFFFFFFFF  }
0xa6: {  	s26 =	simm.s32 $execute0_lowered;
	[smem:$0x3FD2] =	sst s25  }
0xa7: {  	s6 =	sshll.u32 s26, $0x1;
	_ =	strace $0x80000049;
	[dreg:$0x1] =	wrdreg $0xFFFFFFFF  }
0xa8: {  	s28 =	simm.s32 $_size_execute0_lowered;
	s4 =	sadd.s32 s4, s6;
	[dreg:$0x0] =	wrdreg $0x0  }
0xa9: {  	s6 =	sshll.u32 s28, $0x1;
	[dreg:$0x2] =	wrdreg s4  }
0xaa: {  	[dreg:$0x3] =	wrdreg s6  }
0xab: {  	[dreg:$0x4] =	wrdreg $0xC0  }
0xac: {  	_ =	task [dreg:s8], $0x5FFFF  }
0xad: {  	[dreg:$0x1] =	wrdreg $0xFFFFFFFF  }
0xae: {  	[dreg:$0x0] =	wrdreg $0x60  }
0xaf: {  	[dreg:$0x2] =	wrdreg s24  }
0xb0: {  	[dreg:$0x3] =	wrdreg s18  }
0xb1: {  	[dreg:$0x4] =	wrdreg s2  }
0xb2: {  	[dreg:$0x5] =	wrdreg $0x15DC00  }
0xb3: {  	[dreg:$0x6] =	wrdreg $0x9  }
0xb4: {  	_ =	task.clear_ibuf [dreg:s8], $0x7FFFF;
	_ =	strace $0x90000049  }
0xb5: {  	s29 =	simm.s32 $0x9;
	_ =	strace $0x8000004B  }
0xb6: {  	_ =	swait.ge [sflag:s29], $0x1  }
0xb7: {  	[sflag:s29] =	ssyncadd.s32 $0xFFFFFFFF  }
0xb8: {  	_ =	strace $0x9000004B  }
0xb9: {  	_ =	sfence  }
0xba: {  	s30 =	sld [smem:$0x0];
	_ =	sdelay $0x2  }
0xbb: {  	s31 =	sshll.u32 s1, $0xD;
	s1 =	sshrl.u32 s1, $0x2  }
0xbc: {  	s3 =	sand.u32 $0x4000, s31;
	s1 =	sadd.s32 s1, s30  }
0xbd: {  	s0 =	sor.u32 s3, s0;
	s1 =	sshll.u32 s1, $0x11  }
0xbe: {  	s0 =	sor.u32 s1, s0  }
0xbf: {  	s0 =	sadd.s32 $0x8F2B, s0  }
0xc0: {  	[sflag:s0] =	ssyncadd.remote.s32 $0x1  }
0xc1: {  	_ =	sfence.sel $0xFFFF  }
0xc2: {  	[dreg:$0x0] =	wrdreg $0xFFFFFFFF;
	(pc) =	sbr.abs _section_cstart, $3  }
0xc3: {  	[dreg:$0x1] =	wrdreg $0xFFFFFFFF  }
0xc4: {  	_ =	task.clear_ibuf [dreg:s8], $0x2FFFF;
	_ =	strace $0x9FFFFFFF  }
0xc5: {  	(tm) =	ssettm $0x7FFFFFFF  }
tec
execute0_lowered:
.L_overlay_start_1:
0x0: {  	(tag) =	ssettag $0x1  }
0x1: {  	v34 =	vlaneseq.u32;
	v1 =	vimm.f32 $0.0e+00  }
0x2: {  	v21 =	vimm.s32 $0x2733;
	vm14 =	vcmask $0x300;
	vm13 =	vcmask $0x704  }
0x3: {  	vm12 =	vcmask $0xB08;
	vm11 =	vcmask $0xF0C;
	vm10 =	vcmask $0x1310  }
0x4: {  	vm9 =	vcmask $0x1714;
	vm8 =	vcmask $0x1B18;
	vm7 =	vcmask $0x1F1C  }
0x5: {  	vm6 =	vcmask $0x2320;
	vm2 =	vcmask $0x2724;
	vm0 =	vcmask $0x2B28  }
0x6: {  	vm1 =	vcmask $0x2F2C;
	vm3 =	vcmask $0x3330;
	vm4 =	vcmask $0x3734  }
0x7: {  	vm5 =	vcmask $0x3B38;
	v63 =	vimm.s32 $0x2773;
	v37 =	vimm.s32 $0x27B3  }
0x8: {  	v38 =	vimm.s32 $0x27F3;
	v0 =	vmul.u32 $0x10, v34;
	v22 =	vsel vm14, $0x2700, v21  }
0x9: {  	v35 =	vshrl.u32 v34, $0x2;
	v34 =	vand.u32 $0x3, v34;
	v37 =	vsel vm14, $0x2780, v37  }
0xa: {  	v38 =	vsel vm14, $0x27C0, v38;
	v23 =	vsel vm13, $0x2701, v22;
	v37 =	vsel vm13, $0x2781, v37  }
0xb: {  	v38 =	vsel vm13, $0x27C1, v38;
	v2 =	vor.u32 $0x1, v0;
	v3 =	vor.u32 $0x2, v0  }
0xc: {  	v4 =	vor.u32 $0x3, v0;
	v5 =	vor.u32 $0x100, v0;
	v6 =	vor.u32 $0x101, v0  }
0xd: {  	v7 =	vor.u32 $0x102, v0;
	v8 =	vor.u32 $0x103, v0;
	v24 =	vsel vm12, $0x2702, v23  }
0xe: {  	v9 =	vor.u32 $0x200, v0;
	v10 =	vor.u32 $0x201, v0;
	v25 =	vsel vm11, $0x2703, v24  }
0xf: {  	v11 =	vor.u32 $0x202, v0;
	v12 =	vor.u32 $0x203, v0;
	v26 =	vsel vm10, $0x2710, v25  }
0x10: {  	s4 =	rddreg [dreg:$0x0];
	v13 =	vor.u32 $0x300, v0;
	v14 =	vor.u32 $0x301, v0;
	v27 =	vsel vm9, $0x2711, v26  }
0x11: {  	s3 =	rddreg [dreg:$0x1];
	v15 =	vor.u32 $0x302, v0;
	v16 =	vor.u32 $0x303, v0;
	v28 =	vsel vm8, $0x2712, v27  }
0x12: {  	s0 =	rddreg [dreg:$0x2];
	v17 =	vor.u32 $0x400, v0;
	v18 =	vor.u32 $0x401, v0;
	v29 =	vsel vm7, $0x2713, v28  }
0x13: {  	s1 =	rddreg [dreg:$0x3];
	s2 =	simm.s32 $0x0;
	v19 =	vor.u32 $0x402, v0;
	v20 =	vor.u32 $0x403, v0;
	v30 =	vsel vm6, $0x2720, v29  }
0x14: {  	s5 =	srdreg.scid;
	s23 =	stileid.u32;
	s28 =	simm.s32 $0x80;
	v21 =	vor.u32 $0x500, v0;
	v22 =	vor.u32 $0x501, v0;
	v31 =	vsel vm2, $0x2721, v30  }
0x15: {  	s29 =	simm.s32 $0x122C0;
	s30 =	simm.s32 $0x11AC0;
	s31 =	simm.s32 $0x12340;
	v23 =	vor.u32 $0x502, v0;
	v37 =	vsel vm12, $0x2782, v37;
	v32 =	vsel vm0, $0x2722, v31  }
0x16: {  	[smem:$0x7FF] =	sst s2;
	s12 =	sand.u32 $0x1, s5;
	s18 =	smul.u32 $0x9C00, s23;
	v38 =	vsel vm12, $0x27C2, v38;
	v24 =	vor.u32 $0x503, v0;
	v33 =	vsel vm1, $0x2723, v32  }
0x17: {  	s6 =	sadd.s32 $0x1400, s4;
	s15 =	sadd.s32 $0x76800, s4;
	s4 =	sadd.s32 $0x2800, s4;
	v37 =	vsel vm11, $0x2783, v37;
	v38 =	vsel vm11, $0x27C3, v38;
	v33 =	vsel vm3, $0x2730, v33  }
0x18: {  	s20 =	sshll.u32 s23, $0x1;
	s10 =	sadd.s32 $0x27000, s1;
	p0 =	slt.u32 s23, $0x2;
	v25 =	vor.u32 $0x600, v0;
	v37 =	vsel vm10, $0x2790, v37;
	v36 =	vsel vm4, $0x2731, v33  }
0x19: {  	p1 =	sgt.u32 s23, $0x1;
	_ =	strace $0x8000004A;
	[dreg:$0x5] =	wrdreg s6;
	v33 =	vmul.u32 $0x10, v35;
	v35 =	vsel vm5, $0x2732, v36;
	v36 =	vsel vm14, $0x2740, v63  }
0x1a: {  	s19 =	ssub.s32 $0x2, s12;
	s9 =	sor.u32 s12, s20;
	s17 =	smul.u32 $0x9C40, s12;
	v38 =	vsel vm10, $0x27D0, v38;
	v26 =	vor.u32 $0x601, v0;
	v36 =	vsel vm13, $0x2741, v36  }
0x1b: {  	s20 =	smul.u32 $0x9C0, s23;
	s7 =	sshrl.u32 s19, $0x1;
	s5 =	sshrl.u32 s18, $0x2;
	v37 =	vsel vm9, $0x2791, v37;
	v38 =	vsel vm9, $0x27D1, v38;
	v36 =	vsel vm12, $0x2742, v36  }
0x1c: {  	s11 =	smul.u32 $0x2700, s9;
	s13 =	smin.u32 s9, $0x4;
	s19 =	ssub.s32 s19, s7;
	v27 =	vor.u32 $0x602, v0;
	v37 =	vsel vm8, $0x2792, v37;
	v36 =	vsel vm11, $0x2743, v36  }
0x1d: {  	s5 =	sadd.s32 s5, s1;
	s13 =	sshll.u32 s13, $0x7;
	s21 =	sadd.s32 s20, s17;
	v38 =	vsel vm8, $0x27D2, v38;
	v28 =	vor.u32 $0x603, v0;
	v36 =	vsel vm10, $0x2750, v36  }
0x1e: {  	s22 =	sshrl.u32 s17, $0x3;
	s6 =	sadd.s32 $0x800, s5;
	s7 =	sadd.s32 $0x1000, s5;
	v37 =	vsel vm7, $0x2793, v37;
	v38 =	vsel vm7, $0x27D3, v38;
	v36 =	vsel vm9, $0x2751, v36  }
0x1f: {  	s8 =	sadd.s32 $0x1800, s5;
	s9 =	sadd.s32 $0x2000, s5;
	s13 =	sadd.s32 s11, s13;
	v29 =	vor.u32 $0x700, v0;
	v37 =	vsel vm6, $0x27A0, v37;
	v36 =	vsel vm8, $0x2752, v36  }
0x20: {  	s11 =	simm.s32 $0x4F;
	s24 =	sshrl.u32 s21, $0x3;
	s25 =	sadd.s32 s4, s22;
	v38 =	vsel vm6, $0x27E0, v38;
	v30 =	vor.u32 $0x701, v0;
	v36 =	vsel vm7, $0x2753, v36  }
0x21: {  	s20 =	smax.u32 s19, $0x1;
	s21 =	simm.s32 $0x123C0;
	s22 =	simm.s32 $0x3;
	v37 =	vsel vm2, $0x27A1, v37;
	v38 =	vsel vm2, $0x27E1, v38;
	v36 =	vsel vm6, $0x2760, v36  }
0x22: {  	s11 =	simm.s32 @!p0 $0x4E;
	s14 =	sshrl.u32 s13, $0x3;
	s26 =	sadd.s32 $0x1380, s25;
	v31 =	vor.u32 $0x702, v0;
	v37 =	vsel vm0, $0x27A2, v37;
	v36 =	vsel vm2, $0x2761, v36  }
0x23: {  	p0 =	sne.s32 s23, $0xF;
	s23 =	simm.s32 $0x12BC0;
	s25 =	simm.s32 $0x0;
	v38 =	vsel vm0, $0x27E2, v38;
	v32 =	vor.u32 $0x703, v0;
	v36 =	vsel vm0, $0x2762, v36  }
0x24: {  	s12 =	sadd.s32 s15, s14;
	s18 =	sadd.s32 $0x4E0, s14;
	s13 =	sadd.s32 s3, s14;
	v37 =	vsel vm1, $0x27A3, v37;
	v38 =	vsel vm1, $0x27E3, v38;
	v36 =	vsel vm1, $0x2763, v36  }
0x25: {  	s14 =	sadd.s32 s0, s14;
	[dreg:$0x6] =	wrdreg s26;
	s26 =	simm.s32 $0x112C0;
	v37 =	vsel vm3, $0x27B0, v37;
	v38 =	vsel vm3, $0x27F0, v38;
	v36 =	vsel vm3, $0x2770, v36  }
0x26: {  	s15 =	sadd.s32 s15, s18;
	s16 =	sadd.s32 s3, s18;
	s17 =	sadd.s32 s0, s18;
	v37 =	vsel vm4, $0x27B1, v37;
	v38 =	vsel vm4, $0x27F1, v38;
	v36 =	vsel vm4, $0x2771, v36  }
0x27: {  	s18 =	sadd.s32 s4, s24;
	s0 =	simm.s32 $0x1;
	s3 =	simm.s32 $0x2;
	v37 =	vsel vm5, $0x27B2, v37;
	v38 =	vsel vm5, $0x27F2, v38;
	v36 =	vsel vm5, $0x2772, v36  }
.LBB2_1:
0x28: {  	s4 =	simm.s32 $0x40;
	s19 =	simm.s32 $0x0  }
.LBB2_2:
0x29: {  	p2 =	sne.s32 s4, $0x1FC0;
	[tilespmem:s19+$0x11AC0] =	vst v1;
	s24 =	smov.u32 s4;
	s4 =	sadd.s32 $0x40, s4  }
.Ltmp0:
0x2a: {  	[tilespmem:s19+$0x123C0] =	vst v1;
	(pc) =	sbr.rel @p2 .LBB2_2-.Ltmp0, $2  }
0x2b: {  	[tilespmem:s19+$0x112C0] =	vst v1;
	_ =	sdelay $0x2  }
0x2c: {  	s19 =	sshra.s32 s24, $0x2  }
0x2d: {  	[tilespmem:s19+$0x11AC0] =	vst v1  }
0x2e: {  	[tilespmem:s19+$0x123C0] =	vst v1  }
0x2f: {  	[tilespmem:s19+$0x112C0] =	vst v1  }
0x30: {  	[spmem:s5] =	stream.linear.scatter [tilespmem:s21], [sflag:$0x3], $0x800, $0x38;
	[tilespmem:$0x184D0] =	vst v63  }
0x31: {  	_ =	swait.ge [sflag:s22], $0x800  }
0x32: {  	[sflag:s22] =	ssyncset.done $0x0  }
0x33: {  	[sflag:s22] =	ssyncadd.s32 $0xFFFFF800  }
0x34: {  	[spmem:s6] =	stream.linear.scatter [tilespmem:s21], [sflag:$0x3], $0x800, $0x38;
	[tilespmem:$0x184D0] =	vst v63  }
0x35: {  	_ =	swait.ge [sflag:s22], $0x800  }
0x36: {  	[sflag:s22] =	ssyncset.done $0x0  }
0x37: {  	[sflag:s22] =	ssyncadd.s32 $0xFFFFF800  }
0x38: {  	[spmem:s7] =	stream.linear.scatter [tilespmem:s21], [sflag:$0x3], $0x800, $0x38;
	[tilespmem:$0x184D0] =	vst v63  }
0x39: {  	_ =	swait.ge [sflag:s22], $0x800  }
0x3a: {  	[sflag:s22] =	ssyncset.done $0x0  }
0x3b: {  	[sflag:s22] =	ssyncadd.s32 $0xFFFFF800  }
0x3c: {  	[spmem:s8] =	stream.linear.scatter [tilespmem:s21], [sflag:$0x3], $0x800, $0x38;
	[tilespmem:$0x184D0] =	vst v63  }
0x3d: {  	_ =	swait.ge [sflag:s22], $0x800  }
0x3e: {  	[sflag:s22] =	ssyncset.done $0x0  }
0x3f: {  	[sflag:s22] =	ssyncadd.s32 $0xFFFFF800  }
0x40: {  	[spmem:s9] =	stream.linear.scatter [tilespmem:s21], [sflag:$0x3], $0x700, $0x38;
	[tilespmem:$0x184D0] =	vst v63  }
0x41: {  	_ =	swait.ge [sflag:s22], $0x700  }
0x42: {  	[sflag:s22] =	ssyncset.done $0x0  }
0x43: {  	s4 =	simm.s32 @!p0 $0x123C0;
	[sflag:s22] =	ssyncadd.s32 $0xFFFFF900  }
0x44: {  	[spmem:s10] =	stream.linear.scatter @!p0 [tilespmem:s4], [sflag:$0x3], $0x100, $0x38;
	[tilespmem:$0x184D0] =	vst v63  }
0x45: {  	s4 =	simm.s32 @!p0 $0x3  }
0x46: {  	_ =	swait.ge @!p0 [sflag:s4], $0x100  }
0x47: {  	[sflag:s4] =	ssyncset.done @!p0 $0x0  }
0x48: {  	[sflag:s4] =	ssyncadd.s32 @!p0 $0xFFFFFF00  }
0x49: {  	[bflag:$0x0] =	sbarrier.arrive $0xFFFF  }
0x4a: {  	s19 =	rddreg [dreg:$0x5]  }
0x4b: {  	[tilespmem:s2], [sflag:$0x3] =	stream.linear.gather [hbm4b:s19+s2], $0x9C40, $0x38;
	[tilespmem:$0x184D0] =	vst v63  }
0x4c: {  	_ =	swait.ge [sflag:s22], $0x9C40  }
0x4d: {  	[sflag:s22] =	ssyncset.done $0x0  }
0x4e: {  	s24 =	simm.s32 $0x9C40;
	[sflag:s22] =	ssyncadd.s32 $0xFFFF63C0  }
0x4f: {  	[tilespmem:s24], [sflag:$0x3] =	stream.linear.gather [hbm4b:s12+s2], $0x2700, $0x38;
	[tilespmem:$0x184D0] =	vst v63  }
0x50: {  	_ =	swait.ge [sflag:s22], $0x2700  }
0x51: {  	[sflag:s22] =	ssyncset.done $0x0  }
0x52: {  	s19 =	simm.s32 $0xC3C0;
	[sflag:s22] =	ssyncadd.s32 $0xFFFFD900  }
0x53: {  	[tilespmem:s19], [sflag:$0x3] =	stream.linear.gather [hbm4b:s13+s2], $0x2700, $0x38;
	[tilespmem:$0x184D0] =	vst v63  }
0x54: {  	_ =	swait.ge [sflag:s22], $0x2700  }
0x55: {  	[sflag:s22] =	ssyncset.done $0x0  }
0x56: {  	s24 =	simm.s32 $0xEB40;
	[sflag:s22] =	ssyncadd.s32 $0xFFFFD900  }
0x57: {  	[tilespmem:s24], [sflag:$0x3] =	stream.linear.gather [hbm4b:s14+s2], $0x2700, $0x38;
	[tilespmem:$0x184D0] =	vst v63  }
0x58: {  	_ =	swait.ge [sflag:s22], $0x2700  }
0x59: {  	[sflag:s22] =	ssyncset.done $0x0  }
0x5a: {  	s4 =	simm.s32 @!p1 $0x0;
	s19 =	simm.s32 @!p1 $0xC340;
	[sflag:s22] =	ssyncadd.s32 $0xFFFFD900  }
0x5b: {  	[tilespmem:s19], [sflag:$0x3] =	stream.linear.gather @!p1 [hbm4b:s15+s4], $0x80, $0x38;
	[tilespmem:$0x184D0] =	vst v63  }
0x5c: {  	s19 =	simm.s32 @!p1 $0x3  }
0x5d: {  	_ =	swait.ge @!p1 [sflag:s19], $0x80  }
0x5e: {  	[sflag:s19] =	ssyncset.done @!p1 $0x0  }
0x5f: {  	s24 =	simm.s32 @!p1 $0xEAC0;
	[sflag:s19] =	ssyncadd.s32 @!p1 $0xFFFFFF80  }
0x60: {  	[tilespmem:s24], [sflag:$0x3] =	stream.linear.gather @!p1 [hbm4b:s16+s4], $0x80, $0x38;
	[tilespmem:$0x184D0] =	vst v63  }
0x61: {  	_ =	swait.ge @!p1 [sflag:s19], $0x80  }
0x62: {  	[sflag:s19] =	ssyncset.done @!p1 $0x0  }
.Ltmp1:
0x63: {  	s24 =	simm.s32 @!p1 $0x11240;
	[sflag:s19] =	ssyncadd.s32 @!p1 $0xFFFFFF80;
	(pc) =	sbr.rel .LBB2_4-.Ltmp1, $4  }
0x64: {  	[tilespmem:s24], [sflag:$0x3] =	stream.linear.gather @!p1 [hbm4b:s17+s4], $0x80, $0x38;
	[tilespmem:$0x184D0] =	vst v63  }
0x65: {  	_ =	swait.ge @!p1 [sflag:s19], $0x80  }
0x66: {  	[sflag:s19] =	ssyncset.done @!p1 $0x0  }
0x67: {  	s24 =	simm.s32 $0x0;
	[sflag:s19] =	ssyncadd.s32 @!p1 $0xFFFFFF80;
	s19 =	simm.s32 $0x0  }
.LBB2_8:
0x68: {  	s24 =	sadd.s32 $0x400, s24  }
0x69: {  	p2 =	sne.s32 s24, $0xA000  }
.Ltmp2:
0x6a: {  	_ = 	snop;
	(pc) =	sbr.rel @!p2 .LBB2_9-.Ltmp2, $2  }
0x6b: {  	_ =	sdelay $0x2  }
0x6c: {  	s19 =	sadd.s32 $0x2, s19  }
.LBB2_4:
0x6d: {  	p3 =	sge.u32 s19, s11  }
.Ltmp3:
0x6e: {  	_ = 	snop;
	(pc) =	sbr.rel @p3 .LBB2_6-.Ltmp3, $2  }
0x6f: {  	_ =	sdelay $0x2  }
0x70: {  	p2 =	seq.s32 s24, $0x0  }
0x71: {  	s4 =	simm.s32 @!p2 $0x1  }
0x72: {  	_ =	swait.ge @!p2 [sflag:s4], $0x800  }
0x73: {  	[sflag:s4] =	ssyncset.done @!p2 $0x0  }
0x74: {  	[sflag:s4] =	ssyncadd.s32 @!p2 $0xFFFFF800;
	s4 =	sshra.s32 s24, $0x2  }
0x75: {  	v39 =	vld [tilespmem:s4+$0x9C40];
	_ =	sdelay $0x4  }
0x76: {  	v39 =	vshll.u32 v39, $0x2;
	_ =	sdelay $0x3  }
0x77: {  	v40 =	vld [tilespmem:s4+$0xEB40]  }
0x78: {  	v41 =	vld.idx.msk [tilespmem:v39+s2+$0x0], $0xffff;
	_ =	sdelay $0x2  }
0x79: {  	v42 =	vor.u32 $0x1, v39;
	_ =	sdelay $0x1  }
0x7a: {  	v41 =	vmul.f32 v41, v40;
	_ =	sdelay $0x1  }
0x7b: {  	[tilespmem:v0+s26+$0x0] =	vst.idx.msk $0xffff, v41  }
0x7c: {  	v41 =	vld.idx.msk [tilespmem:v42+s2+$0x0], $0xffff;
	_ =	sdelay $0x2  }
0x7d: {  	v61 =	vor.u32 $0x2, v39;
	_ =	sdelay $0x1  }
0x7e: {  	v41 =	vmul.f32 v41, v40;
	_ =	sdelay $0x1  }
0x7f: {  	[tilespmem:v2+s26+$0x0] =	vst.idx.msk $0xffff, v41  }
0x80: {  	v41 =	vld.idx.msk [tilespmem:v61+s2+$0x0], $0xffff;
	_ =	sdelay $0x2  }
0x81: {  	v39 =	vor.u32 $0x3, v39;
	_ =	sdelay $0x1  }
0x82: {  	v41 =	vmul.f32 v41, v40;
	_ =	sdelay $0x1  }
0x83: {  	[tilespmem:v3+s26+$0x0] =	vst.idx.msk $0xffff, v41  }
0x84: {  	v39 =	vld.idx.msk [tilespmem:v39+s2+$0x0], $0xffff;
	_ =	sdelay $0x4  }
0x85: {  	v39 =	vmul.f32 v39, v40;
	_ =	sdelay $0x1  }
0x86: {  	[tilespmem:v4+s26+$0x0] =	vst.idx.msk $0xffff, v39  }
0x87: {  	v39 =	vld [tilespmem:s4+$0x9C50];
	_ =	sdelay $0x4  }
0x88: {  	v39 =	vshll.u32 v39, $0x2;
	_ =	sdelay $0x3  }
0x89: {  	v62 =	vld [tilespmem:s4+$0xEB50]  }
0x8a: {  	v41 =	vld.idx.msk [tilespmem:v39+s2+$0x0], $0xffff;
	_ =	sdelay $0x2  }
0x8b: {  	v63 =	vor.u32 $0x1, v39;
	_ =	sdelay $0x1  }
0x8c: {  	v41 =	vmul.f32 v41, v62;
	_ =	sdelay $0x1  }
0x8d: {  	[tilespmem:v5+s26+$0x0] =	vst.idx.msk $0xffff, v41  }
0x8e: {  	v41 =	vld.idx.msk [tilespmem:v63+s2+$0x0], $0xffff;
	_ =	sdelay $0x2  }
0x8f: {  	v45 =	vor.u32 $0x2, v39;
	_ =	sdelay $0x1  }
0x90: {  	v41 =	vmul.f32 v41, v62;
	_ =	sdelay $0x1  }
0x91: {  	[tilespmem:v6+s26+$0x0] =	vst.idx.msk $0xffff, v41  }
0x92: {  	v41 =	vld.idx.msk [tilespmem:v45+s2+$0x0], $0xffff;
	_ =	sdelay $0x2  }
0x93: {  	v39 =	vor.u32 $0x3, v39;
	_ =	sdelay $0x1  }
0x94: {  	v41 =	vmul.f32 v41, v62;
	_ =	sdelay $0x1  }
0x95: {  	[tilespmem:v7+s26+$0x0] =	vst.idx.msk $0xffff, v41  }
0x96: {  	v39 =	vld.idx.msk [tilespmem:v39+s2+$0x0], $0xffff;
	_ =	sdelay $0x4  }
0x97: {  	v39 =	vmul.f32 v39, v62;
	_ =	sdelay $0x1  }
0x98: {  	[tilespmem:v8+s26+$0x0] =	vst.idx.msk $0xffff, v39  }
0x99: {  	v39 =	vld [tilespmem:s4+$0x9C60];
	_ =	sdelay $0x4  }
0x9a: {  	v39 =	vshll.u32 v39, $0x2;
	_ =	sdelay $0x3  }
0x9b: {  	v46 =	vld [tilespmem:s4+$0xEB60]  }
0x9c: {  	v41 =	vld.idx.msk [tilespmem:v39+s2+$0x0], $0xffff;
	_ =	sdelay $0x2  }
0x9d: {  	v47 =	vor.u32 $0x1, v39;
	_ =	sdelay $0x1  }
0x9e: {  	v41 =	vmul.f32 v41, v46;
	_ =	sdelay $0x1  }
0x9f: {  	[tilespmem:v9+s26+$0x0] =	vst.idx.msk $0xffff, v41  }
0xa0: {  	v41 =	vld.idx.msk [tilespmem:v47+s2+$0x0], $0xffff;
	_ =	sdelay $0x2  }
0xa1: {  	v48 =	vor.u32 $0x2, v39;
	_ =	sdelay $0x1  }
0xa2: {  	v41 =	vmul.f32 v41, v46;
	_ =	sdelay $0x1  }
0xa3: {  	[tilespmem:v10+s26+$0x0] =	vst.idx.msk $0xffff, v41  }
0xa4: {  	v41 =	vld.idx.msk [tilespmem:v48+s2+$0x0], $0xffff;
	_ =	sdelay $0x2  }
0xa5: {  	v39 =	vor.u32 $0x3, v39;
	_ =	sdelay $0x1  }
0xa6: {  	v41 =	vmul.f32 v41, v46;
	_ =	sdelay $0x1  }
0xa7: {  	[tilespmem:v11+s26+$0x0] =	vst.idx.msk $0xffff, v41  }
0xa8: {  	v39 =	vld.idx.msk [tilespmem:v39+s2+$0x0], $0xffff;
	_ =	sdelay $0x4  }
0xa9: {  	v39 =	vmul.f32 v39, v46;
	_ =	sdelay $0x1  }
0xaa: {  	[tilespmem:v12+s26+$0x0] =	vst.idx.msk $0xffff, v39  }
0xab: {  	v39 =	vld [tilespmem:s4+$0x9C70];
	_ =	sdelay $0x4  }
0xac: {  	v39 =	vshll.u32 v39, $0x2;
	_ =	sdelay $0x3  }
0xad: {  	v49 =	vld [tilespmem:s4+$0xEB70]  }
0xae: {  	v41 =	vld.idx.msk [tilespmem:v39+s2+$0x0], $0xffff;
	_ =	sdelay $0x2  }
0xaf: {  	v50 =	vor.u32 $0x1, v39;
	_ =	sdelay $0x1  }
0xb0: {  	v41 =	vmul.f32 v41, v49;
	_ =	sdelay $0x1  }
0xb1: {  	[tilespmem:v13+s26+$0x0] =	vst.idx.msk $0xffff, v41  }
0xb2: {  	v41 =	vld.idx.msk [tilespmem:v50+s2+$0x0], $0xffff;
	_ =	sdelay $0x2  }
0xb3: {  	v51 =	vor.u32 $0x2, v39;
	_ =	sdelay $0x1  }
0xb4: {  	v41 =	vmul.f32 v41, v49;
	_ =	sdelay $0x1  }
0xb5: {  	[tilespmem:v14+s26+$0x0] =	vst.idx.msk $0xffff, v41  }
0xb6: {  	v41 =	vld.idx.msk [tilespmem:v51+s2+$0x0], $0xffff;
	_ =	sdelay $0x2  }
0xb7: {  	v39 =	vor.u32 $0x3, v39;
	_ =	sdelay $0x1  }
0xb8: {  	v41 =	vmul.f32 v41, v49;
	_ =	sdelay $0x1  }
0xb9: {  	[tilespmem:v15+s26+$0x0] =	vst.idx.msk $0xffff, v41  }
0xba: {  	v39 =	vld.idx.msk [tilespmem:v39+s2+$0x0], $0xffff;
	_ =	sdelay $0x4  }
0xbb: {  	v39 =	vmul.f32 v39, v49;
	_ =	sdelay $0x1  }
0xbc: {  	[tilespmem:v16+s26+$0x0] =	vst.idx.msk $0xffff, v39  }
0xbd: {  	v39 =	vld [tilespmem:s4+$0x9C80];
	_ =	sdelay $0x4  }
0xbe: {  	v39 =	vshll.u32 v39, $0x2;
	_ =	sdelay $0x3  }
0xbf: {  	v52 =	vld [tilespmem:s4+$0xEB80]  }
0xc0: {  	v41 =	vld.idx.msk [tilespmem:v39+s2+$0x0], $0xffff;
	_ =	sdelay $0x2  }
0xc1: {  	v53 =	vor.u32 $0x1, v39;
	_ =	sdelay $0x1  }
0xc2: {  	v41 =	vmul.f32 v41, v52;
	_ =	sdelay $0x1  }
0xc3: {  	[tilespmem:v17+s26+$0x0] =	vst.idx.msk $0xffff, v41  }
0xc4: {  	v41 =	vld.idx.msk [tilespmem:v53+s2+$0x0], $0xffff;
	_ =	sdelay $0x2  }
0xc5: {  	v54 =	vor.u32 $0x2, v39;
	_ =	sdelay $0x1  }
0xc6: {  	v41 =	vmul.f32 v41, v52;
	_ =	sdelay $0x1  }
0xc7: {  	[tilespmem:v18+s26+$0x0] =	vst.idx.msk $0xffff, v41  }
0xc8: {  	v41 =	vld.idx.msk [tilespmem:v54+s2+$0x0], $0xffff;
	_ =	sdelay $0x2  }
0xc9: {  	v39 =	vor.u32 $0x3, v39;
	_ =	sdelay $0x1  }
0xca: {  	v41 =	vmul.f32 v41, v52;
	_ =	sdelay $0x1  }
0xcb: {  	[tilespmem:v19+s26+$0x0] =	vst.idx.msk $0xffff, v41  }
0xcc: {  	v39 =	vld.idx.msk [tilespmem:v39+s2+$0x0], $0xffff;
	_ =	sdelay $0x4  }
0xcd: {  	v39 =	vmul.f32 v39, v52;
	_ =	sdelay $0x1  }
0xce: {  	[tilespmem:v20+s26+$0x0] =	vst.idx.msk $0xffff, v39  }
0xcf: {  	v39 =	vld [tilespmem:s4+$0x9C90];
	_ =	sdelay $0x4  }
0xd0: {  	v39 =	vshll.u32 v39, $0x2;
	_ =	sdelay $0x3  }
0xd1: {  	v55 =	vld [tilespmem:s4+$0xEB90]  }
0xd2: {  	v41 =	vld.idx.msk [tilespmem:v39+s2+$0x0], $0xffff;
	_ =	sdelay $0x2  }
0xd3: {  	v56 =	vor.u32 $0x1, v39;
	_ =	sdelay $0x1  }
0xd4: {  	v41 =	vmul.f32 v41, v55;
	_ =	sdelay $0x1  }
0xd5: {  	[tilespmem:v21+s26+$0x0] =	vst.idx.msk $0xffff, v41  }
0xd6: {  	v41 =	vld.idx.msk [tilespmem:v56+s2+$0x0], $0xffff;
	_ =	sdelay $0x2  }
0xd7: {  	v57 =	vor.u32 $0x2, v39;
	_ =	sdelay $0x1  }
0xd8: {  	v41 =	vmul.f32 v41, v55;
	_ =	sdelay $0x1  }
0xd9: {  	[tilespmem:v22+s26+$0x0] =	vst.idx.msk $0xffff, v41  }
0xda: {  	v41 =	vld.idx.msk [tilespmem:v57+s2+$0x0], $0xffff;
	_ =	sdelay $0x2  }
0xdb: {  	v39 =	vor.u32 $0x3, v39;
	_ =	sdelay $0x1  }
0xdc: {  	v41 =	vmul.f32 v41, v55;
	_ =	sdelay $0x1  }
0xdd: {  	[tilespmem:v23+s26+$0x0] =	vst.idx.msk $0xffff, v41  }
0xde: {  	v39 =	vld.idx.msk [tilespmem:v39+s2+$0x0], $0xffff;
	_ =	sdelay $0x4  }
0xdf: {  	v39 =	vmul.f32 v39, v55;
	_ =	sdelay $0x1  }
0xe0: {  	[tilespmem:v24+s26+$0x0] =	vst.idx.msk $0xffff, v39  }
0xe1: {  	v39 =	vld [tilespmem:s4+$0x9CA0];
	_ =	sdelay $0x4  }
0xe2: {  	v39 =	vshll.u32 v39, $0x2;
	_ =	sdelay $0x3  }
0xe3: {  	v58 =	vld [tilespmem:s4+$0xEBA0]  }
0xe4: {  	v41 =	vld.idx.msk [tilespmem:v39+s2+$0x0], $0xffff;
	_ =	sdelay $0x2  }
0xe5: {  	v59 =	vor.u32 $0x1, v39;
	_ =	sdelay $0x1  }
0xe6: {  	v41 =	vmul.f32 v41, v58;
	_ =	sdelay $0x1  }
0xe7: {  	[tilespmem:v25+s26+$0x0] =	vst.idx.msk $0xffff, v41  }
0xe8: {  	v41 =	vld.idx.msk [tilespmem:v59+s2+$0x0], $0xffff;
	_ =	sdelay $0x2  }
0xe9: {  	v60 =	vor.u32 $0x2, v39;
	_ =	sdelay $0x1  }
0xea: {  	v41 =	vmul.f32 v41, v58;
	_ =	sdelay $0x1  }
0xeb: {  	[tilespmem:v26+s26+$0x0] =	vst.idx.msk $0xffff, v41  }
0xec: {  	v41 =	vld.idx.msk [tilespmem:v60+s2+$0x0], $0xffff;
	_ =	sdelay $0x2  }
0xed: {  	v39 =	vor.u32 $0x3, v39;
	_ =	sdelay $0x1  }
0xee: {  	v41 =	vmul.f32 v41, v58;
	_ =	sdelay $0x1  }
0xef: {  	[tilespmem:v27+s26+$0x0] =	vst.idx.msk $0xffff, v41  }
0xf0: {  	v39 =	vld.idx.msk [tilespmem:v39+s2+$0x0], $0xffff;
	_ =	sdelay $0x4  }
0xf1: {  	v39 =	vmul.f32 v39, v58;
	_ =	sdelay $0x1  }
0xf2: {  	[tilespmem:v28+s26+$0x0] =	vst.idx.msk $0xffff, v39  }
0xf3: {  	v39 =	vld [tilespmem:s4+$0x9CB0];
	_ =	sdelay $0x4  }
0xf4: {  	v39 =	vshll.u32 v39, $0x2;
	_ =	sdelay $0x3  }
0xf5: {  	v61 =	vld [tilespmem:s4+$0xEBB0]  }
0xf6: {  	v41 =	vld.idx.msk [tilespmem:v39+s2+$0x0], $0xffff;
	_ =	sdelay $0x2  }
0xf7: {  	v62 =	vor.u32 $0x1, v39;
	_ =	sdelay $0x1  }
0xf8: {  	v41 =	vmul.f32 v41, v61;
	_ =	sdelay $0x1  }
0xf9: {  	[tilespmem:v29+s26+$0x0] =	vst.idx.msk $0xffff, v41  }
0xfa: {  	v41 =	vld.idx.msk [tilespmem:v62+s2+$0x0], $0xffff;
	_ =	sdelay $0x2  }
0xfb: {  	v63 =	vor.u32 $0x2, v39;
	_ =	sdelay $0x1  }
0xfc: {  	v41 =	vmul.f32 v41, v61;
	_ =	sdelay $0x1  }
0xfd: {  	[tilespmem:v30+s26+$0x0] =	vst.idx.msk $0xffff, v41  }
0xfe: {  	v41 =	vld.idx.msk [tilespmem:v63+s2+$0x0], $0xffff;
	_ =	sdelay $0x2  }
0xff: {  	v39 =	vor.u32 $0x3, v39;
	_ =	sdelay $0x1  }
0x100: {  	v41 =	vmul.f32 v41, v61;
	_ =	sdelay $0x1  }
0x101: {  	[tilespmem:v31+s26+$0x0] =	vst.idx.msk $0xffff, v41  }
0x102: {  	v39 =	vld.idx.msk [tilespmem:v39+s2+$0x0], $0xffff;
	_ =	sdelay $0x4  }
0x103: {  	v39 =	vmul.f32 v39, v61;
	_ =	sdelay $0x1  }
0x104: {  	[tilespmem:v32+s26+$0x0] =	vst.idx.msk $0xffff, v39  }
0x105: {  	v39 =	vld [tilespmem:s4+$0xC3C0];
	_ =	sdelay $0x4  }
0x106: {  	[tilespmem:$0x122C0] =	vst v39  }
0x107: {  	v39 =	vld [tilespmem:s4+$0xC3D0];
	_ =	sdelay $0x4  }
0x108: {  	[tilespmem:$0x122D0] =	vst v39  }
0x109: {  	v39 =	vld [tilespmem:s4+$0xC3E0];
	_ =	sdelay $0x4  }
0x10a: {  	[tilespmem:$0x122E0] =	vst v39  }
0x10b: {  	v39 =	vld [tilespmem:s4+$0xC3F0];
	_ =	sdelay $0x4  }
0x10c: {  	[tilespmem:$0x122F0] =	vst v39  }
0x10d: {  	v39 =	vld [tilespmem:s4+$0xC400];
	_ =	sdelay $0x4  }
0x10e: {  	[tilespmem:$0x12300] =	vst v39  }
0x10f: {  	v39 =	vld [tilespmem:s4+$0xC410];
	_ =	sdelay $0x4  }
0x110: {  	[tilespmem:$0x12310] =	vst v39  }
0x111: {  	v39 =	vld [tilespmem:s4+$0xC420];
	_ =	sdelay $0x4  }
0x112: {  	[tilespmem:$0x12320] =	vst v39  }
0x113: {  	v39 =	vld [tilespmem:s4+$0xC430];
	_ =	sdelay $0x4  }
0x114: {  	[tilespmem:$0x12330] =	vst v39  }
0x115: {  	[spmem:s1] =	stream.indirect.scatter.add.f32 [tilespmem:s26], [sflag:$0x1], $0x10, s29, s28, $0xb8;
	[tilespmem:$0x184D0] =	vst v63  }
.LBB2_6:
0x116: {  	s4 =	sadd.s32 $0x1, s19  }
0x117: {  	p3 =	sge.u32 s4, s11  }
.Ltmp4:
0x118: {  	_ = 	snop;
	(pc) =	sbr.rel @p3 .LBB2_8-.Ltmp4, $1  }
0x119: {  	_ =	sdelay $0x3  }
0x11a: {  	s4 =	simm.s32 @!p2 $0x2  }
0x11b: {  	_ =	swait.ge @!p2 [sflag:s4], $0x800  }
0x11c: {  	[sflag:s4] =	ssyncset.done @!p2 $0x0  }
0x11d: {  	[sflag:s4] =	ssyncadd.s32 @!p2 $0xFFFFF800;
	s4 =	sshra.s32 s24, $0x2  }
0x11e: {  	v39 =	vld [tilespmem:s4+$0x9CC0];
	_ =	sdelay $0x4  }
0x11f: {  	v39 =	vshll.u32 v39, $0x2;
	_ =	sdelay $0x3  }
0x120: {  	v40 =	vld [tilespmem:s4+$0xEBC0]  }
0x121: {  	v41 =	vld.idx.msk [tilespmem:v39+s2+$0x0], $0xffff;
	_ =	sdelay $0x2  }
0x122: {  	v42 =	vor.u32 $0x1, v39;
	_ =	sdelay $0x1  }
0x123: {  	v41 =	vmul.f32 v41, v40;
	_ =	sdelay $0x1  }
0x124: {  	[tilespmem:v0+s30+$0x0] =	vst.idx.msk $0xffff, v41  }
0x125: {  	v41 =	vld.idx.msk [tilespmem:v42+s2+$0x0], $0xffff;
	_ =	sdelay $0x2  }
0x126: {  	v61 =	vor.u32 $0x2, v39;
	_ =	sdelay $0x1  }
0x127: {  	v41 =	vmul.f32 v41, v40;
	_ =	sdelay $0x1  }
0x128: {  	[tilespmem:v2+s30+$0x0] =	vst.idx.msk $0xffff, v41  }
0x129: {  	v41 =	vld.idx.msk [tilespmem:v61+s2+$0x0], $0xffff;
	_ =	sdelay $0x2  }
0x12a: {  	v39 =	vor.u32 $0x3, v39;
	_ =	sdelay $0x1  }
0x12b: {  	v41 =	vmul.f32 v41, v40;
	_ =	sdelay $0x1  }
0x12c: {  	[tilespmem:v3+s30+$0x0] =	vst.idx.msk $0xffff, v41  }
0x12d: {  	v39 =	vld.idx.msk [tilespmem:v39+s2+$0x0], $0xffff;
	_ =	sdelay $0x4  }
0x12e: {  	v39 =	vmul.f32 v39, v40;
	_ =	sdelay $0x1  }
0x12f: {  	[tilespmem:v4+s30+$0x0] =	vst.idx.msk $0xffff, v39  }
0x130: {  	v39 =	vld [tilespmem:s4+$0x9CD0];
	_ =	sdelay $0x4  }
0x131: {  	v39 =	vshll.u32 v39, $0x2;
	_ =	sdelay $0x3  }
0x132: {  	v62 =	vld [tilespmem:s4+$0xEBD0]  }
0x133: {  	v41 =	vld.idx.msk [tilespmem:v39+s2+$0x0], $0xffff;
	_ =	sdelay $0x2  }
0x134: {  	v63 =	vor.u32 $0x1, v39;
	_ =	sdelay $0x1  }
0x135: {  	v41 =	vmul.f32 v41, v62;
	_ =	sdelay $0x1  }
0x136: {  	[tilespmem:v5+s30+$0x0] =	vst.idx.msk $0xffff, v41  }
0x137: {  	v41 =	vld.idx.msk [tilespmem:v63+s2+$0x0], $0xffff;
	_ =	sdelay $0x2  }
0x138: {  	v45 =	vor.u32 $0x2, v39;
	_ =	sdelay $0x1  }
0x139: {  	v41 =	vmul.f32 v41, v62;
	_ =	sdelay $0x1  }
0x13a: {  	[tilespmem:v6+s30+$0x0] =	vst.idx.msk $0xffff, v41  }
0x13b: {  	v41 =	vld.idx.msk [tilespmem:v45+s2+$0x0], $0xffff;
	_ =	sdelay $0x2  }
0x13c: {  	v39 =	vor.u32 $0x3, v39;
	_ =	sdelay $0x1  }
0x13d: {  	v41 =	vmul.f32 v41, v62;
	_ =	sdelay $0x1  }
0x13e: {  	[tilespmem:v7+s30+$0x0] =	vst.idx.msk $0xffff, v41  }
0x13f: {  	v39 =	vld.idx.msk [tilespmem:v39+s2+$0x0], $0xffff;
	_ =	sdelay $0x4  }
0x140: {  	v39 =	vmul.f32 v39, v62;
	_ =	sdelay $0x1  }
0x141: {  	[tilespmem:v8+s30+$0x0] =	vst.idx.msk $0xffff, v39  }
0x142: {  	v39 =	vld [tilespmem:s4+$0x9CE0];
	_ =	sdelay $0x4  }
0x143: {  	v39 =	vshll.u32 v39, $0x2;
	_ =	sdelay $0x3  }
0x144: {  	v46 =	vld [tilespmem:s4+$0xEBE0]  }
0x145: {  	v41 =	vld.idx.msk [tilespmem:v39+s2+$0x0], $0xffff;
	_ =	sdelay $0x2  }
0x146: {  	v47 =	vor.u32 $0x1, v39;
	_ =	sdelay $0x1  }
0x147: {  	v41 =	vmul.f32 v41, v46;
	_ =	sdelay $0x1  }
0x148: {  	[tilespmem:v9+s30+$0x0] =	vst.idx.msk $0xffff, v41  }
0x149: {  	v41 =	vld.idx.msk [tilespmem:v47+s2+$0x0], $0xffff;
	_ =	sdelay $0x2  }
0x14a: {  	v48 =	vor.u32 $0x2, v39;
	_ =	sdelay $0x1  }
0x14b: {  	v41 =	vmul.f32 v41, v46;
	_ =	sdelay $0x1  }
0x14c: {  	[tilespmem:v10+s30+$0x0] =	vst.idx.msk $0xffff, v41  }
0x14d: {  	v41 =	vld.idx.msk [tilespmem:v48+s2+$0x0], $0xffff;
	_ =	sdelay $0x2  }
0x14e: {  	v39 =	vor.u32 $0x3, v39;
	_ =	sdelay $0x1  }
0x14f: {  	v41 =	vmul.f32 v41, v46;
	_ =	sdelay $0x1  }
0x150: {  	[tilespmem:v11+s30+$0x0] =	vst.idx.msk $0xffff, v41  }
0x151: {  	v39 =	vld.idx.msk [tilespmem:v39+s2+$0x0], $0xffff;
	_ =	sdelay $0x4  }
0x152: {  	v39 =	vmul.f32 v39, v46;
	_ =	sdelay $0x1  }
0x153: {  	[tilespmem:v12+s30+$0x0] =	vst.idx.msk $0xffff, v39  }
0x154: {  	v39 =	vld [tilespmem:s4+$0x9CF0];
	_ =	sdelay $0x4  }
0x155: {  	v39 =	vshll.u32 v39, $0x2;
	_ =	sdelay $0x3  }
0x156: {  	v49 =	vld [tilespmem:s4+$0xEBF0]  }
0x157: {  	v41 =	vld.idx.msk [tilespmem:v39+s2+$0x0], $0xffff;
	_ =	sdelay $0x2  }
0x158: {  	v50 =	vor.u32 $0x1, v39;
	_ =	sdelay $0x1  }
0x159: {  	v41 =	vmul.f32 v41, v49;
	_ =	sdelay $0x1  }
0x15a: {  	[tilespmem:v13+s30+$0x0] =	vst.idx.msk $0xffff, v41  }
0x15b: {  	v41 =	vld.idx.msk [tilespmem:v50+s2+$0x0], $0xffff;
	_ =	sdelay $0x2  }
0x15c: {  	v51 =	vor.u32 $0x2, v39;
	_ =	sdelay $0x1  }
0x15d: {  	v41 =	vmul.f32 v41, v49;
	_ =	sdelay $0x1  }
0x15e: {  	[tilespmem:v14+s30+$0x0] =	vst.idx.msk $0xffff, v41  }
0x15f: {  	v41 =	vld.idx.msk [tilespmem:v51+s2+$0x0], $0xffff;
	_ =	sdelay $0x2  }
0x160: {  	v39 =	vor.u32 $0x3, v39;
	_ =	sdelay $0x1  }
0x161: {  	v41 =	vmul.f32 v41, v49;
	_ =	sdelay $0x1  }
0x162: {  	[tilespmem:v15+s30+$0x0] =	vst.idx.msk $0xffff, v41  }
0x163: {  	v39 =	vld.idx.msk [tilespmem:v39+s2+$0x0], $0xffff;
	_ =	sdelay $0x4  }
0x164: {  	v39 =	vmul.f32 v39, v49;
	_ =	sdelay $0x1  }
0x165: {  	[tilespmem:v16+s30+$0x0] =	vst.idx.msk $0xffff, v39  }
0x166: {  	v39 =	vld [tilespmem:s4+$0x9D00];
	_ =	sdelay $0x4  }
0x167: {  	v39 =	vshll.u32 v39, $0x2;
	_ =	sdelay $0x3  }
0x168: {  	v52 =	vld [tilespmem:s4+$0xEC00]  }
0x169: {  	v41 =	vld.idx.msk [tilespmem:v39+s2+$0x0], $0xffff;
	_ =	sdelay $0x2  }
0x16a: {  	v53 =	vor.u32 $0x1, v39;
	_ =	sdelay $0x1  }
0x16b: {  	v41 =	vmul.f32 v41, v52;
	_ =	sdelay $0x1  }
0x16c: {  	[tilespmem:v17+s30+$0x0] =	vst.idx.msk $0xffff, v41  }
0x16d: {  	v41 =	vld.idx.msk [tilespmem:v53+s2+$0x0], $0xffff;
	_ =	sdelay $0x2  }
0x16e: {  	v54 =	vor.u32 $0x2, v39;
	_ =	sdelay $0x1  }
0x16f: {  	v41 =	vmul.f32 v41, v52;
	_ =	sdelay $0x1  }
0x170: {  	[tilespmem:v18+s30+$0x0] =	vst.idx.msk $0xffff, v41  }
0x171: {  	v41 =	vld.idx.msk [tilespmem:v54+s2+$0x0], $0xffff;
	_ =	sdelay $0x2  }
0x172: {  	v39 =	vor.u32 $0x3, v39;
	_ =	sdelay $0x1  }
0x173: {  	v41 =	vmul.f32 v41, v52;
	_ =	sdelay $0x1  }
0x174: {  	[tilespmem:v19+s30+$0x0] =	vst.idx.msk $0xffff, v41  }
0x175: {  	v39 =	vld.idx.msk [tilespmem:v39+s2+$0x0], $0xffff;
	_ =	sdelay $0x4  }
0x176: {  	v39 =	vmul.f32 v39, v52;
	_ =	sdelay $0x1  }
0x177: {  	[tilespmem:v20+s30+$0x0] =	vst.idx.msk $0xffff, v39  }
0x178: {  	v39 =	vld [tilespmem:s4+$0x9D10];
	_ =	sdelay $0x4  }
0x179: {  	v39 =	vshll.u32 v39, $0x2;
	_ =	sdelay $0x3  }
0x17a: {  	v55 =	vld [tilespmem:s4+$0xEC10]  }
0x17b: {  	v41 =	vld.idx.msk [tilespmem:v39+s2+$0x0], $0xffff;
	_ =	sdelay $0x2  }
0x17c: {  	v56 =	vor.u32 $0x1, v39;
	_ =	sdelay $0x1  }
0x17d: {  	v41 =	vmul.f32 v41, v55;
	_ =	sdelay $0x1  }
0x17e: {  	[tilespmem:v21+s30+$0x0] =	vst.idx.msk $0xffff, v41  }
0x17f: {  	v41 =	vld.idx.msk [tilespmem:v56+s2+$0x0], $0xffff;
	_ =	sdelay $0x2  }
0x180: {  	v57 =	vor.u32 $0x2, v39;
	_ =	sdelay $0x1  }
0x181: {  	v41 =	vmul.f32 v41, v55;
	_ =	sdelay $0x1  }
0x182: {  	[tilespmem:v22+s30+$0x0] =	vst.idx.msk $0xffff, v41  }
0x183: {  	v41 =	vld.idx.msk [tilespmem:v57+s2+$0x0], $0xffff;
	_ =	sdelay $0x2  }
0x184: {  	v39 =	vor.u32 $0x3, v39;
	_ =	sdelay $0x1  }
0x185: {  	v41 =	vmul.f32 v41, v55;
	_ =	sdelay $0x1  }
0x186: {  	[tilespmem:v23+s30+$0x0] =	vst.idx.msk $0xffff, v41  }
0x187: {  	v39 =	vld.idx.msk [tilespmem:v39+s2+$0x0], $0xffff;
	_ =	sdelay $0x4  }
0x188: {  	v39 =	vmul.f32 v39, v55;
	_ =	sdelay $0x1  }
0x189: {  	[tilespmem:v24+s30+$0x0] =	vst.idx.msk $0xffff, v39  }
0x18a: {  	v39 =	vld [tilespmem:s4+$0x9D20];
	_ =	sdelay $0x4  }
0x18b: {  	v39 =	vshll.u32 v39, $0x2;
	_ =	sdelay $0x3  }
0x18c: {  	v58 =	vld [tilespmem:s4+$0xEC20]  }
0x18d: {  	v41 =	vld.idx.msk [tilespmem:v39+s2+$0x0], $0xffff;
	_ =	sdelay $0x2  }
0x18e: {  	v59 =	vor.u32 $0x1, v39;
	_ =	sdelay $0x1  }
0x18f: {  	v41 =	vmul.f32 v41, v58;
	_ =	sdelay $0x1  }
0x190: {  	[tilespmem:v25+s30+$0x0] =	vst.idx.msk $0xffff, v41  }
0x191: {  	v41 =	vld.idx.msk [tilespmem:v59+s2+$0x0], $0xffff;
	_ =	sdelay $0x2  }
0x192: {  	v60 =	vor.u32 $0x2, v39;
	_ =	sdelay $0x1  }
0x193: {  	v41 =	vmul.f32 v41, v58;
	_ =	sdelay $0x1  }
0x194: {  	[tilespmem:v26+s30+$0x0] =	vst.idx.msk $0xffff, v41  }
0x195: {  	v41 =	vld.idx.msk [tilespmem:v60+s2+$0x0], $0xffff;
	_ =	sdelay $0x2  }
0x196: {  	v39 =	vor.u32 $0x3, v39;
	_ =	sdelay $0x1  }
0x197: {  	v41 =	vmul.f32 v41, v58;
	_ =	sdelay $0x1  }
0x198: {  	[tilespmem:v27+s30+$0x0] =	vst.idx.msk $0xffff, v41  }
0x199: {  	v39 =	vld.idx.msk [tilespmem:v39+s2+$0x0], $0xffff;
	_ =	sdelay $0x4  }
0x19a: {  	v39 =	vmul.f32 v39, v58;
	_ =	sdelay $0x1  }
0x19b: {  	[tilespmem:v28+s30+$0x0] =	vst.idx.msk $0xffff, v39  }
0x19c: {  	v39 =	vld [tilespmem:s4+$0x9D30];
	_ =	sdelay $0x4  }
0x19d: {  	v39 =	vshll.u32 v39, $0x2;
	_ =	sdelay $0x3  }
0x19e: {  	v61 =	vld [tilespmem:s4+$0xEC30]  }
0x19f: {  	v41 =	vld.idx.msk [tilespmem:v39+s2+$0x0], $0xffff;
	_ =	sdelay $0x2  }
0x1a0: {  	v62 =	vor.u32 $0x1, v39;
	_ =	sdelay $0x1  }
0x1a1: {  	v41 =	vmul.f32 v41, v61;
	_ =	sdelay $0x1  }
0x1a2: {  	[tilespmem:v29+s30+$0x0] =	vst.idx.msk $0xffff, v41  }
0x1a3: {  	v41 =	vld.idx.msk [tilespmem:v62+s2+$0x0], $0xffff;
	_ =	sdelay $0x2  }
0x1a4: {  	v63 =	vor.u32 $0x2, v39;
	_ =	sdelay $0x1  }
0x1a5: {  	v41 =	vmul.f32 v41, v61;
	_ =	sdelay $0x1  }
0x1a6: {  	[tilespmem:v30+s30+$0x0] =	vst.idx.msk $0xffff, v41  }
0x1a7: {  	v41 =	vld.idx.msk [tilespmem:v63+s2+$0x0], $0xffff;
	_ =	sdelay $0x2  }
0x1a8: {  	v39 =	vor.u32 $0x3, v39;
	_ =	sdelay $0x1  }
0x1a9: {  	v41 =	vmul.f32 v41, v61;
	_ =	sdelay $0x1  }
0x1aa: {  	[tilespmem:v31+s30+$0x0] =	vst.idx.msk $0xffff, v41  }
0x1ab: {  	v39 =	vld.idx.msk [tilespmem:v39+s2+$0x0], $0xffff;
	_ =	sdelay $0x4  }
0x1ac: {  	v39 =	vmul.f32 v39, v61;
	_ =	sdelay $0x1  }
0x1ad: {  	[tilespmem:v32+s30+$0x0] =	vst.idx.msk $0xffff, v39  }
0x1ae: {  	v39 =	vld [tilespmem:s4+$0xC440];
	_ =	sdelay $0x4  }
0x1af: {  	[tilespmem:$0x12340] =	vst v39  }
0x1b0: {  	v39 =	vld [tilespmem:s4+$0xC450];
	_ =	sdelay $0x4  }
0x1b1: {  	[tilespmem:$0x12350] =	vst v39  }
0x1b2: {  	v39 =	vld [tilespmem:s4+$0xC460];
	_ =	sdelay $0x4  }
0x1b3: {  	[tilespmem:$0x12360] =	vst v39  }
0x1b4: {  	v39 =	vld [tilespmem:s4+$0xC470];
	_ =	sdelay $0x4  }
0x1b5: {  	[tilespmem:$0x12370] =	vst v39  }
0x1b6: {  	v39 =	vld [tilespmem:s4+$0xC480];
	_ =	sdelay $0x4  }
0x1b7: {  	[tilespmem:$0x12380] =	vst v39  }
0x1b8: {  	v39 =	vld [tilespmem:s4+$0xC490];
	_ =	sdelay $0x4  }
0x1b9: {  	[tilespmem:$0x12390] =	vst v39  }
0x1ba: {  	v39 =	vld [tilespmem:s4+$0xC4A0];
	_ =	sdelay $0x4  }
0x1bb: {  	[tilespmem:$0x123A0] =	vst v39  }
0x1bc: {  	v39 =	vld [tilespmem:s4+$0xC4B0];
	_ =	sdelay $0x1  }
.Ltmp5:
0x1bd: {  	_ = 	snop;
	(pc) =	sbr.rel .LBB2_8-.Ltmp5, $3  }
0x1be: {  	_ =	sdelay $0x1  }
0x1bf: {  	[tilespmem:$0x123B0] =	vst v39  }
0x1c0: {  	[spmem:s1] =	stream.indirect.scatter.add.f32 [tilespmem:s30], [sflag:$0x2], $0x10, s31, s28, $0xb8;
	[tilespmem:$0x184D0] =	vst v63  }
.LBB2_9:
0x1c1: {  	_ =	swait.ge [sflag:s0], $0x800  }
0x1c2: {  	[sflag:s0] =	ssyncset.done $0x0  }
0x1c3: {  	[sflag:s0] =	ssyncadd.s32 $0xFFFFF800  }
0x1c4: {  	_ =	swait.ge [sflag:s3], $0x800  }
0x1c5: {  	[sflag:s3] =	ssyncset.done $0x0  }
0x1c6: {  	[sflag:s3] =	ssyncadd.s32 $0xFFFFF800  }
0x1c7: {  	s4 =	simm.s32 $0x0;
	[bflag:$0x0] =	sbarrier.arrive $0xFFFF  }
0x1c8: {  	[tilespmem:s23], [sflag:$0x3] =	stream.linear.gather [spmem:s5], $0x2700, $0x38;
	[tilespmem:$0x184D0] =	vst v63  }
0x1c9: {  	v39 =	vmov s4;
	_ =	swait.ge [sflag:s22], $0x2700  }
0x1ca: {  	v39 =	vshll.u32 v39, $0x4;
	[sflag:s22] =	ssyncset.done $0x0  }
0x1cb: {  	s4 =	simm.s32 @!p0 $0x152C0;
	v39 =	vor.u32 v33, v39;
	[sflag:s22] =	ssyncadd.s32 $0xFFFFD900  }
0x1cc: {  	v39 =	vor.u32 v34, v39;
	[tilespmem:s4], [sflag:$0x3] =	stream.linear.gather @!p0 [spmem:s10], $0x100, $0x38;
	[tilespmem:$0x184D0] =	vst v63  }
0x1cd: {  	s4 =	simm.s32 @!p0 $0x3  }
0x1ce: {  	_ =	swait.ge @!p0 [sflag:s4], $0x100  }
0x1cf: {  	s24 =	simm.s32 $0x4;
	[sflag:s4] =	ssyncset.done @!p0 $0x0  }
0x1d0: {  	v63 =	vmov s24;
	[sflag:s4] =	ssyncadd.s32 @!p0 $0xFFFFFF00  }
0x1d1: {  	v41 =	vld.idx.msk [tilespmem:v39+s23+$0x0], $0xffff;
	v39 =	vshll.u32 v63, $0x4  }
0x1d2: {  	v39 =	vor.u32 v33, v39  }
0x1d3: {  	v39 =	vor.u32 v34, v39;
	_ =	sdelay $0x2  }
0x1d4: {  	s19 =	simm.s32 $0x8;
	s4 =	simm.s32 $0x153C0  }
0x1d5: {  	v40 =	vmov s19;
	s19 =	simm.s32 $0xC;
	[tilespmem:s4+$0x0] =	vst v41  }
.LBB2_10:
0x1d6: {  	p2 =	sne.s32 s19, $0x26C;
	v40 =	vshll.u32 v40, $0x4;
	v41 =	vld.idx.msk [tilespmem:v39+s23+$0x0], $0xffff  }
0x1d7: {  	v39 =	vor.u32 v33, v40  }
.Ltmp6:
0x1d8: {  	v39 =	vor.u32 v34, v39;
	(pc) =	sbr.rel @p2 .LBB2_10-.Ltmp6, $3  }
0x1d9: {  	_ =	sdelay $0x1  }
0x1da: {  	s4 =	sadd.s32 $0x10, s4  }
0x1db: {  	v40 =	vmov s19;
	s19 =	sadd.s32 $0x4, s19;
	[tilespmem:s4+$0x0] =	vst v41  }
0x1dc: {  	_ =	sdelay $0x2  }
0x1dd: {  	v40 =	vshll.u32 v40, $0x4  }
0x1de: {  	v39 =	vld.idx.msk [tilespmem:v39+s23+$0x0], $0xffff;
	v40 =	vor.u32 v33, v40  }
0x1df: {  	v40 =	vor.u32 v34, v40;
	_ =	sdelay $0x2  }
0x1e0: {  	s4 =	sadd.s32 $0x10, s4  }
0x1e1: {  	[tilespmem:s4+$0x0] =	vst v39  }
0x1e2: {  	v39 =	vld.idx.msk [tilespmem:v40+s23+$0x0], $0xffff;
	_ =	sdelay $0x3  }
0x1e3: {  	s4 =	sadd.s32 $0x10, s4  }
0x1e4: {  	s24 =	simm.s32 $0x153C0;
	[tilespmem:s4+$0x0] =	vst v39  }
0x1e5: {  	[hbm4b:s18+s2] =	stream.linear.scatter [tilespmem:s24], [sflag:$0x3], $0x9C0, $0x38;
	[tilespmem:$0x184D0] =	vst v63  }
0x1e6: {  	_ =	swait.ge [sflag:s22], $0x9C0  }
0x1e7: {  	[sflag:s22] =	ssyncset.done $0x0  }
0x1e8: {  	[sflag:s22] =	ssyncadd.s32 $0xFFFFF640  }
0x1e9: {  	v39 =	vld.idx.msk @!p0 [tilespmem:v35+s23+$0x0], $0xffff;
	_ =	sdelay $0x4  }
0x1ea: {  	[tilespmem:$0x15D80] =	vst @!p0 v39  }
0x1eb: {  	v39 =	vld.idx.msk @!p0 [tilespmem:v36+s23+$0x0], $0xffff;
	_ =	sdelay $0x4  }
0x1ec: {  	[tilespmem:$0x15D90] =	vst @!p0 v39  }
0x1ed: {  	v39 =	vld.idx.msk @!p0 [tilespmem:v37+s23+$0x0], $0xffff;
	_ =	sdelay $0x4  }
0x1ee: {  	[tilespmem:$0x15DA0] =	vst @!p0 v39  }
0x1ef: {  	v39 =	vld.idx.msk @!p0 [tilespmem:v38+s23+$0x0], $0xffff;
	_ =	sdelay $0x2  }
0x1f0: {  	s25 =	sadd.s32 $0x1, s25  }
0x1f1: {  	p2 =	sne.s32 s25, s20  }
.Ltmp7:
0x1f2: {  	s19 =	simm.s32 @!p0 $0x15D80;
	s4 =	rddreg @!p0 [dreg:$0x6];
	[tilespmem:$0x15DB0] =	vst @!p0 v39;
	(pc) =	sbr.rel @p2 .LBB2_1-.Ltmp7, $4  }
0x1f3: {  	[hbm4b:s4+s2] =	stream.linear.scatter @!p0 [tilespmem:s19], [sflag:$0x3], $0x40, $0x38;
	[tilespmem:$0x184D0] =	vst v63  }
0x1f4: {  	_ =	swait.ge @!p0 [sflag:s22], $0x40  }
0x1f5: {  	[sflag:s22] =	ssyncset.done @!p0 $0x0  }
0x1f6: {  	[sflag:s22] =	ssyncadd.s32 @!p0 $0xFFFFFFC0  }
0x1f7: {  	_ =	sfence.sel $0x180000  }
0x1f8: {  	[bflag:$0x0] =	sbarrier.arrive $0xFFFF  }
0x1f9: {  	_ =	strace $0x9000004A  }
0x1fa: {  	s0 =	stileid.u32;
	[bflag:$0x2] =	sbarrier.arrive $0xFFFF  }
0x1fb: {  	p0 =	sne.s32 s0, $0x0;
	s0 =	rddreg [dreg:$0x4]  }
0x1fc: {  	s0 =	sadd.s32 @!p0 $0x100000, s0  }
0x1fd: {  	[sflag:s0] =	ssyncadd.tile.s32 @!p0 $0x1;
	_ =	shalt  }
.Lfunc_end2:
_tile_overlayer_lowered:
.L_overlay_start_2:
0x1fe: {  	(tag) =	ssettag $0x2  }
0x1ff: {  	s0 =	rddreg [dreg:$0x0];
	s2 =	stileid.u32  }
0x200: {  	s1 =	rddreg [dreg:$0x1];
	p0 =	sne.s32 s2, $0x0  }
0x201: {  	s3 =	rddreg [dreg:$0x2];
	[bflag:$0x3] =	sbarrier.arrive $0xFFFF;
	s2 =	simm.s32 @!p0 $0x1C03  }
0x202: {  	[timem:s3], [sflag:s2] =	dma.local @!p0 [hbm:s0], s1  }
0x203: {  	s0 =	simm.s32 @!p0 $0x3  }
0x204: {  	_ =	swait.ge @!p0 [sflag:s0], s1  }
0x205: {  	s1 =	ssub.s32 @!p0 $0x0, s1;
	[sflag:s0] =	ssyncset.done @!p0 $0x0  }
0x206: {  	[sflag:s0] =	ssyncadd.s32 @!p0 s1  }
0x207: {  	[bflag:$0x3] =	sbarrier.arrive $0xFFFF  }
0x208: {  	_ =	shalt  }

// kernel: kernel.13.cloned.1.call-start
scs
__scs_entry_jumppad:
0x0: {  	(pc) =	sbr.rel $0x88, $3  }
0x1: {  	(tag) =	ssettag $0x0;
	lr =	simm.s32 $0x1  }
0x2: {  	[smem:$0x3F9A] =	sst lr;
	_ =	strace $0xD0000000  }
0x3: {  	_ = 	snop  }
0x4: {  	_ = 	snop  }
0x5: {  	_ = 	snop  }
0x6: {  	_ = 	snop  }
0x7: {  	_ = 	snop  }
__scs_overlays_trampoline_lowered:
0x8: {  	[smem:$0x3FA9] =	sst s0  }
0x9: {  	[smem:$0x3FAA] =	sst s1  }
0xa: {  	[smem:$0x3FAB] =	sst s2  }
0xb: {  	[smem:$0x3FAC] =	sst s3  }
0xc: {  	[smem:$0x3FAD] =	sst s4  }
0xd: {  	[smem:$0x3FAE] =	sst s5  }
0xe: {  	[smem:$0x3FAF] =	sst s6  }
0xf: {  	[smem:$0x3FB0] =	sst s7  }
0x10: {  	[smem:$0x3FB1] =	sst s8  }
0x11: {  	[smem:$0x3FB2] =	sst s9;
	s0 =	simm.s32 @!p0 $0x0  }
0x12: {  	s1 =	sld [smem:$0x3F98];
	s0 =	simm.s32 @p0 $0x1  }
0x13: {  	[smem:$0x3FB3] =	sst s0;
	s0 =	simm.s32 @!p1 $0x0  }
0x14: {  	s2 =	sld [smem:$0x3F97];
	s0 =	simm.s32 @p1 $0x1  }
0x15: {  	[smem:$0x3FB4] =	sst s0;
	s0 =	simm.s32 @!p2 $0x0  }
0x16: {  	s3 =	sld [smem:$0x3FDB];
	s0 =	simm.s32 @p2 $0x1  }
0x17: {  	s4 =	simm.s32 $0x1BF5;
	[smem:$0x3FB6] =	sst s0  }
0x18: {  	s0 =	sld [smem:$0x3F99];
	_ =	swait.ge [sflag:s4], $0x0  }
0x19: {  	s7 =	sld [smem:$0x3F9A]  }
0x1a: {  	s8 =	sadd.s32 $0xFFFFE003, lr  }
0x1b: {  	s9 =	sadd.s32 $0xFFFFFEF7, lr;
	s5 =	simm.s32 $0xFFFFFFFF;
	p2 =	slt.u32 s8, $0xFFFFF086  }
0x1c: {  	p1 =	slt.u32 s9, $0xF7A;
	s5 =	simm.s32 @!p2 $0x0  }
0x1d: {  	s5 =	simm.s32 @p1 $0x1;
	p0 =	seq.s32 s7, s2  }
0x1e: {  	s7 =	smul.u32 @!p0 $0xF7A, s2;
	p2 =	seq.s32 @!p0 s5, $0x0  }
0x1f: {  	s9 =	smul.u32 $0xF7A, s1;
	s8 =	simm.s32 @!p0 $0x1BF5;
	p2 =	por !p2, p0  }
0x20: {  	[sflag:s8] =	ssyncset.s32 @!p0 $0xFFFFF086;
	s6 =	sadd.s32 @!p0 s3, s7;
	s7 =	simm.s32 @!p0 $0x108  }
0x21: {  	s3 =	sadd.s32 s3, s9;
	s6 =	sadd.s32 @!p0 $0x88, s6;
	s7 =	simm.s32 @p2 $0x1082  }
0x22: {  	[simem:s7], [sflag:s8] =	dma.local @!p0 [hbm:s6], $0xF7A  }
0x23: {  	s9 =	sor.u32 $0xD0000000, s2;
	s6 =	simm.s32 $0x108;
	_ =	swait.ge @!p0 [sflag:s8], $0x0  }
0x24: {  	s3 =	sadd.s32 $0x88, s3;
	s6 =	simm.s32 @!p1 $0x1082;
	[sflag:s4] =	ssyncset.s32 $0xFFFFF086  }
0x25: {  	[simem:s6], [sflag:s4] =	dma.local [hbm:s3], $0xF7A  }
0x26: {  	[smem:$0x3F9A] =	sst s1;
	(tag) =	ssettag s2;
	_ =	strace s9  }
0x27: {  	s1 =	sld [smem:$0x3FAA]  }
0x28: {  	s2 =	sld [smem:$0x3FAB]  }
0x29: {  	s4 =	sld [smem:$0x3FAD]  }
0x2a: {  	p0 =	seq.s32 s5, $0x0;
	s5 =	sld [smem:$0x3FAE]  }
0x2b: {  	s6 =	sld [smem:$0x3FAF]  }
0x2c: {  	s7 =	sld [smem:$0x3FB0]  }
0x2d: {  	s3 =	simm.s32 $0x108;
	s8 =	sld [smem:$0x3FB1]  }
0x2e: {  	s3 =	simm.s32 @!p0 $0x1082;
	s9 =	sld [smem:$0x3FB2]  }
0x2f: {  	lr =	sadd.s32 s0, s3;
	s0 =	sld [smem:$0x3FA9]  }
0x30: {  	s3 =	sld [smem:$0x3FAC]  }
0x31: {  	[smem:$0x3FB5] =	sst s10  }
0x32: {  	s10 =	sld [smem:$0x3FB3];
	_ =	sdelay $0x3  }
0x33: {  	p0 =	seq.s32 s10, $0x1;
	s10 =	sld [smem:$0x3FB5];
	_ =	sdelay $0x3  }
0x34: {  	[smem:$0x3FB5] =	sst s10  }
0x35: {  	s10 =	sld [smem:$0x3FB4];
	_ =	sdelay $0x3  }
0x36: {  	p1 =	seq.s32 s10, $0x1;
	s10 =	sld [smem:$0x3FB5];
	_ =	sdelay $0x3  }
0x37: {  	[smem:$0x3FB5] =	sst s10  }
0x38: {  	s10 =	sld [smem:$0x3FB6]  }
0x39: {  	_ = 	snop;
	(pc) =	sbr.ind lr, $3  }
0x3a: {  	_ = 	snop  }
0x3b: {  	_ = 	snop  }
0x3c: {  	p2 =	seq.s32 s10, $0x1;
	s10 =	sld [smem:$0x3FB5]  }
0x3d: {  	_ =	shalt  }
0x3e: {  	_ =	shalt  }
0x3f: {  	_ =	shalt  }
0x40: {  	_ =	shalt  }
0x41: {  	_ =	shalt  }
0x42: {  	_ =	shalt  }
0x43: {  	_ =	shalt  }
0x44: {  	_ =	shalt  }
0x45: {  	_ =	shalt  }
0x46: {  	_ =	shalt  }
0x47: {  	_ =	shalt  }
0x48: {  	_ =	shalt  }
0x49: {  	_ =	shalt  }
0x4a: {  	_ =	shalt  }
0x4b: {  	_ =	shalt  }
0x4c: {  	_ =	shalt  }
0x4d: {  	_ =	shalt  }
0x4e: {  	_ =	shalt  }
0x4f: {  	_ =	shalt  }
0x50: {  	_ =	shalt  }
0x51: {  	_ =	shalt  }
0x52: {  	_ =	shalt  }
0x53: {  	_ =	shalt  }
0x54: {  	_ =	shalt  }
0x55: {  	_ =	shalt  }
0x56: {  	_ =	shalt  }
0x57: {  	_ =	shalt  }
0x58: {  	_ =	shalt  }
0x59: {  	_ =	shalt  }
0x5a: {  	_ =	shalt  }
0x5b: {  	_ =	shalt  }
0x5c: {  	_ =	shalt  }
0x5d: {  	_ =	shalt  }
0x5e: {  	_ =	shalt  }
0x5f: {  	_ =	shalt  }
0x60: {  	_ =	shalt  }
0x61: {  	_ =	shalt  }
0x62: {  	_ =	shalt  }
0x63: {  	_ =	shalt  }
0x64: {  	_ =	shalt  }
0x65: {  	_ =	shalt  }
0x66: {  	_ =	shalt  }
0x67: {  	_ =	shalt  }
0x68: {  	_ =	shalt  }
0x69: {  	_ =	shalt  }
0x6a: {  	_ =	shalt  }
0x6b: {  	_ =	shalt  }
0x6c: {  	_ =	shalt  }
0x6d: {  	_ =	shalt  }
0x6e: {  	_ =	shalt  }
0x6f: {  	_ =	shalt  }
0x70: {  	_ =	shalt  }
0x71: {  	_ =	shalt  }
0x72: {  	_ =	shalt  }
0x73: {  	_ =	shalt  }
0x74: {  	_ =	shalt  }
0x75: {  	_ =	shalt  }
0x76: {  	_ =	shalt  }
0x77: {  	_ =	shalt  }
0x78: {  	_ =	shalt  }
0x79: {  	_ =	shalt  }
0x7a: {  	_ =	shalt  }
0x7b: {  	_ =	shalt  }
0x7c: {  	_ =	shalt  }
0x7d: {  	_ =	shalt  }
0x7e: {  	_ =	shalt  }
0x7f: {  	_ =	shalt  }
0x80: {  	_ =	shalt  }
0x81: {  	_ =	shalt  }
0x82: {  	_ =	shalt  }
0x83: {  	_ =	shalt  }
0x84: {  	_ =	shalt  }
0x85: {  	_ =	shalt  }
0x86: {  	_ =	shalt  }
0x87: {  	_ =	shalt  }
.Lfunc_end0:
.L_simem_size_0:
called_computation.2_lowered:
.L_overlay_start_0:
0x88: {  	s2 =	sld [smem:$0x3FD9]  }
0x89: {  	s3 =	sld [smem:$0x3FFE];
	_ =	sdelay $0x1  }
0x8a: {  	s1 =	srdreg.scid  }
0x8b: {  	s0 =	sand.u32 $0x1, s1  }
0x8c: {  	s17 =	sshll.u32 s0, $0xA;
	s2 =	sadd.s32 s3, s2  }
0x8d: {  	s2 =	sadd.s32 s2, s17  }
0x8e: {  	[smem:$0x3FC1] =	sst s2  }
0x8f: {  	_ = 	snop  }
0x90: {  	s2 =	sld [smem:$0x3FC6]  }
0x91: {  	s18 =	sld [smem:$0x3FD0];
	(tm) =	ssettm $0x1  }
0x92: {  	s4 =	sld [smem:$0x3FFB];
	_ =	sdelay $0x3  }
0x93: {  	_ =	strace s4  }
0x94: {  	s4 =	sld [smem:$0x3FFC];
	_ =	sdelay $0x3  }
0x95: {  	_ =	strace s4  }
0x96: {  	s4 =	sld [smem:$0x3FFD];
	_ =	sdelay $0x3  }
0x97: {  	_ =	strace s4  }
0x98: {  	_ =	strace $0x8FFFFFFF  }
0x99: {  	s19 =	sld [smem:$0x3FDB];
	_ =	sdelay $0x1  }
0x9a: {  	s5 =	simm.s32 $_scs_section_size  }
0x9b: {  	s6 =	simm.s32 $_size__tile_overlayer_lowered;
	s7 =	simm.s32 $_tile_overlayer_lowered  }
0x9c: {  	s22 =	simm.s32 $0x1BFF;
	s21 =	sshll.u32 s7, $0x1;
	s4 =	sadd.s32 s5, s19  }
0x9d: {  	s8 =	simm.s32 $0x0;
	s20 =	sshll.u32 s6, $0x1;
	s6 =	sadd.s32 s21, s4  }
0x9e: {  	[timem:s8], [sflag:s22] =	dma.local [hbm:s6], s20  }
0x9f: {  	_ =	swait.ge [sflag:s22], s20  }
0xa0: {  	s5 =	ssub.s32 $0x0, s20;
	[sflag:s22] =	ssyncset.done $0x0  }
0xa1: {  	[sflag:s22] =	ssyncadd.s32 s5;
	_ =	sdelay $0x1  }
0xa2: {  	s23 =	simm.s32 $0x1B8B  }
0xa3: {  	_ =	swait.ge [sflag:s23], $0x1  }
0xa4: {  	[sflag:s23] =	ssyncset.done $0x0  }
0xa5: {  	s25 =	simm.s32 $0x1B8E;
	s24 =	sld [smem:$0x3FFE];
	[sflag:s23] =	ssyncadd.s32 $0xFFFFFFFF  }
0xa6: {  	s26 =	simm.s32 $execute0_lowered;
	[smem:$0x3FD2] =	sst s25  }
0xa7: {  	s6 =	sshll.u32 s26, $0x1;
	_ =	strace $0x8000004C;
	[dreg:$0x1] =	wrdreg $0xFFFFFFFF  }
0xa8: {  	s28 =	simm.s32 $_size_execute0_lowered;
	s4 =	sadd.s32 s4, s6;
	[dreg:$0x0] =	wrdreg $0x0  }
0xa9: {  	s6 =	sshll.u32 s28, $0x1;
	[dreg:$0x2] =	wrdreg s4  }
0xaa: {  	[dreg:$0x3] =	wrdreg s6  }
0xab: {  	[dreg:$0x4] =	wrdreg $0xC0  }
0xac: {  	_ =	task [dreg:s8], $0x5FFFF  }
0xad: {  	[dreg:$0x1] =	wrdreg $0xFFFFFFFF  }
0xae: {  	[dreg:$0x0] =	wrdreg $0x60  }
0xaf: {  	[dreg:$0x2] =	wrdreg s24  }
0xb0: {  	[dreg:$0x3] =	wrdreg s2  }
0xb1: {  	[dreg:$0x4] =	wrdreg s18  }
0xb2: {  	[dreg:$0x5] =	wrdreg $0x9  }
0xb3: {  	_ =	task.clear_ibuf [dreg:s8], $0x6FFFF;
	_ =	strace $0x9000004C  }
0xb4: {  	s29 =	simm.s32 $0x9;
	_ =	strace $0x8000004E  }
0xb5: {  	_ =	swait.ge [sflag:s29], $0x1  }
0xb6: {  	[sflag:s29] =	ssyncadd.s32 $0xFFFFFFFF  }
0xb7: {  	_ =	strace $0x9000004E  }
0xb8: {  	_ =	sfence  }
0xb9: {  	s30 =	sld [smem:$0x0];
	_ =	sdelay $0x2  }
0xba: {  	s31 =	sshll.u32 s1, $0xD;
	s1 =	sshrl.u32 s1, $0x2  }
0xbb: {  	s3 =	sand.u32 $0x4000, s31;
	s1 =	sadd.s32 s1, s30  }
0xbc: {  	s0 =	sor.u32 s3, s0;
	s1 =	sshll.u32 s1, $0x11  }
0xbd: {  	s0 =	sor.u32 s1, s0  }
0xbe: {  	s0 =	sadd.s32 $0x8F2B, s0  }
0xbf: {  	[sflag:s0] =	ssyncadd.remote.s32 $0x1  }
0xc0: {  	_ =	sfence.sel $0xFFFF  }
0xc1: {  	[dreg:$0x0] =	wrdreg $0xFFFFFFFF;
	(pc) =	sbr.abs _section_cstart, $3  }
0xc2: {  	[dreg:$0x1] =	wrdreg $0xFFFFFFFF  }
0xc3: {  	_ =	task.clear_ibuf [dreg:s8], $0x2FFFF;
	_ =	strace $0x9FFFFFFF  }
0xc4: {  	(tm) =	ssettm $0x7FFFFFFF  }
0xc5: {  	_ =	shalt  }
tec
execute0_lowered:
.L_overlay_start_1:
0x0: {  	(tag) =	ssettag $0x1  }
0x1: {  	s8 =	rddreg [dreg:$0x0]  }
0x2: {  	s11 =	rddreg [dreg:$0x1]  }
0x3: {  	s14 =	rddreg [dreg:$0x2]  }
0x4: {  	s2 =	simm.s32 $0x0;
	s3 =	srdreg.scid;
	s1 =	stileid.u32  }
0x5: {  	s17 =	simm.s32 $0x9C80;
	s18 =	simm.s32 $0x80;
	s19 =	simm.s32 $0x100  }
0x6: {  	s20 =	simm.s32 $0xBC80;
	s21 =	simm.s32 $0xE400;
	s22 =	simm.s32 $0x10B80  }
0x7: {  	s23 =	simm.s32 $0x0;
	[smem:$0x7FF] =	sst s2;
	s3 =	sand.u32 $0x1, s3  }
0x8: {  	s4 =	sshll.u32 s1, $0x1;
	p0 =	sgt.u32 s1, $0x1;
	_ =	strace $0x8000004D  }
0x9: {  	s5 =	ssub.s32 $0x2, s3;
	s3 =	sor.u32 s3, s4;
	s4 =	sadd.s32 $0x3B88, s8  }
0xa: {  	s30 =	sshrl.u32 s5, $0x1;
	s6 =	smul.u32 $0x2700, s3;
	s7 =	smin.u32 s3, $0x4  }
0xb: {  	s3 =	sadd.s32 $0x2800, s8;
	s15 =	ssub.s32 s5, s30;
	s31 =	sshll.u32 s7, $0x7  }
0xc: {  	s5 =	sadd.s32 $0x3F70, s8;
	s7 =	sadd.s32 $0x4740, s8;
	s9 =	sadd.s32 s6, s31  }
0xd: {  	s6 =	sadd.s32 $0x4358, s8;
	s8 =	sadd.s32 $0x4B28, s8;
	s13 =	sshrl.u32 s9, $0x2  }
0xe: {  	s15 =	smax.u32 s15, $0x1;
	s9 =	sadd.s32 s11, s13;
	s16 =	sadd.s32 $0x9C0, s13  }
0xf: {  	v0 =	vlaneseq.u32;
	s13 =	sadd.s32 s14, s13;
	s10 =	sadd.s32 $0x10, s9;
	s11 =	sadd.s32 s11, s16  }
0x10: {  	v1 =	vor.u32 $0x80, v0;
	s12 =	sadd.s32 $0x9D0, s9;
	s14 =	sadd.s32 s14, s16;
	s16 =	simm.s32 $0x1  }
.LBB2_1:
0x11: {  	[tilespmem:s2], [sflag:$0x1] =	stream.linear.gather [hbm4b:s3+s2], $0x9C40, $0x38;
	[tilespmem:$0x15A80] =	vst v63  }
0x12: {  	_ =	swait.ge [sflag:s16], $0x9C40  }
0x13: {  	[sflag:s16] =	ssyncset.done $0x0  }
0x14: {  	[sflag:s16] =	ssyncadd.s32 $0xFFFF63C0  }
0x15: {  	[tilespmem:s17], [sflag:$0x1] =	stream.linear.gather [hbm4b:s4+s2], $0x1F40, $0x38;
	[tilespmem:$0x15A80] =	vst v63  }
0x16: {  	_ =	swait.ge [sflag:s16], $0x1F40  }
0x17: {  	[sflag:s16] =	ssyncset.done $0x0  }
0x18: {  	s24 =	simm.s32 $0x0;
	[sflag:s16] =	ssyncadd.s32 $0xFFFFE0C0  }
0x19: {  	s25 =	simm.s32 $0x40;
	v2 =	vld [tilespmem:s24+$0x9C80]  }
.LBB2_2:
0x1a: {  	p1 =	sne.s32 s25, $0x7CC0;
	v3 =	vld [tilespmem:s24+$0x0];
	_ =	sdelay $0x2  }
.Ltmp0:
0x1b: {  	(pc) =	sbr.rel @p1 .LBB2_2-.Ltmp0, $4  }
0x1c: {  	_ = 	snop  }
0x1d: {  	v3 =	vadd.f32 v2, v3  }
0x1e: {  	s26 =	sshra.s32 s25, $0x2  }
0x1f: {  	s25 =	sadd.s32 $0x40, s25;
	v2 =	vld [tilespmem:s26+$0x9C80];
	[tilespmem:s24+$0x0] =	vst v3;
	s24 =	smov.u32 s26  }
0x20: {  	v3 =	vld [tilespmem:s24+$0x0];
	_ =	sdelay $0x4  }
0x21: {  	v2 =	vadd.f32 v2, v3;
	_ =	sdelay $0x1  }
0x22: {  	s31 =	simm.s32 $0x0;
	[tilespmem:s24+$0x0] =	vst v2  }
0x23: {  	[tilespmem:s17], [sflag:$0x1] =	stream.linear.gather [hbm4b:s5+s31], $0x1F40, $0x38;
	[tilespmem:$0x15A80] =	vst v63  }
0x24: {  	_ =	swait.ge [sflag:s16], $0x1F40  }
0x25: {  	[sflag:s16] =	ssyncset.done $0x0  }
0x26: {  	s24 =	simm.s32 $0x0;
	[sflag:s16] =	ssyncadd.s32 $0xFFFFE0C0  }
0x27: {  	s25 =	simm.s32 $0x40;
	v2 =	vld [tilespmem:s24+$0x9C80]  }
.LBB2_4:
0x28: {  	p1 =	sne.s32 s25, $0x7CC0;
	v3 =	vld [tilespmem:s24+$0x1F40];
	_ =	sdelay $0x2  }
.Ltmp1:
0x29: {  	(pc) =	sbr.rel @p1 .LBB2_4-.Ltmp1, $4  }
0x2a: {  	_ = 	snop  }
0x2b: {  	v3 =	vadd.f32 v2, v3  }
0x2c: {  	s26 =	sshra.s32 s25, $0x2  }
0x2d: {  	s25 =	sadd.s32 $0x40, s25;
	v2 =	vld [tilespmem:s26+$0x9C80];
	[tilespmem:s24+$0x1F40] =	vst v3;
	s24 =	smov.u32 s26  }
0x2e: {  	v3 =	vld [tilespmem:s24+$0x1F40];
	_ =	sdelay $0x4  }
0x2f: {  	v2 =	vadd.f32 v2, v3;
	_ =	sdelay $0x1  }
0x30: {  	s25 =	simm.s32 $0x0;
	[tilespmem:s24+$0x1F40] =	vst v2;
	s24 =	simm.s32 $0x9C80  }
0x31: {  	[tilespmem:s24], [sflag:$0x1] =	stream.linear.gather [hbm4b:s6+s25], $0x1F40, $0x38;
	[tilespmem:$0x15A80] =	vst v63  }
0x32: {  	_ =	swait.ge [sflag:s16], $0x1F40  }
0x33: {  	[sflag:s16] =	ssyncset.done $0x0  }
0x34: {  	[sflag:s16] =	ssyncadd.s32 $0xFFFFE0C0  }
0x35: {  	s26 =	simm.s32 $0x10;
	s25 =	sand.u32 $0x1FF0, s25;
	v2 =	vld [tilespmem:s24+$0x0]  }
.LBB2_6:
0x36: {  	p1 =	sne.s32 s26, $0x1F30;
	v3 =	vld [tilespmem:s25+$0x3E80];
	_ =	sdelay $0x3  }
.Ltmp2:
0x37: {  	(pc) =	sbr.rel @p1 .LBB2_6-.Ltmp2, $3  }
0x38: {  	v2 =	vadd.f32 v2, v3;
	_ =	sdelay $0x1  }
0x39: {  	s24 =	sadd.s32 $0x10, s24;
	[tilespmem:s25+$0x3E80] =	vst v2  }
0x3a: {  	s25 =	sand.u32 $0x1FF0, s26;
	s26 =	sadd.s32 $0x10, s26;
	v2 =	vld [tilespmem:s24+$0x0]  }
0x3b: {  	v3 =	vld [tilespmem:s25+$0x3E80];
	_ =	sdelay $0x4  }
0x3c: {  	v2 =	vadd.f32 v2, v3;
	_ =	sdelay $0x1  }
0x3d: {  	s24 =	simm.s32 $0x0;
	[tilespmem:s25+$0x3E80] =	vst v2  }
0x3e: {  	[tilespmem:s17], [sflag:$0x1] =	stream.linear.gather [hbm4b:s7+s24], $0x1F40, $0x38;
	[tilespmem:$0x15A80] =	vst v63  }
0x3f: {  	_ =	swait.ge [sflag:s16], $0x1F40  }
0x40: {  	[sflag:s16] =	ssyncset.done $0x0  }
0x41: {  	s24 =	simm.s32 $0x0;
	[sflag:s16] =	ssyncadd.s32 $0xFFFFE0C0  }
0x42: {  	s25 =	simm.s32 $0x40;
	v2 =	vld [tilespmem:s24+$0x9C80]  }
.LBB2_8:
0x43: {  	p1 =	sne.s32 s25, $0x7CC0;
	v3 =	vld [tilespmem:s24+$0x5DC0];
	_ =	sdelay $0x2  }
.Ltmp3:
0x44: {  	(pc) =	sbr.rel @p1 .LBB2_8-.Ltmp3, $4  }
0x45: {  	_ = 	snop  }
0x46: {  	v3 =	vadd.f32 v2, v3  }
0x47: {  	s26 =	sshra.s32 s25, $0x2  }
0x48: {  	s25 =	sadd.s32 $0x40, s25;
	v2 =	vld [tilespmem:s26+$0x9C80];
	[tilespmem:s24+$0x5DC0] =	vst v3;
	s24 =	smov.u32 s26  }
0x49: {  	v3 =	vld [tilespmem:s24+$0x5DC0];
	_ =	sdelay $0x4  }
0x4a: {  	v2 =	vadd.f32 v2, v3;
	_ =	sdelay $0x1  }
0x4b: {  	s25 =	simm.s32 $0x0;
	[tilespmem:s24+$0x5DC0] =	vst v2;
	s24 =	simm.s32 $0x9C80  }
0x4c: {  	[tilespmem:s24], [sflag:$0x1] =	stream.linear.gather [hbm4b:s8+s25], $0x1F40, $0x38;
	[tilespmem:$0x15A80] =	vst v63  }
0x4d: {  	_ =	swait.ge [sflag:s16], $0x1F40  }
0x4e: {  	[sflag:s16] =	ssyncset.done $0x0  }
0x4f: {  	[sflag:s16] =	ssyncadd.s32 $0xFFFFE0C0  }
0x50: {  	s26 =	simm.s32 $0x10;
	s25 =	sand.u32 $0x1FF0, s25;
	v2 =	vld [tilespmem:s24+$0x0]  }
.LBB2_10:
0x51: {  	p1 =	sne.s32 s26, $0x1F30;
	v3 =	vld [tilespmem:s25+$0x7D00];
	_ =	sdelay $0x3  }
.Ltmp4:
0x52: {  	(pc) =	sbr.rel @p1 .LBB2_10-.Ltmp4, $3  }
0x53: {  	v2 =	vadd.f32 v2, v3;
	_ =	sdelay $0x1  }
0x54: {  	s24 =	sadd.s32 $0x10, s24;
	[tilespmem:s25+$0x7D00] =	vst v2  }
0x55: {  	s25 =	sand.u32 $0x1FF0, s26;
	s26 =	sadd.s32 $0x10, s26;
	v2 =	vld [tilespmem:s24+$0x0]  }
0x56: {  	v3 =	vld [tilespmem:s25+$0x7D00];
	_ =	sdelay $0x4  }
0x57: {  	v2 =	vadd.f32 v2, v3;
	_ =	sdelay $0x1  }
0x58: {  	[tilespmem:s25+$0x7D00] =	vst v2  }
0x59: {  	[tilespmem:s20], [sflag:$0x1] =	stream.strided.gather [hbm4b:s9+s18], $0x2700, s19, s18, $0x38;
	[tilespmem:$0x15A80] =	vst v63  }
0x5a: {  	_ =	swait.ge [sflag:s16], $0x2700  }
0x5b: {  	[sflag:s16] =	ssyncset.done $0x0  }
0x5c: {  	[sflag:s16] =	ssyncadd.s32 $0xFFFFD900  }
0x5d: {  	[tilespmem:s21], [sflag:$0x1] =	stream.strided.gather [hbm4b:s10+s18], $0x2700, s19, s18, $0x38;
	[tilespmem:$0x15A80] =	vst v63  }
0x5e: {  	_ =	swait.ge [sflag:s16], $0x2700  }
0x5f: {  	[sflag:s16] =	ssyncset.done $0x0  }
0x60: {  	s24 =	simm.s32 @!p0 $0xE380;
	s25 =	simm.s32 @!p0 $0x0;
	[sflag:s16] =	ssyncadd.s32 $0xFFFFD900  }
0x61: {  	[tilespmem:s24], [sflag:$0x1] =	stream.linear.gather @!p0 [hbm4b:s11+s25], $0x80, $0x38;
	[tilespmem:$0x15A80] =	vst v63  }
0x62: {  	s24 =	simm.s32 @!p0 $0x1  }
0x63: {  	_ =	swait.ge @!p0 [sflag:s24], $0x80  }
0x64: {  	[sflag:s24] =	ssyncset.done @!p0 $0x0  }
0x65: {  	s26 =	simm.s32 @!p0 $0x10B00;
	[sflag:s24] =	ssyncadd.s32 @!p0 $0xFFFFFF80  }
0x66: {  	[tilespmem:s26], [sflag:$0x1] =	stream.linear.gather @!p0 [hbm4b:s12+s25], $0x80, $0x38;
	[tilespmem:$0x15A80] =	vst v63  }
0x67: {  	_ =	swait.ge @!p0 [sflag:s24], $0x80  }
0x68: {  	[sflag:s24] =	ssyncset.done @!p0 $0x0  }
0x69: {  	s26 =	simm.s32 $0xBC80;
	[sflag:s24] =	ssyncadd.s32 @!p0 $0xFFFFFF80  }
0x6a: {  	s28 =	simm.s32 $0xE400;
	v2 =	vld [tilespmem:s26+$0x0]  }
0x6b: {  	v3 =	vld [tilespmem:s28+$0x0];
	_ =	sdelay $0x4  }
0x6c: {  	v2 =	vshll.u32 v2, $0x2;
	v3 =	vshll.u32 v3, $0x2  }
0x6d: {  	v4 =	vor.u32 $0x2, v3;
	_ =	sdelay $0x1  }
0x6e: {  	v3 =	vor.u32 $0x3, v3  }
0x6f: {  	s28 =	simm.s32 @!p0 $0x278;
	v5 =	vor.u32 $0x1, v2  }
0x70: {  	s28 =	simm.s32 @p0 $0x270;
	v6 =	vld.idx.msk [tilespmem:v2+s2+$0x0], $0xffff  }
0x71: {  	s29 =	simm.s32 $0x0;
	p1 =	sne.s32 s28, $0x1;
	v7 =	vld.idx.msk [tilespmem:v4+s2+$0x0], $0xffff  }
.Ltmp5:
0x72: {  	s29 =	sand.u32 $0xFFFFFF80, s29;
	(pc) =	sbr.rel @!p1 .LBB2_13-.Ltmp5, $3  }
0x73: {  	s31 =	sadd.s32 $0x0, s29;
	v2 =	vld.idx.msk [tilespmem:v3+s2+$0x0], $0xffff  }
0x74: {  	v3 =	vld.idx.msk [tilespmem:v5+s2+$0x0], $0xffff;
	v5 =	vor.u32 s31, v0;
	_ =	sdelay $0x1  }
0x75: {  	s30 =	simm.s32 $0x1;
	s29 =	simm.s32 $0x0;
	v4 =	vadd.s32 s31, v1;
	s31 =	simm.s32 $0xE410;
	v6 =	vadd.f32 v7, v6  }
.LBB2_12:
0x76: {  	s29 =	sadd.s32 $0x10, s29  }
0x77: {  	s26 =	sadd.s32 $0x10, s26;
	s0 =	smov.u32 s30;
	s30 =	sadd.s32 $0x1, s30  }
0x78: {  	v2 =	vadd.f32 v2, v3;
	p1 =	sne.s32 s28, s30;
	[tilespmem:v5+s22+$0x0] =	vst.idx.msk $0xffff, v6;
	_ =	sdelay $0x1  }
0x79: {  	[tilespmem:v4+s22+$0x0] =	vst.idx.msk $0xffff, v2  }
0x7a: {  	v2 =	vld [tilespmem:s26+$0x0]  }
0x7b: {  	v3 =	vld [tilespmem:s31+$0x0];
	_ =	sdelay $0x3  }
0x7c: {  	v2 =	vshll.u32 v2, $0x2  }
0x7d: {  	v3 =	vshll.u32 v3, $0x2;
	v4 =	vor.u32 $0x1, v2  }
0x7e: {  	v5 =	vor.u32 $0x2, v3;
	v3 =	vor.u32 $0x3, v3;
	_ =	sdelay $0x3  }
0x7f: {  	v6 =	vld.idx.msk [tilespmem:v2+s2+$0x0], $0xffff  }
0x80: {  	s0 =	sshll.u32 s0, $0x4;
	v7 =	vld.idx.msk [tilespmem:v5+s2+$0x0], $0xffff  }
0x81: {  	s0 =	sand.u32 $0xFFFFFF80, s0;
	v2 =	vld.idx.msk [tilespmem:v3+s2+$0x0], $0xffff  }
.Ltmp6:
0x82: {  	s0 =	sadd.s32 s0, s29;
	v3 =	vld.idx.msk [tilespmem:v4+s2+$0x0], $0xffff;
	(pc) =	sbr.rel @p1 .LBB2_12-.Ltmp6, $3  }
0x83: {  	v5 =	vor.u32 s0, v0  }
0x84: {  	v4 =	vadd.s32 s0, v1;
	_ =	sdelay $0x1  }
0x85: {  	s31 =	sadd.s32 $0x10, s31;
	v6 =	vadd.f32 v7, v6  }
.LBB2_13:
0x86: {  	_ =	sdelay $0x2  }
0x87: {  	v2 =	vadd.f32 v2, v3  }
0x88: {  	[tilespmem:v5+s22+$0x0] =	vst.idx.msk $0xffff, v6  }
0x89: {  	[tilespmem:v4+s22+$0x0] =	vst.idx.msk $0xffff, v2  }
0x8a: {  	[hbm4b:s13+s2] =	stream.linear.scatter [tilespmem:s22], [sflag:$0x1], $0x4E00, $0x38;
	[tilespmem:$0x15A80] =	vst v63  }
0x8b: {  	s23 =	sadd.s32 $0x1, s23;
	_ =	swait.ge [sflag:s16], $0x4E00  }
0x8c: {  	p1 =	sne.s32 s23, s15;
	[sflag:s16] =	ssyncset.done $0x0  }
.Ltmp7:
0x8d: {  	s0 =	simm.s32 @!p0 $0x15980;
	[sflag:s16] =	ssyncadd.s32 $0xFFFFB200;
	(pc) =	sbr.rel @p1 .LBB2_1-.Ltmp7, $4  }
0x8e: {  	[hbm4b:s14+s25] =	stream.linear.scatter @!p0 [tilespmem:s0], [sflag:$0x1], $0x100, $0x38;
	[tilespmem:$0x15A80] =	vst v63  }
0x8f: {  	_ =	swait.ge @!p0 [sflag:s24], $0x100  }
0x90: {  	[sflag:s24] =	ssyncset.done @!p0 $0x0  }
0x91: {  	[sflag:s24] =	ssyncadd.s32 @!p0 $0xFFFFFF00  }
0x92: {  	_ =	sfence.sel $0x180000  }
0x93: {  	[bflag:$0x0] =	sbarrier.arrive $0xFFFF  }
0x94: {  	_ =	strace $0x9000004D  }
0x95: {  	[bflag:$0x2] =	sbarrier.arrive $0xFFFF  }
0x96: {  	p0 =	sne.s32 s1, $0x0;
	s0 =	rddreg [dreg:$0x3]  }
0x97: {  	s0 =	sadd.s32 @!p0 $0x100000, s0  }
0x98: {  	[sflag:s0] =	ssyncadd.tile.s32 @!p0 $0x1;
	_ =	shalt  }
.Lfunc_end2:
_tile_overlayer_lowered:
.L_overlay_start_2:
0x99: {  	(tag) =	ssettag $0x2  }
0x9a: {  	s0 =	rddreg [dreg:$0x0];
	s2 =	stileid.u32  }
0x9b: {  	s1 =	rddreg [dreg:$0x1];
	p0 =	sne.s32 s2, $0x0  }
0x9c: {  	s3 =	rddreg [dreg:$0x2];
	[bflag:$0x3] =	sbarrier.arrive $0xFFFF;
	s2 =	simm.s32 @!p0 $0x1C01  }
0x9d: {  	[timem:s3], [sflag:s2] =	dma.local @!p0 [hbm:s0], s1  }
0x9e: {  	s0 =	simm.s32 @!p0 $0x1  }
0x9f: {  	_ =	swait.ge @!p0 [sflag:s0], s1  }
0xa0: {  	s1 =	ssub.s32 @!p0 $0x0, s1;
	[sflag:s0] =	ssyncset.done @!p0 $0x0  }
0xa1: {  	[sflag:s0] =	ssyncadd.s32 @!p0 s1  }
0xa2: {  	[bflag:$0x3] =	sbarrier.arrive $0xFFFF  }
0xa3: {  	_ =	shalt  }

// kernel: kernel.7.cloned.1.call-start
scs
__scs_entry_jumppad:
0x0: {  	(pc) =	sbr.rel $0x88, $3  }
0x1: {  	(tag) =	ssettag $0x0;
	lr =	simm.s32 $0x1  }
0x2: {  	[smem:$0x3F9A] =	sst lr;
	_ =	strace $0xD0000000  }
0x3: {  	_ = 	snop  }
0x4: {  	_ = 	snop  }
0x5: {  	_ = 	snop  }
0x6: {  	_ = 	snop  }
0x7: {  	_ = 	snop  }
__scs_overlays_trampoline_lowered:
0x8: {  	[smem:$0x3FA9] =	sst s0  }
0x9: {  	[smem:$0x3FAA] =	sst s1  }
0xa: {  	[smem:$0x3FAB] =	sst s2  }
0xb: {  	[smem:$0x3FAC] =	sst s3  }
0xc: {  	[smem:$0x3FAD] =	sst s4  }
0xd: {  	[smem:$0x3FAE] =	sst s5  }
0xe: {  	[smem:$0x3FAF] =	sst s6  }
0xf: {  	[smem:$0x3FB0] =	sst s7  }
0x10: {  	[smem:$0x3FB1] =	sst s8  }
0x11: {  	[smem:$0x3FB2] =	sst s9;
	s0 =	simm.s32 @!p0 $0x0  }
0x12: {  	s1 =	sld [smem:$0x3F98];
	s0 =	simm.s32 @p0 $0x1  }
0x13: {  	[smem:$0x3FB3] =	sst s0;
	s0 =	simm.s32 @!p1 $0x0  }
0x14: {  	s2 =	sld [smem:$0x3F97];
	s0 =	simm.s32 @p1 $0x1  }
0x15: {  	[smem:$0x3FB4] =	sst s0;
	s0 =	simm.s32 @!p2 $0x0  }
0x16: {  	s3 =	sld [smem:$0x3FDB];
	s0 =	simm.s32 @p2 $0x1  }
0x17: {  	s4 =	simm.s32 $0x1BF5;
	[smem:$0x3FB6] =	sst s0  }
0x18: {  	s0 =	sld [smem:$0x3F99];
	_ =	swait.ge [sflag:s4], $0x0  }
0x19: {  	s7 =	sld [smem:$0x3F9A]  }
0x1a: {  	s8 =	sadd.s32 $0xFFFFE003, lr  }
0x1b: {  	s9 =	sadd.s32 $0xFFFFFEF7, lr;
	s5 =	simm.s32 $0xFFFFFFFF;
	p2 =	slt.u32 s8, $0xFFFFF086  }
0x1c: {  	p1 =	slt.u32 s9, $0xF7A;
	s5 =	simm.s32 @!p2 $0x0  }
0x1d: {  	s5 =	simm.s32 @p1 $0x1;
	p0 =	seq.s32 s7, s2  }
0x1e: {  	s7 =	smul.u32 @!p0 $0xF7A, s2;
	p2 =	seq.s32 @!p0 s5, $0x0  }
0x1f: {  	s9 =	smul.u32 $0xF7A, s1;
	s8 =	simm.s32 @!p0 $0x1BF5;
	p2 =	por !p2, p0  }
0x20: {  	[sflag:s8] =	ssyncset.s32 @!p0 $0xFFFFF086;
	s6 =	sadd.s32 @!p0 s3, s7;
	s7 =	simm.s32 @!p0 $0x108  }
0x21: {  	s3 =	sadd.s32 s3, s9;
	s6 =	sadd.s32 @!p0 $0x88, s6;
	s7 =	simm.s32 @p2 $0x1082  }
0x22: {  	[simem:s7], [sflag:s8] =	dma.local @!p0 [hbm:s6], $0xF7A  }
0x23: {  	s9 =	sor.u32 $0xD0000000, s2;
	s6 =	simm.s32 $0x108;
	_ =	swait.ge @!p0 [sflag:s8], $0x0  }
0x24: {  	s3 =	sadd.s32 $0x88, s3;
	s6 =	simm.s32 @!p1 $0x1082;
	[sflag:s4] =	ssyncset.s32 $0xFFFFF086  }
0x25: {  	[simem:s6], [sflag:s4] =	dma.local [hbm:s3], $0xF7A  }
0x26: {  	[smem:$0x3F9A] =	sst s1;
	(tag) =	ssettag s2;
	_ =	strace s9  }
0x27: {  	s1 =	sld [smem:$0x3FAA]  }
0x28: {  	s2 =	sld [smem:$0x3FAB]  }
0x29: {  	s4 =	sld [smem:$0x3FAD]  }
0x2a: {  	p0 =	seq.s32 s5, $0x0;
	s5 =	sld [smem:$0x3FAE]  }
0x2b: {  	s6 =	sld [smem:$0x3FAF]  }
0x2c: {  	s7 =	sld [smem:$0x3FB0]  }
0x2d: {  	s3 =	simm.s32 $0x108;
	s8 =	sld [smem:$0x3FB1]  }
0x2e: {  	s3 =	simm.s32 @!p0 $0x1082;
	s9 =	sld [smem:$0x3FB2]  }
0x2f: {  	lr =	sadd.s32 s0, s3;
	s0 =	sld [smem:$0x3FA9]  }
0x30: {  	s3 =	sld [smem:$0x3FAC]  }
0x31: {  	[smem:$0x3FB5] =	sst s10  }
0x32: {  	s10 =	sld [smem:$0x3FB3];
	_ =	sdelay $0x3  }
0x33: {  	p0 =	seq.s32 s10, $0x1;
	s10 =	sld [smem:$0x3FB5];
	_ =	sdelay $0x3  }
0x34: {  	[smem:$0x3FB5] =	sst s10  }
0x35: {  	s10 =	sld [smem:$0x3FB4];
	_ =	sdelay $0x3  }
0x36: {  	p1 =	seq.s32 s10, $0x1;
	s10 =	sld [smem:$0x3FB5];
	_ =	sdelay $0x3  }
0x37: {  	[smem:$0x3FB5] =	sst s10  }
0x38: {  	s10 =	sld [smem:$0x3FB6]  }
0x39: {  	_ = 	snop;
	(pc) =	sbr.ind lr, $3  }
0x3a: {  	_ = 	snop  }
0x3b: {  	_ = 	snop  }
0x3c: {  	p2 =	seq.s32 s10, $0x1;
	s10 =	sld [smem:$0x3FB5]  }
0x3d: {  	_ =	shalt  }
0x3e: {  	_ =	shalt  }
0x3f: {  	_ =	shalt  }
0x40: {  	_ =	shalt  }
0x41: {  	_ =	shalt  }
0x42: {  	_ =	shalt  }
0x43: {  	_ =	shalt  }
0x44: {  	_ =	shalt  }
0x45: {  	_ =	shalt  }
0x46: {  	_ =	shalt  }
0x47: {  	_ =	shalt  }
0x48: {  	_ =	shalt  }
0x49: {  	_ =	shalt  }
0x4a: {  	_ =	shalt  }
0x4b: {  	_ =	shalt  }
0x4c: {  	_ =	shalt  }
0x4d: {  	_ =	shalt  }
0x4e: {  	_ =	shalt  }
0x4f: {  	_ =	shalt  }
0x50: {  	_ =	shalt  }
0x51: {  	_ =	shalt  }
0x52: {  	_ =	shalt  }
0x53: {  	_ =	shalt  }
0x54: {  	_ =	shalt  }
0x55: {  	_ =	shalt  }
0x56: {  	_ =	shalt  }
0x57: {  	_ =	shalt  }
0x58: {  	_ =	shalt  }
0x59: {  	_ =	shalt  }
0x5a: {  	_ =	shalt  }
0x5b: {  	_ =	shalt  }
0x5c: {  	_ =	shalt  }
0x5d: {  	_ =	shalt  }
0x5e: {  	_ =	shalt  }
0x5f: {  	_ =	shalt  }
0x60: {  	_ =	shalt  }
0x61: {  	_ =	shalt  }
0x62: {  	_ =	shalt  }
0x63: {  	_ =	shalt  }
0x64: {  	_ =	shalt  }
0x65: {  	_ =	shalt  }
0x66: {  	_ =	shalt  }
0x67: {  	_ =	shalt  }
0x68: {  	_ =	shalt  }
0x69: {  	_ =	shalt  }
0x6a: {  	_ =	shalt  }
0x6b: {  	_ =	shalt  }
0x6c: {  	_ =	shalt  }
0x6d: {  	_ =	shalt  }
0x6e: {  	_ =	shalt  }
0x6f: {  	_ =	shalt  }
0x70: {  	_ =	shalt  }
0x71: {  	_ =	shalt  }
0x72: {  	_ =	shalt  }
0x73: {  	_ =	shalt  }
0x74: {  	_ =	shalt  }
0x75: {  	_ =	shalt  }
0x76: {  	_ =	shalt  }
0x77: {  	_ =	shalt  }
0x78: {  	_ =	shalt  }
0x79: {  	_ =	shalt  }
0x7a: {  	_ =	shalt  }
0x7b: {  	_ =	shalt  }
0x7c: {  	_ =	shalt  }
0x7d: {  	_ =	shalt  }
0x7e: {  	_ =	shalt  }
0x7f: {  	_ =	shalt  }
0x80: {  	_ =	shalt  }
0x81: {  	_ =	shalt  }
0x82: {  	_ =	shalt  }
0x83: {  	_ =	shalt  }
0x84: {  	_ =	shalt  }
0x85: {  	_ =	shalt  }
0x86: {  	_ =	shalt  }
0x87: {  	_ =	shalt  }
.Lfunc_end0:
.L_simem_size_0:
called_computation_lowered:
.L_overlay_start_0:
0x88: {  	s2 =	sld [smem:$0x3FD9]  }
0x89: {  	s3 =	sld [smem:$0x3FFE];
	_ =	sdelay $0x1  }
0x8a: {  	s1 =	srdreg.scid  }
0x8b: {  	s0 =	sand.u32 $0x1, s1  }
0x8c: {  	s17 =	sshll.u32 s0, $0xA;
	s2 =	sadd.s32 s3, s2  }
0x8d: {  	s2 =	sadd.s32 s2, s17  }
0x8e: {  	[smem:$0x3FC1] =	sst s2  }
0x8f: {  	_ = 	snop  }
0x90: {  	s2 =	sld [smem:$0x3FC8]  }
0x91: {  	s18 =	sld [smem:$0x3FC7];
	(tm) =	ssettm $0x1  }
0x92: {  	s4 =	sld [smem:$0x3FFB];
	_ =	sdelay $0x3  }
0x93: {  	_ =	strace s4  }
0x94: {  	s4 =	sld [smem:$0x3FFC];
	_ =	sdelay $0x3  }
0x95: {  	_ =	strace s4  }
0x96: {  	s4 =	sld [smem:$0x3FFD];
	_ =	sdelay $0x3  }
0x97: {  	_ =	strace s4  }
0x98: {  	_ =	strace $0x8FFFFFFF  }
0x99: {  	s19 =	sld [smem:$0x3FDB];
	_ =	sdelay $0x1  }
0x9a: {  	s5 =	simm.s32 $_scs_section_size  }
0x9b: {  	s6 =	simm.s32 $_size__tile_overlayer_lowered;
	s7 =	simm.s32 $_tile_overlayer_lowered  }
0x9c: {  	s22 =	simm.s32 $0x1BFF;
	s21 =	sshll.u32 s7, $0x1;
	s4 =	sadd.s32 s5, s19  }
0x9d: {  	s8 =	simm.s32 $0x0;
	s20 =	sshll.u32 s6, $0x1;
	s6 =	sadd.s32 s21, s4  }
0x9e: {  	[timem:s8], [sflag:s22] =	dma.local [hbm:s6], s20  }
0x9f: {  	_ =	swait.ge [sflag:s22], s20  }
0xa0: {  	s5 =	ssub.s32 $0x0, s20;
	[sflag:s22] =	ssyncset.done $0x0  }
0xa1: {  	[sflag:s22] =	ssyncadd.s32 s5;
	_ =	sdelay $0x1  }
0xa2: {  	s23 =	simm.s32 $0x1B8B  }
0xa3: {  	_ =	swait.ge [sflag:s23], $0x1  }
0xa4: {  	[sflag:s23] =	ssyncset.done $0x0  }
0xa5: {  	s25 =	simm.s32 $0x1B8E;
	s24 =	sld [smem:$0x3FFE];
	[sflag:s23] =	ssyncadd.s32 $0xFFFFFFFF  }
0xa6: {  	s26 =	simm.s32 $execute0_lowered;
	[smem:$0x3FD2] =	sst s25  }
0xa7: {  	s6 =	sshll.u32 s26, $0x1;
	_ =	strace $0x80000046;
	[dreg:$0x1] =	wrdreg $0xFFFFFFFF  }
0xa8: {  	s28 =	simm.s32 $_size_execute0_lowered;
	s4 =	sadd.s32 s4, s6;
	[dreg:$0x0] =	wrdreg $0x0  }
0xa9: {  	s6 =	sshll.u32 s28, $0x1;
	[dreg:$0x2] =	wrdreg s4  }
0xaa: {  	[dreg:$0x3] =	wrdreg s6  }
0xab: {  	[dreg:$0x4] =	wrdreg $0xC0  }
0xac: {  	_ =	task [dreg:s8], $0x5FFFF  }
0xad: {  	[dreg:$0x1] =	wrdreg $0xFFFFFFFF  }
0xae: {  	[dreg:$0x0] =	wrdreg $0x60  }
0xaf: {  	[dreg:$0x2] =	wrdreg s24  }
0xb0: {  	[dreg:$0x3] =	wrdreg s2  }
0xb1: {  	[dreg:$0x4] =	wrdreg s18  }
0xb2: {  	[dreg:$0x5] =	wrdreg $0x84000  }
0xb3: {  	[dreg:$0x6] =	wrdreg $0x9  }
0xb4: {  	_ =	task.clear_ibuf [dreg:s8], $0x7FFFF;
	_ =	strace $0x90000046  }
0xb5: {  	s29 =	simm.s32 $0x9;
	_ =	strace $0x80000048  }
0xb6: {  	_ =	swait.ge [sflag:s29], $0x1  }
0xb7: {  	[sflag:s29] =	ssyncadd.s32 $0xFFFFFFFF  }
0xb8: {  	_ =	strace $0x90000048  }
0xb9: {  	_ =	sfence  }
0xba: {  	s30 =	sld [smem:$0x0];
	_ =	sdelay $0x2  }
0xbb: {  	s31 =	sshll.u32 s1, $0xD;
	s1 =	sshrl.u32 s1, $0x2  }
0xbc: {  	s3 =	sand.u32 $0x4000, s31;
	s1 =	sadd.s32 s1, s30  }
0xbd: {  	s0 =	sor.u32 s3, s0;
	s1 =	sshll.u32 s1, $0x11  }
0xbe: {  	s0 =	sor.u32 s1, s0  }
0xbf: {  	s0 =	sadd.s32 $0x8F2B, s0  }
0xc0: {  	[sflag:s0] =	ssyncadd.remote.s32 $0x1  }
0xc1: {  	_ =	sfence.sel $0xFFFF  }
0xc2: {  	[dreg:$0x0] =	wrdreg $0xFFFFFFFF;
	(pc) =	sbr.abs _section_cstart, $3  }
0xc3: {  	[dreg:$0x1] =	wrdreg $0xFFFFFFFF  }
0xc4: {  	_ =	task.clear_ibuf [dreg:s8], $0x2FFFF;
	_ =	strace $0x9FFFFFFF  }
0xc5: {  	(tm) =	ssettm $0x7FFFFFFF  }
tec
execute0_lowered:
.L_overlay_start_1:
0x0: {  	(tag) =	ssettag $0x1  }
0x1: {  	s0 =	rddreg [dreg:$0x0]  }
0x2: {  	s1 =	rddreg [dreg:$0x1]  }
0x3: {  	s2 =	rddreg [dreg:$0x2]  }
0x4: {  	s3 =	rddreg [dreg:$0x3];
	s4 =	simm.s32 $0x0  }
0x5: {  	s12 =	srdreg.scid;
	s17 =	stileid.u32;
	s28 =	simm.s32 $0x400  }
0x6: {  	s29 =	simm.s32 $0x7;
	s30 =	simm.s32 $0x80;
	s31 =	simm.s32 $0x100  }
0x7: {  	[smem:$0x7FF] =	sst s4;
	s4 =	sand.u32 $0x1, s12;
	s6 =	sadd.s32 $0x1400, s0  }
0x8: {  	s7 =	smul.u32 $0x4E000, s17;
	s0 =	sadd.s32 $0x28600, s0;
	s9 =	sshll.u32 s17, $0x1  }
0x9: {  	p0 =	slt.u32 s17, $0x2;
	s12 =	simm.s32 $0x4F;
	_ =	strace $0x80000047  }
0xa: {  	s5 =	ssub.s32 $0x2, s4;
	s13 =	sor.u32 s4, s9;
	s12 =	simm.s32 @!p0 $0x4E  }
0xb: {  	s4 =	smul.u32 $0x138800, s4;
	p0 =	sne.s32 s17, $0xF;
	s7 =	sshrl.u32 s7, $0x2  }
0xc: {  	s8 =	sshrl.u32 s5, $0x1;
	s9 =	smul.u32 $0x2700, s13;
	s7 =	sadd.s32 s7, s3  }
0xd: {  	s5 =	ssub.s32 s5, s8;
	s8 =	smin.u32 s13, $0x4;
	s10 =	sadd.s32 $0x4000, s7  }
0xe: {  	s13 =	sadd.s32 $0x138000, s3;
	s14 =	sadd.s32 $0x8000, s7;
	[dreg:$0x5] =	wrdreg s10  }
0xf: {  	s8 =	sshll.u32 s8, $0x7;
	s15 =	sadd.s32 $0xC000, s7;
	[dreg:$0x6] =	wrdreg s14  }
0x10: {  	s16 =	sadd.s32 $0x10000, s7;
	s26 =	smax.u32 s5, $0x1;
	[dreg:$0x7] =	wrdreg s15  }
0x11: {  	s5 =	simm.s32 $0x1;
	[dreg:$0x8] =	wrdreg s16;
	s8 =	sadd.s32 s9, s8  }
0x12: {  	s15 =	sadd.s32 $0x10, s1;
	s16 =	smul.u32 $0x13800, s17;
	[dreg:$0x11] =	wrdreg s26  }
0x13: {  	s26 =	sadd.s32 $0xFFFFFFFE, s12;
	s10 =	simm.s32 $0x380;
	s17 =	simm.s32 $0x0  }
0x14: {  	s9 =	sshrl.u32 s8, $0x2;
	s19 =	sadd.s32 $0x80, s8;
	s11 =	sshrl.u32 s8, $0x3  }
0x15: {  	s18 =	sadd.s32 s1, s9;
	s14 =	sshrl.u32 s19, $0x2;
	s9 =	sadd.s32 s9, s15  }
0x16: {  	s20 =	sadd.s32 s2, s11;
	s23 =	sshrl.u32 s19, $0x3;
	[dreg:$0x9] =	wrdreg s18  }
0x17: {  	s24 =	sadd.s32 s16, s4;
	s4 =	sshrl.u32 s4, $0x3;
	[dreg:$0xa] =	wrdreg s9  }
0x18: {  	s11 =	simm.s32 $0x4400;
	[dreg:$0xb] =	wrdreg s20;
	s21 =	sadd.s32 s1, s14  }
0x19: {  	s22 =	sadd.s32 s14, s15;
	s9 =	sadd.s32 s2, s23;
	[dreg:$0xc] =	wrdreg s21  }
.Ltmp0:
0x1a: {  	s25 =	sshrl.u32 s24, $0x3;
	[dreg:$0xd] =	wrdreg s22;
	(pc) =	sbr.rel .LBB2_1-.Ltmp0, $4  }
0x1b: {  	s23 =	sshrl.u32 s8, $0x7;
	s8 =	simm.s32 $0x300;
	[dreg:$0xe] =	wrdreg s9  }
0x1c: {  	s9 =	sadd.s32 s0, s25;
	s0 =	sadd.s32 s0, s4;
	s22 =	sadd.s32 $0xFFFFFFFF, s12  }
0x1d: {  	s4 =	simm.s32 $0x3;
	[dreg:$0xf] =	wrdreg s9;
	s0 =	sadd.s32 $0x27000, s0  }
0x1e: {  	v0 =	vimm.f32 $0.0e+00;
	s9 =	simm.s32 $0x2;
	[dreg:$0x10] =	wrdreg s0;
	s0 =	simm.s32 $0x280  }
.LBB2_13:
0x1f: {  	s14 =	simm.s32 $0x5  }
0x20: {  	_ =	swait.ge [sflag:s14], $0x4000  }
0x21: {  	[sflag:s14] =	ssyncset.done $0x0  }
0x22: {  	s21 =	simm.s32 $0x6;
	[sflag:s14] =	ssyncadd.s32 $0xFFFFC000  }
0x23: {  	_ =	swait.ge [sflag:s21], $0x4000  }
0x24: {  	[sflag:s21] =	ssyncset.done $0x0  }
0x25: {  	s24 =	stileid.u32;
	[sflag:s21] =	ssyncadd.s32 $0xFFFFC000  }
0x26: {  	s14 =	sshll.u32 s24, $0x6;
	[bflag:$0x0] =	sbarrier.arrive $0xFFFF  }
0x27: {  	s16 =	sshrl.u32 s7, $0x3;
	s14 =	sor.u32 $0x1C07, s14;
	s18 =	rddreg [dreg:$0xf]  }
0x28: {  	[hbm:s18], [sflag:s14] =	dma.local [spmem:s16], $0x2700  }
0x29: {  	_ =	swait.ge [sflag:s29], $0x2700  }
0x2a: {  	[sflag:s29] =	ssyncset.done $0x0  }
0x2b: {  	s16 =	sshrl.u32 @!p0 s13, $0x3;
	s18 =	rddreg [dreg:$0x10];
	[sflag:s29] =	ssyncadd.s32 $0xFFFFD900  }
0x2c: {  	[hbm:s18], [sflag:s14] =	dma.local @!p0 [spmem:s16], $0x100  }
0x2d: {  	s14 =	simm.s32 @!p0 $0x7  }
0x2e: {  	_ =	swait.ge @!p0 [sflag:s14], $0x100  }
0x2f: {  	s17 =	sadd.s32 $0x1, s17;
	s25 =	rddreg [dreg:$0x11]  }
0x30: {  	p1 =	sne.s32 s17, s25  }
.Ltmp1:
0x31: {  	_ = 	snop;
	(pc) =	sbr.rel @!p1 .LBB2_14-.Ltmp1, $3  }
0x32: {  	_ =	sdelay $0x1  }
0x33: {  	[sflag:s14] =	ssyncset.done @!p0 $0x0  }
0x34: {  	[sflag:s14] =	ssyncadd.s32 @!p0 $0xFFFFFF00  }
.LBB2_1:
0x35: {  	s14 =	simm.s32 $0x0  }
0x36: {  	s18 =	sand.u32 $0xFE00, s14  }
0x37: {  	s19 =	sand.u32 $0x70, s14;
	s20 =	sshrl.u32 s18, $0x2  }
0x38: {  	s18 =	simm.s32 $0x40;
	s20 =	sor.u32 s19, s20;
	s19 =	simm.s32 $0x0  }
.LBB2_2:
0x39: {  	p1 =	sne.s32 s18, $0xFFC0  }
0x3a: {  	[tilespmem:s20+$0x400] =	vst v0;
	s19 =	sadd.s32 $0x10, s19;
	s20 =	smov.u32 s18;
	s18 =	sadd.s32 $0x40, s18  }
.Ltmp2:
0x3b: {  	(pc) =	sbr.rel @p1 .LBB2_2-.Ltmp2, $4  }
0x3c: {  	_ = 	snop  }
0x3d: {  	s20 =	sand.u32 $0xFE00, s20  }
0x3e: {  	s21 =	sand.u32 $0x70, s19;
	s20 =	sshrl.u32 s20, $0x2  }
0x3f: {  	s20 =	sor.u32 s21, s20  }
0x40: {  	[tilespmem:s20+$0x400] =	vst v0  }
0x41: {  	[spmem:s7] =	stream.linear.scatter [tilespmem:s28], [sflag:$0x7], $0x4000, $0x38;
	[tilespmem:$0x1BC80] =	vst v63  }
0x42: {  	_ =	swait.ge [sflag:s29], $0x4000  }
0x43: {  	[sflag:s29] =	ssyncset.done $0x0  }
0x44: {  	s14 =	rddreg [dreg:$0x5];
	[sflag:s29] =	ssyncadd.s32 $0xFFFFC000  }
0x45: {  	[spmem:s14] =	stream.linear.scatter [tilespmem:s28], [sflag:$0x7], $0x4000, $0x38;
	[tilespmem:$0x1BC80] =	vst v63  }
0x46: {  	_ =	swait.ge [sflag:s29], $0x4000  }
0x47: {  	[sflag:s29] =	ssyncset.done $0x0  }
0x48: {  	s20 =	rddreg [dreg:$0x6];
	[sflag:s29] =	ssyncadd.s32 $0xFFFFC000  }
0x49: {  	[spmem:s20] =	stream.linear.scatter [tilespmem:s28], [sflag:$0x7], $0x4000, $0x38;
	[tilespmem:$0x1BC80] =	vst v63  }
0x4a: {  	_ =	swait.ge [sflag:s29], $0x4000  }
0x4b: {  	[sflag:s29] =	ssyncset.done $0x0  }
0x4c: {  	s21 =	rddreg [dreg:$0x7];
	[sflag:s29] =	ssyncadd.s32 $0xFFFFC000  }
0x4d: {  	[spmem:s21] =	stream.linear.scatter [tilespmem:s28], [sflag:$0x7], $0x4000, $0x38;
	[tilespmem:$0x1BC80] =	vst v63  }
0x4e: {  	_ =	swait.ge [sflag:s29], $0x4000  }
0x4f: {  	[sflag:s29] =	ssyncset.done $0x0  }
0x50: {  	s24 =	rddreg [dreg:$0x8];
	[sflag:s29] =	ssyncadd.s32 $0xFFFFC000  }
0x51: {  	[spmem:s24] =	stream.linear.scatter [tilespmem:s28], [sflag:$0x7], $0x3800, $0x38;
	[tilespmem:$0x1BC80] =	vst v63  }
0x52: {  	_ =	swait.ge [sflag:s29], $0x3800  }
0x53: {  	[sflag:s29] =	ssyncset.done $0x0  }
0x54: {  	s18 =	simm.s32 @!p0 $0x400;
	[sflag:s29] =	ssyncadd.s32 $0xFFFFC800  }
0x55: {  	[spmem:s13] =	stream.linear.scatter @!p0 [tilespmem:s18], [sflag:$0x7], $0x800, $0x38;
	[tilespmem:$0x1BC80] =	vst v63  }
0x56: {  	s18 =	simm.s32 @!p0 $0x7  }
0x57: {  	_ =	swait.ge @!p0 [sflag:s18], $0x800  }
0x58: {  	[sflag:s18] =	ssyncset.done @!p0 $0x0  }
0x59: {  	[sflag:s18] =	ssyncadd.s32 @!p0 $0xFFFFF800  }
0x5a: {  	[bflag:$0x0] =	sbarrier.arrive $0xFFFF  }
0x5b: {  	s18 =	simm.s32 $0x0;
	s25 =	rddreg [dreg:$0x9]  }
0x5c: {  	[tilespmem:s18], [sflag:$0x3] =	stream.linear.gather [hbm4b:s25+s18], $0x80, $0x38;
	[tilespmem:$0x1BC80] =	vst v63  }
0x5d: {  	s16 =	rddreg [dreg:$0xa]  }
0x5e: {  	[tilespmem:s30], [sflag:$0x3] =	stream.linear.gather [hbm4b:s16+s18], $0x80, $0x38;
	[tilespmem:$0x1BC80] =	vst v63  }
0x5f: {  	s19 =	rddreg [dreg:$0xb]  }
0x60: {  	[tilespmem:s31], [sflag:$0x3] =	stream.linear.gather [hbm4b:s19+s18], $0x80, $0x38;
	[tilespmem:$0x1BC80] =	vst v63  }
0x61: {  	s20 =	rddreg [dreg:$0xc];
	s16 =	simm.s32 $0x180  }
0x62: {  	[tilespmem:s16], [sflag:$0x4] =	stream.linear.gather [hbm4b:s20+s18], $0x80, $0x38;
	[tilespmem:$0x1BC80] =	vst v63  }
0x63: {  	s24 =	simm.s32 $0x200;
	s21 =	rddreg [dreg:$0xd]  }
0x64: {  	[tilespmem:s24], [sflag:$0x4] =	stream.linear.gather [hbm4b:s21+s18], $0x80, $0x38;
	[tilespmem:$0x1BC80] =	vst v63  }
0x65: {  	s25 =	rddreg [dreg:$0xe]  }
0x66: {  	[tilespmem:s0], [sflag:$0x4] =	stream.linear.gather [hbm4b:s25+s18], $0x80, $0x38;
	[tilespmem:$0x1BC80] =	vst v63  }
0x67: {  	_ =	swait.ge [sflag:s4], $0x80  }
0x68: {  	[sflag:s4] =	ssyncset.done $0x0  }
0x69: {  	[sflag:s4] =	ssyncadd.s32 $0xFFFFFF80  }
0x6a: {  	_ =	swait.ge [sflag:s4], $0x80  }
0x6b: {  	[sflag:s4] =	ssyncset.done $0x0  }
.Ltmp3:
0x6c: {  	[sflag:s4] =	ssyncadd.s32 $0xFFFFFF80;
	(pc) =	sbr.rel .LBB2_4-.Ltmp3, $4  }
0x6d: {  	_ =	swait.ge [sflag:s4], $0x80  }
0x6e: {  	[sflag:s4] =	ssyncset.done $0x0  }
0x6f: {  	[sflag:s4] =	ssyncadd.s32 $0xFFFFFF80  }
0x70: {  	[tilespmem:s28], [sflag:$0x1] =	stream.indirect.gather [hbm4b:s6+s30], $0x80, s18, s30, $0xb8;
	[tilespmem:$0x1BC80] =	vst v63  }
.LBB2_12:
0x71: {  	s18 =	sadd.s32 $0x1, s18  }
0x72: {  	p1 =	sne.s32 s18, $0x28  }
.Ltmp4:
0x73: {  	_ = 	snop;
	(pc) =	sbr.rel @!p1 .LBB2_13-.Ltmp4, $1  }
0x74: {  	_ =	sdelay $0x3  }
.LBB2_4:
0x75: {  	s19 =	sshll.u32 s18, $0x1  }
0x76: {  	p1 =	sge.u32 s19, s22  }
0x77: {  	p2 =	seq.s32 @!p1 s18, $0x0  }
0x78: {  	p2 =	por p2, p1  }
0x79: {  	s20 =	simm.s32 @!p2 $0x6  }
0x7a: {  	_ =	swait.ge @!p2 [sflag:s20], $0x4000  }
0x7b: {  	[sflag:s20] =	ssyncset.done @!p2 $0x0  }
0x7c: {  	[sflag:s20] =	ssyncadd.s32 @!p2 $0xFFFFC000;
	s20 =	simm.s32 @!p1 $0x4  }
0x7d: {  	_ =	swait.ge @!p1 [sflag:s20], $0x80  }
0x7e: {  	[sflag:s20] =	ssyncset.done @!p1 $0x0  }
0x7f: {  	[sflag:s20] =	ssyncadd.s32 @!p1 $0xFFFFFF80  }
0x80: {  	_ =	swait.ge @!p1 [sflag:s20], $0x80  }
0x81: {  	p2 =	sge.u32 s19, s12;
	[sflag:s20] =	ssyncset.done @!p1 $0x0  }
.Ltmp5:
0x82: {  	[sflag:s20] =	ssyncadd.s32 @!p1 $0xFFFFFF80;
	(pc) =	sbr.rel @p2 .LBB2_8-.Ltmp5, $4  }
0x83: {  	_ =	swait.ge @!p1 [sflag:s20], $0x80  }
0x84: {  	s21 =	simm.s32 @!p1 $0x180;
	[sflag:s20] =	ssyncset.done @!p1 $0x0  }
0x85: {  	s24 =	simm.s32 @!p1 $0x4400;
	[sflag:s20] =	ssyncadd.s32 @!p1 $0xFFFFFF80;
	s20 =	simm.s32 @!p1 $0x80  }
0x86: {  	[tilespmem:s24], [sflag:$0x2] =	stream.indirect.gather @!p1 [hbm4b:s6+s20], $0x80, s21, s20, $0xb8;
	[tilespmem:$0x1BC80] =	vst v63  }
0x87: {  	s21 =	simm.s32 $0x0  }
0x88: {  	v1 =	vmov s21  }
0x89: {  	v1 =	vand.u32 $0xFFFFFFFC, v1  }
0x8a: {  	v1 =	vbroadcast v1, $0x0;
	_ =	sdelay $0x1  }
0x8b: {  	_ =	swait.ge [sflag:s5], $0x4000  }
0x8c: {  	[sflag:s5] =	ssyncset.done $0x0  }
0x8d: {  	s20 =	simm.s32 $0x500;
	[sflag:s5] =	ssyncadd.s32 $0xFFFFC000  }
0x8e: {  	v2 =	vld [tilespmem:s20+$0xFFFFFF70]  }
0x8f: {  	v1 =	vld.idx.msk [tilespmem:v1+s31+$0x0], $0xffff  }
0x90: {  	v3 =	vld [tilespmem:s20+$0xFFFFFF00]  }
0x91: {  	v4 =	vld [tilespmem:s20+$0xFFFFFF20]  }
0x92: {  	v5 =	vld [tilespmem:s20+$0xFFFFFF50]  }
0x93: {  	v6 =	vld [tilespmem:s20+$0xFFFFFF40]  }
0x94: {  	v7 =	vld [tilespmem:s20+$0xFFFFFF60];
	v2 =	vmul.f32 v2, v1  }
0x95: {  	s24 =	simm.s32 $0x1;
	v8 =	vld [tilespmem:s20+$0xFFFFFF30];
	v3 =	vmul.f32 v3, v1  }
0x96: {  	v9 =	vld [tilespmem:s20+$0xFFFFFF10];
	v4 =	vmul.f32 v4, v1;
	[tilespmem:s20+$0xFFFFFF70] =	vst v2;
	v2 =	vmov s24  }
0x97: {  	v5 =	vmul.f32 v5, v1;
	[tilespmem:s20+$0xFFFFFF00] =	vst v3;
	v2 =	vand.u32 $0xFFFFFFFD, v2  }
0x98: {  	v3 =	vmul.f32 v6, v1;
	[tilespmem:s20+$0xFFFFFF20] =	vst v4;
	v2 =	vbroadcast v2, $0x0  }
0x99: {  	v4 =	vmul.f32 v7, v1;
	[tilespmem:s20+$0xFFFFFF50] =	vst v5  }
0x9a: {  	v5 =	vmul.f32 v8, v1;
	[tilespmem:s20+$0xFFFFFF40] =	vst v3  }
0x9b: {  	v1 =	vmul.f32 v9, v1;
	[tilespmem:s20+$0xFFFFFF60] =	vst v4  }
0x9c: {  	[tilespmem:s20+$0xFFFFFF30] =	vst v5  }
0x9d: {  	[tilespmem:s20+$0xFFFFFF10] =	vst v1;
	v1 =	vld [tilespmem:s20+$0xFFFFFF90]  }
0x9e: {  	v3 =	vld.idx.msk [tilespmem:v2+s31+$0x0], $0xffff  }
0x9f: {  	v2 =	vld [tilespmem:s20+$0xFFFFFFA0]  }
0xa0: {  	v4 =	vld [tilespmem:s20+$0xFFFFFF80]  }
0xa1: {  	v5 =	vld [tilespmem:s20+$0xFFFFFFB0]  }
0xa2: {  	v6 =	vld [tilespmem:s20+$0xFFFFFFC0]  }
0xa3: {  	v7 =	vld [tilespmem:s20+$0xFFFFFFD0];
	v1 =	vmul.f32 v1, v3  }
0xa4: {  	s25 =	simm.s32 $0x2;
	v8 =	vld [tilespmem:s20+$0xFFFFFFF0];
	v2 =	vmul.f32 v2, v3  }
0xa5: {  	v63 =	vld [tilespmem:s20+$0xFFFFFFE0];
	v4 =	vmul.f32 v4, v3;
	[tilespmem:s20+$0xFFFFFF90] =	vst v1;
	v1 =	vmov s25  }
0xa6: {  	v5 =	vmul.f32 v5, v3;
	[tilespmem:s20+$0xFFFFFFA0] =	vst v2;
	v1 =	vand.u32 $0xFFFFFFFE, v1  }
0xa7: {  	v2 =	vmul.f32 v6, v3;
	[tilespmem:s20+$0xFFFFFF80] =	vst v4;
	v6 =	vld [tilespmem:s20+$0x60];
	v10 =	vbroadcast v1, $0x0  }
0xa8: {  	v4 =	vmul.f32 v7, v3;
	[tilespmem:s20+$0xFFFFFFB0] =	vst v5;
	v7 =	vld [tilespmem:s20+$0x0]  }
0xa9: {  	v5 =	vmul.f32 v8, v3;
	v1 =	vld [tilespmem:s20+$0x20];
	[tilespmem:s20+$0xFFFFFFC0] =	vst v2  }
0xaa: {  	v3 =	vmul.f32 v63, v3;
	v2 =	vld [tilespmem:s20+$0x30];
	[tilespmem:s20+$0xFFFFFFD0] =	vst v4  }
0xab: {  	[tilespmem:s20+$0xFFFFFFF0] =	vst v5;
	v4 =	vld [tilespmem:s20+$0x40]  }
0xac: {  	[tilespmem:s20+$0xFFFFFFE0] =	vst v3;
	v5 =	vld [tilespmem:s20+$0x10]  }
0xad: {  	s24 =	simm.s32 $0x4;
	s25 =	simm.s32 $0x500;
	v3 =	vld.idx.msk [tilespmem:v10+s31+$0x0], $0xffff  }
.LBB2_6:
0xae: {  	p2 =	sne.s32 s24, $0x7C  }
0xaf: {  	v8 =	vld [tilespmem:s20+$0x50];
	s25 =	sadd.s32 $0x200, s25;
	s14 =	smov.u32 s24;
	s24 =	sadd.s32 $0x4, s24  }
0xb0: {  	v9 =	vld [tilespmem:s20+$0x70];
	_ =	sdelay $0x1  }
0xb1: {  	v6 =	vmul.f32 v6, v3;
	v7 =	vmul.f32 v7, v3  }
0xb2: {  	v4 =	vmul.f32 v4, v3;
	v5 =	vmul.f32 v5, v3  }
0xb3: {  	v1 =	vmul.f32 v1, v3;
	v2 =	vmul.f32 v2, v3;
	[tilespmem:s20+$0x60] =	vst v6  }
0xb4: {  	[tilespmem:s20+$0x40] =	vst v4;
	v4 =	vmul.f32 v8, v3;
	v3 =	vmul.f32 v9, v3  }
0xb5: {  	s16 =	sadd.s32 $0x3, s21;
	s21 =	smov.u32 s14;
	[tilespmem:s20+$0x20] =	vst v1;
	v6 =	vld [tilespmem:s20+$0x80]  }
0xb6: {  	v1 =	vld [tilespmem:s25+$0x20];
	[tilespmem:s20+$0x0] =	vst v7;
	v7 =	vmov s16  }
0xb7: {  	[tilespmem:s20+$0x50] =	vst v4;
	v4 =	vld [tilespmem:s20+$0xE0]  }
0xb8: {  	[tilespmem:s20+$0x30] =	vst v2;
	v8 =	vld [tilespmem:s20+$0xC0]  }
0xb9: {  	v2 =	vld [tilespmem:s25+$0x30];
	[tilespmem:s20+$0x10] =	vst v5  }
0xba: {  	[tilespmem:s20+$0x70] =	vst v3;
	v3 =	vld [tilespmem:s20+$0xA0]  }
0xbb: {  	v5 =	vld.idx.msk [tilespmem:v7+s31+$0x0], $0xffff  }
0xbc: {  	v7 =	vld [tilespmem:s20+$0x90]  }
0xbd: {  	v9 =	vld [tilespmem:s20+$0xB0]  }
0xbe: {  	v10 =	vld [tilespmem:s20+$0xD0]  }
0xbf: {  	v11 =	vld [tilespmem:s20+$0xF0];
	_ =	sdelay $0x1  }
0xc0: {  	v6 =	vmul.f32 v6, v5;
	v7 =	vmul.f32 v7, v5  }
0xc1: {  	v3 =	vmul.f32 v3, v5;
	v9 =	vmul.f32 v9, v5  }
0xc2: {  	v12 =	vmov s21;
	[tilespmem:s20+$0x80] =	vst v6;
	v6 =	vmul.f32 v8, v5;
	v8 =	vmul.f32 v10, v5  }
0xc3: {  	v10 =	vand.u32 $0xFFFFFFFC, v12;
	[tilespmem:s20+$0xA0] =	vst v3;
	v3 =	vmul.f32 v4, v5;
	v4 =	vmul.f32 v11, v5  }
0xc4: {  	v5 =	vbroadcast v10, $0x0;
	[tilespmem:s20+$0xC0] =	vst v6  }
0xc5: {  	[tilespmem:s20+$0xF0] =	vst v4  }
0xc6: {  	v4 =	vld [tilespmem:s25+$0xFFFFFF40];
	[tilespmem:s20+$0xE0] =	vst v3  }
0xc7: {  	v3 =	vld [tilespmem:s25+$0xFFFFFF50];
	[tilespmem:s20+$0x90] =	vst v7  }
0xc8: {  	v6 =	vld [tilespmem:s25+$0xFFFFFF60];
	[tilespmem:s20+$0xB0] =	vst v9  }
0xc9: {  	v7 =	vld [tilespmem:s25+$0xFFFFFF70];
	[tilespmem:s20+$0xD0] =	vst v8;
	s20 =	smov.u32 s25  }
0xca: {  	v5 =	vld.idx.msk [tilespmem:v5+s31+$0x0], $0xffff  }
0xcb: {  	v8 =	vld [tilespmem:s25+$0xFFFFFF00]  }
0xcc: {  	v9 =	vld [tilespmem:s25+$0xFFFFFF20]  }
0xcd: {  	v10 =	vld [tilespmem:s25+$0xFFFFFF10]  }
0xce: {  	v11 =	vld [tilespmem:s25+$0xFFFFFF30];
	_ =	sdelay $0x1  }
0xcf: {  	v7 =	vmul.f32 v7, v5;
	v8 =	vmul.f32 v8, v5  }
0xd0: {  	s14 =	sadd.s32 $0x1, s21;
	v6 =	vmul.f32 v6, v5;
	v9 =	vmul.f32 v9, v5  }
0xd1: {  	v3 =	vmul.f32 v3, v5;
	v10 =	vmul.f32 v10, v5;
	[tilespmem:s25+$0xFFFFFF70] =	vst v7;
	v7 =	vmov s14  }
0xd2: {  	v4 =	vmul.f32 v4, v5;
	[tilespmem:s25+$0xFFFFFF00] =	vst v8;
	v8 =	vmul.f32 v11, v5;
	v5 =	vand.u32 $0xFFFFFFFD, v7  }
0xd3: {  	[tilespmem:s25+$0xFFFFFF20] =	vst v9;
	v5 =	vbroadcast v5, $0x0  }
0xd4: {  	[tilespmem:s25+$0xFFFFFF50] =	vst v3  }
0xd5: {  	[tilespmem:s25+$0xFFFFFF40] =	vst v4;
	v3 =	vld [tilespmem:s25+$0xFFFFFFF0]  }
0xd6: {  	[tilespmem:s25+$0xFFFFFF60] =	vst v6;
	v4 =	vld [tilespmem:s25+$0xFFFFFFC0]  }
0xd7: {  	[tilespmem:s25+$0xFFFFFF30] =	vst v8;
	v6 =	vld [tilespmem:s25+$0xFFFFFFD0]  }
0xd8: {  	[tilespmem:s25+$0xFFFFFF10] =	vst v10;
	v7 =	vld [tilespmem:s25+$0xFFFFFF90]  }
0xd9: {  	v5 =	vld.idx.msk [tilespmem:v5+s31+$0x0], $0xffff  }
0xda: {  	v8 =	vld [tilespmem:s25+$0xFFFFFF80]  }
0xdb: {  	v9 =	vld [tilespmem:s25+$0xFFFFFFA0]  }
0xdc: {  	v10 =	vld [tilespmem:s25+$0xFFFFFFB0]  }
0xdd: {  	v11 =	vld [tilespmem:s25+$0xFFFFFFE0];
	_ =	sdelay $0x1  }
0xde: {  	v7 =	vmul.f32 v7, v5;
	v8 =	vmul.f32 v8, v5  }
0xdf: {  	s14 =	sadd.s32 $0x2, s21;
	v6 =	vmul.f32 v6, v5;
	v9 =	vmul.f32 v9, v5  }
0xe0: {  	v4 =	vmul.f32 v4, v5;
	[tilespmem:s25+$0xFFFFFF90] =	vst v7;
	v7 =	vmul.f32 v10, v5;
	v10 =	vmov s14  }
0xe1: {  	v3 =	vmul.f32 v3, v5;
	[tilespmem:s25+$0xFFFFFFA0] =	vst v9;
	v9 =	vmul.f32 v11, v5;
	v5 =	vand.u32 $0xFFFFFFFE, v10  }
0xe2: {  	[tilespmem:s25+$0xFFFFFF80] =	vst v8;
	v5 =	vbroadcast v5, $0x0  }
0xe3: {  	[tilespmem:s25+$0xFFFFFFB0] =	vst v7  }
0xe4: {  	[tilespmem:s25+$0xFFFFFFC0] =	vst v4  }
0xe5: {  	[tilespmem:s25+$0xFFFFFFD0] =	vst v6  }
.Ltmp6:
0xe6: {  	[tilespmem:s25+$0xFFFFFFF0] =	vst v3;
	v4 =	vld [tilespmem:s25+$0x40];
	(pc) =	sbr.rel @p2 .LBB2_6-.Ltmp6, $4  }
0xe7: {  	[tilespmem:s25+$0xFFFFFFE0] =	vst v9;
	v6 =	vld [tilespmem:s25+$0x60]  }
0xe8: {  	v3 =	vld.idx.msk [tilespmem:v5+s31+$0x0], $0xffff  }
0xe9: {  	v7 =	vld [tilespmem:s25+$0x0]  }
0xea: {  	v5 =	vld [tilespmem:s25+$0x10]  }
0xeb: {  	_ =	sdelay $0x1  }
0xec: {  	v6 =	vmul.f32 v6, v3  }
0xed: {  	v8 =	vld [tilespmem:s20+$0x50];
	v4 =	vmul.f32 v4, v3  }
0xee: {  	v9 =	vld [tilespmem:s20+$0x70];
	v1 =	vmul.f32 v1, v3;
	[tilespmem:s20+$0x60] =	vst v6  }
0xef: {  	v53 =	vmul.f32 v7, v3;
	[tilespmem:s20+$0x40] =	vst v4  }
0xf0: {  	s14 =	sadd.s32 $0x3, s21;
	[tilespmem:s20+$0x20] =	vst v1;
	v1 =	vmul.f32 v2, v3  }
0xf1: {  	v55 =	vmov s14;
	v5 =	vmul.f32 v5, v3;
	[tilespmem:s20+$0x0] =	vst v53  }
0xf2: {  	v54 =	vmul.f32 v8, v3;
	[tilespmem:s20+$0x30] =	vst v1  }
0xf3: {  	v3 =	vmul.f32 v9, v3;
	[tilespmem:s20+$0x10] =	vst v5  }
0xf4: {  	[tilespmem:s20+$0x50] =	vst v54  }
0xf5: {  	v2 =	vld [tilespmem:s20+$0x80];
	[tilespmem:s20+$0x70] =	vst v3  }
0xf6: {  	v1 =	vld.idx.msk [tilespmem:v55+s31+$0x0], $0xffff  }
0xf7: {  	v3 =	vld [tilespmem:s20+$0xA0]  }
0xf8: {  	v58 =	vld [tilespmem:s20+$0xE0]  }
0xf9: {  	v56 =	vld [tilespmem:s20+$0xC0]  }
0xfa: {  	v57 =	vld [tilespmem:s20+$0xF0]  }
0xfb: {  	v59 =	vld [tilespmem:s20+$0x90];
	v2 =	vmul.f32 v2, v1  }
0xfc: {  	v60 =	vld [tilespmem:s20+$0xB0];
	v3 =	vmul.f32 v3, v1  }
0xfd: {  	v61 =	vld [tilespmem:s20+$0xD0];
	v62 =	vmul.f32 v58, v1;
	[tilespmem:s20+$0x80] =	vst v2  }
0xfe: {  	v2 =	vmul.f32 v56, v1;
	[tilespmem:s20+$0xA0] =	vst v3  }
0xff: {  	v3 =	vmul.f32 v57, v1;
	[tilespmem:s20+$0xE0] =	vst v62  }
0x100: {  	[tilespmem:s20+$0xC0] =	vst v2;
	v2 =	vmul.f32 v59, v1  }
0x101: {  	[tilespmem:s20+$0xF0] =	vst v3;
	v3 =	vmul.f32 v60, v1  }
0x102: {  	v1 =	vmul.f32 v61, v1;
	[tilespmem:s20+$0x90] =	vst v2  }
0x103: {  	[tilespmem:s20+$0xB0] =	vst v3  }
0x104: {  	[tilespmem:s20+$0xD0] =	vst v1  }
0x105: {  	v1 =	vld [tilespmem:$0x80]  }
0x106: {  	v2 =	vld [tilespmem:$0x90]  }
0x107: {  	v3 =	vld [tilespmem:$0xA0]  }
0x108: {  	v4 =	vld [tilespmem:$0xB0]  }
0x109: {  	v63 =	vld [tilespmem:$0xC0]  }
0x10a: {  	[tilespmem:$0x300] =	vst v1;
	v1 =	vld [tilespmem:$0xD0]  }
0x10b: {  	[tilespmem:$0x310] =	vst v2;
	v2 =	vld [tilespmem:$0xE0]  }
0x10c: {  	[tilespmem:$0x320] =	vst v3;
	v3 =	vld [tilespmem:$0xF0]  }
0x10d: {  	s14 =	sadd.s32 $0x2, s19;
	[tilespmem:$0x330] =	vst v4  }
0x10e: {  	p2 =	sge.u32 s14, s12;
	[tilespmem:$0x340] =	vst v63  }
0x10f: {  	s14 =	sadd.s32 @!p2 s23, s14;
	[tilespmem:$0x350] =	vst v1  }
0x110: {  	s16 =	sshll.u32 @!p2 s14, $0x5;
	[tilespmem:$0x360] =	vst v2  }
0x111: {  	s16 =	sand.u32 @!p2 $0x1FFFFFE0, s16;
	[tilespmem:$0x370] =	vst v3  }
0x112: {  	[spmem:s3] =	stream.indirect.scatter.add.f32 [tilespmem:s28], [sflag:$0x5], $0x80, s8, s30, $0xb8;
	[tilespmem:$0x1BC80] =	vst v63  }
0x113: {  	s21 =	simm.s32 @!p2 $0x0;
	s20 =	sadd.s32 @!p2 s1, s16  }
0x114: {  	[tilespmem:s21], [sflag:$0x3] =	stream.linear.gather @!p2 [hbm4b:s20+s21], $0x80, $0x38;
	[tilespmem:$0x1BC80] =	vst v63  }
0x115: {  	s14 =	sshll.u32 @!p2 s14, $0x4;
	s16 =	sadd.s32 @!p2 s16, s15;
	s20 =	simm.s32 @!p2 $0x80  }
0x116: {  	[tilespmem:s20], [sflag:$0x3] =	stream.linear.gather @!p2 [hbm4b:s16+s21], $0x80, $0x38;
	[tilespmem:$0x1BC80] =	vst v63  }
0x117: {  	s14 =	sadd.s32 @!p2 s2, s14;
	s16 =	simm.s32 @!p2 $0x100  }
0x118: {  	[tilespmem:s16], [sflag:$0x3] =	stream.linear.gather @!p2 [hbm4b:s14+s21], $0x80, $0x38;
	[tilespmem:$0x1BC80] =	vst v63  }
.LBB2_8:
0x119: {  	p2 =	sge.u32 s19, s26  }
0x11a: {  	s14 =	simm.s32 @!p2 $0x5  }
0x11b: {  	_ =	swait.ge @!p2 [sflag:s14], $0x4000  }
0x11c: {  	[sflag:s14] =	ssyncset.done @!p2 $0x0  }
0x11d: {  	[sflag:s14] =	ssyncadd.s32 @!p2 $0xFFFFC000;
	s14 =	simm.s32 @!p2 $0x3  }
0x11e: {  	_ =	swait.ge @!p2 [sflag:s14], $0x80  }
0x11f: {  	[sflag:s14] =	ssyncset.done @!p2 $0x0  }
0x120: {  	[sflag:s14] =	ssyncadd.s32 @!p2 $0xFFFFFF80  }
0x121: {  	_ =	swait.ge @!p2 [sflag:s14], $0x80  }
0x122: {  	[sflag:s14] =	ssyncset.done @!p2 $0x0  }
.Ltmp7:
0x123: {  	[sflag:s14] =	ssyncadd.s32 @!p2 $0xFFFFFF80;
	(pc) =	sbr.rel @p1 .LBB2_12-.Ltmp7, $4  }
0x124: {  	_ =	swait.ge @!p2 [sflag:s14], $0x80  }
0x125: {  	s16 =	simm.s32 @!p2 $0x0;
	[sflag:s14] =	ssyncset.done @!p2 $0x0  }
0x126: {  	s20 =	simm.s32 @!p2 $0x400;
	[sflag:s14] =	ssyncadd.s32 @!p2 $0xFFFFFF80;
	s14 =	simm.s32 @!p2 $0x80  }
0x127: {  	[tilespmem:s20], [sflag:$0x1] =	stream.indirect.gather @!p2 [hbm4b:s6+s14], $0x80, s16, s14, $0xb8;
	[tilespmem:$0x1BC80] =	vst v63  }
0x128: {  	s21 =	simm.s32 $0x0  }
0x129: {  	v1 =	vmov s21  }
0x12a: {  	v1 =	vand.u32 $0xFFFFFFFC, v1  }
0x12b: {  	v1 =	vbroadcast v1, $0x0;
	_ =	sdelay $0x1  }
0x12c: {  	_ =	swait.ge [sflag:s9], $0x4000  }
0x12d: {  	[sflag:s9] =	ssyncset.done $0x0  }
0x12e: {  	s20 =	simm.s32 $0x4500;
	[sflag:s9] =	ssyncadd.s32 $0xFFFFC000  }
0x12f: {  	v2 =	vld [tilespmem:s20+$0xFFFFFF70]  }
0x130: {  	v1 =	vld.idx.msk [tilespmem:v1+s0+$0x0], $0xffff  }
0x131: {  	v3 =	vld [tilespmem:s20+$0xFFFFFF00]  }
0x132: {  	v4 =	vld [tilespmem:s20+$0xFFFFFF20]  }
0x133: {  	v5 =	vld [tilespmem:s20+$0xFFFFFF50]  }
0x134: {  	v6 =	vld [tilespmem:s20+$0xFFFFFF40]  }
0x135: {  	v7 =	vld [tilespmem:s20+$0xFFFFFF60];
	v2 =	vmul.f32 v2, v1  }
0x136: {  	s14 =	simm.s32 $0x1;
	v8 =	vld [tilespmem:s20+$0xFFFFFF30];
	v3 =	vmul.f32 v3, v1  }
0x137: {  	v9 =	vld [tilespmem:s20+$0xFFFFFF10];
	v4 =	vmul.f32 v4, v1;
	[tilespmem:s20+$0xFFFFFF70] =	vst v2;
	v2 =	vmov s14  }
0x138: {  	v5 =	vmul.f32 v5, v1;
	[tilespmem:s20+$0xFFFFFF00] =	vst v3;
	v2 =	vand.u32 $0xFFFFFFFD, v2  }
0x139: {  	v3 =	vmul.f32 v6, v1;
	[tilespmem:s20+$0xFFFFFF20] =	vst v4;
	v2 =	vbroadcast v2, $0x0  }
0x13a: {  	v4 =	vmul.f32 v7, v1;
	[tilespmem:s20+$0xFFFFFF50] =	vst v5  }
0x13b: {  	v5 =	vmul.f32 v8, v1;
	[tilespmem:s20+$0xFFFFFF40] =	vst v3  }
0x13c: {  	v1 =	vmul.f32 v9, v1;
	[tilespmem:s20+$0xFFFFFF60] =	vst v4  }
0x13d: {  	[tilespmem:s20+$0xFFFFFF30] =	vst v5  }
0x13e: {  	[tilespmem:s20+$0xFFFFFF10] =	vst v1;
	v1 =	vld [tilespmem:s20+$0xFFFFFF90]  }
0x13f: {  	v3 =	vld.idx.msk [tilespmem:v2+s0+$0x0], $0xffff  }
0x140: {  	v2 =	vld [tilespmem:s20+$0xFFFFFFA0]  }
0x141: {  	v4 =	vld [tilespmem:s20+$0xFFFFFF80]  }
0x142: {  	v5 =	vld [tilespmem:s20+$0xFFFFFFB0]  }
0x143: {  	v6 =	vld [tilespmem:s20+$0xFFFFFFC0]  }
0x144: {  	v7 =	vld [tilespmem:s20+$0xFFFFFFD0];
	v1 =	vmul.f32 v1, v3  }
0x145: {  	s25 =	simm.s32 $0x2;
	v8 =	vld [tilespmem:s20+$0xFFFFFFF0];
	v2 =	vmul.f32 v2, v3  }
0x146: {  	v63 =	vld [tilespmem:s20+$0xFFFFFFE0];
	v4 =	vmul.f32 v4, v3;
	[tilespmem:s20+$0xFFFFFF90] =	vst v1;
	v1 =	vmov s25  }
0x147: {  	v5 =	vmul.f32 v5, v3;
	[tilespmem:s20+$0xFFFFFFA0] =	vst v2;
	v1 =	vand.u32 $0xFFFFFFFE, v1  }
0x148: {  	v2 =	vmul.f32 v6, v3;
	[tilespmem:s20+$0xFFFFFF80] =	vst v4;
	v6 =	vld [tilespmem:s20+$0x60];
	v10 =	vbroadcast v1, $0x0  }
0x149: {  	v4 =	vmul.f32 v7, v3;
	[tilespmem:s20+$0xFFFFFFB0] =	vst v5;
	v7 =	vld [tilespmem:s20+$0x0]  }
0x14a: {  	v5 =	vmul.f32 v8, v3;
	v1 =	vld [tilespmem:s20+$0x20];
	[tilespmem:s20+$0xFFFFFFC0] =	vst v2  }
0x14b: {  	v3 =	vmul.f32 v63, v3;
	v2 =	vld [tilespmem:s20+$0x30];
	[tilespmem:s20+$0xFFFFFFD0] =	vst v4  }
0x14c: {  	[tilespmem:s20+$0xFFFFFFF0] =	vst v5;
	v4 =	vld [tilespmem:s20+$0x40]  }
0x14d: {  	[tilespmem:s20+$0xFFFFFFE0] =	vst v3;
	v5 =	vld [tilespmem:s20+$0x10]  }
0x14e: {  	s24 =	simm.s32 $0x4;
	s25 =	simm.s32 $0x4500;
	v3 =	vld.idx.msk [tilespmem:v10+s0+$0x0], $0xffff  }
.LBB2_10:
0x14f: {  	p1 =	sne.s32 s24, $0x7C  }
0x150: {  	v8 =	vld [tilespmem:s20+$0x50];
	s25 =	sadd.s32 $0x200, s25;
	s14 =	smov.u32 s24;
	s24 =	sadd.s32 $0x4, s24  }
0x151: {  	v9 =	vld [tilespmem:s20+$0x70];
	_ =	sdelay $0x1  }
0x152: {  	v6 =	vmul.f32 v6, v3;
	v7 =	vmul.f32 v7, v3  }
0x153: {  	v4 =	vmul.f32 v4, v3;
	v5 =	vmul.f32 v5, v3  }
0x154: {  	v1 =	vmul.f32 v1, v3;
	v2 =	vmul.f32 v2, v3;
	[tilespmem:s20+$0x60] =	vst v6  }
0x155: {  	[tilespmem:s20+$0x40] =	vst v4;
	v4 =	vmul.f32 v8, v3;
	v3 =	vmul.f32 v9, v3  }
0x156: {  	s16 =	sadd.s32 $0x3, s21;
	s21 =	smov.u32 s14;
	[tilespmem:s20+$0x20] =	vst v1;
	v6 =	vld [tilespmem:s20+$0x80]  }
0x157: {  	v1 =	vld [tilespmem:s25+$0x20];
	[tilespmem:s20+$0x0] =	vst v7;
	v7 =	vmov s16  }
0x158: {  	[tilespmem:s20+$0x50] =	vst v4;
	v4 =	vld [tilespmem:s20+$0xE0]  }
0x159: {  	[tilespmem:s20+$0x30] =	vst v2;
	v8 =	vld [tilespmem:s20+$0xC0]  }
0x15a: {  	v2 =	vld [tilespmem:s25+$0x30];
	[tilespmem:s20+$0x10] =	vst v5  }
0x15b: {  	[tilespmem:s20+$0x70] =	vst v3;
	v3 =	vld [tilespmem:s20+$0xA0]  }
0x15c: {  	v5 =	vld.idx.msk [tilespmem:v7+s0+$0x0], $0xffff  }
0x15d: {  	v7 =	vld [tilespmem:s20+$0x90]  }
0x15e: {  	v9 =	vld [tilespmem:s20+$0xB0]  }
0x15f: {  	v10 =	vld [tilespmem:s20+$0xD0]  }
0x160: {  	v11 =	vld [tilespmem:s20+$0xF0];
	_ =	sdelay $0x1  }
0x161: {  	v6 =	vmul.f32 v6, v5;
	v7 =	vmul.f32 v7, v5  }
0x162: {  	v3 =	vmul.f32 v3, v5;
	v9 =	vmul.f32 v9, v5  }
0x163: {  	v12 =	vmov s21;
	[tilespmem:s20+$0x80] =	vst v6;
	v6 =	vmul.f32 v8, v5;
	v8 =	vmul.f32 v10, v5  }
0x164: {  	v10 =	vand.u32 $0xFFFFFFFC, v12;
	[tilespmem:s20+$0xA0] =	vst v3;
	v3 =	vmul.f32 v4, v5;
	v4 =	vmul.f32 v11, v5  }
0x165: {  	v5 =	vbroadcast v10, $0x0;
	[tilespmem:s20+$0xC0] =	vst v6  }
0x166: {  	[tilespmem:s20+$0xF0] =	vst v4  }
0x167: {  	v4 =	vld [tilespmem:s25+$0xFFFFFF40];
	[tilespmem:s20+$0xE0] =	vst v3  }
0x168: {  	v3 =	vld [tilespmem:s25+$0xFFFFFF50];
	[tilespmem:s20+$0x90] =	vst v7  }
0x169: {  	v6 =	vld [tilespmem:s25+$0xFFFFFF60];
	[tilespmem:s20+$0xB0] =	vst v9  }
0x16a: {  	v7 =	vld [tilespmem:s25+$0xFFFFFF70];
	[tilespmem:s20+$0xD0] =	vst v8;
	s20 =	smov.u32 s25  }
0x16b: {  	v5 =	vld.idx.msk [tilespmem:v5+s0+$0x0], $0xffff  }
0x16c: {  	v8 =	vld [tilespmem:s25+$0xFFFFFF00]  }
0x16d: {  	v9 =	vld [tilespmem:s25+$0xFFFFFF20]  }
0x16e: {  	v10 =	vld [tilespmem:s25+$0xFFFFFF10]  }
0x16f: {  	v11 =	vld [tilespmem:s25+$0xFFFFFF30];
	_ =	sdelay $0x1  }
0x170: {  	v7 =	vmul.f32 v7, v5;
	v8 =	vmul.f32 v8, v5  }
0x171: {  	s14 =	sadd.s32 $0x1, s21;
	v6 =	vmul.f32 v6, v5;
	v9 =	vmul.f32 v9, v5  }
0x172: {  	v3 =	vmul.f32 v3, v5;
	v10 =	vmul.f32 v10, v5;
	[tilespmem:s25+$0xFFFFFF70] =	vst v7;
	v7 =	vmov s14  }
0x173: {  	v4 =	vmul.f32 v4, v5;
	[tilespmem:s25+$0xFFFFFF00] =	vst v8;
	v8 =	vmul.f32 v11, v5;
	v5 =	vand.u32 $0xFFFFFFFD, v7  }
0x174: {  	[tilespmem:s25+$0xFFFFFF20] =	vst v9;
	v5 =	vbroadcast v5, $0x0  }
0x175: {  	[tilespmem:s25+$0xFFFFFF50] =	vst v3  }
0x176: {  	[tilespmem:s25+$0xFFFFFF40] =	vst v4;
	v3 =	vld [tilespmem:s25+$0xFFFFFFF0]  }
0x177: {  	[tilespmem:s25+$0xFFFFFF60] =	vst v6;
	v4 =	vld [tilespmem:s25+$0xFFFFFFC0]  }
0x178: {  	[tilespmem:s25+$0xFFFFFF30] =	vst v8;
	v6 =	vld [tilespmem:s25+$0xFFFFFFD0]  }
0x179: {  	[tilespmem:s25+$0xFFFFFF10] =	vst v10;
	v7 =	vld [tilespmem:s25+$0xFFFFFF90]  }
0x17a: {  	v5 =	vld.idx.msk [tilespmem:v5+s0+$0x0], $0xffff  }
0x17b: {  	v8 =	vld [tilespmem:s25+$0xFFFFFF80]  }
0x17c: {  	v9 =	vld [tilespmem:s25+$0xFFFFFFA0]  }
0x17d: {  	v10 =	vld [tilespmem:s25+$0xFFFFFFB0]  }
0x17e: {  	v11 =	vld [tilespmem:s25+$0xFFFFFFE0];
	_ =	sdelay $0x1  }
0x17f: {  	v7 =	vmul.f32 v7, v5;
	v8 =	vmul.f32 v8, v5  }
0x180: {  	s14 =	sadd.s32 $0x2, s21;
	v6 =	vmul.f32 v6, v5;
	v9 =	vmul.f32 v9, v5  }
0x181: {  	v4 =	vmul.f32 v4, v5;
	[tilespmem:s25+$0xFFFFFF90] =	vst v7;
	v7 =	vmul.f32 v10, v5;
	v10 =	vmov s14  }
0x182: {  	v3 =	vmul.f32 v3, v5;
	[tilespmem:s25+$0xFFFFFFA0] =	vst v9;
	v9 =	vmul.f32 v11, v5;
	v5 =	vand.u32 $0xFFFFFFFE, v10  }
0x183: {  	[tilespmem:s25+$0xFFFFFF80] =	vst v8;
	v5 =	vbroadcast v5, $0x0  }
0x184: {  	[tilespmem:s25+$0xFFFFFFB0] =	vst v7  }
0x185: {  	[tilespmem:s25+$0xFFFFFFC0] =	vst v4  }
0x186: {  	[tilespmem:s25+$0xFFFFFFD0] =	vst v6  }
.Ltmp8:
0x187: {  	[tilespmem:s25+$0xFFFFFFF0] =	vst v3;
	v4 =	vld [tilespmem:s25+$0x40];
	(pc) =	sbr.rel @p1 .LBB2_10-.Ltmp8, $4  }
0x188: {  	[tilespmem:s25+$0xFFFFFFE0] =	vst v9;
	v6 =	vld [tilespmem:s25+$0x60]  }
0x189: {  	v3 =	vld.idx.msk [tilespmem:v5+s0+$0x0], $0xffff  }
0x18a: {  	v7 =	vld [tilespmem:s25+$0x0]  }
0x18b: {  	v5 =	vld [tilespmem:s25+$0x10]  }
0x18c: {  	_ =	sdelay $0x1  }
0x18d: {  	v6 =	vmul.f32 v6, v3  }
0x18e: {  	v8 =	vld [tilespmem:s20+$0x50];
	v4 =	vmul.f32 v4, v3  }
0x18f: {  	v9 =	vld [tilespmem:s20+$0x70];
	v1 =	vmul.f32 v1, v3;
	[tilespmem:s20+$0x60] =	vst v6  }
0x190: {  	v53 =	vmul.f32 v7, v3;
	[tilespmem:s20+$0x40] =	vst v4  }
0x191: {  	s14 =	sadd.s32 $0x3, s21;
	[tilespmem:s20+$0x20] =	vst v1;
	v1 =	vmul.f32 v2, v3  }
0x192: {  	v55 =	vmov s14;
	v5 =	vmul.f32 v5, v3;
	[tilespmem:s20+$0x0] =	vst v53  }
0x193: {  	v54 =	vmul.f32 v8, v3;
	[tilespmem:s20+$0x30] =	vst v1  }
0x194: {  	v3 =	vmul.f32 v9, v3;
	[tilespmem:s20+$0x10] =	vst v5  }
0x195: {  	[tilespmem:s20+$0x50] =	vst v54  }
0x196: {  	v2 =	vld [tilespmem:s20+$0x80];
	[tilespmem:s20+$0x70] =	vst v3  }
0x197: {  	v1 =	vld.idx.msk [tilespmem:v55+s0+$0x0], $0xffff  }
0x198: {  	v3 =	vld [tilespmem:s20+$0xA0]  }
0x199: {  	v58 =	vld [tilespmem:s20+$0xE0]  }
0x19a: {  	v56 =	vld [tilespmem:s20+$0xC0]  }
0x19b: {  	v57 =	vld [tilespmem:s20+$0xF0]  }
0x19c: {  	v59 =	vld [tilespmem:s20+$0x90];
	v2 =	vmul.f32 v2, v1  }
0x19d: {  	v60 =	vld [tilespmem:s20+$0xB0];
	v3 =	vmul.f32 v3, v1  }
0x19e: {  	v61 =	vld [tilespmem:s20+$0xD0];
	v62 =	vmul.f32 v58, v1;
	[tilespmem:s20+$0x80] =	vst v2  }
0x19f: {  	v2 =	vmul.f32 v56, v1;
	[tilespmem:s20+$0xA0] =	vst v3  }
0x1a0: {  	v3 =	vmul.f32 v57, v1;
	[tilespmem:s20+$0xE0] =	vst v62  }
0x1a1: {  	[tilespmem:s20+$0xC0] =	vst v2;
	v2 =	vmul.f32 v59, v1  }
0x1a2: {  	[tilespmem:s20+$0xF0] =	vst v3;
	v3 =	vmul.f32 v60, v1  }
0x1a3: {  	v1 =	vmul.f32 v61, v1;
	[tilespmem:s20+$0x90] =	vst v2  }
0x1a4: {  	[tilespmem:s20+$0xB0] =	vst v3  }
0x1a5: {  	[tilespmem:s20+$0xD0] =	vst v1  }
0x1a6: {  	v1 =	vld [tilespmem:$0x200]  }
0x1a7: {  	v2 =	vld [tilespmem:$0x210]  }
0x1a8: {  	v3 =	vld [tilespmem:$0x220]  }
0x1a9: {  	v4 =	vld [tilespmem:$0x230]  }
0x1aa: {  	v63 =	vld [tilespmem:$0x240]  }
0x1ab: {  	[tilespmem:$0x380] =	vst v1;
	v1 =	vld [tilespmem:$0x250]  }
0x1ac: {  	[tilespmem:$0x390] =	vst v2;
	v2 =	vld [tilespmem:$0x260]  }
0x1ad: {  	[tilespmem:$0x3A0] =	vst v3;
	v3 =	vld [tilespmem:$0x270]  }
0x1ae: {  	s14 =	sadd.s32 $0x3, s19;
	[tilespmem:$0x3B0] =	vst v4  }
0x1af: {  	p1 =	sge.u32 s14, s12;
	[tilespmem:$0x3C0] =	vst v63  }
0x1b0: {  	s14 =	sadd.s32 @!p1 s23, s14;
	[tilespmem:$0x3D0] =	vst v1  }
0x1b1: {  	s16 =	sshll.u32 @!p1 s14, $0x5;
	[tilespmem:$0x3E0] =	vst v2  }
0x1b2: {  	s16 =	sand.u32 @!p1 $0x1FFFFFE0, s16;
	[tilespmem:$0x3F0] =	vst v3  }
0x1b3: {  	[spmem:s3] =	stream.indirect.scatter.add.f32 [tilespmem:s11], [sflag:$0x6], $0x80, s10, s30, $0xb8;
	[tilespmem:$0x1BC80] =	vst v63  }
0x1b4: {  	s21 =	simm.s32 @!p1 $0x180;
	s19 =	sadd.s32 @!p1 s1, s16;
	s20 =	simm.s32 @!p1 $0x0  }
0x1b5: {  	[tilespmem:s21], [sflag:$0x4] =	stream.linear.gather @!p1 [hbm4b:s19+s20], $0x80, $0x38;
	[tilespmem:$0x1BC80] =	vst v63  }
.Ltmp9:
0x1b6: {  	_ = 	snop;
	(pc) =	sbr.rel .LBB2_12-.Ltmp9, $4  }
0x1b7: {  	s14 =	sshll.u32 @!p1 s14, $0x4;
	s16 =	sadd.s32 @!p1 s16, s15;
	s19 =	simm.s32 @!p1 $0x200  }
0x1b8: {  	[tilespmem:s19], [sflag:$0x4] =	stream.linear.gather @!p1 [hbm4b:s16+s20], $0x80, $0x38;
	[tilespmem:$0x1BC80] =	vst v63  }
0x1b9: {  	s14 =	sadd.s32 @!p1 s2, s14;
	s16 =	simm.s32 @!p1 $0x280  }
0x1ba: {  	[tilespmem:s16], [sflag:$0x4] =	stream.linear.gather @!p1 [hbm4b:s14+s20], $0x80, $0x38;
	[tilespmem:$0x1BC80] =	vst v63  }
.LBB2_14:
0x1bb: {  	_ =	sfence.sel $0x180000  }
0x1bc: {  	[bflag:$0x0] =	sbarrier.arrive $0xFFFF  }
0x1bd: {  	_ =	strace $0x90000047  }
0x1be: {  	s0 =	stileid.u32;
	[bflag:$0x2] =	sbarrier.arrive $0xFFFF  }
0x1bf: {  	p0 =	sne.s32 s0, $0x0;
	s0 =	rddreg [dreg:$0x4]  }
0x1c0: {  	s0 =	sadd.s32 @!p0 $0x100000, s0  }
0x1c1: {  	[sflag:s0] =	ssyncadd.tile.s32 @!p0 $0x1;
	_ =	shalt  }
.Lfunc_end2:
_tile_overlayer_lowered:
.L_overlay_start_2:
0x1c2: {  	(tag) =	ssettag $0x2  }
0x1c3: {  	s0 =	rddreg [dreg:$0x0];
	s2 =	stileid.u32  }
0x1c4: {  	s1 =	rddreg [dreg:$0x1];
	p0 =	sne.s32 s2, $0x0  }
0x1c5: {  	s3 =	rddreg [dreg:$0x2];
	[bflag:$0x3] =	sbarrier.arrive $0xFFFF;
	s2 =	simm.s32 @!p0 $0x1C07  }
0x1c6: {  	[timem:s3], [sflag:s2] =	dma.local @!p0 [hbm:s0], s1  }
0x1c7: {  	s0 =	simm.s32 @!p0 $0x7  }
0x1c8: {  	_ =	swait.ge @!p0 [sflag:s0], s1  }
0x1c9: {  	s1 =	ssub.s32 @!p0 $0x0, s1;
	[sflag:s0] =	ssyncset.done @!p0 $0x0  }
0x1ca: {  	[sflag:s0] =	ssyncadd.s32 @!p0 s1  }
0x1cb: {  	[bflag:$0x3] =	sbarrier.arrive $0xFFFF  }
0x1cc: {  	_ =	shalt  }

</sc_bundles>
